<compile_context>
chip_gen: v7x
topology: tpu7x:2x2x1
jax: 0.10.2.dev20260603
libtpu: 0.0.44.dev20260713+nightly
codegen_flags: <defaults>
</compile_context>

<pallas_src>
import numpy as np
import jax
import jax.numpy as jnp
from jax import lax
from jax.experimental import pallas as pl
from jax.experimental.pallas import tpu as pltpu
from jax.experimental.pallas import tpu_sc as plsc

_TOP_K = 512
_NC, _NS, _L = 2, 16, 16
_NW = _NC * _NS
_NB = 256
_HIST = _L * _NB


def _sc_body(f_hbm, d_hbm, out_hbm, fbuf, dbuf, cbuf, ibuf, hist,
             sem_in, sem_out):
    B, D = f_hbm.shape
    rows_per_w = B // _NW
    wid = lax.axis_index("s") * _NC + lax.axis_index("c")
    base = wid * rows_per_w
    laneseq = lax.iota(jnp.int32, _L)
    laneoff = laneseq * _NB
    ones = jnp.ones((_L,), jnp.int32)
    zeros_v = jnp.zeros((_L,), jnp.int32)
    v15 = jnp.full((_L,), _L - 1, jnp.int32)

    @plsc.parallel_loop(0, _HIST, step=_L)
    def _(i):
        hist[pl.ds(i, _L)] = zeros_v

    def scan_pass(C_v):
        init = (zeros_v, jnp.full((_L,), -1, jnp.int32), zeros_v, zeros_v)

        @plsc.parallel_loop(0, _NB, step=_L, carry=init)
        def scan(j, carry):
            run, bsel, nin, nbelow = carry
            vs = []
            for l in range(_L):
                s = pl.ds(l * _NB + j, _L)
                vs.append(hist[s])
                hist[s] = zeros_v
            while len(vs) > 1:
                vs = [vs[t] + vs[t + 1] for t in range(0, len(vs), 2)]
            acc = vs[0]
            cum = jnp.cumsum(acc)
            inc = run + cum
            m = inc > C_v
            cnt = plsc.all_reduce_population_count(m)
            lane = _L - cnt
            lane_c = jnp.minimum(lane, v15)
            cnt_at = jnp.take_along_axis(acc, lane_c, axis=0)
            cum_at = jnp.take_along_axis(cum, lane_c, axis=0)
            first = jnp.logical_and(cnt > 0, bsel < 0)
            bsel = jnp.where(first, lane + j, bsel)
            nin = jnp.where(first, cnt_at, nin)
            nbelow = jnp.where(first, run + cum_at - cnt_at, nbelow)
            run = run + jnp.take_along_axis(cum, v15, axis=0)
            return run, bsel, nin, nbelow

        _, bsel, nin, nbelow = scan
        return bsel, nin, nbelow

    pltpu.async_copy(f_hbm.at[base], fbuf.at[pl.ds(0, D)], sem_in.at[0])
    pltpu.async_copy(d_hbm.at[base], dbuf.at[pl.ds(0, D)], sem_in.at[0])

    def process_row(row, r, sb, nb, si, so, ni):
        @pl.when(r + 1 < rows_per_w)
        def _():
            pltpu.async_copy(f_hbm.at[row + 1], fbuf.at[pl.ds(nb, D)],
                             sem_in.at[ni])

        pltpu.make_async_copy(f_hbm.at[row], fbuf.at[pl.ds(sb, D)],
                              sem_in.at[si]).wait()
        pltpu.make_async_copy(d_hbm.at[row], dbuf.at[pl.ds(sb, D)],
                              sem_in.at[si]).wait()

        @plsc.parallel_loop(0, D, step=_L, unroll=4)
        def _(i):
            s = pl.ds(sb + i, _L)
            f = fbuf[s]
            dd = dbuf[s]
            p = f * dd
            m = p * dd
            bits = lax.bitcast_convert_type(m, jnp.int32)
            ui = bits ^ ((bits >> 31) | jnp.int32(-2147483648))
            fbuf[s] = p
            dbuf[s] = lax.bitcast_convert_type(ui, jnp.float32)
            dig = (ui >> 24) & jnp.int32(0xFF)
            plsc.addupdate_scatter(hist, [laneoff + dig], ones)

        @pl.when(r + 1 < rows_per_w)
        def _():
            @pl.when(r >= 1)
            def _():
                pltpu.make_async_copy(dbuf.at[pl.ds(nb, D)],
                                      out_hbm.at[row - 1],
                                      sem_out.at[ni]).wait()
            pltpu.async_copy(d_hbm.at[row + 1], dbuf.at[pl.ds(nb, D)],
                             sem_in.at[ni])

        n_cur = jnp.full((_L,), D, jnp.int32)
        k_cur = jnp.full((_L,), _TOP_K, jnp.int32)

        bsel, nin, nbelow = scan_pass(n_cur - k_cur)
        k_cur = k_cur - (n_cur - nbelow - nin)
        n_cur = nin
        prefix = lax.convert_element_type(bsel, jnp.uint32)

        zf = jnp.zeros((_L,), jnp.float32)

        @plsc.parallel_loop(0, D, step=_L, unroll=4, carry=jnp.int32(0))
        def scat2(i, off, prefix=prefix):
            s = pl.ds(sb + i, _L)
            u = lax.bitcast_convert_type(dbuf[s], jnp.uint32)
            hi = u >> np.uint32(24)
            meq = hi == prefix
            mge = hi >= prefix
            dig = lax.convert_element_type(
                (u >> np.uint32(16)) & np.uint32(0xFF), jnp.int32)
            plsc.addupdate_scatter(hist, [laneoff + dig], ones, mask=meq)
            plsc.store_compressed(cbuf.at[pl.ds(off, _L)], u, mask=mge)
            plsc.store_compressed(ibuf.at[pl.ds(off, _L)], i + laneseq,
                                  mask=mge)
            dbuf[s] = zf
            return off + jnp.sum(mge.astype(jnp.int32))

        n1_s = scat2

        bsel, nin, nbelow = scan_pass(n_cur - k_cur)
        k_cur = k_cur - (n_cur - nbelow - nin)
        n_cur = nin
        prefix = (prefix << np.uint32(8)) | lax.convert_element_type(
            bsel, jnp.uint32)

        @plsc.parallel_loop(0, ((n1_s + _L - 1) // _L) * _L, step=_L)
        def _(j, prefix=prefix, n1_s=n1_s):
            u = cbuf[pl.ds(j, _L)]
            valid = (laneseq + j) < n1_s
            msk = jnp.logical_and(valid, (u >> np.uint32(16)) == prefix)
            dig = lax.convert_element_type(
                (u >> np.uint32(8)) & np.uint32(0xFF), jnp.int32)
            plsc.addupdate_scatter(hist, [laneoff + dig], ones, mask=msk)

        bsel, nin, nbelow = scan_pass(n_cur - k_cur)
        k_cur = k_cur - (n_cur - nbelow - nin)
        n_cur = nin
        prefix = (prefix << np.uint32(8)) | lax.convert_element_type(
            bsel, jnp.uint32)

        @plsc.parallel_loop(0, ((n1_s + _L - 1) // _L) * _L, step=_L)
        def _(j, prefix=prefix, n1_s=n1_s):
            u = cbuf[pl.ds(j, _L)]
            valid = (laneseq + j) < n1_s
            msk = jnp.logical_and(valid, (u >> np.uint32(8)) == prefix)
            dig = lax.convert_element_type(u & np.uint32(0xFF), jnp.int32)
            plsc.addupdate_scatter(hist, [laneoff + dig], ones, mask=msk)

        bsel, _, _ = scan_pass(n_cur - k_cur)
        thresh = (prefix << np.uint32(8)) | lax.convert_element_type(
            bsel, jnp.uint32)

        @plsc.parallel_loop(0, ((n1_s + _L - 1) // _L) * _L, step=_L)
        def _(j, thresh=thresh, n1_s=n1_s):
            u = cbuf[pl.ds(j, _L)]
            idx = ibuf[pl.ds(j, _L)]
            valid = (laneseq + j) < n1_s
            msk = jnp.logical_and(valid, u >= thresh)
            a = idx + sb
            p = plsc.load_gather(fbuf, [a], mask=msk)
            plsc.store_scatter(dbuf, [a], p, mask=msk)

        pltpu.async_copy(dbuf.at[pl.ds(sb, D)], out_hbm.at[row],
                         sem_out.at[so])

    def pair_step(q, _):
        r0 = 2 * q
        process_row(base + r0, r0, 0, D, 0, 0, 1)
        process_row(base + r0 + 1, r0 + 1, D, 0, 1, 1, 0)
        return 0

    lax.fori_loop(0, rows_per_w // 2, pair_step, 0)

    pltpu.make_async_copy(dbuf.at[pl.ds(0, D)],
                          out_hbm.at[base + rows_per_w - 2],
                          sem_out.at[0]).wait()
    pltpu.make_async_copy(dbuf.at[pl.ds(D, D)],
                          out_hbm.at[base + rows_per_w - 1],
                          sem_out.at[1]).wait()


def kernel(f_x, dead_latents):
    B, D = f_x.shape
    mesh = plsc.VectorSubcoreMesh(core_axis_name="c", subcore_axis_name="s",
                                  num_cores=_NC, num_subcores=_NS)
    run = pl.kernel(
        _sc_body,
        out_type=jax.ShapeDtypeStruct((B, D), jnp.float32),
        mesh=mesh,
        compiler_params=pltpu.CompilerParams(needs_layout_passes=False),
        scratch_types=[
            pltpu.VMEM((2 * D,), jnp.float32),
            pltpu.VMEM((2 * D,), jnp.float32),
            pltpu.VMEM((D,), jnp.uint32),
            pltpu.VMEM((D,), jnp.int32),
            pltpu.VMEM((_HIST,), jnp.int32),
            pltpu.SemaphoreType.DMA((2,)),
            pltpu.SemaphoreType.DMA((2,)),
        ],
    )
    return run(f_x, dead_latents)

# --- scband reference (transcript-rebuilt; emitter-appended) ---
"""Pipeline reference for scband-auxiliary-loss-activation-51290499449027 (READ-ONLY COPY).

The authoritative reference and input builder live on the scoring server;
editing this copy changes nothing except your own understanding.
"""

import jax, jax.numpy as jnp
import numpy as np

TOP_K = 512
BATCH = 4096
D_SAE = 16384

def setup_inputs(seed: int = 0) -> dict:
    key = jax.random.key(seed)
    k1, k2 = jax.random.split(key)
    f_x = jax.random.normal(k1, (BATCH, D_SAE), dtype=jnp.float32)
    dead_latents = jax.random.uniform(k2, (BATCH, D_SAE), dtype=jnp.float32)
    return {"f_x": f_x, "dead_latents": dead_latents}

def reference(f_x, dead_latents):
    # f_x = f_x * dead_latents
    f_x = f_x * dead_latents
    # masked_dead_latents = f_x * dead_latents
    masked_dead_latents = f_x * dead_latents
    # top-k along dim=1 (unsorted in torch; sortedness does not affect the mask)
    k_vals, k_inds = jax.lax.top_k(masked_dead_latents, TOP_K)
    # scatter ones at top-k indices -> binary mask
    row_idx = jnp.arange(masked_dead_latents.shape[0])[:, None]
    top_k_mask = jnp.zeros_like(masked_dead_latents).at[row_idx, k_inds].set(1.0)
    masked_dead_top_k = top_k_mask * f_x
    # replicate torch guard: if top_k > 0 and dead_latents.sum() > 0
    cond = jnp.logical_and(TOP_K > 0, dead_latents.sum() > 0)
    out = jnp.where(cond, masked_dead_top_k, jnp.zeros_like(f_x))
    return out

if __name__ == "__main__":
    import jax
    _d = setup_inputs()
    print(jax.jit(kernel)(*tuple(_d.values())))

</pallas_src>

<mosaic_0001>
#map = affine_map<(d0, d1) -> (0, 0)>
module attributes {stable_mosaic.version = 14 : i64} {
  func.func @_sc_body(%arg0: i32, %arg1: i32, %arg2: memref<4096x16384xf32, #tpu.memory_space<hbm>>, %arg3: memref<4096x16384xf32, #tpu.memory_space<hbm>>, %arg4: memref<4096x16384xf32, #tpu.memory_space<hbm>>, %arg5: memref<32768xf32, #tpu.memory_space<vmem>>, %arg6: memref<32768xf32, #tpu.memory_space<vmem>>, %arg7: memref<16384xi32, #tpu.memory_space<vmem>>, %arg8: memref<16384xi32, #tpu.memory_space<vmem>>, %arg9: memref<4096xi32, #tpu.memory_space<vmem>>, %arg10: memref<2x!tpu.dma_semaphore, #tpu.memory_space<semaphore_mem>>, %arg11: memref<2x!tpu.dma_semaphore, #tpu.memory_space<semaphore_mem>>) attributes {dimension_semantics = [#tpu.dimension_semantics<core_parallel>, #tpu.dimension_semantics<subcore_parallel>], iteration_bounds = array<i64: 2, 16>, scalar_prefetch = 0 : i64, scratch_operands = 7 : i64, tpu.core_type = #tpu.core_type<sc_vector_subcore>, window_params = [{transform_indices = #map}, {transform_indices = #map}, {transform_indices = #map}]} {
    %mul3A = arith.constant 2 : i32
    %mul3A_0 = arith.muli %arg1, %mul3A : i32
    %add3A = arith.addi %mul3A_0, %arg0 : i32
    %mul3A_1 = arith.constant 128 : i32
    %mul3A_2 = arith.muli %add3A, %mul3A_1 : i32
    %iota3A = tpu.iota {dimensions = array<i32: 0>} : vector<16xi32>
    %mul3A_3 = arith.constant 256 : i32
    %mul3A_4 = vector.broadcast %mul3A_3 : i32 to vector<16xi32>
    %mul3A_5 = arith.muli %iota3A, %mul3A_4 : vector<16xi32>
    %broadcast_in_dim3A = arith.constant 1 : i32
    %broadcast_in_dim3A_6 = vector.broadcast %broadcast_in_dim3A : i32 to vector<16xi32>
    %broadcast_in_dim3A_7 = arith.constant 0 : i32
    %broadcast_in_dim3A_8 = vector.broadcast %broadcast_in_dim3A_7 : i32 to vector<16xi32>
    %broadcast_in_dim3A_9 = arith.constant 15 : i32
    %broadcast_in_dim3A_10 = vector.broadcast %broadcast_in_dim3A_9 : i32 to vector<16xi32>
    %parallel_loop3A = arith.constant 0 : i32
    %parallel_loop3A_11 = arith.constant 4096 : i32
    %parallel_loop3A_12 = arith.constant 16 : i32
    scf.for %parallel_loop3A_76 = %parallel_loop3A to %parallel_loop3A_11 step %parallel_loop3A_12  : i32 {
      %parallel_loop3A_77 = arith.index_cast %parallel_loop3A_76 : i32 to index
      %parallel_loop3A_78 = tpu.vector_load %arg9[%parallel_loop3A_77] {strides = array<i32>} : memref<4096xi32, #tpu.memory_space<vmem>>, vector<16xi32>,
      tpu.vector_store %arg9[%parallel_loop3A_77], %broadcast_in_dim3A_8 {strides = array<i32>} : memref<4096xi32, #tpu.memory_space<vmem>>, vector<16xi32>,
    } {sc.loop_unroll_factor = 1 : i64, sc.parallel_access}
    %dma_start3A = arith.constant 0 : i32
    %dma_start3A_13 = arith.constant 0 : i32
    %dma_start3A_14 = tpu.memref_slice %arg5[%dma_start3A_13] : memref<32768xf32, #tpu.memory_space<vmem>> -> memref<16384xf32, #tpu.memory_space<vmem>>
    %dma_start3A_15 = arith.constant 0 : i32
    %dma_start3A_16 = tpu.memref_slice %arg2[%mul3A_2, %dma_start3A_15] : memref<4096x16384xf32, #tpu.memory_space<hbm>> -> memref<1x16384xf32, #tpu.memory_space<hbm>>
    %dma_start3A_17 = tpu.memref_squeeze %dma_start3A_16 : memref<1x16384xf32, #tpu.memory_space<hbm>> -> memref<16384xf32, #tpu.memory_space<hbm>>
    %dma_start3A_18 = tpu.memref_slice %arg10[%dma_start3A] : memref<2x!tpu.dma_semaphore, #tpu.memory_space<semaphore_mem>> -> memref<1x!tpu.dma_semaphore, #tpu.memory_space<semaphore_mem>>
    %dma_start3A_19 = tpu.memref_squeeze %dma_start3A_18 : memref<1x!tpu.dma_semaphore, #tpu.memory_space<semaphore_mem>> -> memref<!tpu.dma_semaphore, #tpu.memory_space<semaphore_mem>>
    %dma_start3A_20 = arith.constant 0 : i32
    %dma_start3A_21 = tpu.memref_slice %arg5[%dma_start3A_20] : memref<32768xf32, #tpu.memory_space<vmem>> -> memref<16384xf32, #tpu.memory_space<vmem>>
    %dma_start3A_22 = arith.constant 0 : i32
    %dma_start3A_23 = tpu.memref_slice %arg2[%mul3A_2, %dma_start3A_22] : memref<4096x16384xf32, #tpu.memory_space<hbm>> -> memref<1x16384xf32, #tpu.memory_space<hbm>>
    %dma_start3A_24 = tpu.memref_squeeze %dma_start3A_23 : memref<1x16384xf32, #tpu.memory_space<hbm>> -> memref<16384xf32, #tpu.memory_space<hbm>>
    tpu.enqueue_dma source(%dma_start3A_24 : memref<16384xf32, #tpu.memory_space<hbm>>) target(%dma_start3A_21 : memref<16384xf32, #tpu.memory_space<vmem>>) target_semaphore(%dma_start3A_19 : memref<!tpu.dma_semaphore, #tpu.memory_space<semaphore_mem>>)
    %dma_start3A_25 = arith.constant 0 : i32
    %dma_start3A_26 = arith.constant 0 : i32
    %dma_start3A_27 = tpu.memref_slice %arg6[%dma_start3A_26] : memref<32768xf32, #tpu.memory_space<vmem>> -> memref<16384xf32, #tpu.memory_space<vmem>>
    %dma_start3A_28 = arith.constant 0 : i32
    %dma_start3A_29 = tpu.memref_slice %arg3[%mul3A_2, %dma_start3A_28] : memref<4096x16384xf32, #tpu.memory_space<hbm>> -> memref<1x16384xf32, #tpu.memory_space<hbm>>
    %dma_start3A_30 = tpu.memref_squeeze %dma_start3A_29 : memref<1x16384xf32, #tpu.memory_space<hbm>> -> memref<16384xf32, #tpu.memory_space<hbm>>
    %dma_start3A_31 = tpu.memref_slice %arg10[%dma_start3A_25] : memref<2x!tpu.dma_semaphore, #tpu.memory_space<semaphore_mem>> -> memref<1x!tpu.dma_semaphore, #tpu.memory_space<semaphore_mem>>
    %dma_start3A_32 = tpu.memref_squeeze %dma_start3A_31 : memref<1x!tpu.dma_semaphore, #tpu.memory_space<semaphore_mem>> -> memref<!tpu.dma_semaphore, #tpu.memory_space<semaphore_mem>>
    %dma_start3A_33 = arith.constant 0 : i32
    %dma_start3A_34 = tpu.memref_slice %arg6[%dma_start3A_33] : memref<32768xf32, #tpu.memory_space<vmem>> -> memref<16384xf32, #tpu.memory_space<vmem>>
    %dma_start3A_35 = arith.constant 0 : i32
    %dma_start3A_36 = tpu.memref_slice %arg3[%mul3A_2, %dma_start3A_35] : memref<4096x16384xf32, #tpu.memory_space<hbm>> -> memref<1x16384xf32, #tpu.memory_space<hbm>>
    %dma_start3A_37 = tpu.memref_squeeze %dma_start3A_36 : memref<1x16384xf32, #tpu.memory_space<hbm>> -> memref<16384xf32, #tpu.memory_space<hbm>>
    tpu.enqueue_dma source(%dma_start3A_37 : memref<16384xf32, #tpu.memory_space<hbm>>) target(%dma_start3A_34 : memref<16384xf32, #tpu.memory_space<vmem>>) target_semaphore(%dma_start3A_32 : memref<!tpu.dma_semaphore, #tpu.memory_space<semaphore_mem>>)
    %scan3A = arith.constant 0 : i32
    %scan3A_38 = arith.constant 0 : i32
    %scan3A_39 = arith.constant 64 : i32
    %scan3A_40 = arith.addi %scan3A_38, %scan3A_39 : i32
    %scan3A_41 = arith.constant 1 : i32
    %scan3A_42 = scf.for %scan3A_76 = %scan3A_38 to %scan3A_40 step %scan3A_41 iter_args(%scan3A_77 = %scan3A) -> (i32)  : i32 {
      %mul3A_78 = arith.constant 2 : i32
      %mul3A_79 = arith.muli %mul3A_78, %scan3A_76 : i32
      %add3A_80 = arith.addi %mul3A_2, %mul3A_79 : i32
      %add3A_81 = arith.constant 1 : i32
      %add3A_82 = arith.addi %mul3A_79, %add3A_81 : i32
      %lt3A = arith.constant 128 : i32
      %lt3A_83 = arith.cmpi slt, %add3A_82, %lt3A : i32
      %convert_element_type3A = arith.extui %lt3A_83 : i1 to i32
      %cond3A = arith.constant 0 : i32
      %cond3A_84 = arith.cmpi ne, %convert_element_type3A, %cond3A : i32
      scf.if %cond3A_84 {
        %add3A_499 = arith.constant 1 : i32
        %add3A_500 = arith.addi %add3A_80, %add3A_499 : i32
        %dma_start3A_501 = arith.constant 1 : i32
        %dma_start3A_502 = arith.constant 16384 : i32
        %dma_start3A_503 = tpu.memref_slice %arg5[%dma_start3A_502] : memref<32768xf32, #tpu.memory_space<vmem>> -> memref<16384xf32, #tpu.memory_space<vmem>>
        %dma_start3A_504 = arith.constant 0 : i32
        %dma_start3A_505 = tpu.memref_slice %arg2[%add3A_500, %dma_start3A_504] : memref<4096x16384xf32, #tpu.memory_space<hbm>> -> memref<1x16384xf32, #tpu.memory_space<hbm>>
        %dma_start3A_506 = tpu.memref_squeeze %dma_start3A_505 : memref<1x16384xf32, #tpu.memory_space<hbm>> -> memref<16384xf32, #tpu.memory_space<hbm>>
        %dma_start3A_507 = tpu.memref_slice %arg10[%dma_start3A_501] : memref<2x!tpu.dma_semaphore, #tpu.memory_space<semaphore_mem>> -> memref<1x!tpu.dma_semaphore, #tpu.memory_space<semaphore_mem>>
        %dma_start3A_508 = tpu.memref_squeeze %dma_start3A_507 : memref<1x!tpu.dma_semaphore, #tpu.memory_space<semaphore_mem>> -> memref<!tpu.dma_semaphore, #tpu.memory_space<semaphore_mem>>
        %dma_start3A_509 = arith.constant 16384 : i32
        %dma_start3A_510 = tpu.memref_slice %arg5[%dma_start3A_509] : memref<32768xf32, #tpu.memory_space<vmem>> -> memref<16384xf32, #tpu.memory_space<vmem>>
        %dma_start3A_511 = arith.constant 0 : i32
        %dma_start3A_512 = tpu.memref_slice %arg2[%add3A_500, %dma_start3A_511] : memref<4096x16384xf32, #tpu.memory_space<hbm>> -> memref<1x16384xf32, #tpu.memory_space<hbm>>
        %dma_start3A_513 = tpu.memref_squeeze %dma_start3A_512 : memref<1x16384xf32, #tpu.memory_space<hbm>> -> memref<16384xf32, #tpu.memory_space<hbm>>
        tpu.enqueue_dma source(%dma_start3A_513 : memref<16384xf32, #tpu.memory_space<hbm>>) target(%dma_start3A_510 : memref<16384xf32, #tpu.memory_space<vmem>>) target_semaphore(%dma_start3A_508 : memref<!tpu.dma_semaphore, #tpu.memory_space<semaphore_mem>>)
      } else {
      }
      %dma_wait3A_85 = arith.constant 0 : i32
      %dma_wait3A_86 = arith.constant 0 : i32
      %dma_wait3A_87 = tpu.memref_slice %arg5[%dma_wait3A_86] : memref<32768xf32, #tpu.memory_space<vmem>> -> memref<16384xf32, #tpu.memory_space<vmem>>
      %dma_wait3A_88 = arith.constant 0 : i32
      %dma_wait3A_89 = tpu.memref_slice %arg2[%add3A_80, %dma_wait3A_88] : memref<4096x16384xf32, #tpu.memory_space<hbm>> -> memref<1x16384xf32, #tpu.memory_space<hbm>>
      %dma_wait3A_90 = tpu.memref_squeeze %dma_wait3A_89 : memref<1x16384xf32, #tpu.memory_space<hbm>> -> memref<16384xf32, #tpu.memory_space<hbm>>
      %dma_wait3A_91 = tpu.memref_slice %arg10[%dma_wait3A_85] : memref<2x!tpu.dma_semaphore, #tpu.memory_space<semaphore_mem>> -> memref<1x!tpu.dma_semaphore, #tpu.memory_space<semaphore_mem>>
      %dma_wait3A_92 = tpu.memref_squeeze %dma_wait3A_91 : memref<1x!tpu.dma_semaphore, #tpu.memory_space<semaphore_mem>> -> memref<!tpu.dma_semaphore, #tpu.memory_space<semaphore_mem>>
      %dma_wait3A_93 = arith.constant 0 : i32
      %dma_wait3A_94 = tpu.memref_slice %arg5[%dma_wait3A_93] : memref<32768xf32, #tpu.memory_space<vmem>> -> memref<16384xf32, #tpu.memory_space<vmem>>
      %dma_wait3A_95 = arith.constant 0 : i32
      %dma_wait3A_96 = tpu.memref_slice %arg2[%add3A_80, %dma_wait3A_95] : memref<4096x16384xf32, #tpu.memory_space<hbm>> -> memref<1x16384xf32, #tpu.memory_space<hbm>>
      %dma_wait3A_97 = tpu.memref_squeeze %dma_wait3A_96 : memref<1x16384xf32, #tpu.memory_space<hbm>> -> memref<16384xf32, #tpu.memory_space<hbm>>
      tpu.wait_dma2 semaphore(%dma_wait3A_92 : memref<!tpu.dma_semaphore, #tpu.memory_space<semaphore_mem>>) src(%dma_wait3A_97 : memref<16384xf32, #tpu.memory_space<hbm>>) dst(%dma_wait3A_94 : memref<16384xf32, #tpu.memory_space<vmem>>)
      %dma_wait3A_98 = arith.constant 0 : i32
      %dma_wait3A_99 = arith.constant 0 : i32
      %dma_wait3A_100 = tpu.memref_slice %arg6[%dma_wait3A_99] : memref<32768xf32, #tpu.memory_space<vmem>> -> memref<16384xf32, #tpu.memory_space<vmem>>
      %dma_wait3A_101 = arith.constant 0 : i32
      %dma_wait3A_102 = tpu.memref_slice %arg3[%add3A_80, %dma_wait3A_101] : memref<4096x16384xf32, #tpu.memory_space<hbm>> -> memref<1x16384xf32, #tpu.memory_space<hbm>>
      %dma_wait3A_103 = tpu.memref_squeeze %dma_wait3A_102 : memref<1x16384xf32, #tpu.memory_space<hbm>> -> memref<16384xf32, #tpu.memory_space<hbm>>
      %dma_wait3A_104 = tpu.memref_slice %arg10[%dma_wait3A_98] : memref<2x!tpu.dma_semaphore, #tpu.memory_space<semaphore_mem>> -> memref<1x!tpu.dma_semaphore, #tpu.memory_space<semaphore_mem>>
      %dma_wait3A_105 = tpu.memref_squeeze %dma_wait3A_104 : memref<1x!tpu.dma_semaphore, #tpu.memory_space<semaphore_mem>> -> memref<!tpu.dma_semaphore, #tpu.memory_space<semaphore_mem>>
      %dma_wait3A_106 = arith.constant 0 : i32
      %dma_wait3A_107 = tpu.memref_slice %arg6[%dma_wait3A_106] : memref<32768xf32, #tpu.memory_space<vmem>> -> memref<16384xf32, #tpu.memory_space<vmem>>
      %dma_wait3A_108 = arith.constant 0 : i32
      %dma_wait3A_109 = tpu.memref_slice %arg3[%add3A_80, %dma_wait3A_108] : memref<4096x16384xf32, #tpu.memory_space<hbm>> -> memref<1x16384xf32, #tpu.memory_space<hbm>>
      %dma_wait3A_110 = tpu.memref_squeeze %dma_wait3A_109 : memref<1x16384xf32, #tpu.memory_space<hbm>> -> memref<16384xf32, #tpu.memory_space<hbm>>
      tpu.wait_dma2 semaphore(%dma_wait3A_105 : memref<!tpu.dma_semaphore, #tpu.memory_space<semaphore_mem>>) src(%dma_wait3A_110 : memref<16384xf32, #tpu.memory_space<hbm>>) dst(%dma_wait3A_107 : memref<16384xf32, #tpu.memory_space<vmem>>)
      %parallel_loop3A_111 = arith.constant 0 : i32
      %parallel_loop3A_112 = arith.constant 16384 : i32
      %parallel_loop3A_113 = arith.constant 16 : i32
      scf.for %parallel_loop3A_499 = %parallel_loop3A_111 to %parallel_loop3A_112 step %parallel_loop3A_113  : i32 {
        %parallel_loop3A_500 = arith.constant 0 : i32
        %parallel_loop3A_501 = arith.addi %parallel_loop3A_500, %parallel_loop3A_499 : i32
        %parallel_loop3A_502 = arith.index_cast %parallel_loop3A_501 : i32 to index
        %parallel_loop3A_503 = tpu.vector_load %arg5[%parallel_loop3A_502] {strides = array<i32>} : memref<32768xf32, #tpu.memory_space<vmem>>, vector<16xf32>,
        %parallel_loop3A_504 = arith.index_cast %parallel_loop3A_501 : i32 to index
        %parallel_loop3A_505 = tpu.vector_load %arg6[%parallel_loop3A_504] {strides = array<i32>} : memref<32768xf32, #tpu.memory_space<vmem>>, vector<16xf32>,
        %parallel_loop3A_506 = arith.mulf %parallel_loop3A_503, %parallel_loop3A_505 : vector<16xf32>
        %parallel_loop3A_507 = arith.mulf %parallel_loop3A_506, %parallel_loop3A_505 : vector<16xf32>
        %parallel_loop3A_508 = tpu.bitcast %parallel_loop3A_507 : vector<16xf32> -> vector<16xi32>
        %parallel_loop3A_509 = arith.constant 31 : i32
        %parallel_loop3A_510 = vector.broadcast %parallel_loop3A_509 : i32 to vector<16xi32>
        %parallel_loop3A_511 = arith.shrsi %parallel_loop3A_508, %parallel_loop3A_510 : vector<16xi32>
        %parallel_loop3A_512 = arith.constant -2147483648 : i32
        %parallel_loop3A_513 = vector.broadcast %parallel_loop3A_512 : i32 to vector<16xi32>
        %parallel_loop3A_514 = arith.ori %parallel_loop3A_511, %parallel_loop3A_513 : vector<16xi32>
        %parallel_loop3A_515 = arith.xori %parallel_loop3A_508, %parallel_loop3A_514 : vector<16xi32>
        %parallel_loop3A_516 = arith.index_cast %parallel_loop3A_501 : i32 to index
        %parallel_loop3A_517 = tpu.vector_load %arg5[%parallel_loop3A_516] {strides = array<i32>} : memref<32768xf32, #tpu.memory_space<vmem>>, vector<16xf32>,
        tpu.vector_store %arg5[%parallel_loop3A_516], %parallel_loop3A_506 {strides = array<i32>} : memref<32768xf32, #tpu.memory_space<vmem>>, vector<16xf32>,
        %parallel_loop3A_518 = tpu.bitcast %parallel_loop3A_515 : vector<16xi32> -> vector<16xf32>
        %parallel_loop3A_519 = arith.index_cast %parallel_loop3A_501 : i32 to index
        %parallel_loop3A_520 = tpu.vector_load %arg6[%parallel_loop3A_519] {strides = array<i32>} : memref<32768xf32, #tpu.memory_space<vmem>>, vector<16xf32>,
        tpu.vector_store %arg6[%parallel_loop3A_519], %parallel_loop3A_518 {strides = array<i32>} : memref<32768xf32, #tpu.memory_space<vmem>>, vector<16xf32>,
        %parallel_loop3A_521 = arith.constant 24 : i32
        %parallel_loop3A_522 = vector.broadcast %parallel_loop3A_521 : i32 to vector<16xi32>
        %parallel_loop3A_523 = arith.shrsi %parallel_loop3A_515, %parallel_loop3A_522 : vector<16xi32>
        %parallel_loop3A_524 = arith.constant 255 : i32
        %parallel_loop3A_525 = vector.broadcast %parallel_loop3A_524 : i32 to vector<16xi32>
        %parallel_loop3A_526 = arith.andi %parallel_loop3A_523, %parallel_loop3A_525 : vector<16xi32>
        %parallel_loop3A_527 = arith.addi %mul3A_5, %parallel_loop3A_526 : vector<16xi32>
        tpu.vector_store_idx %arg9[%parallel_loop3A_527], %broadcast_in_dim3A_6 {add = true} : memref<4096xi32, #tpu.memory_space<vmem>>[vector<16xi32>], vector<16xi32>,
      } {sc.loop_unroll_factor = 4 : i64, sc.parallel_access}
      %add3A_114 = arith.constant 1 : i32
      %add3A_115 = arith.addi %mul3A_79, %add3A_114 : i32
      %lt3A_116 = arith.constant 128 : i32
      %lt3A_117 = arith.cmpi slt, %add3A_115, %lt3A_116 : i32
      %convert_element_type3A_118 = arith.extui %lt3A_117 : i1 to i32
      %cond3A_119 = arith.constant 0 : i32
      %cond3A_120 = arith.cmpi ne, %convert_element_type3A_118, %cond3A_119 : i32
      scf.if %cond3A_120 {
        %ge3A = arith.constant 1 : i32
        %ge3A_499 = arith.cmpi sge, %mul3A_79, %ge3A : i32
        %convert_element_type3A_500 = arith.extui %ge3A_499 : i1 to i32
        %cond3A_501 = arith.constant 0 : i32
        %cond3A_502 = arith.cmpi ne, %convert_element_type3A_500, %cond3A_501 : i32
        scf.if %cond3A_502 {
          %sub3A_518 = arith.constant 1 : i32
          %sub3A_519 = arith.subi %add3A_80, %sub3A_518 : i32
          %dma_wait3A_520 = arith.constant 1 : i32
          %dma_wait3A_521 = arith.constant 16384 : i32
          %dma_wait3A_522 = tpu.memref_slice %arg6[%dma_wait3A_521] : memref<32768xf32, #tpu.memory_space<vmem>> -> memref<16384xf32, #tpu.memory_space<vmem>>
          %dma_wait3A_523 = arith.constant 0 : i32
          %dma_wait3A_524 = tpu.memref_slice %arg4[%sub3A_519, %dma_wait3A_523] : memref<4096x16384xf32, #tpu.memory_space<hbm>> -> memref<1x16384xf32, #tpu.memory_space<hbm>>
          %dma_wait3A_525 = tpu.memref_squeeze %dma_wait3A_524 : memref<1x16384xf32, #tpu.memory_space<hbm>> -> memref<16384xf32, #tpu.memory_space<hbm>>
          %dma_wait3A_526 = tpu.memref_slice %arg11[%dma_wait3A_520] : memref<2x!tpu.dma_semaphore, #tpu.memory_space<semaphore_mem>> -> memref<1x!tpu.dma_semaphore, #tpu.memory_space<semaphore_mem>>
          %dma_wait3A_527 = tpu.memref_squeeze %dma_wait3A_526 : memref<1x!tpu.dma_semaphore, #tpu.memory_space<semaphore_mem>> -> memref<!tpu.dma_semaphore, #tpu.memory_space<semaphore_mem>>
          %dma_wait3A_528 = arith.constant 0 : i32
          %dma_wait3A_529 = tpu.memref_slice %arg4[%sub3A_519, %dma_wait3A_528] : memref<4096x16384xf32, #tpu.memory_space<hbm>> -> memref<1x16384xf32, #tpu.memory_space<hbm>>
          %dma_wait3A_530 = tpu.memref_squeeze %dma_wait3A_529 : memref<1x16384xf32, #tpu.memory_space<hbm>> -> memref<16384xf32, #tpu.memory_space<hbm>>
          %dma_wait3A_531 = arith.constant 16384 : i32
          %dma_wait3A_532 = tpu.memref_slice %arg6[%dma_wait3A_531] : memref<32768xf32, #tpu.memory_space<vmem>> -> memref<16384xf32, #tpu.memory_space<vmem>>
          tpu.wait_dma2 semaphore(%dma_wait3A_527 : memref<!tpu.dma_semaphore, #tpu.memory_space<semaphore_mem>>) src(%dma_wait3A_532 : memref<16384xf32, #tpu.memory_space<vmem>>) dst(%dma_wait3A_530 : memref<16384xf32, #tpu.memory_space<hbm>>)
        } else {
        }
        %add3A_503 = arith.constant 1 : i32
        %add3A_504 = arith.addi %add3A_80, %add3A_503 : i32
        %dma_start3A_505 = arith.constant 1 : i32
        %dma_start3A_506 = arith.constant 16384 : i32
        %dma_start3A_507 = tpu.memref_slice %arg6[%dma_start3A_506] : memref<32768xf32, #tpu.memory_space<vmem>> -> memref<16384xf32, #tpu.memory_space<vmem>>
        %dma_start3A_508 = arith.constant 0 : i32
        %dma_start3A_509 = tpu.memref_slice %arg3[%add3A_504, %dma_start3A_508] : memref<4096x16384xf32, #tpu.memory_space<hbm>> -> memref<1x16384xf32, #tpu.memory_space<hbm>>
        %dma_start3A_510 = tpu.memref_squeeze %dma_start3A_509 : memref<1x16384xf32, #tpu.memory_space<hbm>> -> memref<16384xf32, #tpu.memory_space<hbm>>
        %dma_start3A_511 = tpu.memref_slice %arg10[%dma_start3A_505] : memref<2x!tpu.dma_semaphore, #tpu.memory_space<semaphore_mem>> -> memref<1x!tpu.dma_semaphore, #tpu.memory_space<semaphore_mem>>
        %dma_start3A_512 = tpu.memref_squeeze %dma_start3A_511 : memref<1x!tpu.dma_semaphore, #tpu.memory_space<semaphore_mem>> -> memref<!tpu.dma_semaphore, #tpu.memory_space<semaphore_mem>>
        %dma_start3A_513 = arith.constant 16384 : i32
        %dma_start3A_514 = tpu.memref_slice %arg6[%dma_start3A_513] : memref<32768xf32, #tpu.memory_space<vmem>> -> memref<16384xf32, #tpu.memory_space<vmem>>
        %dma_start3A_515 = arith.constant 0 : i32
        %dma_start3A_516 = tpu.memref_slice %arg3[%add3A_504, %dma_start3A_515] : memref<4096x16384xf32, #tpu.memory_space<hbm>> -> memref<1x16384xf32, #tpu.memory_space<hbm>>
        %dma_start3A_517 = tpu.memref_squeeze %dma_start3A_516 : memref<1x16384xf32, #tpu.memory_space<hbm>> -> memref<16384xf32, #tpu.memory_space<hbm>>
        tpu.enqueue_dma source(%dma_start3A_517 : memref<16384xf32, #tpu.memory_space<hbm>>) target(%dma_start3A_514 : memref<16384xf32, #tpu.memory_space<vmem>>) target_semaphore(%dma_start3A_512 : memref<!tpu.dma_semaphore, #tpu.memory_space<semaphore_mem>>)
      } else {
      }
      %broadcast_in_dim3A_121 = arith.constant 16384 : i32
      %broadcast_in_dim3A_122 = vector.broadcast %broadcast_in_dim3A_121 : i32 to vector<16xi32>
      %broadcast_in_dim3A_123 = arith.constant 512 : i32
      %broadcast_in_dim3A_124 = vector.broadcast %broadcast_in_dim3A_123 : i32 to vector<16xi32>
      %sub3A_125 = arith.subi %broadcast_in_dim3A_122, %broadcast_in_dim3A_124 : vector<16xi32>
      %broadcast_in_dim3A_126 = arith.constant -1 : i32
      %broadcast_in_dim3A_127 = vector.broadcast %broadcast_in_dim3A_126 : i32 to vector<16xi32>
      %parallel_loop3A_128 = arith.constant 0 : i32
      %parallel_loop3A_129 = arith.constant 256 : i32
      %parallel_loop3A_130 = arith.constant 16 : i32
      %parallel_loop3A_131:4 = scf.for %parallel_loop3A_499 = %parallel_loop3A_128 to %parallel_loop3A_129 step %parallel_loop3A_130 iter_args(%parallel_loop3A_500 = %broadcast_in_dim3A_8, %parallel_loop3A_501 = %broadcast_in_dim3A_127, %parallel_loop3A_502 = %broadcast_in_dim3A_8, %parallel_loop3A_503 = %broadcast_in_dim3A_8) -> (vector<16xi32>, vector<16xi32>, vector<16xi32>, vector<16xi32>)  : i32 {
        %parallel_loop3A_504 = arith.constant 0 : i32
        %parallel_loop3A_505 = arith.addi %parallel_loop3A_504, %parallel_loop3A_499 : i32
        %parallel_loop3A_506 = arith.index_cast %parallel_loop3A_505 : i32 to index
        %parallel_loop3A_507 = tpu.vector_load %arg9[%parallel_loop3A_506] {strides = array<i32>} : memref<4096xi32, #tpu.memory_space<vmem>>, vector<16xi32>,
        %parallel_loop3A_508 = arith.index_cast %parallel_loop3A_505 : i32 to index
        %parallel_loop3A_509 = tpu.vector_load %arg9[%parallel_loop3A_508] {strides = array<i32>} : memref<4096xi32, #tpu.memory_space<vmem>>, vector<16xi32>,
        tpu.vector_store %arg9[%parallel_loop3A_508], %broadcast_in_dim3A_8 {strides = array<i32>} : memref<4096xi32, #tpu.memory_space<vmem>>, vector<16xi32>,
        %parallel_loop3A_510 = arith.constant 256 : i32
        %parallel_loop3A_511 = arith.addi %parallel_loop3A_510, %parallel_loop3A_499 : i32
        %parallel_loop3A_512 = arith.index_cast %parallel_loop3A_511 : i32 to index
        %parallel_loop3A_513 = tpu.vector_load %arg9[%parallel_loop3A_512] {strides = array<i32>} : memref<4096xi32, #tpu.memory_space<vmem>>, vector<16xi32>,
        %parallel_loop3A_514 = arith.index_cast %parallel_loop3A_511 : i32 to index
        %parallel_loop3A_515 = tpu.vector_load %arg9[%parallel_loop3A_514] {strides = array<i32>} : memref<4096xi32, #tpu.memory_space<vmem>>, vector<16xi32>,
        tpu.vector_store %arg9[%parallel_loop3A_514], %broadcast_in_dim3A_8 {strides = array<i32>} : memref<4096xi32, #tpu.memory_space<vmem>>, vector<16xi32>,
        %parallel_loop3A_516 = arith.constant 512 : i32
        %parallel_loop3A_517 = arith.addi %parallel_loop3A_516, %parallel_loop3A_499 : i32
        %parallel_loop3A_518 = arith.index_cast %parallel_loop3A_517 : i32 to index
        %parallel_loop3A_519 = tpu.vector_load %arg9[%parallel_loop3A_518] {strides = array<i32>} : memref<4096xi32, #tpu.memory_space<vmem>>, vector<16xi32>,
        %parallel_loop3A_520 = arith.index_cast %parallel_loop3A_517 : i32 to index
        %parallel_loop3A_521 = tpu.vector_load %arg9[%parallel_loop3A_520] {strides = array<i32>} : memref<4096xi32, #tpu.memory_space<vmem>>, vector<16xi32>,
        tpu.vector_store %arg9[%parallel_loop3A_520], %broadcast_in_dim3A_8 {strides = array<i32>} : memref<4096xi32, #tpu.memory_space<vmem>>, vector<16xi32>,
        %parallel_loop3A_522 = arith.constant 768 : i32
        %parallel_loop3A_523 = arith.addi %parallel_loop3A_522, %parallel_loop3A_499 : i32
        %parallel_loop3A_524 = arith.index_cast %parallel_loop3A_523 : i32 to index
        %parallel_loop3A_525 = tpu.vector_load %arg9[%parallel_loop3A_524] {strides = array<i32>} : memref<4096xi32, #tpu.memory_space<vmem>>, vector<16xi32>,
        %parallel_loop3A_526 = arith.index_cast %parallel_loop3A_523 : i32 to index
        %parallel_loop3A_527 = tpu.vector_load %arg9[%parallel_loop3A_526] {strides = array<i32>} : memref<4096xi32, #tpu.memory_space<vmem>>, vector<16xi32>,
        tpu.vector_store %arg9[%parallel_loop3A_526], %broadcast_in_dim3A_8 {strides = array<i32>} : memref<4096xi32, #tpu.memory_space<vmem>>, vector<16xi32>,
        %parallel_loop3A_528 = arith.constant 1024 : i32
        %parallel_loop3A_529 = arith.addi %parallel_loop3A_528, %parallel_loop3A_499 : i32
        %parallel_loop3A_530 = arith.index_cast %parallel_loop3A_529 : i32 to index
        %parallel_loop3A_531 = tpu.vector_load %arg9[%parallel_loop3A_530] {strides = array<i32>} : memref<4096xi32, #tpu.memory_space<vmem>>, vector<16xi32>,
        %parallel_loop3A_532 = arith.index_cast %parallel_loop3A_529 : i32 to index
        %parallel_loop3A_533 = tpu.vector_load %arg9[%parallel_loop3A_532] {strides = array<i32>} : memref<4096xi32, #tpu.memory_space<vmem>>, vector<16xi32>,
        tpu.vector_store %arg9[%parallel_loop3A_532], %broadcast_in_dim3A_8 {strides = array<i32>} : memref<4096xi32, #tpu.memory_space<vmem>>, vector<16xi32>,
        %parallel_loop3A_534 = arith.constant 1280 : i32
        %parallel_loop3A_535 = arith.addi %parallel_loop3A_534, %parallel_loop3A_499 : i32
        %parallel_loop3A_536 = arith.index_cast %parallel_loop3A_535 : i32 to index
        %parallel_loop3A_537 = tpu.vector_load %arg9[%parallel_loop3A_536] {strides = array<i32>} : memref<4096xi32, #tpu.memory_space<vmem>>, vector<16xi32>,
        %parallel_loop3A_538 = arith.index_cast %parallel_loop3A_535 : i32 to index
        %parallel_loop3A_539 = tpu.vector_load %arg9[%parallel_loop3A_538] {strides = array<i32>} : memref<4096xi32, #tpu.memory_space<vmem>>, vector<16xi32>,
        tpu.vector_store %arg9[%parallel_loop3A_538], %broadcast_in_dim3A_8 {strides = array<i32>} : memref<4096xi32, #tpu.memory_space<vmem>>, vector<16xi32>,
        %parallel_loop3A_540 = arith.constant 1536 : i32
        %parallel_loop3A_541 = arith.addi %parallel_loop3A_540, %parallel_loop3A_499 : i32
        %parallel_loop3A_542 = arith.index_cast %parallel_loop3A_541 : i32 to index
        %parallel_loop3A_543 = tpu.vector_load %arg9[%parallel_loop3A_542] {strides = array<i32>} : memref<4096xi32, #tpu.memory_space<vmem>>, vector<16xi32>,
        %parallel_loop3A_544 = arith.index_cast %parallel_loop3A_541 : i32 to index
        %parallel_loop3A_545 = tpu.vector_load %arg9[%parallel_loop3A_544] {strides = array<i32>} : memref<4096xi32, #tpu.memory_space<vmem>>, vector<16xi32>,
        tpu.vector_store %arg9[%parallel_loop3A_544], %broadcast_in_dim3A_8 {strides = array<i32>} : memref<4096xi32, #tpu.memory_space<vmem>>, vector<16xi32>,
        %parallel_loop3A_546 = arith.constant 1792 : i32
        %parallel_loop3A_547 = arith.addi %parallel_loop3A_546, %parallel_loop3A_499 : i32
        %parallel_loop3A_548 = arith.index_cast %parallel_loop3A_547 : i32 to index
        %parallel_loop3A_549 = tpu.vector_load %arg9[%parallel_loop3A_548] {strides = array<i32>} : memref<4096xi32, #tpu.memory_space<vmem>>, vector<16xi32>,
        %parallel_loop3A_550 = arith.index_cast %parallel_loop3A_547 : i32 to index
        %parallel_loop3A_551 = tpu.vector_load %arg9[%parallel_loop3A_550] {strides = array<i32>} : memref<4096xi32, #tpu.memory_space<vmem>>, vector<16xi32>,
        tpu.vector_store %arg9[%parallel_loop3A_550], %broadcast_in_dim3A_8 {strides = array<i32>} : memref<4096xi32, #tpu.memory_space<vmem>>, vector<16xi32>,
        %parallel_loop3A_552 = arith.constant 2048 : i32
        %parallel_loop3A_553 = arith.addi %parallel_loop3A_552, %parallel_loop3A_499 : i32
        %parallel_loop3A_554 = arith.index_cast %parallel_loop3A_553 : i32 to index
        %parallel_loop3A_555 = tpu.vector_load %arg9[%parallel_loop3A_554] {strides = array<i32>} : memref<4096xi32, #tpu.memory_space<vmem>>, vector<16xi32>,
        %parallel_loop3A_556 = arith.index_cast %parallel_loop3A_553 : i32 to index
        %parallel_loop3A_557 = tpu.vector_load %arg9[%parallel_loop3A_556] {strides = array<i32>} : memref<4096xi32, #tpu.memory_space<vmem>>, vector<16xi32>,
        tpu.vector_store %arg9[%parallel_loop3A_556], %broadcast_in_dim3A_8 {strides = array<i32>} : memref<4096xi32, #tpu.memory_space<vmem>>, vector<16xi32>,
        %parallel_loop3A_558 = arith.constant 2304 : i32
        %parallel_loop3A_559 = arith.addi %parallel_loop3A_558, %parallel_loop3A_499 : i32
        %parallel_loop3A_560 = arith.index_cast %parallel_loop3A_559 : i32 to index
        %parallel_loop3A_561 = tpu.vector_load %arg9[%parallel_loop3A_560] {strides = array<i32>} : memref<4096xi32, #tpu.memory_space<vmem>>, vector<16xi32>,
        %parallel_loop3A_562 = arith.index_cast %parallel_loop3A_559 : i32 to index
        %parallel_loop3A_563 = tpu.vector_load %arg9[%parallel_loop3A_562] {strides = array<i32>} : memref<4096xi32, #tpu.memory_space<vmem>>, vector<16xi32>,
        tpu.vector_store %arg9[%parallel_loop3A_562], %broadcast_in_dim3A_8 {strides = array<i32>} : memref<4096xi32, #tpu.memory_space<vmem>>, vector<16xi32>,
        %parallel_loop3A_564 = arith.constant 2560 : i32
        %parallel_loop3A_565 = arith.addi %parallel_loop3A_564, %parallel_loop3A_499 : i32
        %parallel_loop3A_566 = arith.index_cast %parallel_loop3A_565 : i32 to index
        %parallel_loop3A_567 = tpu.vector_load %arg9[%parallel_loop3A_566] {strides = array<i32>} : memref<4096xi32, #tpu.memory_space<vmem>>, vector<16xi32>,
        %parallel_loop3A_568 = arith.index_cast %parallel_loop3A_565 : i32 to index
        %parallel_loop3A_569 = tpu.vector_load %arg9[%parallel_loop3A_568] {strides = array<i32>} : memref<4096xi32, #tpu.memory_space<vmem>>, vector<16xi32>,
        tpu.vector_store %arg9[%parallel_loop3A_568], %broadcast_in_dim3A_8 {strides = array<i32>} : memref<4096xi32, #tpu.memory_space<vmem>>, vector<16xi32>,
        %parallel_loop3A_570 = arith.constant 2816 : i32
        %parallel_loop3A_571 = arith.addi %parallel_loop3A_570, %parallel_loop3A_499 : i32
        %parallel_loop3A_572 = arith.index_cast %parallel_loop3A_571 : i32 to index
        %parallel_loop3A_573 = tpu.vector_load %arg9[%parallel_loop3A_572] {strides = array<i32>} : memref<4096xi32, #tpu.memory_space<vmem>>, vector<16xi32>,
        %parallel_loop3A_574 = arith.index_cast %parallel_loop3A_571 : i32 to index
        %parallel_loop3A_575 = tpu.vector_load %arg9[%parallel_loop3A_574] {strides = array<i32>} : memref<4096xi32, #tpu.memory_space<vmem>>, vector<16xi32>,
        tpu.vector_store %arg9[%parallel_loop3A_574], %broadcast_in_dim3A_8 {strides = array<i32>} : memref<4096xi32, #tpu.memory_space<vmem>>, vector<16xi32>,
        %parallel_loop3A_576 = arith.constant 3072 : i32
        %parallel_loop3A_577 = arith.addi %parallel_loop3A_576, %parallel_loop3A_499 : i32
        %parallel_loop3A_578 = arith.index_cast %parallel_loop3A_577 : i32 to index
        %parallel_loop3A_579 = tpu.vector_load %arg9[%parallel_loop3A_578] {strides = array<i32>} : memref<4096xi32, #tpu.memory_space<vmem>>, vector<16xi32>,
        %parallel_loop3A_580 = arith.index_cast %parallel_loop3A_577 : i32 to index
        %parallel_loop3A_581 = tpu.vector_load %arg9[%parallel_loop3A_580] {strides = array<i32>} : memref<4096xi32, #tpu.memory_space<vmem>>, vector<16xi32>,
        tpu.vector_store %arg9[%parallel_loop3A_580], %broadcast_in_dim3A_8 {strides = array<i32>} : memref<4096xi32, #tpu.memory_space<vmem>>, vector<16xi32>,
        %parallel_loop3A_582 = arith.constant 3328 : i32
        %parallel_loop3A_583 = arith.addi %parallel_loop3A_582, %parallel_loop3A_499 : i32
        %parallel_loop3A_584 = arith.index_cast %parallel_loop3A_583 : i32 to index
        %parallel_loop3A_585 = tpu.vector_load %arg9[%parallel_loop3A_584] {strides = array<i32>} : memref<4096xi32, #tpu.memory_space<vmem>>, vector<16xi32>,
        %parallel_loop3A_586 = arith.index_cast %parallel_loop3A_583 : i32 to index
        %parallel_loop3A_587 = tpu.vector_load %arg9[%parallel_loop3A_586] {strides = array<i32>} : memref<4096xi32, #tpu.memory_space<vmem>>, vector<16xi32>,
        tpu.vector_store %arg9[%parallel_loop3A_586], %broadcast_in_dim3A_8 {strides = array<i32>} : memref<4096xi32, #tpu.memory_space<vmem>>, vector<16xi32>,
        %parallel_loop3A_588 = arith.constant 3584 : i32
        %parallel_loop3A_589 = arith.addi %parallel_loop3A_588, %parallel_loop3A_499 : i32
        %parallel_loop3A_590 = arith.index_cast %parallel_loop3A_589 : i32 to index
        %parallel_loop3A_591 = tpu.vector_load %arg9[%parallel_loop3A_590] {strides = array<i32>} : memref<4096xi32, #tpu.memory_space<vmem>>, vector<16xi32>,
        %parallel_loop3A_592 = arith.index_cast %parallel_loop3A_589 : i32 to index
        %parallel_loop3A_593 = tpu.vector_load %arg9[%parallel_loop3A_592] {strides = array<i32>} : memref<4096xi32, #tpu.memory_space<vmem>>, vector<16xi32>,
        tpu.vector_store %arg9[%parallel_loop3A_592], %broadcast_in_dim3A_8 {strides = array<i32>} : memref<4096xi32, #tpu.memory_space<vmem>>, vector<16xi32>,
        %parallel_loop3A_594 = arith.constant 3840 : i32
        %parallel_loop3A_595 = arith.addi %parallel_loop3A_594, %parallel_loop3A_499 : i32
        %parallel_loop3A_596 = arith.index_cast %parallel_loop3A_595 : i32 to index
        %parallel_loop3A_597 = tpu.vector_load %arg9[%parallel_loop3A_596] {strides = array<i32>} : memref<4096xi32, #tpu.memory_space<vmem>>, vector<16xi32>,
        %parallel_loop3A_598 = arith.index_cast %parallel_loop3A_595 : i32 to index
        %parallel_loop3A_599 = tpu.vector_load %arg9[%parallel_loop3A_598] {strides = array<i32>} : memref<4096xi32, #tpu.memory_space<vmem>>, vector<16xi32>,
        tpu.vector_store %arg9[%parallel_loop3A_598], %broadcast_in_dim3A_8 {strides = array<i32>} : memref<4096xi32, #tpu.memory_space<vmem>>, vector<16xi32>,
        %parallel_loop3A_600 = arith.addi %parallel_loop3A_507, %parallel_loop3A_513 : vector<16xi32>
        %parallel_loop3A_601 = arith.addi %parallel_loop3A_519, %parallel_loop3A_525 : vector<16xi32>
        %parallel_loop3A_602 = arith.addi %parallel_loop3A_531, %parallel_loop3A_537 : vector<16xi32>
        %parallel_loop3A_603 = arith.addi %parallel_loop3A_543, %parallel_loop3A_549 : vector<16xi32>
        %parallel_loop3A_604 = arith.addi %parallel_loop3A_555, %parallel_loop3A_561 : vector<16xi32>
        %parallel_loop3A_605 = arith.addi %parallel_loop3A_567, %parallel_loop3A_573 : vector<16xi32>
        %parallel_loop3A_606 = arith.addi %parallel_loop3A_579, %parallel_loop3A_585 : vector<16xi32>
        %parallel_loop3A_607 = arith.addi %parallel_loop3A_591, %parallel_loop3A_597 : vector<16xi32>
        %parallel_loop3A_608 = arith.addi %parallel_loop3A_600, %parallel_loop3A_601 : vector<16xi32>
        %parallel_loop3A_609 = arith.addi %parallel_loop3A_602, %parallel_loop3A_603 : vector<16xi32>
        %parallel_loop3A_610 = arith.addi %parallel_loop3A_604, %parallel_loop3A_605 : vector<16xi32>
        %parallel_loop3A_611 = arith.addi %parallel_loop3A_606, %parallel_loop3A_607 : vector<16xi32>
        %parallel_loop3A_612 = arith.addi %parallel_loop3A_608, %parallel_loop3A_609 : vector<16xi32>
        %parallel_loop3A_613 = arith.addi %parallel_loop3A_610, %parallel_loop3A_611 : vector<16xi32>
        %parallel_loop3A_614 = arith.addi %parallel_loop3A_612, %parallel_loop3A_613 : vector<16xi32>
        %parallel_loop3A_615 = arith.constant true
        %parallel_loop3A_616 = vector.broadcast %parallel_loop3A_615 : i1 to vector<16xi1>
        %parallel_loop3A_617 = tpu.scan <sum>, %parallel_loop3A_614 masked %parallel_loop3A_616 : vector<16xi32>, vector<16xi1> -> vector<16xi32>
        %parallel_loop3A_618 = arith.addi %parallel_loop3A_500, %parallel_loop3A_617 : vector<16xi32>
        %parallel_loop3A_619 = arith.cmpi sgt, %parallel_loop3A_618, %sub3A_125 : vector<16xi32>
        %parallel_loop3A_620 = tpu.all_reduce %parallel_loop3A_619 {dim = 0 : i64, kind = #tpu.reduction_kind<sum>} : vector<16xi1> -> vector<16xi32>
        %parallel_loop3A_621 = arith.constant 16 : i32
        %parallel_loop3A_622 = vector.broadcast %parallel_loop3A_621 : i32 to vector<16xi32>
        %parallel_loop3A_623 = arith.subi %parallel_loop3A_622, %parallel_loop3A_620 : vector<16xi32>
        %parallel_loop3A_624 = arith.minsi %parallel_loop3A_623, %broadcast_in_dim3A_10 : vector<16xi32>
        %parallel_loop3A_625 = arith.constant 0 : i32
        %parallel_loop3A_626 = vector.broadcast %parallel_loop3A_625 : i32 to vector<16xi32>
        %parallel_loop3A_627 = arith.cmpi slt, %parallel_loop3A_624, %parallel_loop3A_626 : vector<16xi32>
        %parallel_loop3A_628 = arith.constant 16 : i32
        %parallel_loop3A_629 = vector.broadcast %parallel_loop3A_628 : i32 to vector<16xi32>
        %parallel_loop3A_630 = arith.addi %parallel_loop3A_624, %parallel_loop3A_629 : vector<16xi32>
        %parallel_loop3A_631 = arith.select %parallel_loop3A_627, %parallel_loop3A_630, %parallel_loop3A_624 : vector<16xi1>, vector<16xi32>
        %parallel_loop3A_632 = vector.shape_cast %parallel_loop3A_631 : vector<16xi32> to vector<16x1xi32>
        %parallel_loop3A_633 = vector.shape_cast %parallel_loop3A_632 : vector<16x1xi32> to vector<16xi32>
        %parallel_loop3A_634 = tpu.dynamic_gather %parallel_loop3A_614[%parallel_loop3A_633] in [0] : vector<16xi32>, vector<16xi32> -> vector<16xi32>
        %parallel_loop3A_635 = arith.constant 0 : i32
        %parallel_loop3A_636 = vector.broadcast %parallel_loop3A_635 : i32 to vector<16xi32>
        %parallel_loop3A_637 = arith.cmpi slt, %parallel_loop3A_624, %parallel_loop3A_636 : vector<16xi32>
        %parallel_loop3A_638 = arith.constant 16 : i32
        %parallel_loop3A_639 = vector.broadcast %parallel_loop3A_638 : i32 to vector<16xi32>
        %parallel_loop3A_640 = arith.addi %parallel_loop3A_624, %parallel_loop3A_639 : vector<16xi32>
        %parallel_loop3A_641 = arith.select %parallel_loop3A_637, %parallel_loop3A_640, %parallel_loop3A_624 : vector<16xi1>, vector<16xi32>
        %parallel_loop3A_642 = vector.shape_cast %parallel_loop3A_641 : vector<16xi32> to vector<16x1xi32>
        %parallel_loop3A_643 = vector.shape_cast %parallel_loop3A_642 : vector<16x1xi32> to vector<16xi32>
        %parallel_loop3A_644 = tpu.dynamic_gather %parallel_loop3A_617[%parallel_loop3A_643] in [0] : vector<16xi32>, vector<16xi32> -> vector<16xi32>
        %parallel_loop3A_645 = arith.constant 0 : i32
        %parallel_loop3A_646 = vector.broadcast %parallel_loop3A_645 : i32 to vector<16xi32>
        %parallel_loop3A_647 = arith.cmpi sgt, %parallel_loop3A_620, %parallel_loop3A_646 : vector<16xi32>
        %parallel_loop3A_648 = arith.constant 0 : i32
        %parallel_loop3A_649 = vector.broadcast %parallel_loop3A_648 : i32 to vector<16xi32>
        %parallel_loop3A_650 = arith.cmpi slt, %parallel_loop3A_501, %parallel_loop3A_649 : vector<16xi32>
        %parallel_loop3A_651 = arith.andi %parallel_loop3A_647, %parallel_loop3A_650 : vector<16xi1>
        %parallel_loop3A_652 = vector.broadcast %parallel_loop3A_499 : i32 to vector<16xi32>
        %parallel_loop3A_653 = arith.addi %parallel_loop3A_623, %parallel_loop3A_652 : vector<16xi32>
        %parallel_loop3A_654 = arith.select %parallel_loop3A_651, %parallel_loop3A_653, %parallel_loop3A_501 : vector<16xi1>, vector<16xi32>
        %parallel_loop3A_655 = arith.select %parallel_loop3A_651, %parallel_loop3A_634, %parallel_loop3A_502 : vector<16xi1>, vector<16xi32>
        %parallel_loop3A_656 = arith.addi %parallel_loop3A_500, %parallel_loop3A_644 : vector<16xi32>
        %parallel_loop3A_657 = arith.subi %parallel_loop3A_656, %parallel_loop3A_634 : vector<16xi32>
        %parallel_loop3A_658 = arith.select %parallel_loop3A_651, %parallel_loop3A_657, %parallel_loop3A_503 : vector<16xi1>, vector<16xi32>
        %parallel_loop3A_659 = arith.constant 0 : i32
        %parallel_loop3A_660 = vector.broadcast %parallel_loop3A_659 : i32 to vector<16xi32>
        %parallel_loop3A_661 = arith.cmpi slt, %broadcast_in_dim3A_10, %parallel_loop3A_660 : vector<16xi32>
        %parallel_loop3A_662 = arith.constant 16 : i32
        %parallel_loop3A_663 = vector.broadcast %parallel_loop3A_662 : i32 to vector<16xi32>
        %parallel_loop3A_664 = arith.addi %broadcast_in_dim3A_10, %parallel_loop3A_663 : vector<16xi32>
        %parallel_loop3A_665 = arith.select %parallel_loop3A_661, %parallel_loop3A_664, %broadcast_in_dim3A_10 : vector<16xi1>, vector<16xi32>
        %parallel_loop3A_666 = vector.shape_cast %parallel_loop3A_665 : vector<16xi32> to vector<16x1xi32>
        %parallel_loop3A_667 = vector.shape_cast %parallel_loop3A_666 : vector<16x1xi32> to vector<16xi32>
        %parallel_loop3A_668 = tpu.dynamic_gather %parallel_loop3A_617[%parallel_loop3A_667] in [0] : vector<16xi32>, vector<16xi32> -> vector<16xi32>
        %parallel_loop3A_669 = arith.addi %parallel_loop3A_500, %parallel_loop3A_668 : vector<16xi32>
        scf.yield %parallel_loop3A_669, %parallel_loop3A_654, %parallel_loop3A_655, %parallel_loop3A_658 : vector<16xi32>, vector<16xi32>, vector<16xi32>, vector<16xi32>
      } {sc.loop_unroll_factor = 1 : i64, sc.parallel_access}
      %sub3A_132 = arith.subi %broadcast_in_dim3A_122, %parallel_loop3A_131#3 : vector<16xi32>
      %sub3A_133 = arith.subi %sub3A_132, %parallel_loop3A_131#2 : vector<16xi32>
      %sub3A_134 = arith.subi %broadcast_in_dim3A_124, %sub3A_133 : vector<16xi32>
      %broadcast_in_dim3A_135 = arith.constant 0.000000e+00 : f32
      %broadcast_in_dim3A_136 = vector.broadcast %broadcast_in_dim3A_135 : f32 to vector<16xf32>
      %parallel_loop3A_137 = arith.constant 0 : i32
      %parallel_loop3A_138 = arith.constant 16384 : i32
      %parallel_loop3A_139 = arith.constant 16 : i32
      %parallel_loop3A_140 = arith.constant 0 : i32
      %parallel_loop3A_141 = scf.for %parallel_loop3A_499 = %parallel_loop3A_137 to %parallel_loop3A_138 step %parallel_loop3A_139 iter_args(%parallel_loop3A_500 = %parallel_loop3A_140) -> (i32)  : i32 {
        %parallel_loop3A_501 = arith.constant 0 : i32
        %parallel_loop3A_502 = arith.addi %parallel_loop3A_501, %parallel_loop3A_499 : i32
        %parallel_loop3A_503 = arith.index_cast %parallel_loop3A_502 : i32 to index
        %parallel_loop3A_504 = tpu.vector_load %arg6[%parallel_loop3A_503] {strides = array<i32>} : memref<32768xf32, #tpu.memory_space<vmem>>, vector<16xf32>,
        %parallel_loop3A_505 = tpu.bitcast %parallel_loop3A_504 : vector<16xf32> -> vector<16xi32>
        %parallel_loop3A_506 = arith.constant 24 : i32
        %parallel_loop3A_507 = vector.broadcast %parallel_loop3A_506 : i32 to vector<16xi32>
        %parallel_loop3A_508 = arith.shrui %parallel_loop3A_505, %parallel_loop3A_507 : vector<16xi32>
        %parallel_loop3A_509 = arith.cmpi eq, %parallel_loop3A_508, %parallel_loop3A_131#1 : vector<16xi32>
        %parallel_loop3A_510 = arith.cmpi uge, %parallel_loop3A_508, %parallel_loop3A_131#1 : vector<16xi32>
        %parallel_loop3A_511 = arith.constant 16 : i32
        %parallel_loop3A_512 = vector.broadcast %parallel_loop3A_511 : i32 to vector<16xi32>
        %parallel_loop3A_513 = arith.shrui %parallel_loop3A_505, %parallel_loop3A_512 : vector<16xi32>
        %parallel_loop3A_514 = arith.constant 255 : i32
        %parallel_loop3A_515 = vector.broadcast %parallel_loop3A_514 : i32 to vector<16xi32>
        %parallel_loop3A_516 = arith.andi %parallel_loop3A_513, %parallel_loop3A_515 : vector<16xi32>
        %parallel_loop3A_517 = arith.addi %mul3A_5, %parallel_loop3A_516 : vector<16xi32>
        tpu.vector_store_idx %arg9[%parallel_loop3A_517], %broadcast_in_dim3A_6 masked %parallel_loop3A_509 {add = true} : memref<4096xi32, #tpu.memory_space<vmem>>[vector<16xi32>], vector<16xi32>, vector<16xi1>
        %parallel_loop3A_518 = arith.index_cast %parallel_loop3A_500 : i32 to index
        %parallel_loop3A_519 = tpu.vector_load %arg7[%parallel_loop3A_518] masked %parallel_loop3A_510 {strides = array<i32>} : memref<16384xi32, #tpu.memory_space<vmem>>, vector<16xi32>, vector<16xi1>
        tpu.vector_store %arg7[%parallel_loop3A_518], %parallel_loop3A_505 masked %parallel_loop3A_510 {strides = array<i32>} : memref<16384xi32, #tpu.memory_space<vmem>>, vector<16xi32>, vector<16xi1>
        %parallel_loop3A_520 = vector.broadcast %parallel_loop3A_499 : i32 to vector<16xi32>
        %parallel_loop3A_521 = arith.addi %parallel_loop3A_520, %iota3A : vector<16xi32>
        %parallel_loop3A_522 = arith.index_cast %parallel_loop3A_500 : i32 to index
        %parallel_loop3A_523 = tpu.vector_load %arg8[%parallel_loop3A_522] masked %parallel_loop3A_510 {strides = array<i32>} : memref<16384xi32, #tpu.memory_space<vmem>>, vector<16xi32>, vector<16xi1>
        tpu.vector_store %arg8[%parallel_loop3A_522], %parallel_loop3A_521 masked %parallel_loop3A_510 {strides = array<i32>} : memref<16384xi32, #tpu.memory_space<vmem>>, vector<16xi32>, vector<16xi1>
        %parallel_loop3A_524 = arith.index_cast %parallel_loop3A_502 : i32 to index
        %parallel_loop3A_525 = tpu.vector_load %arg6[%parallel_loop3A_524] {strides = array<i32>} : memref<32768xf32, #tpu.memory_space<vmem>>, vector<16xf32>,
        tpu.vector_store %arg6[%parallel_loop3A_524], %broadcast_in_dim3A_136 {strides = array<i32>} : memref<32768xf32, #tpu.memory_space<vmem>>, vector<16xf32>,
        %parallel_loop3A_526 = arith.extui %parallel_loop3A_510 : vector<16xi1> to vector<16xi32>
        %parallel_loop3A_527 = arith.constant true
        %parallel_loop3A_528 = vector.broadcast %parallel_loop3A_527 : i1 to vector<16xi1>
        %parallel_loop3A_529 = tpu.scan <sum>, %parallel_loop3A_526 masked %parallel_loop3A_528 : vector<16xi32>, vector<16xi1> -> vector<16xi32>
        %parallel_loop3A_530 = vector.extract %parallel_loop3A_529[15] : i32 from vector<16xi32>
        %parallel_loop3A_531 = arith.addi %parallel_loop3A_500, %parallel_loop3A_530 : i32
        scf.yield %parallel_loop3A_531 : i32
      } {sc.loop_unroll_factor = 4 : i64, sc.parallel_access}
      %sub3A_142 = arith.subi %parallel_loop3A_131#2, %sub3A_134 : vector<16xi32>
      %broadcast_in_dim3A_143 = arith.constant -1 : i32
      %broadcast_in_dim3A_144 = vector.broadcast %broadcast_in_dim3A_143 : i32 to vector<16xi32>
      %parallel_loop3A_145 = arith.constant 0 : i32
      %parallel_loop3A_146 = arith.constant 256 : i32
      %parallel_loop3A_147 = arith.constant 16 : i32
      %parallel_loop3A_148:4 = scf.for %parallel_loop3A_499 = %parallel_loop3A_145 to %parallel_loop3A_146 step %parallel_loop3A_147 iter_args(%parallel_loop3A_500 = %broadcast_in_dim3A_8, %parallel_loop3A_501 = %broadcast_in_dim3A_144, %parallel_loop3A_502 = %broadcast_in_dim3A_8, %parallel_loop3A_503 = %broadcast_in_dim3A_8) -> (vector<16xi32>, vector<16xi32>, vector<16xi32>, vector<16xi32>)  : i32 {
        %parallel_loop3A_504 = arith.constant 0 : i32
        %parallel_loop3A_505 = arith.addi %parallel_loop3A_504, %parallel_loop3A_499 : i32
        %parallel_loop3A_506 = arith.index_cast %parallel_loop3A_505 : i32 to index
        %parallel_loop3A_507 = tpu.vector_load %arg9[%parallel_loop3A_506] {strides = array<i32>} : memref<4096xi32, #tpu.memory_space<vmem>>, vector<16xi32>,
        %parallel_loop3A_508 = arith.index_cast %parallel_loop3A_505 : i32 to index
        %parallel_loop3A_509 = tpu.vector_load %arg9[%parallel_loop3A_508] {strides = array<i32>} : memref<4096xi32, #tpu.memory_space<vmem>>, vector<16xi32>,
        tpu.vector_store %arg9[%parallel_loop3A_508], %broadcast_in_dim3A_8 {strides = array<i32>} : memref<4096xi32, #tpu.memory_space<vmem>>, vector<16xi32>,
        %parallel_loop3A_510 = arith.constant 256 : i32
        %parallel_loop3A_511 = arith.addi %parallel_loop3A_510, %parallel_loop3A_499 : i32
        %parallel_loop3A_512 = arith.index_cast %parallel_loop3A_511 : i32 to index
        %parallel_loop3A_513 = tpu.vector_load %arg9[%parallel_loop3A_512] {strides = array<i32>} : memref<4096xi32, #tpu.memory_space<vmem>>, vector<16xi32>,
        %parallel_loop3A_514 = arith.index_cast %parallel_loop3A_511 : i32 to index
        %parallel_loop3A_515 = tpu.vector_load %arg9[%parallel_loop3A_514] {strides = array<i32>} : memref<4096xi32, #tpu.memory_space<vmem>>, vector<16xi32>,
        tpu.vector_store %arg9[%parallel_loop3A_514], %broadcast_in_dim3A_8 {strides = array<i32>} : memref<4096xi32, #tpu.memory_space<vmem>>, vector<16xi32>,
        %parallel_loop3A_516 = arith.constant 512 : i32
        %parallel_loop3A_517 = arith.addi %parallel_loop3A_516, %parallel_loop3A_499 : i32
        %parallel_loop3A_518 = arith.index_cast %parallel_loop3A_517 : i32 to index
        %parallel_loop3A_519 = tpu.vector_load %arg9[%parallel_loop3A_518] {strides = array<i32>} : memref<4096xi32, #tpu.memory_space<vmem>>, vector<16xi32>,
        %parallel_loop3A_520 = arith.index_cast %parallel_loop3A_517 : i32 to index
        %parallel_loop3A_521 = tpu.vector_load %arg9[%parallel_loop3A_520] {strides = array<i32>} : memref<4096xi32, #tpu.memory_space<vmem>>, vector<16xi32>,
        tpu.vector_store %arg9[%parallel_loop3A_520], %broadcast_in_dim3A_8 {strides = array<i32>} : memref<4096xi32, #tpu.memory_space<vmem>>, vector<16xi32>,
        %parallel_loop3A_522 = arith.constant 768 : i32
        %parallel_loop3A_523 = arith.addi %parallel_loop3A_522, %parallel_loop3A_499 : i32
        %parallel_loop3A_524 = arith.index_cast %parallel_loop3A_523 : i32 to index
        %parallel_loop3A_525 = tpu.vector_load %arg9[%parallel_loop3A_524] {strides = array<i32>} : memref<4096xi32, #tpu.memory_space<vmem>>, vector<16xi32>,
        %parallel_loop3A_526 = arith.index_cast %parallel_loop3A_523 : i32 to index
        %parallel_loop3A_527 = tpu.vector_load %arg9[%parallel_loop3A_526] {strides = array<i32>} : memref<4096xi32, #tpu.memory_space<vmem>>, vector<16xi32>,
        tpu.vector_store %arg9[%parallel_loop3A_526], %broadcast_in_dim3A_8 {strides = array<i32>} : memref<4096xi32, #tpu.memory_space<vmem>>, vector<16xi32>,
        %parallel_loop3A_528 = arith.constant 1024 : i32
        %parallel_loop3A_529 = arith.addi %parallel_loop3A_528, %parallel_loop3A_499 : i32
        %parallel_loop3A_530 = arith.index_cast %parallel_loop3A_529 : i32 to index
        %parallel_loop3A_531 = tpu.vector_load %arg9[%parallel_loop3A_530] {strides = array<i32>} : memref<4096xi32, #tpu.memory_space<vmem>>, vector<16xi32>,
        %parallel_loop3A_532 = arith.index_cast %parallel_loop3A_529 : i32 to index
        %parallel_loop3A_533 = tpu.vector_load %arg9[%parallel_loop3A_532] {strides = array<i32>} : memref<4096xi32, #tpu.memory_space<vmem>>, vector<16xi32>,
        tpu.vector_store %arg9[%parallel_loop3A_532], %broadcast_in_dim3A_8 {strides = array<i32>} : memref<4096xi32, #tpu.memory_space<vmem>>, vector<16xi32>,
        %parallel_loop3A_534 = arith.constant 1280 : i32
        %parallel_loop3A_535 = arith.addi %parallel_loop3A_534, %parallel_loop3A_499 : i32
        %parallel_loop3A_536 = arith.index_cast %parallel_loop3A_535 : i32 to index
        %parallel_loop3A_537 = tpu.vector_load %arg9[%parallel_loop3A_536] {strides = array<i32>} : memref<4096xi32, #tpu.memory_space<vmem>>, vector<16xi32>,
        %parallel_loop3A_538 = arith.index_cast %parallel_loop3A_535 : i32 to index
        %parallel_loop3A_539 = tpu.vector_load %arg9[%parallel_loop3A_538] {strides = array<i32>} : memref<4096xi32, #tpu.memory_space<vmem>>, vector<16xi32>,
        tpu.vector_store %arg9[%parallel_loop3A_538], %broadcast_in_dim3A_8 {strides = array<i32>} : memref<4096xi32, #tpu.memory_space<vmem>>, vector<16xi32>,
        %parallel_loop3A_540 = arith.constant 1536 : i32
        %parallel_loop3A_541 = arith.addi %parallel_loop3A_540, %parallel_loop3A_499 : i32
        %parallel_loop3A_542 = arith.index_cast %parallel_loop3A_541 : i32 to index
        %parallel_loop3A_543 = tpu.vector_load %arg9[%parallel_loop3A_542] {strides = array<i32>} : memref<4096xi32, #tpu.memory_space<vmem>>, vector<16xi32>,
        %parallel_loop3A_544 = arith.index_cast %parallel_loop3A_541 : i32 to index
        %parallel_loop3A_545 = tpu.vector_load %arg9[%parallel_loop3A_544] {strides = array<i32>} : memref<4096xi32, #tpu.memory_space<vmem>>, vector<16xi32>,
        tpu.vector_store %arg9[%parallel_loop3A_544], %broadcast_in_dim3A_8 {strides = array<i32>} : memref<4096xi32, #tpu.memory_space<vmem>>, vector<16xi32>,
        %parallel_loop3A_546 = arith.constant 1792 : i32
        %parallel_loop3A_547 = arith.addi %parallel_loop3A_546, %parallel_loop3A_499 : i32
        %parallel_loop3A_548 = arith.index_cast %parallel_loop3A_547 : i32 to index
        %parallel_loop3A_549 = tpu.vector_load %arg9[%parallel_loop3A_548] {strides = array<i32>} : memref<4096xi32, #tpu.memory_space<vmem>>, vector<16xi32>,
        %parallel_loop3A_550 = arith.index_cast %parallel_loop3A_547 : i32 to index
        %parallel_loop3A_551 = tpu.vector_load %arg9[%parallel_loop3A_550] {strides = array<i32>} : memref<4096xi32, #tpu.memory_space<vmem>>, vector<16xi32>,
        tpu.vector_store %arg9[%parallel_loop3A_550], %broadcast_in_dim3A_8 {strides = array<i32>} : memref<4096xi32, #tpu.memory_space<vmem>>, vector<16xi32>,
        %parallel_loop3A_552 = arith.constant 2048 : i32
        %parallel_loop3A_553 = arith.addi %parallel_loop3A_552, %parallel_loop3A_499 : i32
        %parallel_loop3A_554 = arith.index_cast %parallel_loop3A_553 : i32 to index
        %parallel_loop3A_555 = tpu.vector_load %arg9[%parallel_loop3A_554] {strides = array<i32>} : memref<4096xi32, #tpu.memory_space<vmem>>, vector<16xi32>,
        %parallel_loop3A_556 = arith.index_cast %parallel_loop3A_553 : i32 to index
        %parallel_loop3A_557 = tpu.vector_load %arg9[%parallel_loop3A_556] {strides = array<i32>} : memref<4096xi32, #tpu.memory_space<vmem>>, vector<16xi32>,
        tpu.vector_store %arg9[%parallel_loop3A_556], %broadcast_in_dim3A_8 {strides = array<i32>} : memref<4096xi32, #tpu.memory_space<vmem>>, vector<16xi32>,
        %parallel_loop3A_558 = arith.constant 2304 : i32
        %parallel_loop3A_559 = arith.addi %parallel_loop3A_558, %parallel_loop3A_499 : i32
        %parallel_loop3A_560 = arith.index_cast %parallel_loop3A_559 : i32 to index
        %parallel_loop3A_561 = tpu.vector_load %arg9[%parallel_loop3A_560] {strides = array<i32>} : memref<4096xi32, #tpu.memory_space<vmem>>, vector<16xi32>,
        %parallel_loop3A_562 = arith.index_cast %parallel_loop3A_559 : i32 to index
        %parallel_loop3A_563 = tpu.vector_load %arg9[%parallel_loop3A_562] {strides = array<i32>} : memref<4096xi32, #tpu.memory_space<vmem>>, vector<16xi32>,
        tpu.vector_store %arg9[%parallel_loop3A_562], %broadcast_in_dim3A_8 {strides = array<i32>} : memref<4096xi32, #tpu.memory_space<vmem>>, vector<16xi32>,
        %parallel_loop3A_564 = arith.constant 2560 : i32
        %parallel_loop3A_565 = arith.addi %parallel_loop3A_564, %parallel_loop3A_499 : i32
        %parallel_loop3A_566 = arith.index_cast %parallel_loop3A_565 : i32 to index
        %parallel_loop3A_567 = tpu.vector_load %arg9[%parallel_loop3A_566] {strides = array<i32>} : memref<4096xi32, #tpu.memory_space<vmem>>, vector<16xi32>,
        %parallel_loop3A_568 = arith.index_cast %parallel_loop3A_565 : i32 to index
        %parallel_loop3A_569 = tpu.vector_load %arg9[%parallel_loop3A_568] {strides = array<i32>} : memref<4096xi32, #tpu.memory_space<vmem>>, vector<16xi32>,
        tpu.vector_store %arg9[%parallel_loop3A_568], %broadcast_in_dim3A_8 {strides = array<i32>} : memref<4096xi32, #tpu.memory_space<vmem>>, vector<16xi32>,
        %parallel_loop3A_570 = arith.constant 2816 : i32
        %parallel_loop3A_571 = arith.addi %parallel_loop3A_570, %parallel_loop3A_499 : i32
        %parallel_loop3A_572 = arith.index_cast %parallel_loop3A_571 : i32 to index
        %parallel_loop3A_573 = tpu.vector_load %arg9[%parallel_loop3A_572] {strides = array<i32>} : memref<4096xi32, #tpu.memory_space<vmem>>, vector<16xi32>,
        %parallel_loop3A_574 = arith.index_cast %parallel_loop3A_571 : i32 to index
        %parallel_loop3A_575 = tpu.vector_load %arg9[%parallel_loop3A_574] {strides = array<i32>} : memref<4096xi32, #tpu.memory_space<vmem>>, vector<16xi32>,
        tpu.vector_store %arg9[%parallel_loop3A_574], %broadcast_in_dim3A_8 {strides = array<i32>} : memref<4096xi32, #tpu.memory_space<vmem>>, vector<16xi32>,
        %parallel_loop3A_576 = arith.constant 3072 : i32
        %parallel_loop3A_577 = arith.addi %parallel_loop3A_576, %parallel_loop3A_499 : i32
        %parallel_loop3A_578 = arith.index_cast %parallel_loop3A_577 : i32 to index
        %parallel_loop3A_579 = tpu.vector_load %arg9[%parallel_loop3A_578] {strides = array<i32>} : memref<4096xi32, #tpu.memory_space<vmem>>, vector<16xi32>,
        %parallel_loop3A_580 = arith.index_cast %parallel_loop3A_577 : i32 to index
        %parallel_loop3A_581 = tpu.vector_load %arg9[%parallel_loop3A_580] {strides = array<i32>} : memref<4096xi32, #tpu.memory_space<vmem>>, vector<16xi32>,
        tpu.vector_store %arg9[%parallel_loop3A_580], %broadcast_in_dim3A_8 {strides = array<i32>} : memref<4096xi32, #tpu.memory_space<vmem>>, vector<16xi32>,
        %parallel_loop3A_582 = arith.constant 3328 : i32
        %parallel_loop3A_583 = arith.addi %parallel_loop3A_582, %parallel_loop3A_499 : i32
        %parallel_loop3A_584 = arith.index_cast %parallel_loop3A_583 : i32 to index
        %parallel_loop3A_585 = tpu.vector_load %arg9[%parallel_loop3A_584] {strides = array<i32>} : memref<4096xi32, #tpu.memory_space<vmem>>, vector<16xi32>,
        %parallel_loop3A_586 = arith.index_cast %parallel_loop3A_583 : i32 to index
        %parallel_loop3A_587 = tpu.vector_load %arg9[%parallel_loop3A_586] {strides = array<i32>} : memref<4096xi32, #tpu.memory_space<vmem>>, vector<16xi32>,
        tpu.vector_store %arg9[%parallel_loop3A_586], %broadcast_in_dim3A_8 {strides = array<i32>} : memref<4096xi32, #tpu.memory_space<vmem>>, vector<16xi32>,
        %parallel_loop3A_588 = arith.constant 3584 : i32
        %parallel_loop3A_589 = arith.addi %parallel_loop3A_588, %parallel_loop3A_499 : i32
        %parallel_loop3A_590 = arith.index_cast %parallel_loop3A_589 : i32 to index
        %parallel_loop3A_591 = tpu.vector_load %arg9[%parallel_loop3A_590] {strides = array<i32>} : memref<4096xi32, #tpu.memory_space<vmem>>, vector<16xi32>,
        %parallel_loop3A_592 = arith.index_cast %parallel_loop3A_589 : i32 to index
        %parallel_loop3A_593 = tpu.vector_load %arg9[%parallel_loop3A_592] {strides = array<i32>} : memref<4096xi32, #tpu.memory_space<vmem>>, vector<16xi32>,
        tpu.vector_store %arg9[%parallel_loop3A_592], %broadcast_in_dim3A_8 {strides = array<i32>} : memref<4096xi32, #tpu.memory_space<vmem>>, vector<16xi32>,
        %parallel_loop3A_594 = arith.constant 3840 : i32
        %parallel_loop3A_595 = arith.addi %parallel_loop3A_594, %parallel_loop3A_499 : i32
        %parallel_loop3A_596 = arith.index_cast %parallel_loop3A_595 : i32 to index
        %parallel_loop3A_597 = tpu.vector_load %arg9[%parallel_loop3A_596] {strides = array<i32>} : memref<4096xi32, #tpu.memory_space<vmem>>, vector<16xi32>,
        %parallel_loop3A_598 = arith.index_cast %parallel_loop3A_595 : i32 to index
        %parallel_loop3A_599 = tpu.vector_load %arg9[%parallel_loop3A_598] {strides = array<i32>} : memref<4096xi32, #tpu.memory_space<vmem>>, vector<16xi32>,
        tpu.vector_store %arg9[%parallel_loop3A_598], %broadcast_in_dim3A_8 {strides = array<i32>} : memref<4096xi32, #tpu.memory_space<vmem>>, vector<16xi32>,
        %parallel_loop3A_600 = arith.addi %parallel_loop3A_507, %parallel_loop3A_513 : vector<16xi32>
        %parallel_loop3A_601 = arith.addi %parallel_loop3A_519, %parallel_loop3A_525 : vector<16xi32>
        %parallel_loop3A_602 = arith.addi %parallel_loop3A_531, %parallel_loop3A_537 : vector<16xi32>
        %parallel_loop3A_603 = arith.addi %parallel_loop3A_543, %parallel_loop3A_549 : vector<16xi32>
        %parallel_loop3A_604 = arith.addi %parallel_loop3A_555, %parallel_loop3A_561 : vector<16xi32>
        %parallel_loop3A_605 = arith.addi %parallel_loop3A_567, %parallel_loop3A_573 : vector<16xi32>
        %parallel_loop3A_606 = arith.addi %parallel_loop3A_579, %parallel_loop3A_585 : vector<16xi32>
        %parallel_loop3A_607 = arith.addi %parallel_loop3A_591, %parallel_loop3A_597 : vector<16xi32>
        %parallel_loop3A_608 = arith.addi %parallel_loop3A_600, %parallel_loop3A_601 : vector<16xi32>
        %parallel_loop3A_609 = arith.addi %parallel_loop3A_602, %parallel_loop3A_603 : vector<16xi32>
        %parallel_loop3A_610 = arith.addi %parallel_loop3A_604, %parallel_loop3A_605 : vector<16xi32>
        %parallel_loop3A_611 = arith.addi %parallel_loop3A_606, %parallel_loop3A_607 : vector<16xi32>
        %parallel_loop3A_612 = arith.addi %parallel_loop3A_608, %parallel_loop3A_609 : vector<16xi32>
        %parallel_loop3A_613 = arith.addi %parallel_loop3A_610, %parallel_loop3A_611 : vector<16xi32>
        %parallel_loop3A_614 = arith.addi %parallel_loop3A_612, %parallel_loop3A_613 : vector<16xi32>
        %parallel_loop3A_615 = arith.constant true
        %parallel_loop3A_616 = vector.broadcast %parallel_loop3A_615 : i1 to vector<16xi1>
        %parallel_loop3A_617 = tpu.scan <sum>, %parallel_loop3A_614 masked %parallel_loop3A_616 : vector<16xi32>, vector<16xi1> -> vector<16xi32>
        %parallel_loop3A_618 = arith.addi %parallel_loop3A_500, %parallel_loop3A_617 : vector<16xi32>
        %parallel_loop3A_619 = arith.cmpi sgt, %parallel_loop3A_618, %sub3A_142 : vector<16xi32>
        %parallel_loop3A_620 = tpu.all_reduce %parallel_loop3A_619 {dim = 0 : i64, kind = #tpu.reduction_kind<sum>} : vector<16xi1> -> vector<16xi32>
        %parallel_loop3A_621 = arith.constant 16 : i32
        %parallel_loop3A_622 = vector.broadcast %parallel_loop3A_621 : i32 to vector<16xi32>
        %parallel_loop3A_623 = arith.subi %parallel_loop3A_622, %parallel_loop3A_620 : vector<16xi32>
        %parallel_loop3A_624 = arith.minsi %parallel_loop3A_623, %broadcast_in_dim3A_10 : vector<16xi32>
        %parallel_loop3A_625 = arith.constant 0 : i32
        %parallel_loop3A_626 = vector.broadcast %parallel_loop3A_625 : i32 to vector<16xi32>
        %parallel_loop3A_627 = arith.cmpi slt, %parallel_loop3A_624, %parallel_loop3A_626 : vector<16xi32>
        %parallel_loop3A_628 = arith.constant 16 : i32
        %parallel_loop3A_629 = vector.broadcast %parallel_loop3A_628 : i32 to vector<16xi32>
        %parallel_loop3A_630 = arith.addi %parallel_loop3A_624, %parallel_loop3A_629 : vector<16xi32>
        %parallel_loop3A_631 = arith.select %parallel_loop3A_627, %parallel_loop3A_630, %parallel_loop3A_624 : vector<16xi1>, vector<16xi32>
        %parallel_loop3A_632 = vector.shape_cast %parallel_loop3A_631 : vector<16xi32> to vector<16x1xi32>
        %parallel_loop3A_633 = vector.shape_cast %parallel_loop3A_632 : vector<16x1xi32> to vector<16xi32>
        %parallel_loop3A_634 = tpu.dynamic_gather %parallel_loop3A_614[%parallel_loop3A_633] in [0] : vector<16xi32>, vector<16xi32> -> vector<16xi32>
        %parallel_loop3A_635 = arith.constant 0 : i32
        %parallel_loop3A_636 = vector.broadcast %parallel_loop3A_635 : i32 to vector<16xi32>
        %parallel_loop3A_637 = arith.cmpi slt, %parallel_loop3A_624, %parallel_loop3A_636 : vector<16xi32>
        %parallel_loop3A_638 = arith.constant 16 : i32
        %parallel_loop3A_639 = vector.broadcast %parallel_loop3A_638 : i32 to vector<16xi32>
        %parallel_loop3A_640 = arith.addi %parallel_loop3A_624, %parallel_loop3A_639 : vector<16xi32>
        %parallel_loop3A_641 = arith.select %parallel_loop3A_637, %parallel_loop3A_640, %parallel_loop3A_624 : vector<16xi1>, vector<16xi32>
        %parallel_loop3A_642 = vector.shape_cast %parallel_loop3A_641 : vector<16xi32> to vector<16x1xi32>
        %parallel_loop3A_643 = vector.shape_cast %parallel_loop3A_642 : vector<16x1xi32> to vector<16xi32>
        %parallel_loop3A_644 = tpu.dynamic_gather %parallel_loop3A_617[%parallel_loop3A_643] in [0] : vector<16xi32>, vector<16xi32> -> vector<16xi32>
        %parallel_loop3A_645 = arith.constant 0 : i32
        %parallel_loop3A_646 = vector.broadcast %parallel_loop3A_645 : i32 to vector<16xi32>
        %parallel_loop3A_647 = arith.cmpi sgt, %parallel_loop3A_620, %parallel_loop3A_646 : vector<16xi32>
        %parallel_loop3A_648 = arith.constant 0 : i32
        %parallel_loop3A_649 = vector.broadcast %parallel_loop3A_648 : i32 to vector<16xi32>
        %parallel_loop3A_650 = arith.cmpi slt, %parallel_loop3A_501, %parallel_loop3A_649 : vector<16xi32>
        %parallel_loop3A_651 = arith.andi %parallel_loop3A_647, %parallel_loop3A_650 : vector<16xi1>
        %parallel_loop3A_652 = vector.broadcast %parallel_loop3A_499 : i32 to vector<16xi32>
        %parallel_loop3A_653 = arith.addi %parallel_loop3A_623, %parallel_loop3A_652 : vector<16xi32>
        %parallel_loop3A_654 = arith.select %parallel_loop3A_651, %parallel_loop3A_653, %parallel_loop3A_501 : vector<16xi1>, vector<16xi32>
        %parallel_loop3A_655 = arith.select %parallel_loop3A_651, %parallel_loop3A_634, %parallel_loop3A_502 : vector<16xi1>, vector<16xi32>
        %parallel_loop3A_656 = arith.addi %parallel_loop3A_500, %parallel_loop3A_644 : vector<16xi32>
        %parallel_loop3A_657 = arith.subi %parallel_loop3A_656, %parallel_loop3A_634 : vector<16xi32>
        %parallel_loop3A_658 = arith.select %parallel_loop3A_651, %parallel_loop3A_657, %parallel_loop3A_503 : vector<16xi1>, vector<16xi32>
        %parallel_loop3A_659 = arith.constant 0 : i32
        %parallel_loop3A_660 = vector.broadcast %parallel_loop3A_659 : i32 to vector<16xi32>
        %parallel_loop3A_661 = arith.cmpi slt, %broadcast_in_dim3A_10, %parallel_loop3A_660 : vector<16xi32>
        %parallel_loop3A_662 = arith.constant 16 : i32
        %parallel_loop3A_663 = vector.broadcast %parallel_loop3A_662 : i32 to vector<16xi32>
        %parallel_loop3A_664 = arith.addi %broadcast_in_dim3A_10, %parallel_loop3A_663 : vector<16xi32>
        %parallel_loop3A_665 = arith.select %parallel_loop3A_661, %parallel_loop3A_664, %broadcast_in_dim3A_10 : vector<16xi1>, vector<16xi32>
        %parallel_loop3A_666 = vector.shape_cast %parallel_loop3A_665 : vector<16xi32> to vector<16x1xi32>
        %parallel_loop3A_667 = vector.shape_cast %parallel_loop3A_666 : vector<16x1xi32> to vector<16xi32>
        %parallel_loop3A_668 = tpu.dynamic_gather %parallel_loop3A_617[%parallel_loop3A_667] in [0] : vector<16xi32>, vector<16xi32> -> vector<16xi32>
        %parallel_loop3A_669 = arith.addi %parallel_loop3A_500, %parallel_loop3A_668 : vector<16xi32>
        scf.yield %parallel_loop3A_669, %parallel_loop3A_654, %parallel_loop3A_655, %parallel_loop3A_658 : vector<16xi32>, vector<16xi32>, vector<16xi32>, vector<16xi32>
      } {sc.loop_unroll_factor = 1 : i64, sc.parallel_access}
      %sub3A_149 = arith.subi %parallel_loop3A_131#2, %parallel_loop3A_148#3 : vector<16xi32>
      %sub3A_150 = arith.subi %sub3A_149, %parallel_loop3A_148#2 : vector<16xi32>
      %sub3A_151 = arith.subi %sub3A_134, %sub3A_150 : vector<16xi32>
      %shift_left3A = arith.constant 8 : i32
      %shift_left3A_152 = vector.broadcast %shift_left3A : i32 to vector<16xi32>
      %shift_left3A_153 = arith.shli %parallel_loop3A_131#1, %shift_left3A_152 : vector<16xi32>
      %or3A = arith.ori %shift_left3A_153, %parallel_loop3A_148#1 : vector<16xi32>
      %add3A_154 = arith.constant 16 : i32
      %add3A_155 = arith.addi %parallel_loop3A_141, %add3A_154 : i32
      %sub3A_156 = arith.constant 1 : i32
      %sub3A_157 = arith.subi %add3A_155, %sub3A_156 : i32
      %jit3A = arith.constant 16 : i32
      %div3A = arith.divsi %sub3A_157, %jit3A : i32
      %sign3A = arith.constant 0 : i32
      %sign3A_158 = arith.cmpi sgt, %sub3A_157, %sign3A : i32
      %sign3A_159 = arith.extui %sign3A_158 : i1 to i32
      %sign3A_160 = arith.constant 0 : i32
      %sign3A_161 = arith.cmpi slt, %sub3A_157, %sign3A_160 : i32
      %sign3A_162 = arith.extui %sign3A_161 : i1 to i32
      %sign3A_163 = arith.subi %sign3A_159, %sign3A_162 : i32
      %sign3A_164 = arith.constant 0 : i32
      %sign3A_165 = arith.cmpi sgt, %jit3A, %sign3A_164 : i32
      %sign3A_166 = arith.extui %sign3A_165 : i1 to i32
      %sign3A_167 = arith.constant 0 : i32
      %sign3A_168 = arith.cmpi slt, %jit3A, %sign3A_167 : i32
      %sign3A_169 = arith.extui %sign3A_168 : i1 to i32
      %sign3A_170 = arith.subi %sign3A_166, %sign3A_169 : i32
      %ne3A = arith.cmpi ne, %sign3A_163, %sign3A_170 : i32
      %rem3A = arith.remsi %sub3A_157, %jit3A : i32
      %ne3A_171 = arith.constant 0 : i32
      %ne3A_172 = arith.cmpi ne, %rem3A, %ne3A_171 : i32
      %and3A = arith.andi %ne3A, %ne3A_172 : i1
      %sub3A_173 = arith.constant 1 : i32
      %sub3A_174 = arith.subi %div3A, %sub3A_173 : i32
      %select_n3A = arith.select %and3A, %sub3A_174, %div3A : i32
      %mul3A_175 = arith.constant 16 : i32
      %mul3A_176 = arith.muli %select_n3A, %mul3A_175 : i32
      %parallel_loop3A_177 = arith.constant 0 : i32
      %parallel_loop3A_178 = arith.constant 16 : i32
      scf.for %parallel_loop3A_499 = %parallel_loop3A_177 to %mul3A_176 step %parallel_loop3A_178  : i32 {
        %parallel_loop3A_500 = arith.index_cast %parallel_loop3A_499 : i32 to index
        %parallel_loop3A_501 = tpu.vector_load %arg7[%parallel_loop3A_500] {strides = array<i32>} : memref<16384xi32, #tpu.memory_space<vmem>>, vector<16xi32>,
        %parallel_loop3A_502 = vector.broadcast %parallel_loop3A_499 : i32 to vector<16xi32>
        %parallel_loop3A_503 = arith.addi %iota3A, %parallel_loop3A_502 : vector<16xi32>
        %parallel_loop3A_504 = vector.broadcast %parallel_loop3A_141 : i32 to vector<16xi32>
        %parallel_loop3A_505 = arith.cmpi slt, %parallel_loop3A_503, %parallel_loop3A_504 : vector<16xi32>
        %parallel_loop3A_506 = arith.constant 16 : i32
        %parallel_loop3A_507 = vector.broadcast %parallel_loop3A_506 : i32 to vector<16xi32>
        %parallel_loop3A_508 = arith.shrui %parallel_loop3A_501, %parallel_loop3A_507 : vector<16xi32>
        %parallel_loop3A_509 = arith.cmpi eq, %parallel_loop3A_508, %or3A : vector<16xi32>
        %parallel_loop3A_510 = arith.andi %parallel_loop3A_505, %parallel_loop3A_509 : vector<16xi1>
        %parallel_loop3A_511 = arith.constant 8 : i32
        %parallel_loop3A_512 = vector.broadcast %parallel_loop3A_511 : i32 to vector<16xi32>
        %parallel_loop3A_513 = arith.shrui %parallel_loop3A_501, %parallel_loop3A_512 : vector<16xi32>
        %parallel_loop3A_514 = arith.constant 255 : i32
        %parallel_loop3A_515 = vector.broadcast %parallel_loop3A_514 : i32 to vector<16xi32>
        %parallel_loop3A_516 = arith.andi %parallel_loop3A_513, %parallel_loop3A_515 : vector<16xi32>
        %parallel_loop3A_517 = arith.addi %mul3A_5, %parallel_loop3A_516 : vector<16xi32>
        tpu.vector_store_idx %arg9[%parallel_loop3A_517], %broadcast_in_dim3A_6 masked %parallel_loop3A_510 {add = true} : memref<4096xi32, #tpu.memory_space<vmem>>[vector<16xi32>], vector<16xi32>, vector<16xi1>
      } {sc.loop_unroll_factor = 1 : i64, sc.parallel_access}
      %sub3A_179 = arith.subi %parallel_loop3A_148#2, %sub3A_151 : vector<16xi32>
      %broadcast_in_dim3A_180 = arith.constant -1 : i32
      %broadcast_in_dim3A_181 = vector.broadcast %broadcast_in_dim3A_180 : i32 to vector<16xi32>
      %parallel_loop3A_182 = arith.constant 0 : i32
      %parallel_loop3A_183 = arith.constant 256 : i32
      %parallel_loop3A_184 = arith.constant 16 : i32
      %parallel_loop3A_185:4 = scf.for %parallel_loop3A_499 = %parallel_loop3A_182 to %parallel_loop3A_183 step %parallel_loop3A_184 iter_args(%parallel_loop3A_500 = %broadcast_in_dim3A_8, %parallel_loop3A_501 = %broadcast_in_dim3A_181, %parallel_loop3A_502 = %broadcast_in_dim3A_8, %parallel_loop3A_503 = %broadcast_in_dim3A_8) -> (vector<16xi32>, vector<16xi32>, vector<16xi32>, vector<16xi32>)  : i32 {
        %parallel_loop3A_504 = arith.constant 0 : i32
        %parallel_loop3A_505 = arith.addi %parallel_loop3A_504, %parallel_loop3A_499 : i32
        %parallel_loop3A_506 = arith.index_cast %parallel_loop3A_505 : i32 to index
        %parallel_loop3A_507 = tpu.vector_load %arg9[%parallel_loop3A_506] {strides = array<i32>} : memref<4096xi32, #tpu.memory_space<vmem>>, vector<16xi32>,
        %parallel_loop3A_508 = arith.index_cast %parallel_loop3A_505 : i32 to index
        %parallel_loop3A_509 = tpu.vector_load %arg9[%parallel_loop3A_508] {strides = array<i32>} : memref<4096xi32, #tpu.memory_space<vmem>>, vector<16xi32>,
        tpu.vector_store %arg9[%parallel_loop3A_508], %broadcast_in_dim3A_8 {strides = array<i32>} : memref<4096xi32, #tpu.memory_space<vmem>>, vector<16xi32>,
        %parallel_loop3A_510 = arith.constant 256 : i32
        %parallel_loop3A_511 = arith.addi %parallel_loop3A_510, %parallel_loop3A_499 : i32
        %parallel_loop3A_512 = arith.index_cast %parallel_loop3A_511 : i32 to index
        %parallel_loop3A_513 = tpu.vector_load %arg9[%parallel_loop3A_512] {strides = array<i32>} : memref<4096xi32, #tpu.memory_space<vmem>>, vector<16xi32>,
        %parallel_loop3A_514 = arith.index_cast %parallel_loop3A_511 : i32 to index
        %parallel_loop3A_515 = tpu.vector_load %arg9[%parallel_loop3A_514] {strides = array<i32>} : memref<4096xi32, #tpu.memory_space<vmem>>, vector<16xi32>,
        tpu.vector_store %arg9[%parallel_loop3A_514], %broadcast_in_dim3A_8 {strides = array<i32>} : memref<4096xi32, #tpu.memory_space<vmem>>, vector<16xi32>,
        %parallel_loop3A_516 = arith.constant 512 : i32
        %parallel_loop3A_517 = arith.addi %parallel_loop3A_516, %parallel_loop3A_499 : i32
        %parallel_loop3A_518 = arith.index_cast %parallel_loop3A_517 : i32 to index
        %parallel_loop3A_519 = tpu.vector_load %arg9[%parallel_loop3A_518] {strides = array<i32>} : memref<4096xi32, #tpu.memory_space<vmem>>, vector<16xi32>,
        %parallel_loop3A_520 = arith.index_cast %parallel_loop3A_517 : i32 to index
        %parallel_loop3A_521 = tpu.vector_load %arg9[%parallel_loop3A_520] {strides = array<i32>} : memref<4096xi32, #tpu.memory_space<vmem>>, vector<16xi32>,
        tpu.vector_store %arg9[%parallel_loop3A_520], %broadcast_in_dim3A_8 {strides = array<i32>} : memref<4096xi32, #tpu.memory_space<vmem>>, vector<16xi32>,
        %parallel_loop3A_522 = arith.constant 768 : i32
        %parallel_loop3A_523 = arith.addi %parallel_loop3A_522, %parallel_loop3A_499 : i32
        %parallel_loop3A_524 = arith.index_cast %parallel_loop3A_523 : i32 to index
        %parallel_loop3A_525 = tpu.vector_load %arg9[%parallel_loop3A_524] {strides = array<i32>} : memref<4096xi32, #tpu.memory_space<vmem>>, vector<16xi32>,
        %parallel_loop3A_526 = arith.index_cast %parallel_loop3A_523 : i32 to index
        %parallel_loop3A_527 = tpu.vector_load %arg9[%parallel_loop3A_526] {strides = array<i32>} : memref<4096xi32, #tpu.memory_space<vmem>>, vector<16xi32>,
        tpu.vector_store %arg9[%parallel_loop3A_526], %broadcast_in_dim3A_8 {strides = array<i32>} : memref<4096xi32, #tpu.memory_space<vmem>>, vector<16xi32>,
        %parallel_loop3A_528 = arith.constant 1024 : i32
        %parallel_loop3A_529 = arith.addi %parallel_loop3A_528, %parallel_loop3A_499 : i32
        %parallel_loop3A_530 = arith.index_cast %parallel_loop3A_529 : i32 to index
        %parallel_loop3A_531 = tpu.vector_load %arg9[%parallel_loop3A_530] {strides = array<i32>} : memref<4096xi32, #tpu.memory_space<vmem>>, vector<16xi32>,
        %parallel_loop3A_532 = arith.index_cast %parallel_loop3A_529 : i32 to index
        %parallel_loop3A_533 = tpu.vector_load %arg9[%parallel_loop3A_532] {strides = array<i32>} : memref<4096xi32, #tpu.memory_space<vmem>>, vector<16xi32>,
        tpu.vector_store %arg9[%parallel_loop3A_532], %broadcast_in_dim3A_8 {strides = array<i32>} : memref<4096xi32, #tpu.memory_space<vmem>>, vector<16xi32>,
        %parallel_loop3A_534 = arith.constant 1280 : i32
        %parallel_loop3A_535 = arith.addi %parallel_loop3A_534, %parallel_loop3A_499 : i32
        %parallel_loop3A_536 = arith.index_cast %parallel_loop3A_535 : i32 to index
        %parallel_loop3A_537 = tpu.vector_load %arg9[%parallel_loop3A_536] {strides = array<i32>} : memref<4096xi32, #tpu.memory_space<vmem>>, vector<16xi32>,
        %parallel_loop3A_538 = arith.index_cast %parallel_loop3A_535 : i32 to index
        %parallel_loop3A_539 = tpu.vector_load %arg9[%parallel_loop3A_538] {strides = array<i32>} : memref<4096xi32, #tpu.memory_space<vmem>>, vector<16xi32>,
        tpu.vector_store %arg9[%parallel_loop3A_538], %broadcast_in_dim3A_8 {strides = array<i32>} : memref<4096xi32, #tpu.memory_space<vmem>>, vector<16xi32>,
        %parallel_loop3A_540 = arith.constant 1536 : i32
        %parallel_loop3A_541 = arith.addi %parallel_loop3A_540, %parallel_loop3A_499 : i32
        %parallel_loop3A_542 = arith.index_cast %parallel_loop3A_541 : i32 to index
        %parallel_loop3A_543 = tpu.vector_load %arg9[%parallel_loop3A_542] {strides = array<i32>} : memref<4096xi32, #tpu.memory_space<vmem>>, vector<16xi32>,
        %parallel_loop3A_544 = arith.index_cast %parallel_loop3A_541 : i32 to index
        %parallel_loop3A_545 = tpu.vector_load %arg9[%parallel_loop3A_544] {strides = array<i32>} : memref<4096xi32, #tpu.memory_space<vmem>>, vector<16xi32>,
        tpu.vector_store %arg9[%parallel_loop3A_544], %broadcast_in_dim3A_8 {strides = array<i32>} : memref<4096xi32, #tpu.memory_space<vmem>>, vector<16xi32>,
        %parallel_loop3A_546 = arith.constant 1792 : i32
        %parallel_loop3A_547 = arith.addi %parallel_loop3A_546, %parallel_loop3A_499 : i32
        %parallel_loop3A_548 = arith.index_cast %parallel_loop3A_547 : i32 to index
        %parallel_loop3A_549 = tpu.vector_load %arg9[%parallel_loop3A_548] {strides = array<i32>} : memref<4096xi32, #tpu.memory_space<vmem>>, vector<16xi32>,
        %parallel_loop3A_550 = arith.index_cast %parallel_loop3A_547 : i32 to index
        %parallel_loop3A_551 = tpu.vector_load %arg9[%parallel_loop3A_550] {strides = array<i32>} : memref<4096xi32, #tpu.memory_space<vmem>>, vector<16xi32>,
        tpu.vector_store %arg9[%parallel_loop3A_550], %broadcast_in_dim3A_8 {strides = array<i32>} : memref<4096xi32, #tpu.memory_space<vmem>>, vector<16xi32>,
        %parallel_loop3A_552 = arith.constant 2048 : i32
        %parallel_loop3A_553 = arith.addi %parallel_loop3A_552, %parallel_loop3A_499 : i32
        %parallel_loop3A_554 = arith.index_cast %parallel_loop3A_553 : i32 to index
        %parallel_loop3A_555 = tpu.vector_load %arg9[%parallel_loop3A_554] {strides = array<i32>} : memref<4096xi32, #tpu.memory_space<vmem>>, vector<16xi32>,
        %parallel_loop3A_556 = arith.index_cast %parallel_loop3A_553 : i32 to index
        %parallel_loop3A_557 = tpu.vector_load %arg9[%parallel_loop3A_556] {strides = array<i32>} : memref<4096xi32, #tpu.memory_space<vmem>>, vector<16xi32>,
        tpu.vector_store %arg9[%parallel_loop3A_556], %broadcast_in_dim3A_8 {strides = array<i32>} : memref<4096xi32, #tpu.memory_space<vmem>>, vector<16xi32>,
        %parallel_loop3A_558 = arith.constant 2304 : i32
        %parallel_loop3A_559 = arith.addi %parallel_loop3A_558, %parallel_loop3A_499 : i32
        %parallel_loop3A_560 = arith.index_cast %parallel_loop3A_559 : i32 to index
        %parallel_loop3A_561 = tpu.vector_load %arg9[%parallel_loop3A_560] {strides = array<i32>} : memref<4096xi32, #tpu.memory_space<vmem>>, vector<16xi32>,
        %parallel_loop3A_562 = arith.index_cast %parallel_loop3A_559 : i32 to index
        %parallel_loop3A_563 = tpu.vector_load %arg9[%parallel_loop3A_562] {strides = array<i32>} : memref<4096xi32, #tpu.memory_space<vmem>>, vector<16xi32>,
        tpu.vector_store %arg9[%parallel_loop3A_562], %broadcast_in_dim3A_8 {strides = array<i32>} : memref<4096xi32, #tpu.memory_space<vmem>>, vector<16xi32>,
        %parallel_loop3A_564 = arith.constant 2560 : i32
        %parallel_loop3A_565 = arith.addi %parallel_loop3A_564, %parallel_loop3A_499 : i32
        %parallel_loop3A_566 = arith.index_cast %parallel_loop3A_565 : i32 to index
        %parallel_loop3A_567 = tpu.vector_load %arg9[%parallel_loop3A_566] {strides = array<i32>} : memref<4096xi32, #tpu.memory_space<vmem>>, vector<16xi32>,
        %parallel_loop3A_568 = arith.index_cast %parallel_loop3A_565 : i32 to index
        %parallel_loop3A_569 = tpu.vector_load %arg9[%parallel_loop3A_568] {strides = array<i32>} : memref<4096xi32, #tpu.memory_space<vmem>>, vector<16xi32>,
        tpu.vector_store %arg9[%parallel_loop3A_568], %broadcast_in_dim3A_8 {strides = array<i32>} : memref<4096xi32, #tpu.memory_space<vmem>>, vector<16xi32>,
        %parallel_loop3A_570 = arith.constant 2816 : i32
        %parallel_loop3A_571 = arith.addi %parallel_loop3A_570, %parallel_loop3A_499 : i32
        %parallel_loop3A_572 = arith.index_cast %parallel_loop3A_571 : i32 to index
        %parallel_loop3A_573 = tpu.vector_load %arg9[%parallel_loop3A_572] {strides = array<i32>} : memref<4096xi32, #tpu.memory_space<vmem>>, vector<16xi32>,
        %parallel_loop3A_574 = arith.index_cast %parallel_loop3A_571 : i32 to index
        %parallel_loop3A_575 = tpu.vector_load %arg9[%parallel_loop3A_574] {strides = array<i32>} : memref<4096xi32, #tpu.memory_space<vmem>>, vector<16xi32>,
        tpu.vector_store %arg9[%parallel_loop3A_574], %broadcast_in_dim3A_8 {strides = array<i32>} : memref<4096xi32, #tpu.memory_space<vmem>>, vector<16xi32>,
        %parallel_loop3A_576 = arith.constant 3072 : i32
        %parallel_loop3A_577 = arith.addi %parallel_loop3A_576, %parallel_loop3A_499 : i32
        %parallel_loop3A_578 = arith.index_cast %parallel_loop3A_577 : i32 to index
        %parallel_loop3A_579 = tpu.vector_load %arg9[%parallel_loop3A_578] {strides = array<i32>} : memref<4096xi32, #tpu.memory_space<vmem>>, vector<16xi32>,
        %parallel_loop3A_580 = arith.index_cast %parallel_loop3A_577 : i32 to index
        %parallel_loop3A_581 = tpu.vector_load %arg9[%parallel_loop3A_580] {strides = array<i32>} : memref<4096xi32, #tpu.memory_space<vmem>>, vector<16xi32>,
        tpu.vector_store %arg9[%parallel_loop3A_580], %broadcast_in_dim3A_8 {strides = array<i32>} : memref<4096xi32, #tpu.memory_space<vmem>>, vector<16xi32>,
        %parallel_loop3A_582 = arith.constant 3328 : i32
        %parallel_loop3A_583 = arith.addi %parallel_loop3A_582, %parallel_loop3A_499 : i32
        %parallel_loop3A_584 = arith.index_cast %parallel_loop3A_583 : i32 to index
        %parallel_loop3A_585 = tpu.vector_load %arg9[%parallel_loop3A_584] {strides = array<i32>} : memref<4096xi32, #tpu.memory_space<vmem>>, vector<16xi32>,
        %parallel_loop3A_586 = arith.index_cast %parallel_loop3A_583 : i32 to index
        %parallel_loop3A_587 = tpu.vector_load %arg9[%parallel_loop3A_586] {strides = array<i32>} : memref<4096xi32, #tpu.memory_space<vmem>>, vector<16xi32>,
        tpu.vector_store %arg9[%parallel_loop3A_586], %broadcast_in_dim3A_8 {strides = array<i32>} : memref<4096xi32, #tpu.memory_space<vmem>>, vector<16xi32>,
        %parallel_loop3A_588 = arith.constant 3584 : i32
        %parallel_loop3A_589 = arith.addi %parallel_loop3A_588, %parallel_loop3A_499 : i32
        %parallel_loop3A_590 = arith.index_cast %parallel_loop3A_589 : i32 to index
        %parallel_loop3A_591 = tpu.vector_load %arg9[%parallel_loop3A_590] {strides = array<i32>} : memref<4096xi32, #tpu.memory_space<vmem>>, vector<16xi32>,
        %parallel_loop3A_592 = arith.index_cast %parallel_loop3A_589 : i32 to index
        %parallel_loop3A_593 = tpu.vector_load %arg9[%parallel_loop3A_592] {strides = array<i32>} : memref<4096xi32, #tpu.memory_space<vmem>>, vector<16xi32>,
        tpu.vector_store %arg9[%parallel_loop3A_592], %broadcast_in_dim3A_8 {strides = array<i32>} : memref<4096xi32, #tpu.memory_space<vmem>>, vector<16xi32>,
        %parallel_loop3A_594 = arith.constant 3840 : i32
        %parallel_loop3A_595 = arith.addi %parallel_loop3A_594, %parallel_loop3A_499 : i32
        %parallel_loop3A_596 = arith.index_cast %parallel_loop3A_595 : i32 to index
        %parallel_loop3A_597 = tpu.vector_load %arg9[%parallel_loop3A_596] {strides = array<i32>} : memref<4096xi32, #tpu.memory_space<vmem>>, vector<16xi32>,
        %parallel_loop3A_598 = arith.index_cast %parallel_loop3A_595 : i32 to index
        %parallel_loop3A_599 = tpu.vector_load %arg9[%parallel_loop3A_598] {strides = array<i32>} : memref<4096xi32, #tpu.memory_space<vmem>>, vector<16xi32>,
        tpu.vector_store %arg9[%parallel_loop3A_598], %broadcast_in_dim3A_8 {strides = array<i32>} : memref<4096xi32, #tpu.memory_space<vmem>>, vector<16xi32>,
        %parallel_loop3A_600 = arith.addi %parallel_loop3A_507, %parallel_loop3A_513 : vector<16xi32>
        %parallel_loop3A_601 = arith.addi %parallel_loop3A_519, %parallel_loop3A_525 : vector<16xi32>
        %parallel_loop3A_602 = arith.addi %parallel_loop3A_531, %parallel_loop3A_537 : vector<16xi32>
        %parallel_loop3A_603 = arith.addi %parallel_loop3A_543, %parallel_loop3A_549 : vector<16xi32>
        %parallel_loop3A_604 = arith.addi %parallel_loop3A_555, %parallel_loop3A_561 : vector<16xi32>
        %parallel_loop3A_605 = arith.addi %parallel_loop3A_567, %parallel_loop3A_573 : vector<16xi32>
        %parallel_loop3A_606 = arith.addi %parallel_loop3A_579, %parallel_loop3A_585 : vector<16xi32>
        %parallel_loop3A_607 = arith.addi %parallel_loop3A_591, %parallel_loop3A_597 : vector<16xi32>
        %parallel_loop3A_608 = arith.addi %parallel_loop3A_600, %parallel_loop3A_601 : vector<16xi32>
        %parallel_loop3A_609 = arith.addi %parallel_loop3A_602, %parallel_loop3A_603 : vector<16xi32>
        %parallel_loop3A_610 = arith.addi %parallel_loop3A_604, %parallel_loop3A_605 : vector<16xi32>
        %parallel_loop3A_611 = arith.addi %parallel_loop3A_606, %parallel_loop3A_607 : vector<16xi32>
        %parallel_loop3A_612 = arith.addi %parallel_loop3A_608, %parallel_loop3A_609 : vector<16xi32>
        %parallel_loop3A_613 = arith.addi %parallel_loop3A_610, %parallel_loop3A_611 : vector<16xi32>
        %parallel_loop3A_614 = arith.addi %parallel_loop3A_612, %parallel_loop3A_613 : vector<16xi32>
        %parallel_loop3A_615 = arith.constant true
        %parallel_loop3A_616 = vector.broadcast %parallel_loop3A_615 : i1 to vector<16xi1>
        %parallel_loop3A_617 = tpu.scan <sum>, %parallel_loop3A_614 masked %parallel_loop3A_616 : vector<16xi32>, vector<16xi1> -> vector<16xi32>
        %parallel_loop3A_618 = arith.addi %parallel_loop3A_500, %parallel_loop3A_617 : vector<16xi32>
        %parallel_loop3A_619 = arith.cmpi sgt, %parallel_loop3A_618, %sub3A_179 : vector<16xi32>
        %parallel_loop3A_620 = tpu.all_reduce %parallel_loop3A_619 {dim = 0 : i64, kind = #tpu.reduction_kind<sum>} : vector<16xi1> -> vector<16xi32>
        %parallel_loop3A_621 = arith.constant 16 : i32
        %parallel_loop3A_622 = vector.broadcast %parallel_loop3A_621 : i32 to vector<16xi32>
        %parallel_loop3A_623 = arith.subi %parallel_loop3A_622, %parallel_loop3A_620 : vector<16xi32>
        %parallel_loop3A_624 = arith.minsi %parallel_loop3A_623, %broadcast_in_dim3A_10 : vector<16xi32>
        %parallel_loop3A_625 = arith.constant 0 : i32
        %parallel_loop3A_626 = vector.broadcast %parallel_loop3A_625 : i32 to vector<16xi32>
        %parallel_loop3A_627 = arith.cmpi slt, %parallel_loop3A_624, %parallel_loop3A_626 : vector<16xi32>
        %parallel_loop3A_628 = arith.constant 16 : i32
        %parallel_loop3A_629 = vector.broadcast %parallel_loop3A_628 : i32 to vector<16xi32>
        %parallel_loop3A_630 = arith.addi %parallel_loop3A_624, %parallel_loop3A_629 : vector<16xi32>
        %parallel_loop3A_631 = arith.select %parallel_loop3A_627, %parallel_loop3A_630, %parallel_loop3A_624 : vector<16xi1>, vector<16xi32>
        %parallel_loop3A_632 = vector.shape_cast %parallel_loop3A_631 : vector<16xi32> to vector<16x1xi32>
        %parallel_loop3A_633 = vector.shape_cast %parallel_loop3A_632 : vector<16x1xi32> to vector<16xi32>
        %parallel_loop3A_634 = tpu.dynamic_gather %parallel_loop3A_614[%parallel_loop3A_633] in [0] : vector<16xi32>, vector<16xi32> -> vector<16xi32>
        %parallel_loop3A_635 = arith.constant 0 : i32
        %parallel_loop3A_636 = vector.broadcast %parallel_loop3A_635 : i32 to vector<16xi32>
        %parallel_loop3A_637 = arith.cmpi slt, %parallel_loop3A_624, %parallel_loop3A_636 : vector<16xi32>
        %parallel_loop3A_638 = arith.constant 16 : i32
        %parallel_loop3A_639 = vector.broadcast %parallel_loop3A_638 : i32 to vector<16xi32>
        %parallel_loop3A_640 = arith.addi %parallel_loop3A_624, %parallel_loop3A_639 : vector<16xi32>
        %parallel_loop3A_641 = arith.select %parallel_loop3A_637, %parallel_loop3A_640, %parallel_loop3A_624 : vector<16xi1>, vector<16xi32>
        %parallel_loop3A_642 = vector.shape_cast %parallel_loop3A_641 : vector<16xi32> to vector<16x1xi32>
        %parallel_loop3A_643 = vector.shape_cast %parallel_loop3A_642 : vector<16x1xi32> to vector<16xi32>
        %parallel_loop3A_644 = tpu.dynamic_gather %parallel_loop3A_617[%parallel_loop3A_643] in [0] : vector<16xi32>, vector<16xi32> -> vector<16xi32>
        %parallel_loop3A_645 = arith.constant 0 : i32
        %parallel_loop3A_646 = vector.broadcast %parallel_loop3A_645 : i32 to vector<16xi32>
        %parallel_loop3A_647 = arith.cmpi sgt, %parallel_loop3A_620, %parallel_loop3A_646 : vector<16xi32>
        %parallel_loop3A_648 = arith.constant 0 : i32
        %parallel_loop3A_649 = vector.broadcast %parallel_loop3A_648 : i32 to vector<16xi32>
        %parallel_loop3A_650 = arith.cmpi slt, %parallel_loop3A_501, %parallel_loop3A_649 : vector<16xi32>
        %parallel_loop3A_651 = arith.andi %parallel_loop3A_647, %parallel_loop3A_650 : vector<16xi1>
        %parallel_loop3A_652 = vector.broadcast %parallel_loop3A_499 : i32 to vector<16xi32>
        %parallel_loop3A_653 = arith.addi %parallel_loop3A_623, %parallel_loop3A_652 : vector<16xi32>
        %parallel_loop3A_654 = arith.select %parallel_loop3A_651, %parallel_loop3A_653, %parallel_loop3A_501 : vector<16xi1>, vector<16xi32>
        %parallel_loop3A_655 = arith.select %parallel_loop3A_651, %parallel_loop3A_634, %parallel_loop3A_502 : vector<16xi1>, vector<16xi32>
        %parallel_loop3A_656 = arith.addi %parallel_loop3A_500, %parallel_loop3A_644 : vector<16xi32>
        %parallel_loop3A_657 = arith.subi %parallel_loop3A_656, %parallel_loop3A_634 : vector<16xi32>
        %parallel_loop3A_658 = arith.select %parallel_loop3A_651, %parallel_loop3A_657, %parallel_loop3A_503 : vector<16xi1>, vector<16xi32>
        %parallel_loop3A_659 = arith.constant 0 : i32
        %parallel_loop3A_660 = vector.broadcast %parallel_loop3A_659 : i32 to vector<16xi32>
        %parallel_loop3A_661 = arith.cmpi slt, %broadcast_in_dim3A_10, %parallel_loop3A_660 : vector<16xi32>
        %parallel_loop3A_662 = arith.constant 16 : i32
        %parallel_loop3A_663 = vector.broadcast %parallel_loop3A_662 : i32 to vector<16xi32>
        %parallel_loop3A_664 = arith.addi %broadcast_in_dim3A_10, %parallel_loop3A_663 : vector<16xi32>
        %parallel_loop3A_665 = arith.select %parallel_loop3A_661, %parallel_loop3A_664, %broadcast_in_dim3A_10 : vector<16xi1>, vector<16xi32>
        %parallel_loop3A_666 = vector.shape_cast %parallel_loop3A_665 : vector<16xi32> to vector<16x1xi32>
        %parallel_loop3A_667 = vector.shape_cast %parallel_loop3A_666 : vector<16x1xi32> to vector<16xi32>
        %parallel_loop3A_668 = tpu.dynamic_gather %parallel_loop3A_617[%parallel_loop3A_667] in [0] : vector<16xi32>, vector<16xi32> -> vector<16xi32>
        %parallel_loop3A_669 = arith.addi %parallel_loop3A_500, %parallel_loop3A_668 : vector<16xi32>
        scf.yield %parallel_loop3A_669, %parallel_loop3A_654, %parallel_loop3A_655, %parallel_loop3A_658 : vector<16xi32>, vector<16xi32>, vector<16xi32>, vector<16xi32>
      } {sc.loop_unroll_factor = 1 : i64, sc.parallel_access}
      %sub3A_186 = arith.subi %parallel_loop3A_148#2, %parallel_loop3A_185#3 : vector<16xi32>
      %sub3A_187 = arith.subi %sub3A_186, %parallel_loop3A_185#2 : vector<16xi32>
      %sub3A_188 = arith.subi %sub3A_151, %sub3A_187 : vector<16xi32>
      %shift_left3A_189 = arith.constant 8 : i32
      %shift_left3A_190 = vector.broadcast %shift_left3A_189 : i32 to vector<16xi32>
      %shift_left3A_191 = arith.shli %or3A, %shift_left3A_190 : vector<16xi32>
      %or3A_192 = arith.ori %shift_left3A_191, %parallel_loop3A_185#1 : vector<16xi32>
      %add3A_193 = arith.constant 16 : i32
      %add3A_194 = arith.addi %parallel_loop3A_141, %add3A_193 : i32
      %sub3A_195 = arith.constant 1 : i32
      %sub3A_196 = arith.subi %add3A_194, %sub3A_195 : i32
      %jit3A_197 = arith.constant 16 : i32
      %div3A_198 = arith.divsi %sub3A_196, %jit3A_197 : i32
      %sign3A_199 = arith.constant 0 : i32
      %sign3A_200 = arith.cmpi sgt, %sub3A_196, %sign3A_199 : i32
      %sign3A_201 = arith.extui %sign3A_200 : i1 to i32
      %sign3A_202 = arith.constant 0 : i32
      %sign3A_203 = arith.cmpi slt, %sub3A_196, %sign3A_202 : i32
      %sign3A_204 = arith.extui %sign3A_203 : i1 to i32
      %sign3A_205 = arith.subi %sign3A_201, %sign3A_204 : i32
      %sign3A_206 = arith.constant 0 : i32
      %sign3A_207 = arith.cmpi sgt, %jit3A_197, %sign3A_206 : i32
      %sign3A_208 = arith.extui %sign3A_207 : i1 to i32
      %sign3A_209 = arith.constant 0 : i32
      %sign3A_210 = arith.cmpi slt, %jit3A_197, %sign3A_209 : i32
      %sign3A_211 = arith.extui %sign3A_210 : i1 to i32
      %sign3A_212 = arith.subi %sign3A_208, %sign3A_211 : i32
      %ne3A_213 = arith.cmpi ne, %sign3A_205, %sign3A_212 : i32
      %rem3A_214 = arith.remsi %sub3A_196, %jit3A_197 : i32
      %ne3A_215 = arith.constant 0 : i32
      %ne3A_216 = arith.cmpi ne, %rem3A_214, %ne3A_215 : i32
      %and3A_217 = arith.andi %ne3A_213, %ne3A_216 : i1
      %sub3A_218 = arith.constant 1 : i32
      %sub3A_219 = arith.subi %div3A_198, %sub3A_218 : i32
      %select_n3A_220 = arith.select %and3A_217, %sub3A_219, %div3A_198 : i32
      %mul3A_221 = arith.constant 16 : i32
      %mul3A_222 = arith.muli %select_n3A_220, %mul3A_221 : i32
      %parallel_loop3A_223 = arith.constant 0 : i32
      %parallel_loop3A_224 = arith.constant 16 : i32
      scf.for %parallel_loop3A_499 = %parallel_loop3A_223 to %mul3A_222 step %parallel_loop3A_224  : i32 {
        %parallel_loop3A_500 = arith.index_cast %parallel_loop3A_499 : i32 to index
        %parallel_loop3A_501 = tpu.vector_load %arg7[%parallel_loop3A_500] {strides = array<i32>} : memref<16384xi32, #tpu.memory_space<vmem>>, vector<16xi32>,
        %parallel_loop3A_502 = vector.broadcast %parallel_loop3A_499 : i32 to vector<16xi32>
        %parallel_loop3A_503 = arith.addi %iota3A, %parallel_loop3A_502 : vector<16xi32>
        %parallel_loop3A_504 = vector.broadcast %parallel_loop3A_141 : i32 to vector<16xi32>
        %parallel_loop3A_505 = arith.cmpi slt, %parallel_loop3A_503, %parallel_loop3A_504 : vector<16xi32>
        %parallel_loop3A_506 = arith.constant 8 : i32
        %parallel_loop3A_507 = vector.broadcast %parallel_loop3A_506 : i32 to vector<16xi32>
        %parallel_loop3A_508 = arith.shrui %parallel_loop3A_501, %parallel_loop3A_507 : vector<16xi32>
        %parallel_loop3A_509 = arith.cmpi eq, %parallel_loop3A_508, %or3A_192 : vector<16xi32>
        %parallel_loop3A_510 = arith.andi %parallel_loop3A_505, %parallel_loop3A_509 : vector<16xi1>
        %parallel_loop3A_511 = arith.constant 255 : i32
        %parallel_loop3A_512 = vector.broadcast %parallel_loop3A_511 : i32 to vector<16xi32>
        %parallel_loop3A_513 = arith.andi %parallel_loop3A_501, %parallel_loop3A_512 : vector<16xi32>
        %parallel_loop3A_514 = arith.addi %mul3A_5, %parallel_loop3A_513 : vector<16xi32>
        tpu.vector_store_idx %arg9[%parallel_loop3A_514], %broadcast_in_dim3A_6 masked %parallel_loop3A_510 {add = true} : memref<4096xi32, #tpu.memory_space<vmem>>[vector<16xi32>], vector<16xi32>, vector<16xi1>
      } {sc.loop_unroll_factor = 1 : i64, sc.parallel_access}
      %sub3A_225 = arith.subi %parallel_loop3A_185#2, %sub3A_188 : vector<16xi32>
      %broadcast_in_dim3A_226 = arith.constant -1 : i32
      %broadcast_in_dim3A_227 = vector.broadcast %broadcast_in_dim3A_226 : i32 to vector<16xi32>
      %parallel_loop3A_228 = arith.constant 0 : i32
      %parallel_loop3A_229 = arith.constant 256 : i32
      %parallel_loop3A_230 = arith.constant 16 : i32
      %parallel_loop3A_231:4 = scf.for %parallel_loop3A_499 = %parallel_loop3A_228 to %parallel_loop3A_229 step %parallel_loop3A_230 iter_args(%parallel_loop3A_500 = %broadcast_in_dim3A_8, %parallel_loop3A_501 = %broadcast_in_dim3A_227, %parallel_loop3A_502 = %broadcast_in_dim3A_8, %parallel_loop3A_503 = %broadcast_in_dim3A_8) -> (vector<16xi32>, vector<16xi32>, vector<16xi32>, vector<16xi32>)  : i32 {
        %parallel_loop3A_504 = arith.constant 0 : i32
        %parallel_loop3A_505 = arith.addi %parallel_loop3A_504, %parallel_loop3A_499 : i32
        %parallel_loop3A_506 = arith.index_cast %parallel_loop3A_505 : i32 to index
        %parallel_loop3A_507 = tpu.vector_load %arg9[%parallel_loop3A_506] {strides = array<i32>} : memref<4096xi32, #tpu.memory_space<vmem>>, vector<16xi32>,
        %parallel_loop3A_508 = arith.index_cast %parallel_loop3A_505 : i32 to index
        %parallel_loop3A_509 = tpu.vector_load %arg9[%parallel_loop3A_508] {strides = array<i32>} : memref<4096xi32, #tpu.memory_space<vmem>>, vector<16xi32>,
        tpu.vector_store %arg9[%parallel_loop3A_508], %broadcast_in_dim3A_8 {strides = array<i32>} : memref<4096xi32, #tpu.memory_space<vmem>>, vector<16xi32>,
        %parallel_loop3A_510 = arith.constant 256 : i32
        %parallel_loop3A_511 = arith.addi %parallel_loop3A_510, %parallel_loop3A_499 : i32
        %parallel_loop3A_512 = arith.index_cast %parallel_loop3A_511 : i32 to index
        %parallel_loop3A_513 = tpu.vector_load %arg9[%parallel_loop3A_512] {strides = array<i32>} : memref<4096xi32, #tpu.memory_space<vmem>>, vector<16xi32>,
        %parallel_loop3A_514 = arith.index_cast %parallel_loop3A_511 : i32 to index
        %parallel_loop3A_515 = tpu.vector_load %arg9[%parallel_loop3A_514] {strides = array<i32>} : memref<4096xi32, #tpu.memory_space<vmem>>, vector<16xi32>,
        tpu.vector_store %arg9[%parallel_loop3A_514], %broadcast_in_dim3A_8 {strides = array<i32>} : memref<4096xi32, #tpu.memory_space<vmem>>, vector<16xi32>,
        %parallel_loop3A_516 = arith.constant 512 : i32
        %parallel_loop3A_517 = arith.addi %parallel_loop3A_516, %parallel_loop3A_499 : i32
        %parallel_loop3A_518 = arith.index_cast %parallel_loop3A_517 : i32 to index
        %parallel_loop3A_519 = tpu.vector_load %arg9[%parallel_loop3A_518] {strides = array<i32>} : memref<4096xi32, #tpu.memory_space<vmem>>, vector<16xi32>,
        %parallel_loop3A_520 = arith.index_cast %parallel_loop3A_517 : i32 to index
        %parallel_loop3A_521 = tpu.vector_load %arg9[%parallel_loop3A_520] {strides = array<i32>} : memref<4096xi32, #tpu.memory_space<vmem>>, vector<16xi32>,
        tpu.vector_store %arg9[%parallel_loop3A_520], %broadcast_in_dim3A_8 {strides = array<i32>} : memref<4096xi32, #tpu.memory_space<vmem>>, vector<16xi32>,
        %parallel_loop3A_522 = arith.constant 768 : i32
        %parallel_loop3A_523 = arith.addi %parallel_loop3A_522, %parallel_loop3A_499 : i32
        %parallel_loop3A_524 = arith.index_cast %parallel_loop3A_523 : i32 to index
        %parallel_loop3A_525 = tpu.vector_load %arg9[%parallel_loop3A_524] {strides = array<i32>} : memref<4096xi32, #tpu.memory_space<vmem>>, vector<16xi32>,
        %parallel_loop3A_526 = arith.index_cast %parallel_loop3A_523 : i32 to index
        %parallel_loop3A_527 = tpu.vector_load %arg9[%parallel_loop3A_526] {strides = array<i32>} : memref<4096xi32, #tpu.memory_space<vmem>>, vector<16xi32>,
        tpu.vector_store %arg9[%parallel_loop3A_526], %broadcast_in_dim3A_8 {strides = array<i32>} : memref<4096xi32, #tpu.memory_space<vmem>>, vector<16xi32>,
        %parallel_loop3A_528 = arith.constant 1024 : i32
        %parallel_loop3A_529 = arith.addi %parallel_loop3A_528, %parallel_loop3A_499 : i32
        %parallel_loop3A_530 = arith.index_cast %parallel_loop3A_529 : i32 to index
        %parallel_loop3A_531 = tpu.vector_load %arg9[%parallel_loop3A_530] {strides = array<i32>} : memref<4096xi32, #tpu.memory_space<vmem>>, vector<16xi32>,
        %parallel_loop3A_532 = arith.index_cast %parallel_loop3A_529 : i32 to index
        %parallel_loop3A_533 = tpu.vector_load %arg9[%parallel_loop3A_532] {strides = array<i32>} : memref<4096xi32, #tpu.memory_space<vmem>>, vector<16xi32>,
        tpu.vector_store %arg9[%parallel_loop3A_532], %broadcast_in_dim3A_8 {strides = array<i32>} : memref<4096xi32, #tpu.memory_space<vmem>>, vector<16xi32>,
        %parallel_loop3A_534 = arith.constant 1280 : i32
        %parallel_loop3A_535 = arith.addi %parallel_loop3A_534, %parallel_loop3A_499 : i32
        %parallel_loop3A_536 = arith.index_cast %parallel_loop3A_535 : i32 to index
        %parallel_loop3A_537 = tpu.vector_load %arg9[%parallel_loop3A_536] {strides = array<i32>} : memref<4096xi32, #tpu.memory_space<vmem>>, vector<16xi32>,
        %parallel_loop3A_538 = arith.index_cast %parallel_loop3A_535 : i32 to index
        %parallel_loop3A_539 = tpu.vector_load %arg9[%parallel_loop3A_538] {strides = array<i32>} : memref<4096xi32, #tpu.memory_space<vmem>>, vector<16xi32>,
        tpu.vector_store %arg9[%parallel_loop3A_538], %broadcast_in_dim3A_8 {strides = array<i32>} : memref<4096xi32, #tpu.memory_space<vmem>>, vector<16xi32>,
        %parallel_loop3A_540 = arith.constant 1536 : i32
        %parallel_loop3A_541 = arith.addi %parallel_loop3A_540, %parallel_loop3A_499 : i32
        %parallel_loop3A_542 = arith.index_cast %parallel_loop3A_541 : i32 to index
        %parallel_loop3A_543 = tpu.vector_load %arg9[%parallel_loop3A_542] {strides = array<i32>} : memref<4096xi32, #tpu.memory_space<vmem>>, vector<16xi32>,
        %parallel_loop3A_544 = arith.index_cast %parallel_loop3A_541 : i32 to index
        %parallel_loop3A_545 = tpu.vector_load %arg9[%parallel_loop3A_544] {strides = array<i32>} : memref<4096xi32, #tpu.memory_space<vmem>>, vector<16xi32>,
        tpu.vector_store %arg9[%parallel_loop3A_544], %broadcast_in_dim3A_8 {strides = array<i32>} : memref<4096xi32, #tpu.memory_space<vmem>>, vector<16xi32>,
        %parallel_loop3A_546 = arith.constant 1792 : i32
        %parallel_loop3A_547 = arith.addi %parallel_loop3A_546, %parallel_loop3A_499 : i32
        %parallel_loop3A_548 = arith.index_cast %parallel_loop3A_547 : i32 to index
        %parallel_loop3A_549 = tpu.vector_load %arg9[%parallel_loop3A_548] {strides = array<i32>} : memref<4096xi32, #tpu.memory_space<vmem>>, vector<16xi32>,
        %parallel_loop3A_550 = arith.index_cast %parallel_loop3A_547 : i32 to index
        %parallel_loop3A_551 = tpu.vector_load %arg9[%parallel_loop3A_550] {strides = array<i32>} : memref<4096xi32, #tpu.memory_space<vmem>>, vector<16xi32>,
        tpu.vector_store %arg9[%parallel_loop3A_550], %broadcast_in_dim3A_8 {strides = array<i32>} : memref<4096xi32, #tpu.memory_space<vmem>>, vector<16xi32>,
        %parallel_loop3A_552 = arith.constant 2048 : i32
        %parallel_loop3A_553 = arith.addi %parallel_loop3A_552, %parallel_loop3A_499 : i32
        %parallel_loop3A_554 = arith.index_cast %parallel_loop3A_553 : i32 to index
        %parallel_loop3A_555 = tpu.vector_load %arg9[%parallel_loop3A_554] {strides = array<i32>} : memref<4096xi32, #tpu.memory_space<vmem>>, vector<16xi32>,
        %parallel_loop3A_556 = arith.index_cast %parallel_loop3A_553 : i32 to index
        %parallel_loop3A_557 = tpu.vector_load %arg9[%parallel_loop3A_556] {strides = array<i32>} : memref<4096xi32, #tpu.memory_space<vmem>>, vector<16xi32>,
        tpu.vector_store %arg9[%parallel_loop3A_556], %broadcast_in_dim3A_8 {strides = array<i32>} : memref<4096xi32, #tpu.memory_space<vmem>>, vector<16xi32>,
        %parallel_loop3A_558 = arith.constant 2304 : i32
        %parallel_loop3A_559 = arith.addi %parallel_loop3A_558, %parallel_loop3A_499 : i32
        %parallel_loop3A_560 = arith.index_cast %parallel_loop3A_559 : i32 to index
        %parallel_loop3A_561 = tpu.vector_load %arg9[%parallel_loop3A_560] {strides = array<i32>} : memref<4096xi32, #tpu.memory_space<vmem>>, vector<16xi32>,
        %parallel_loop3A_562 = arith.index_cast %parallel_loop3A_559 : i32 to index
        %parallel_loop3A_563 = tpu.vector_load %arg9[%parallel_loop3A_562] {strides = array<i32>} : memref<4096xi32, #tpu.memory_space<vmem>>, vector<16xi32>,
        tpu.vector_store %arg9[%parallel_loop3A_562], %broadcast_in_dim3A_8 {strides = array<i32>} : memref<4096xi32, #tpu.memory_space<vmem>>, vector<16xi32>,
        %parallel_loop3A_564 = arith.constant 2560 : i32
        %parallel_loop3A_565 = arith.addi %parallel_loop3A_564, %parallel_loop3A_499 : i32
        %parallel_loop3A_566 = arith.index_cast %parallel_loop3A_565 : i32 to index
        %parallel_loop3A_567 = tpu.vector_load %arg9[%parallel_loop3A_566] {strides = array<i32>} : memref<4096xi32, #tpu.memory_space<vmem>>, vector<16xi32>,
        %parallel_loop3A_568 = arith.index_cast %parallel_loop3A_565 : i32 to index
        %parallel_loop3A_569 = tpu.vector_load %arg9[%parallel_loop3A_568] {strides = array<i32>} : memref<4096xi32, #tpu.memory_space<vmem>>, vector<16xi32>,
        tpu.vector_store %arg9[%parallel_loop3A_568], %broadcast_in_dim3A_8 {strides = array<i32>} : memref<4096xi32, #tpu.memory_space<vmem>>, vector<16xi32>,
        %parallel_loop3A_570 = arith.constant 2816 : i32
        %parallel_loop3A_571 = arith.addi %parallel_loop3A_570, %parallel_loop3A_499 : i32
        %parallel_loop3A_572 = arith.index_cast %parallel_loop3A_571 : i32 to index
        %parallel_loop3A_573 = tpu.vector_load %arg9[%parallel_loop3A_572] {strides = array<i32>} : memref<4096xi32, #tpu.memory_space<vmem>>, vector<16xi32>,
        %parallel_loop3A_574 = arith.index_cast %parallel_loop3A_571 : i32 to index
        %parallel_loop3A_575 = tpu.vector_load %arg9[%parallel_loop3A_574] {strides = array<i32>} : memref<4096xi32, #tpu.memory_space<vmem>>, vector<16xi32>,
        tpu.vector_store %arg9[%parallel_loop3A_574], %broadcast_in_dim3A_8 {strides = array<i32>} : memref<4096xi32, #tpu.memory_space<vmem>>, vector<16xi32>,
        %parallel_loop3A_576 = arith.constant 3072 : i32
        %parallel_loop3A_577 = arith.addi %parallel_loop3A_576, %parallel_loop3A_499 : i32
        %parallel_loop3A_578 = arith.index_cast %parallel_loop3A_577 : i32 to index
        %parallel_loop3A_579 = tpu.vector_load %arg9[%parallel_loop3A_578] {strides = array<i32>} : memref<4096xi32, #tpu.memory_space<vmem>>, vector<16xi32>,
        %parallel_loop3A_580 = arith.index_cast %parallel_loop3A_577 : i32 to index
        %parallel_loop3A_581 = tpu.vector_load %arg9[%parallel_loop3A_580] {strides = array<i32>} : memref<4096xi32, #tpu.memory_space<vmem>>, vector<16xi32>,
        tpu.vector_store %arg9[%parallel_loop3A_580], %broadcast_in_dim3A_8 {strides = array<i32>} : memref<4096xi32, #tpu.memory_space<vmem>>, vector<16xi32>,
        %parallel_loop3A_582 = arith.constant 3328 : i32
        %parallel_loop3A_583 = arith.addi %parallel_loop3A_582, %parallel_loop3A_499 : i32
        %parallel_loop3A_584 = arith.index_cast %parallel_loop3A_583 : i32 to index
        %parallel_loop3A_585 = tpu.vector_load %arg9[%parallel_loop3A_584] {strides = array<i32>} : memref<4096xi32, #tpu.memory_space<vmem>>, vector<16xi32>,
        %parallel_loop3A_586 = arith.index_cast %parallel_loop3A_583 : i32 to index
        %parallel_loop3A_587 = tpu.vector_load %arg9[%parallel_loop3A_586] {strides = array<i32>} : memref<4096xi32, #tpu.memory_space<vmem>>, vector<16xi32>,
        tpu.vector_store %arg9[%parallel_loop3A_586], %broadcast_in_dim3A_8 {strides = array<i32>} : memref<4096xi32, #tpu.memory_space<vmem>>, vector<16xi32>,
        %parallel_loop3A_588 = arith.constant 3584 : i32
        %parallel_loop3A_589 = arith.addi %parallel_loop3A_588, %parallel_loop3A_499 : i32
        %parallel_loop3A_590 = arith.index_cast %parallel_loop3A_589 : i32 to index
        %parallel_loop3A_591 = tpu.vector_load %arg9[%parallel_loop3A_590] {strides = array<i32>} : memref<4096xi32, #tpu.memory_space<vmem>>, vector<16xi32>,
        %parallel_loop3A_592 = arith.index_cast %parallel_loop3A_589 : i32 to index
        %parallel_loop3A_593 = tpu.vector_load %arg9[%parallel_loop3A_592] {strides = array<i32>} : memref<4096xi32, #tpu.memory_space<vmem>>, vector<16xi32>,
        tpu.vector_store %arg9[%parallel_loop3A_592], %broadcast_in_dim3A_8 {strides = array<i32>} : memref<4096xi32, #tpu.memory_space<vmem>>, vector<16xi32>,
        %parallel_loop3A_594 = arith.constant 3840 : i32
        %parallel_loop3A_595 = arith.addi %parallel_loop3A_594, %parallel_loop3A_499 : i32
        %parallel_loop3A_596 = arith.index_cast %parallel_loop3A_595 : i32 to index
        %parallel_loop3A_597 = tpu.vector_load %arg9[%parallel_loop3A_596] {strides = array<i32>} : memref<4096xi32, #tpu.memory_space<vmem>>, vector<16xi32>,
        %parallel_loop3A_598 = arith.index_cast %parallel_loop3A_595 : i32 to index
        %parallel_loop3A_599 = tpu.vector_load %arg9[%parallel_loop3A_598] {strides = array<i32>} : memref<4096xi32, #tpu.memory_space<vmem>>, vector<16xi32>,
        tpu.vector_store %arg9[%parallel_loop3A_598], %broadcast_in_dim3A_8 {strides = array<i32>} : memref<4096xi32, #tpu.memory_space<vmem>>, vector<16xi32>,
        %parallel_loop3A_600 = arith.addi %parallel_loop3A_507, %parallel_loop3A_513 : vector<16xi32>
        %parallel_loop3A_601 = arith.addi %parallel_loop3A_519, %parallel_loop3A_525 : vector<16xi32>
        %parallel_loop3A_602 = arith.addi %parallel_loop3A_531, %parallel_loop3A_537 : vector<16xi32>
        %parallel_loop3A_603 = arith.addi %parallel_loop3A_543, %parallel_loop3A_549 : vector<16xi32>
        %parallel_loop3A_604 = arith.addi %parallel_loop3A_555, %parallel_loop3A_561 : vector<16xi32>
        %parallel_loop3A_605 = arith.addi %parallel_loop3A_567, %parallel_loop3A_573 : vector<16xi32>
        %parallel_loop3A_606 = arith.addi %parallel_loop3A_579, %parallel_loop3A_585 : vector<16xi32>
        %parallel_loop3A_607 = arith.addi %parallel_loop3A_591, %parallel_loop3A_597 : vector<16xi32>
        %parallel_loop3A_608 = arith.addi %parallel_loop3A_600, %parallel_loop3A_601 : vector<16xi32>
        %parallel_loop3A_609 = arith.addi %parallel_loop3A_602, %parallel_loop3A_603 : vector<16xi32>
        %parallel_loop3A_610 = arith.addi %parallel_loop3A_604, %parallel_loop3A_605 : vector<16xi32>
        %parallel_loop3A_611 = arith.addi %parallel_loop3A_606, %parallel_loop3A_607 : vector<16xi32>
        %parallel_loop3A_612 = arith.addi %parallel_loop3A_608, %parallel_loop3A_609 : vector<16xi32>
        %parallel_loop3A_613 = arith.addi %parallel_loop3A_610, %parallel_loop3A_611 : vector<16xi32>
        %parallel_loop3A_614 = arith.addi %parallel_loop3A_612, %parallel_loop3A_613 : vector<16xi32>
        %parallel_loop3A_615 = arith.constant true
        %parallel_loop3A_616 = vector.broadcast %parallel_loop3A_615 : i1 to vector<16xi1>
        %parallel_loop3A_617 = tpu.scan <sum>, %parallel_loop3A_614 masked %parallel_loop3A_616 : vector<16xi32>, vector<16xi1> -> vector<16xi32>
        %parallel_loop3A_618 = arith.addi %parallel_loop3A_500, %parallel_loop3A_617 : vector<16xi32>
        %parallel_loop3A_619 = arith.cmpi sgt, %parallel_loop3A_618, %sub3A_225 : vector<16xi32>
        %parallel_loop3A_620 = tpu.all_reduce %parallel_loop3A_619 {dim = 0 : i64, kind = #tpu.reduction_kind<sum>} : vector<16xi1> -> vector<16xi32>
        %parallel_loop3A_621 = arith.constant 16 : i32
        %parallel_loop3A_622 = vector.broadcast %parallel_loop3A_621 : i32 to vector<16xi32>
        %parallel_loop3A_623 = arith.subi %parallel_loop3A_622, %parallel_loop3A_620 : vector<16xi32>
        %parallel_loop3A_624 = arith.minsi %parallel_loop3A_623, %broadcast_in_dim3A_10 : vector<16xi32>
        %parallel_loop3A_625 = arith.constant 0 : i32
        %parallel_loop3A_626 = vector.broadcast %parallel_loop3A_625 : i32 to vector<16xi32>
        %parallel_loop3A_627 = arith.cmpi slt, %parallel_loop3A_624, %parallel_loop3A_626 : vector<16xi32>
        %parallel_loop3A_628 = arith.constant 16 : i32
        %parallel_loop3A_629 = vector.broadcast %parallel_loop3A_628 : i32 to vector<16xi32>
        %parallel_loop3A_630 = arith.addi %parallel_loop3A_624, %parallel_loop3A_629 : vector<16xi32>
        %parallel_loop3A_631 = arith.select %parallel_loop3A_627, %parallel_loop3A_630, %parallel_loop3A_624 : vector<16xi1>, vector<16xi32>
        %parallel_loop3A_632 = vector.shape_cast %parallel_loop3A_631 : vector<16xi32> to vector<16x1xi32>
        %parallel_loop3A_633 = vector.shape_cast %parallel_loop3A_632 : vector<16x1xi32> to vector<16xi32>
        %parallel_loop3A_634 = tpu.dynamic_gather %parallel_loop3A_614[%parallel_loop3A_633] in [0] : vector<16xi32>, vector<16xi32> -> vector<16xi32>
        %parallel_loop3A_635 = arith.constant 0 : i32
        %parallel_loop3A_636 = vector.broadcast %parallel_loop3A_635 : i32 to vector<16xi32>
        %parallel_loop3A_637 = arith.cmpi slt, %parallel_loop3A_624, %parallel_loop3A_636 : vector<16xi32>
        %parallel_loop3A_638 = arith.constant 16 : i32
        %parallel_loop3A_639 = vector.broadcast %parallel_loop3A_638 : i32 to vector<16xi32>
        %parallel_loop3A_640 = arith.addi %parallel_loop3A_624, %parallel_loop3A_639 : vector<16xi32>
        %parallel_loop3A_641 = arith.select %parallel_loop3A_637, %parallel_loop3A_640, %parallel_loop3A_624 : vector<16xi1>, vector<16xi32>
        %parallel_loop3A_642 = vector.shape_cast %parallel_loop3A_641 : vector<16xi32> to vector<16x1xi32>
        %parallel_loop3A_643 = vector.shape_cast %parallel_loop3A_642 : vector<16x1xi32> to vector<16xi32>
        %parallel_loop3A_644 = tpu.dynamic_gather %parallel_loop3A_617[%parallel_loop3A_643] in [0] : vector<16xi32>, vector<16xi32> -> vector<16xi32>
        %parallel_loop3A_645 = arith.constant 0 : i32
        %parallel_loop3A_646 = vector.broadcast %parallel_loop3A_645 : i32 to vector<16xi32>
        %parallel_loop3A_647 = arith.cmpi sgt, %parallel_loop3A_620, %parallel_loop3A_646 : vector<16xi32>
        %parallel_loop3A_648 = arith.constant 0 : i32
        %parallel_loop3A_649 = vector.broadcast %parallel_loop3A_648 : i32 to vector<16xi32>
        %parallel_loop3A_650 = arith.cmpi slt, %parallel_loop3A_501, %parallel_loop3A_649 : vector<16xi32>
        %parallel_loop3A_651 = arith.andi %parallel_loop3A_647, %parallel_loop3A_650 : vector<16xi1>
        %parallel_loop3A_652 = vector.broadcast %parallel_loop3A_499 : i32 to vector<16xi32>
        %parallel_loop3A_653 = arith.addi %parallel_loop3A_623, %parallel_loop3A_652 : vector<16xi32>
        %parallel_loop3A_654 = arith.select %parallel_loop3A_651, %parallel_loop3A_653, %parallel_loop3A_501 : vector<16xi1>, vector<16xi32>
        %parallel_loop3A_655 = arith.select %parallel_loop3A_651, %parallel_loop3A_634, %parallel_loop3A_502 : vector<16xi1>, vector<16xi32>
        %parallel_loop3A_656 = arith.addi %parallel_loop3A_500, %parallel_loop3A_644 : vector<16xi32>
        %parallel_loop3A_657 = arith.subi %parallel_loop3A_656, %parallel_loop3A_634 : vector<16xi32>
        %parallel_loop3A_658 = arith.select %parallel_loop3A_651, %parallel_loop3A_657, %parallel_loop3A_503 : vector<16xi1>, vector<16xi32>
        %parallel_loop3A_659 = arith.constant 0 : i32
        %parallel_loop3A_660 = vector.broadcast %parallel_loop3A_659 : i32 to vector<16xi32>
        %parallel_loop3A_661 = arith.cmpi slt, %broadcast_in_dim3A_10, %parallel_loop3A_660 : vector<16xi32>
        %parallel_loop3A_662 = arith.constant 16 : i32
        %parallel_loop3A_663 = vector.broadcast %parallel_loop3A_662 : i32 to vector<16xi32>
        %parallel_loop3A_664 = arith.addi %broadcast_in_dim3A_10, %parallel_loop3A_663 : vector<16xi32>
        %parallel_loop3A_665 = arith.select %parallel_loop3A_661, %parallel_loop3A_664, %broadcast_in_dim3A_10 : vector<16xi1>, vector<16xi32>
        %parallel_loop3A_666 = vector.shape_cast %parallel_loop3A_665 : vector<16xi32> to vector<16x1xi32>
        %parallel_loop3A_667 = vector.shape_cast %parallel_loop3A_666 : vector<16x1xi32> to vector<16xi32>
        %parallel_loop3A_668 = tpu.dynamic_gather %parallel_loop3A_617[%parallel_loop3A_667] in [0] : vector<16xi32>, vector<16xi32> -> vector<16xi32>
        %parallel_loop3A_669 = arith.addi %parallel_loop3A_500, %parallel_loop3A_668 : vector<16xi32>
        scf.yield %parallel_loop3A_669, %parallel_loop3A_654, %parallel_loop3A_655, %parallel_loop3A_658 : vector<16xi32>, vector<16xi32>, vector<16xi32>, vector<16xi32>
      } {sc.loop_unroll_factor = 1 : i64, sc.parallel_access}
      %shift_left3A_232 = arith.constant 8 : i32
      %shift_left3A_233 = vector.broadcast %shift_left3A_232 : i32 to vector<16xi32>
      %shift_left3A_234 = arith.shli %or3A_192, %shift_left3A_233 : vector<16xi32>
      %or3A_235 = arith.ori %shift_left3A_234, %parallel_loop3A_231#1 : vector<16xi32>
      %add3A_236 = arith.constant 16 : i32
      %add3A_237 = arith.addi %parallel_loop3A_141, %add3A_236 : i32
      %sub3A_238 = arith.constant 1 : i32
      %sub3A_239 = arith.subi %add3A_237, %sub3A_238 : i32
      %jit3A_240 = arith.constant 16 : i32
      %div3A_241 = arith.divsi %sub3A_239, %jit3A_240 : i32
      %sign3A_242 = arith.constant 0 : i32
      %sign3A_243 = arith.cmpi sgt, %sub3A_239, %sign3A_242 : i32
      %sign3A_244 = arith.extui %sign3A_243 : i1 to i32
      %sign3A_245 = arith.constant 0 : i32
      %sign3A_246 = arith.cmpi slt, %sub3A_239, %sign3A_245 : i32
      %sign3A_247 = arith.extui %sign3A_246 : i1 to i32
      %sign3A_248 = arith.subi %sign3A_244, %sign3A_247 : i32
      %sign3A_249 = arith.constant 0 : i32
      %sign3A_250 = arith.cmpi sgt, %jit3A_240, %sign3A_249 : i32
      %sign3A_251 = arith.extui %sign3A_250 : i1 to i32
      %sign3A_252 = arith.constant 0 : i32
      %sign3A_253 = arith.cmpi slt, %jit3A_240, %sign3A_252 : i32
      %sign3A_254 = arith.extui %sign3A_253 : i1 to i32
      %sign3A_255 = arith.subi %sign3A_251, %sign3A_254 : i32
      %ne3A_256 = arith.cmpi ne, %sign3A_248, %sign3A_255 : i32
      %rem3A_257 = arith.remsi %sub3A_239, %jit3A_240 : i32
      %ne3A_258 = arith.constant 0 : i32
      %ne3A_259 = arith.cmpi ne, %rem3A_257, %ne3A_258 : i32
      %and3A_260 = arith.andi %ne3A_256, %ne3A_259 : i1
      %sub3A_261 = arith.constant 1 : i32
      %sub3A_262 = arith.subi %div3A_241, %sub3A_261 : i32
      %select_n3A_263 = arith.select %and3A_260, %sub3A_262, %div3A_241 : i32
      %mul3A_264 = arith.constant 16 : i32
      %mul3A_265 = arith.muli %select_n3A_263, %mul3A_264 : i32
      %parallel_loop3A_266 = arith.constant 0 : i32
      %parallel_loop3A_267 = arith.constant 16 : i32
      scf.for %parallel_loop3A_499 = %parallel_loop3A_266 to %mul3A_265 step %parallel_loop3A_267  : i32 {
        %parallel_loop3A_500 = arith.index_cast %parallel_loop3A_499 : i32 to index
        %parallel_loop3A_501 = tpu.vector_load %arg7[%parallel_loop3A_500] {strides = array<i32>} : memref<16384xi32, #tpu.memory_space<vmem>>, vector<16xi32>,
        %parallel_loop3A_502 = arith.index_cast %parallel_loop3A_499 : i32 to index
        %parallel_loop3A_503 = tpu.vector_load %arg8[%parallel_loop3A_502] {strides = array<i32>} : memref<16384xi32, #tpu.memory_space<vmem>>, vector<16xi32>,
        %parallel_loop3A_504 = vector.broadcast %parallel_loop3A_499 : i32 to vector<16xi32>
        %parallel_loop3A_505 = arith.addi %iota3A, %parallel_loop3A_504 : vector<16xi32>
        %parallel_loop3A_506 = vector.broadcast %parallel_loop3A_141 : i32 to vector<16xi32>
        %parallel_loop3A_507 = arith.cmpi slt, %parallel_loop3A_505, %parallel_loop3A_506 : vector<16xi32>
        %parallel_loop3A_508 = arith.cmpi uge, %parallel_loop3A_501, %or3A_235 : vector<16xi32>
        %parallel_loop3A_509 = arith.andi %parallel_loop3A_507, %parallel_loop3A_508 : vector<16xi1>
        %parallel_loop3A_510 = arith.constant 0 : i32
        %parallel_loop3A_511 = vector.broadcast %parallel_loop3A_510 : i32 to vector<16xi32>
        %parallel_loop3A_512 = arith.addi %parallel_loop3A_503, %parallel_loop3A_511 : vector<16xi32>
        %parallel_loop3A_513 = tpu.vector_load_idx %arg5[%parallel_loop3A_512] masked %parallel_loop3A_509 : memref<32768xf32, #tpu.memory_space<vmem>>[vector<16xi32>], vector<16xf32>, vector<16xi1>
        tpu.vector_store_idx %arg6[%parallel_loop3A_512], %parallel_loop3A_513 masked %parallel_loop3A_509 : memref<32768xf32, #tpu.memory_space<vmem>>[vector<16xi32>], vector<16xf32>, vector<16xi1>
      } {sc.loop_unroll_factor = 1 : i64, sc.parallel_access}
      %dma_start3A_268 = arith.constant 0 : i32
      %dma_start3A_269 = arith.constant 0 : i32
      %dma_start3A_270 = tpu.memref_slice %arg6[%dma_start3A_269] : memref<32768xf32, #tpu.memory_space<vmem>> -> memref<16384xf32, #tpu.memory_space<vmem>>
      %dma_start3A_271 = arith.constant 0 : i32
      %dma_start3A_272 = tpu.memref_slice %arg4[%add3A_80, %dma_start3A_271] : memref<4096x16384xf32, #tpu.memory_space<hbm>> -> memref<1x16384xf32, #tpu.memory_space<hbm>>
      %dma_start3A_273 = tpu.memref_squeeze %dma_start3A_272 : memref<1x16384xf32, #tpu.memory_space<hbm>> -> memref<16384xf32, #tpu.memory_space<hbm>>
      %dma_start3A_274 = tpu.memref_slice %arg11[%dma_start3A_268] : memref<2x!tpu.dma_semaphore, #tpu.memory_space<semaphore_mem>> -> memref<1x!tpu.dma_semaphore, #tpu.memory_space<semaphore_mem>>
      %dma_start3A_275 = tpu.memref_squeeze %dma_start3A_274 : memref<1x!tpu.dma_semaphore, #tpu.memory_space<semaphore_mem>> -> memref<!tpu.dma_semaphore, #tpu.memory_space<semaphore_mem>>
      %dma_start3A_276 = arith.constant 0 : i32
      %dma_start3A_277 = tpu.memref_slice %arg4[%add3A_80, %dma_start3A_276] : memref<4096x16384xf32, #tpu.memory_space<hbm>> -> memref<1x16384xf32, #tpu.memory_space<hbm>>
      %dma_start3A_278 = tpu.memref_squeeze %dma_start3A_277 : memref<1x16384xf32, #tpu.memory_space<hbm>> -> memref<16384xf32, #tpu.memory_space<hbm>>
      %dma_start3A_279 = arith.constant 0 : i32
      %dma_start3A_280 = tpu.memref_slice %arg6[%dma_start3A_279] : memref<32768xf32, #tpu.memory_space<vmem>> -> memref<16384xf32, #tpu.memory_space<vmem>>
      tpu.enqueue_dma source(%dma_start3A_280 : memref<16384xf32, #tpu.memory_space<vmem>>) target(%dma_start3A_278 : memref<16384xf32, #tpu.memory_space<hbm>>) target_semaphore(%dma_start3A_275 : memref<!tpu.dma_semaphore, #tpu.memory_space<semaphore_mem>>)
      %add3A_281 = arith.addi %mul3A_2, %mul3A_79 : i32
      %add3A_282 = arith.constant 1 : i32
      %add3A_283 = arith.addi %add3A_281, %add3A_282 : i32
      %add3A_284 = arith.constant 1 : i32
      %add3A_285 = arith.addi %mul3A_79, %add3A_284 : i32
      %add3A_286 = arith.constant 1 : i32
      %add3A_287 = arith.addi %add3A_285, %add3A_286 : i32
      %lt3A_288 = arith.constant 128 : i32
      %lt3A_289 = arith.cmpi slt, %add3A_287, %lt3A_288 : i32
      %convert_element_type3A_290 = arith.extui %lt3A_289 : i1 to i32
      %cond3A_291 = arith.constant 0 : i32
      %cond3A_292 = arith.cmpi ne, %convert_element_type3A_290, %cond3A_291 : i32
      scf.if %cond3A_292 {
        %add3A_499 = arith.constant 1 : i32
        %add3A_500 = arith.addi %add3A_283, %add3A_499 : i32
        %dma_start3A_501 = arith.constant 0 : i32
        %dma_start3A_502 = arith.constant 0 : i32
        %dma_start3A_503 = tpu.memref_slice %arg5[%dma_start3A_502] : memref<32768xf32, #tpu.memory_space<vmem>> -> memref<16384xf32, #tpu.memory_space<vmem>>
        %dma_start3A_504 = arith.constant 0 : i32
        %dma_start3A_505 = tpu.memref_slice %arg2[%add3A_500, %dma_start3A_504] : memref<4096x16384xf32, #tpu.memory_space<hbm>> -> memref<1x16384xf32, #tpu.memory_space<hbm>>
        %dma_start3A_506 = tpu.memref_squeeze %dma_start3A_505 : memref<1x16384xf32, #tpu.memory_space<hbm>> -> memref<16384xf32, #tpu.memory_space<hbm>>
        %dma_start3A_507 = tpu.memref_slice %arg10[%dma_start3A_501] : memref<2x!tpu.dma_semaphore, #tpu.memory_space<semaphore_mem>> -> memref<1x!tpu.dma_semaphore, #tpu.memory_space<semaphore_mem>>
        %dma_start3A_508 = tpu.memref_squeeze %dma_start3A_507 : memref<1x!tpu.dma_semaphore, #tpu.memory_space<semaphore_mem>> -> memref<!tpu.dma_semaphore, #tpu.memory_space<semaphore_mem>>
        %dma_start3A_509 = arith.constant 0 : i32
        %dma_start3A_510 = tpu.memref_slice %arg5[%dma_start3A_509] : memref<32768xf32, #tpu.memory_space<vmem>> -> memref<16384xf32, #tpu.memory_space<vmem>>
        %dma_start3A_511 = arith.constant 0 : i32
        %dma_start3A_512 = tpu.memref_slice %arg2[%add3A_500, %dma_start3A_511] : memref<4096x16384xf32, #tpu.memory_space<hbm>> -> memref<1x16384xf32, #tpu.memory_space<hbm>>
        %dma_start3A_513 = tpu.memref_squeeze %dma_start3A_512 : memref<1x16384xf32, #tpu.memory_space<hbm>> -> memref<16384xf32, #tpu.memory_space<hbm>>
        tpu.enqueue_dma source(%dma_start3A_513 : memref<16384xf32, #tpu.memory_space<hbm>>) target(%dma_start3A_510 : memref<16384xf32, #tpu.memory_space<vmem>>) target_semaphore(%dma_start3A_508 : memref<!tpu.dma_semaphore, #tpu.memory_space<semaphore_mem>>)
      } else {
      }
      %dma_wait3A_293 = arith.constant 1 : i32
      %dma_wait3A_294 = arith.constant 16384 : i32
      %dma_wait3A_295 = tpu.memref_slice %arg5[%dma_wait3A_294] : memref<32768xf32, #tpu.memory_space<vmem>> -> memref<16384xf32, #tpu.memory_space<vmem>>
      %dma_wait3A_296 = arith.constant 0 : i32
      %dma_wait3A_297 = tpu.memref_slice %arg2[%add3A_283, %dma_wait3A_296] : memref<4096x16384xf32, #tpu.memory_space<hbm>> -> memref<1x16384xf32, #tpu.memory_space<hbm>>
      %dma_wait3A_298 = tpu.memref_squeeze %dma_wait3A_297 : memref<1x16384xf32, #tpu.memory_space<hbm>> -> memref<16384xf32, #tpu.memory_space<hbm>>
      %dma_wait3A_299 = tpu.memref_slice %arg10[%dma_wait3A_293] : memref<2x!tpu.dma_semaphore, #tpu.memory_space<semaphore_mem>> -> memref<1x!tpu.dma_semaphore, #tpu.memory_space<semaphore_mem>>
      %dma_wait3A_300 = tpu.memref_squeeze %dma_wait3A_299 : memref<1x!tpu.dma_semaphore, #tpu.memory_space<semaphore_mem>> -> memref<!tpu.dma_semaphore, #tpu.memory_space<semaphore_mem>>
      %dma_wait3A_301 = arith.constant 16384 : i32
      %dma_wait3A_302 = tpu.memref_slice %arg5[%dma_wait3A_301] : memref<32768xf32, #tpu.memory_space<vmem>> -> memref<16384xf32, #tpu.memory_space<vmem>>
      %dma_wait3A_303 = arith.constant 0 : i32
      %dma_wait3A_304 = tpu.memref_slice %arg2[%add3A_283, %dma_wait3A_303] : memref<4096x16384xf32, #tpu.memory_space<hbm>> -> memref<1x16384xf32, #tpu.memory_space<hbm>>
      %dma_wait3A_305 = tpu.memref_squeeze %dma_wait3A_304 : memref<1x16384xf32, #tpu.memory_space<hbm>> -> memref<16384xf32, #tpu.memory_space<hbm>>
      tpu.wait_dma2 semaphore(%dma_wait3A_300 : memref<!tpu.dma_semaphore, #tpu.memory_space<semaphore_mem>>) src(%dma_wait3A_305 : memref<16384xf32, #tpu.memory_space<hbm>>) dst(%dma_wait3A_302 : memref<16384xf32, #tpu.memory_space<vmem>>)
      %dma_wait3A_306 = arith.constant 1 : i32
      %dma_wait3A_307 = arith.constant 16384 : i32
      %dma_wait3A_308 = tpu.memref_slice %arg6[%dma_wait3A_307] : memref<32768xf32, #tpu.memory_space<vmem>> -> memref<16384xf32, #tpu.memory_space<vmem>>
      %dma_wait3A_309 = arith.constant 0 : i32
      %dma_wait3A_310 = tpu.memref_slice %arg3[%add3A_283, %dma_wait3A_309] : memref<4096x16384xf32, #tpu.memory_space<hbm>> -> memref<1x16384xf32, #tpu.memory_space<hbm>>
      %dma_wait3A_311 = tpu.memref_squeeze %dma_wait3A_310 : memref<1x16384xf32, #tpu.memory_space<hbm>> -> memref<16384xf32, #tpu.memory_space<hbm>>
      %dma_wait3A_312 = tpu.memref_slice %arg10[%dma_wait3A_306] : memref<2x!tpu.dma_semaphore, #tpu.memory_space<semaphore_mem>> -> memref<1x!tpu.dma_semaphore, #tpu.memory_space<semaphore_mem>>
      %dma_wait3A_313 = tpu.memref_squeeze %dma_wait3A_312 : memref<1x!tpu.dma_semaphore, #tpu.memory_space<semaphore_mem>> -> memref<!tpu.dma_semaphore, #tpu.memory_space<semaphore_mem>>
      %dma_wait3A_314 = arith.constant 16384 : i32
      %dma_wait3A_315 = tpu.memref_slice %arg6[%dma_wait3A_314] : memref<32768xf32, #tpu.memory_space<vmem>> -> memref<16384xf32, #tpu.memory_space<vmem>>
      %dma_wait3A_316 = arith.constant 0 : i32
      %dma_wait3A_317 = tpu.memref_slice %arg3[%add3A_283, %dma_wait3A_316] : memref<4096x16384xf32, #tpu.memory_space<hbm>> -> memref<1x16384xf32, #tpu.memory_space<hbm>>
      %dma_wait3A_318 = tpu.memref_squeeze %dma_wait3A_317 : memref<1x16384xf32, #tpu.memory_space<hbm>> -> memref<16384xf32, #tpu.memory_space<hbm>>
      tpu.wait_dma2 semaphore(%dma_wait3A_313 : memref<!tpu.dma_semaphore, #tpu.memory_space<semaphore_mem>>) src(%dma_wait3A_318 : memref<16384xf32, #tpu.memory_space<hbm>>) dst(%dma_wait3A_315 : memref<16384xf32, #tpu.memory_space<vmem>>)
      %parallel_loop3A_319 = arith.constant 0 : i32
      %parallel_loop3A_320 = arith.constant 16384 : i32
      %parallel_loop3A_321 = arith.constant 16 : i32
      scf.for %parallel_loop3A_499 = %parallel_loop3A_319 to %parallel_loop3A_320 step %parallel_loop3A_321  : i32 {
        %parallel_loop3A_500 = arith.constant 16384 : i32
        %parallel_loop3A_501 = arith.addi %parallel_loop3A_500, %parallel_loop3A_499 : i32
        %parallel_loop3A_502 = arith.index_cast %parallel_loop3A_501 : i32 to index
        %parallel_loop3A_503 = tpu.vector_load %arg5[%parallel_loop3A_502] {strides = array<i32>} : memref<32768xf32, #tpu.memory_space<vmem>>, vector<16xf32>,
        %parallel_loop3A_504 = arith.index_cast %parallel_loop3A_501 : i32 to index
        %parallel_loop3A_505 = tpu.vector_load %arg6[%parallel_loop3A_504] {strides = array<i32>} : memref<32768xf32, #tpu.memory_space<vmem>>, vector<16xf32>,
        %parallel_loop3A_506 = arith.mulf %parallel_loop3A_503, %parallel_loop3A_505 : vector<16xf32>
        %parallel_loop3A_507 = arith.mulf %parallel_loop3A_506, %parallel_loop3A_505 : vector<16xf32>
        %parallel_loop3A_508 = tpu.bitcast %parallel_loop3A_507 : vector<16xf32> -> vector<16xi32>
        %parallel_loop3A_509 = arith.constant 31 : i32
        %parallel_loop3A_510 = vector.broadcast %parallel_loop3A_509 : i32 to vector<16xi32>
        %parallel_loop3A_511 = arith.shrsi %parallel_loop3A_508, %parallel_loop3A_510 : vector<16xi32>
        %parallel_loop3A_512 = arith.constant -2147483648 : i32
        %parallel_loop3A_513 = vector.broadcast %parallel_loop3A_512 : i32 to vector<16xi32>
        %parallel_loop3A_514 = arith.ori %parallel_loop3A_511, %parallel_loop3A_513 : vector<16xi32>
        %parallel_loop3A_515 = arith.xori %parallel_loop3A_508, %parallel_loop3A_514 : vector<16xi32>
        %parallel_loop3A_516 = arith.index_cast %parallel_loop3A_501 : i32 to index
        %parallel_loop3A_517 = tpu.vector_load %arg5[%parallel_loop3A_516] {strides = array<i32>} : memref<32768xf32, #tpu.memory_space<vmem>>, vector<16xf32>,
        tpu.vector_store %arg5[%parallel_loop3A_516], %parallel_loop3A_506 {strides = array<i32>} : memref<32768xf32, #tpu.memory_space<vmem>>, vector<16xf32>,
        %parallel_loop3A_518 = tpu.bitcast %parallel_loop3A_515 : vector<16xi32> -> vector<16xf32>
        %parallel_loop3A_519 = arith.index_cast %parallel_loop3A_501 : i32 to index
        %parallel_loop3A_520 = tpu.vector_load %arg6[%parallel_loop3A_519] {strides = array<i32>} : memref<32768xf32, #tpu.memory_space<vmem>>, vector<16xf32>,
        tpu.vector_store %arg6[%parallel_loop3A_519], %parallel_loop3A_518 {strides = array<i32>} : memref<32768xf32, #tpu.memory_space<vmem>>, vector<16xf32>,
        %parallel_loop3A_521 = arith.constant 24 : i32
        %parallel_loop3A_522 = vector.broadcast %parallel_loop3A_521 : i32 to vector<16xi32>
        %parallel_loop3A_523 = arith.shrsi %parallel_loop3A_515, %parallel_loop3A_522 : vector<16xi32>
        %parallel_loop3A_524 = arith.constant 255 : i32
        %parallel_loop3A_525 = vector.broadcast %parallel_loop3A_524 : i32 to vector<16xi32>
        %parallel_loop3A_526 = arith.andi %parallel_loop3A_523, %parallel_loop3A_525 : vector<16xi32>
        %parallel_loop3A_527 = arith.addi %mul3A_5, %parallel_loop3A_526 : vector<16xi32>
        tpu.vector_store_idx %arg9[%parallel_loop3A_527], %broadcast_in_dim3A_6 {add = true} : memref<4096xi32, #tpu.memory_space<vmem>>[vector<16xi32>], vector<16xi32>,
      } {sc.loop_unroll_factor = 4 : i64, sc.parallel_access}
      %add3A_322 = arith.constant 1 : i32
      %add3A_323 = arith.addi %add3A_285, %add3A_322 : i32
      %lt3A_324 = arith.constant 128 : i32
      %lt3A_325 = arith.cmpi slt, %add3A_323, %lt3A_324 : i32
      %convert_element_type3A_326 = arith.extui %lt3A_325 : i1 to i32
      %cond3A_327 = arith.constant 0 : i32
      %cond3A_328 = arith.cmpi ne, %convert_element_type3A_326, %cond3A_327 : i32
      scf.if %cond3A_328 {
        %ge3A = arith.constant 1 : i32
        %ge3A_499 = arith.cmpi sge, %add3A_285, %ge3A : i32
        %convert_element_type3A_500 = arith.extui %ge3A_499 : i1 to i32
        %cond3A_501 = arith.constant 0 : i32
        %cond3A_502 = arith.cmpi ne, %convert_element_type3A_500, %cond3A_501 : i32
        scf.if %cond3A_502 {
          %sub3A_518 = arith.constant 1 : i32
          %sub3A_519 = arith.subi %add3A_283, %sub3A_518 : i32
          %dma_wait3A_520 = arith.constant 0 : i32
          %dma_wait3A_521 = arith.constant 0 : i32
          %dma_wait3A_522 = tpu.memref_slice %arg6[%dma_wait3A_521] : memref<32768xf32, #tpu.memory_space<vmem>> -> memref<16384xf32, #tpu.memory_space<vmem>>
          %dma_wait3A_523 = arith.constant 0 : i32
          %dma_wait3A_524 = tpu.memref_slice %arg4[%sub3A_519, %dma_wait3A_523] : memref<4096x16384xf32, #tpu.memory_space<hbm>> -> memref<1x16384xf32, #tpu.memory_space<hbm>>
          %dma_wait3A_525 = tpu.memref_squeeze %dma_wait3A_524 : memref<1x16384xf32, #tpu.memory_space<hbm>> -> memref<16384xf32, #tpu.memory_space<hbm>>
          %dma_wait3A_526 = tpu.memref_slice %arg11[%dma_wait3A_520] : memref<2x!tpu.dma_semaphore, #tpu.memory_space<semaphore_mem>> -> memref<1x!tpu.dma_semaphore, #tpu.memory_space<semaphore_mem>>
          %dma_wait3A_527 = tpu.memref_squeeze %dma_wait3A_526 : memref<1x!tpu.dma_semaphore, #tpu.memory_space<semaphore_mem>> -> memref<!tpu.dma_semaphore, #tpu.memory_space<semaphore_mem>>
          %dma_wait3A_528 = arith.constant 0 : i32
          %dma_wait3A_529 = tpu.memref_slice %arg4[%sub3A_519, %dma_wait3A_528] : memref<4096x16384xf32, #tpu.memory_space<hbm>> -> memref<1x16384xf32, #tpu.memory_space<hbm>>
          %dma_wait3A_530 = tpu.memref_squeeze %dma_wait3A_529 : memref<1x16384xf32, #tpu.memory_space<hbm>> -> memref<16384xf32, #tpu.memory_space<hbm>>
          %dma_wait3A_531 = arith.constant 0 : i32
          %dma_wait3A_532 = tpu.memref_slice %arg6[%dma_wait3A_531] : memref<32768xf32, #tpu.memory_space<vmem>> -> memref<16384xf32, #tpu.memory_space<vmem>>
          tpu.wait_dma2 semaphore(%dma_wait3A_527 : memref<!tpu.dma_semaphore, #tpu.memory_space<semaphore_mem>>) src(%dma_wait3A_532 : memref<16384xf32, #tpu.memory_space<vmem>>) dst(%dma_wait3A_530 : memref<16384xf32, #tpu.memory_space<hbm>>)
        } else {
        }
        %add3A_503 = arith.constant 1 : i32
        %add3A_504 = arith.addi %add3A_283, %add3A_503 : i32
        %dma_start3A_505 = arith.constant 0 : i32
        %dma_start3A_506 = arith.constant 0 : i32
        %dma_start3A_507 = tpu.memref_slice %arg6[%dma_start3A_506] : memref<32768xf32, #tpu.memory_space<vmem>> -> memref<16384xf32, #tpu.memory_space<vmem>>
        %dma_start3A_508 = arith.constant 0 : i32
        %dma_start3A_509 = tpu.memref_slice %arg3[%add3A_504, %dma_start3A_508] : memref<4096x16384xf32, #tpu.memory_space<hbm>> -> memref<1x16384xf32, #tpu.memory_space<hbm>>
        %dma_start3A_510 = tpu.memref_squeeze %dma_start3A_509 : memref<1x16384xf32, #tpu.memory_space<hbm>> -> memref<16384xf32, #tpu.memory_space<hbm>>
        %dma_start3A_511 = tpu.memref_slice %arg10[%dma_start3A_505] : memref<2x!tpu.dma_semaphore, #tpu.memory_space<semaphore_mem>> -> memref<1x!tpu.dma_semaphore, #tpu.memory_space<semaphore_mem>>
        %dma_start3A_512 = tpu.memref_squeeze %dma_start3A_511 : memref<1x!tpu.dma_semaphore, #tpu.memory_space<semaphore_mem>> -> memref<!tpu.dma_semaphore, #tpu.memory_space<semaphore_mem>>
        %dma_start3A_513 = arith.constant 0 : i32
        %dma_start3A_514 = tpu.memref_slice %arg6[%dma_start3A_513] : memref<32768xf32, #tpu.memory_space<vmem>> -> memref<16384xf32, #tpu.memory_space<vmem>>
        %dma_start3A_515 = arith.constant 0 : i32
        %dma_start3A_516 = tpu.memref_slice %arg3[%add3A_504, %dma_start3A_515] : memref<4096x16384xf32, #tpu.memory_space<hbm>> -> memref<1x16384xf32, #tpu.memory_space<hbm>>
        %dma_start3A_517 = tpu.memref_squeeze %dma_start3A_516 : memref<1x16384xf32, #tpu.memory_space<hbm>> -> memref<16384xf32, #tpu.memory_space<hbm>>
        tpu.enqueue_dma source(%dma_start3A_517 : memref<16384xf32, #tpu.memory_space<hbm>>) target(%dma_start3A_514 : memref<16384xf32, #tpu.memory_space<vmem>>) target_semaphore(%dma_start3A_512 : memref<!tpu.dma_semaphore, #tpu.memory_space<semaphore_mem>>)
      } else {
      }
      %broadcast_in_dim3A_329 = arith.constant 16384 : i32
      %broadcast_in_dim3A_330 = vector.broadcast %broadcast_in_dim3A_329 : i32 to vector<16xi32>
      %broadcast_in_dim3A_331 = arith.constant 512 : i32
      %broadcast_in_dim3A_332 = vector.broadcast %broadcast_in_dim3A_331 : i32 to vector<16xi32>
      %sub3A_333 = arith.subi %broadcast_in_dim3A_330, %broadcast_in_dim3A_332 : vector<16xi32>
      %broadcast_in_dim3A_334 = arith.constant -1 : i32
      %broadcast_in_dim3A_335 = vector.broadcast %broadcast_in_dim3A_334 : i32 to vector<16xi32>
      %parallel_loop3A_336 = arith.constant 0 : i32
      %parallel_loop3A_337 = arith.constant 256 : i32
      %parallel_loop3A_338 = arith.constant 16 : i32
      %parallel_loop3A_339:4 = scf.for %parallel_loop3A_499 = %parallel_loop3A_336 to %parallel_loop3A_337 step %parallel_loop3A_338 iter_args(%parallel_loop3A_500 = %broadcast_in_dim3A_8, %parallel_loop3A_501 = %broadcast_in_dim3A_335, %parallel_loop3A_502 = %broadcast_in_dim3A_8, %parallel_loop3A_503 = %broadcast_in_dim3A_8) -> (vector<16xi32>, vector<16xi32>, vector<16xi32>, vector<16xi32>)  : i32 {
        %parallel_loop3A_504 = arith.constant 0 : i32
        %parallel_loop3A_505 = arith.addi %parallel_loop3A_504, %parallel_loop3A_499 : i32
        %parallel_loop3A_506 = arith.index_cast %parallel_loop3A_505 : i32 to index
        %parallel_loop3A_507 = tpu.vector_load %arg9[%parallel_loop3A_506] {strides = array<i32>} : memref<4096xi32, #tpu.memory_space<vmem>>, vector<16xi32>,
        %parallel_loop3A_508 = arith.index_cast %parallel_loop3A_505 : i32 to index
        %parallel_loop3A_509 = tpu.vector_load %arg9[%parallel_loop3A_508] {strides = array<i32>} : memref<4096xi32, #tpu.memory_space<vmem>>, vector<16xi32>,
        tpu.vector_store %arg9[%parallel_loop3A_508], %broadcast_in_dim3A_8 {strides = array<i32>} : memref<4096xi32, #tpu.memory_space<vmem>>, vector<16xi32>,
        %parallel_loop3A_510 = arith.constant 256 : i32
        %parallel_loop3A_511 = arith.addi %parallel_loop3A_510, %parallel_loop3A_499 : i32
        %parallel_loop3A_512 = arith.index_cast %parallel_loop3A_511 : i32 to index
        %parallel_loop3A_513 = tpu.vector_load %arg9[%parallel_loop3A_512] {strides = array<i32>} : memref<4096xi32, #tpu.memory_space<vmem>>, vector<16xi32>,
        %parallel_loop3A_514 = arith.index_cast %parallel_loop3A_511 : i32 to index
        %parallel_loop3A_515 = tpu.vector_load %arg9[%parallel_loop3A_514] {strides = array<i32>} : memref<4096xi32, #tpu.memory_space<vmem>>, vector<16xi32>,
        tpu.vector_store %arg9[%parallel_loop3A_514], %broadcast_in_dim3A_8 {strides = array<i32>} : memref<4096xi32, #tpu.memory_space<vmem>>, vector<16xi32>,
        %parallel_loop3A_516 = arith.constant 512 : i32
        %parallel_loop3A_517 = arith.addi %parallel_loop3A_516, %parallel_loop3A_499 : i32
        %parallel_loop3A_518 = arith.index_cast %parallel_loop3A_517 : i32 to index
        %parallel_loop3A_519 = tpu.vector_load %arg9[%parallel_loop3A_518] {strides = array<i32>} : memref<4096xi32, #tpu.memory_space<vmem>>, vector<16xi32>,
        %parallel_loop3A_520 = arith.index_cast %parallel_loop3A_517 : i32 to index
        %parallel_loop3A_521 = tpu.vector_load %arg9[%parallel_loop3A_520] {strides = array<i32>} : memref<4096xi32, #tpu.memory_space<vmem>>, vector<16xi32>,
        tpu.vector_store %arg9[%parallel_loop3A_520], %broadcast_in_dim3A_8 {strides = array<i32>} : memref<4096xi32, #tpu.memory_space<vmem>>, vector<16xi32>,
        %parallel_loop3A_522 = arith.constant 768 : i32
        %parallel_loop3A_523 = arith.addi %parallel_loop3A_522, %parallel_loop3A_499 : i32
        %parallel_loop3A_524 = arith.index_cast %parallel_loop3A_523 : i32 to index
        %parallel_loop3A_525 = tpu.vector_load %arg9[%parallel_loop3A_524] {strides = array<i32>} : memref<4096xi32, #tpu.memory_space<vmem>>, vector<16xi32>,
        %parallel_loop3A_526 = arith.index_cast %parallel_loop3A_523 : i32 to index
        %parallel_loop3A_527 = tpu.vector_load %arg9[%parallel_loop3A_526] {strides = array<i32>} : memref<4096xi32, #tpu.memory_space<vmem>>, vector<16xi32>,
        tpu.vector_store %arg9[%parallel_loop3A_526], %broadcast_in_dim3A_8 {strides = array<i32>} : memref<4096xi32, #tpu.memory_space<vmem>>, vector<16xi32>,
        %parallel_loop3A_528 = arith.constant 1024 : i32
        %parallel_loop3A_529 = arith.addi %parallel_loop3A_528, %parallel_loop3A_499 : i32
        %parallel_loop3A_530 = arith.index_cast %parallel_loop3A_529 : i32 to index
        %parallel_loop3A_531 = tpu.vector_load %arg9[%parallel_loop3A_530] {strides = array<i32>} : memref<4096xi32, #tpu.memory_space<vmem>>, vector<16xi32>,
        %parallel_loop3A_532 = arith.index_cast %parallel_loop3A_529 : i32 to index
        %parallel_loop3A_533 = tpu.vector_load %arg9[%parallel_loop3A_532] {strides = array<i32>} : memref<4096xi32, #tpu.memory_space<vmem>>, vector<16xi32>,
        tpu.vector_store %arg9[%parallel_loop3A_532], %broadcast_in_dim3A_8 {strides = array<i32>} : memref<4096xi32, #tpu.memory_space<vmem>>, vector<16xi32>,
        %parallel_loop3A_534 = arith.constant 1280 : i32
        %parallel_loop3A_535 = arith.addi %parallel_loop3A_534, %parallel_loop3A_499 : i32
        %parallel_loop3A_536 = arith.index_cast %parallel_loop3A_535 : i32 to index
        %parallel_loop3A_537 = tpu.vector_load %arg9[%parallel_loop3A_536] {strides = array<i32>} : memref<4096xi32, #tpu.memory_space<vmem>>, vector<16xi32>,
        %parallel_loop3A_538 = arith.index_cast %parallel_loop3A_535 : i32 to index
        %parallel_loop3A_539 = tpu.vector_load %arg9[%parallel_loop3A_538] {strides = array<i32>} : memref<4096xi32, #tpu.memory_space<vmem>>, vector<16xi32>,
        tpu.vector_store %arg9[%parallel_loop3A_538], %broadcast_in_dim3A_8 {strides = array<i32>} : memref<4096xi32, #tpu.memory_space<vmem>>, vector<16xi32>,
        %parallel_loop3A_540 = arith.constant 1536 : i32
        %parallel_loop3A_541 = arith.addi %parallel_loop3A_540, %parallel_loop3A_499 : i32
        %parallel_loop3A_542 = arith.index_cast %parallel_loop3A_541 : i32 to index
        %parallel_loop3A_543 = tpu.vector_load %arg9[%parallel_loop3A_542] {strides = array<i32>} : memref<4096xi32, #tpu.memory_space<vmem>>, vector<16xi32>,
        %parallel_loop3A_544 = arith.index_cast %parallel_loop3A_541 : i32 to index
        %parallel_loop3A_545 = tpu.vector_load %arg9[%parallel_loop3A_544] {strides = array<i32>} : memref<4096xi32, #tpu.memory_space<vmem>>, vector<16xi32>,
        tpu.vector_store %arg9[%parallel_loop3A_544], %broadcast_in_dim3A_8 {strides = array<i32>} : memref<4096xi32, #tpu.memory_space<vmem>>, vector<16xi32>,
        %parallel_loop3A_546 = arith.constant 1792 : i32
        %parallel_loop3A_547 = arith.addi %parallel_loop3A_546, %parallel_loop3A_499 : i32
        %parallel_loop3A_548 = arith.index_cast %parallel_loop3A_547 : i32 to index
        %parallel_loop3A_549 = tpu.vector_load %arg9[%parallel_loop3A_548] {strides = array<i32>} : memref<4096xi32, #tpu.memory_space<vmem>>, vector<16xi32>,
        %parallel_loop3A_550 = arith.index_cast %parallel_loop3A_547 : i32 to index
        %parallel_loop3A_551 = tpu.vector_load %arg9[%parallel_loop3A_550] {strides = array<i32>} : memref<4096xi32, #tpu.memory_space<vmem>>, vector<16xi32>,
        tpu.vector_store %arg9[%parallel_loop3A_550], %broadcast_in_dim3A_8 {strides = array<i32>} : memref<4096xi32, #tpu.memory_space<vmem>>, vector<16xi32>,
        %parallel_loop3A_552 = arith.constant 2048 : i32
        %parallel_loop3A_553 = arith.addi %parallel_loop3A_552, %parallel_loop3A_499 : i32
        %parallel_loop3A_554 = arith.index_cast %parallel_loop3A_553 : i32 to index
        %parallel_loop3A_555 = tpu.vector_load %arg9[%parallel_loop3A_554] {strides = array<i32>} : memref<4096xi32, #tpu.memory_space<vmem>>, vector<16xi32>,
        %parallel_loop3A_556 = arith.index_cast %parallel_loop3A_553 : i32 to index
        %parallel_loop3A_557 = tpu.vector_load %arg9[%parallel_loop3A_556] {strides = array<i32>} : memref<4096xi32, #tpu.memory_space<vmem>>, vector<16xi32>,
        tpu.vector_store %arg9[%parallel_loop3A_556], %broadcast_in_dim3A_8 {strides = array<i32>} : memref<4096xi32, #tpu.memory_space<vmem>>, vector<16xi32>,
        %parallel_loop3A_558 = arith.constant 2304 : i32
        %parallel_loop3A_559 = arith.addi %parallel_loop3A_558, %parallel_loop3A_499 : i32
        %parallel_loop3A_560 = arith.index_cast %parallel_loop3A_559 : i32 to index
        %parallel_loop3A_561 = tpu.vector_load %arg9[%parallel_loop3A_560] {strides = array<i32>} : memref<4096xi32, #tpu.memory_space<vmem>>, vector<16xi32>,
        %parallel_loop3A_562 = arith.index_cast %parallel_loop3A_559 : i32 to index
        %parallel_loop3A_563 = tpu.vector_load %arg9[%parallel_loop3A_562] {strides = array<i32>} : memref<4096xi32, #tpu.memory_space<vmem>>, vector<16xi32>,
        tpu.vector_store %arg9[%parallel_loop3A_562], %broadcast_in_dim3A_8 {strides = array<i32>} : memref<4096xi32, #tpu.memory_space<vmem>>, vector<16xi32>,
        %parallel_loop3A_564 = arith.constant 2560 : i32
        %parallel_loop3A_565 = arith.addi %parallel_loop3A_564, %parallel_loop3A_499 : i32
        %parallel_loop3A_566 = arith.index_cast %parallel_loop3A_565 : i32 to index
        %parallel_loop3A_567 = tpu.vector_load %arg9[%parallel_loop3A_566] {strides = array<i32>} : memref<4096xi32, #tpu.memory_space<vmem>>, vector<16xi32>,
        %parallel_loop3A_568 = arith.index_cast %parallel_loop3A_565 : i32 to index
        %parallel_loop3A_569 = tpu.vector_load %arg9[%parallel_loop3A_568] {strides = array<i32>} : memref<4096xi32, #tpu.memory_space<vmem>>, vector<16xi32>,
        tpu.vector_store %arg9[%parallel_loop3A_568], %broadcast_in_dim3A_8 {strides = array<i32>} : memref<4096xi32, #tpu.memory_space<vmem>>, vector<16xi32>,
        %parallel_loop3A_570 = arith.constant 2816 : i32
        %parallel_loop3A_571 = arith.addi %parallel_loop3A_570, %parallel_loop3A_499 : i32
        %parallel_loop3A_572 = arith.index_cast %parallel_loop3A_571 : i32 to index
        %parallel_loop3A_573 = tpu.vector_load %arg9[%parallel_loop3A_572] {strides = array<i32>} : memref<4096xi32, #tpu.memory_space<vmem>>, vector<16xi32>,
        %parallel_loop3A_574 = arith.index_cast %parallel_loop3A_571 : i32 to index
        %parallel_loop3A_575 = tpu.vector_load %arg9[%parallel_loop3A_574] {strides = array<i32>} : memref<4096xi32, #tpu.memory_space<vmem>>, vector<16xi32>,
        tpu.vector_store %arg9[%parallel_loop3A_574], %broadcast_in_dim3A_8 {strides = array<i32>} : memref<4096xi32, #tpu.memory_space<vmem>>, vector<16xi32>,
        %parallel_loop3A_576 = arith.constant 3072 : i32
        %parallel_loop3A_577 = arith.addi %parallel_loop3A_576, %parallel_loop3A_499 : i32
        %parallel_loop3A_578 = arith.index_cast %parallel_loop3A_577 : i32 to index
        %parallel_loop3A_579 = tpu.vector_load %arg9[%parallel_loop3A_578] {strides = array<i32>} : memref<4096xi32, #tpu.memory_space<vmem>>, vector<16xi32>,
        %parallel_loop3A_580 = arith.index_cast %parallel_loop3A_577 : i32 to index
        %parallel_loop3A_581 = tpu.vector_load %arg9[%parallel_loop3A_580] {strides = array<i32>} : memref<4096xi32, #tpu.memory_space<vmem>>, vector<16xi32>,
        tpu.vector_store %arg9[%parallel_loop3A_580], %broadcast_in_dim3A_8 {strides = array<i32>} : memref<4096xi32, #tpu.memory_space<vmem>>, vector<16xi32>,
        %parallel_loop3A_582 = arith.constant 3328 : i32
        %parallel_loop3A_583 = arith.addi %parallel_loop3A_582, %parallel_loop3A_499 : i32
        %parallel_loop3A_584 = arith.index_cast %parallel_loop3A_583 : i32 to index
        %parallel_loop3A_585 = tpu.vector_load %arg9[%parallel_loop3A_584] {strides = array<i32>} : memref<4096xi32, #tpu.memory_space<vmem>>, vector<16xi32>,
        %parallel_loop3A_586 = arith.index_cast %parallel_loop3A_583 : i32 to index
        %parallel_loop3A_587 = tpu.vector_load %arg9[%parallel_loop3A_586] {strides = array<i32>} : memref<4096xi32, #tpu.memory_space<vmem>>, vector<16xi32>,
        tpu.vector_store %arg9[%parallel_loop3A_586], %broadcast_in_dim3A_8 {strides = array<i32>} : memref<4096xi32, #tpu.memory_space<vmem>>, vector<16xi32>,
        %parallel_loop3A_588 = arith.constant 3584 : i32
        %parallel_loop3A_589 = arith.addi %parallel_loop3A_588, %parallel_loop3A_499 : i32
        %parallel_loop3A_590 = arith.index_cast %parallel_loop3A_589 : i32 to index
        %parallel_loop3A_591 = tpu.vector_load %arg9[%parallel_loop3A_590] {strides = array<i32>} : memref<4096xi32, #tpu.memory_space<vmem>>, vector<16xi32>,
        %parallel_loop3A_592 = arith.index_cast %parallel_loop3A_589 : i32 to index
        %parallel_loop3A_593 = tpu.vector_load %arg9[%parallel_loop3A_592] {strides = array<i32>} : memref<4096xi32, #tpu.memory_space<vmem>>, vector<16xi32>,
        tpu.vector_store %arg9[%parallel_loop3A_592], %broadcast_in_dim3A_8 {strides = array<i32>} : memref<4096xi32, #tpu.memory_space<vmem>>, vector<16xi32>,
        %parallel_loop3A_594 = arith.constant 3840 : i32
        %parallel_loop3A_595 = arith.addi %parallel_loop3A_594, %parallel_loop3A_499 : i32
        %parallel_loop3A_596 = arith.index_cast %parallel_loop3A_595 : i32 to index
        %parallel_loop3A_597 = tpu.vector_load %arg9[%parallel_loop3A_596] {strides = array<i32>} : memref<4096xi32, #tpu.memory_space<vmem>>, vector<16xi32>,
        %parallel_loop3A_598 = arith.index_cast %parallel_loop3A_595 : i32 to index
        %parallel_loop3A_599 = tpu.vector_load %arg9[%parallel_loop3A_598] {strides = array<i32>} : memref<4096xi32, #tpu.memory_space<vmem>>, vector<16xi32>,
        tpu.vector_store %arg9[%parallel_loop3A_598], %broadcast_in_dim3A_8 {strides = array<i32>} : memref<4096xi32, #tpu.memory_space<vmem>>, vector<16xi32>,
        %parallel_loop3A_600 = arith.addi %parallel_loop3A_507, %parallel_loop3A_513 : vector<16xi32>
        %parallel_loop3A_601 = arith.addi %parallel_loop3A_519, %parallel_loop3A_525 : vector<16xi32>
        %parallel_loop3A_602 = arith.addi %parallel_loop3A_531, %parallel_loop3A_537 : vector<16xi32>
        %parallel_loop3A_603 = arith.addi %parallel_loop3A_543, %parallel_loop3A_549 : vector<16xi32>
        %parallel_loop3A_604 = arith.addi %parallel_loop3A_555, %parallel_loop3A_561 : vector<16xi32>
        %parallel_loop3A_605 = arith.addi %parallel_loop3A_567, %parallel_loop3A_573 : vector<16xi32>
        %parallel_loop3A_606 = arith.addi %parallel_loop3A_579, %parallel_loop3A_585 : vector<16xi32>
        %parallel_loop3A_607 = arith.addi %parallel_loop3A_591, %parallel_loop3A_597 : vector<16xi32>
        %parallel_loop3A_608 = arith.addi %parallel_loop3A_600, %parallel_loop3A_601 : vector<16xi32>
        %parallel_loop3A_609 = arith.addi %parallel_loop3A_602, %parallel_loop3A_603 : vector<16xi32>
        %parallel_loop3A_610 = arith.addi %parallel_loop3A_604, %parallel_loop3A_605 : vector<16xi32>
        %parallel_loop3A_611 = arith.addi %parallel_loop3A_606, %parallel_loop3A_607 : vector<16xi32>
        %parallel_loop3A_612 = arith.addi %parallel_loop3A_608, %parallel_loop3A_609 : vector<16xi32>
        %parallel_loop3A_613 = arith.addi %parallel_loop3A_610, %parallel_loop3A_611 : vector<16xi32>
        %parallel_loop3A_614 = arith.addi %parallel_loop3A_612, %parallel_loop3A_613 : vector<16xi32>
        %parallel_loop3A_615 = arith.constant true
        %parallel_loop3A_616 = vector.broadcast %parallel_loop3A_615 : i1 to vector<16xi1>
        %parallel_loop3A_617 = tpu.scan <sum>, %parallel_loop3A_614 masked %parallel_loop3A_616 : vector<16xi32>, vector<16xi1> -> vector<16xi32>
        %parallel_loop3A_618 = arith.addi %parallel_loop3A_500, %parallel_loop3A_617 : vector<16xi32>
        %parallel_loop3A_619 = arith.cmpi sgt, %parallel_loop3A_618, %sub3A_333 : vector<16xi32>
        %parallel_loop3A_620 = tpu.all_reduce %parallel_loop3A_619 {dim = 0 : i64, kind = #tpu.reduction_kind<sum>} : vector<16xi1> -> vector<16xi32>
        %parallel_loop3A_621 = arith.constant 16 : i32
        %parallel_loop3A_622 = vector.broadcast %parallel_loop3A_621 : i32 to vector<16xi32>
        %parallel_loop3A_623 = arith.subi %parallel_loop3A_622, %parallel_loop3A_620 : vector<16xi32>
        %parallel_loop3A_624 = arith.minsi %parallel_loop3A_623, %broadcast_in_dim3A_10 : vector<16xi32>
        %parallel_loop3A_625 = arith.constant 0 : i32
        %parallel_loop3A_626 = vector.broadcast %parallel_loop3A_625 : i32 to vector<16xi32>
        %parallel_loop3A_627 = arith.cmpi slt, %parallel_loop3A_624, %parallel_loop3A_626 : vector<16xi32>
        %parallel_loop3A_628 = arith.constant 16 : i32
        %parallel_loop3A_629 = vector.broadcast %parallel_loop3A_628 : i32 to vector<16xi32>
        %parallel_loop3A_630 = arith.addi %parallel_loop3A_624, %parallel_loop3A_629 : vector<16xi32>
        %parallel_loop3A_631 = arith.select %parallel_loop3A_627, %parallel_loop3A_630, %parallel_loop3A_624 : vector<16xi1>, vector<16xi32>
        %parallel_loop3A_632 = vector.shape_cast %parallel_loop3A_631 : vector<16xi32> to vector<16x1xi32>
        %parallel_loop3A_633 = vector.shape_cast %parallel_loop3A_632 : vector<16x1xi32> to vector<16xi32>
        %parallel_loop3A_634 = tpu.dynamic_gather %parallel_loop3A_614[%parallel_loop3A_633] in [0] : vector<16xi32>, vector<16xi32> -> vector<16xi32>
        %parallel_loop3A_635 = arith.constant 0 : i32
        %parallel_loop3A_636 = vector.broadcast %parallel_loop3A_635 : i32 to vector<16xi32>
        %parallel_loop3A_637 = arith.cmpi slt, %parallel_loop3A_624, %parallel_loop3A_636 : vector<16xi32>
        %parallel_loop3A_638 = arith.constant 16 : i32
        %parallel_loop3A_639 = vector.broadcast %parallel_loop3A_638 : i32 to vector<16xi32>
        %parallel_loop3A_640 = arith.addi %parallel_loop3A_624, %parallel_loop3A_639 : vector<16xi32>
        %parallel_loop3A_641 = arith.select %parallel_loop3A_637, %parallel_loop3A_640, %parallel_loop3A_624 : vector<16xi1>, vector<16xi32>
        %parallel_loop3A_642 = vector.shape_cast %parallel_loop3A_641 : vector<16xi32> to vector<16x1xi32>
        %parallel_loop3A_643 = vector.shape_cast %parallel_loop3A_642 : vector<16x1xi32> to vector<16xi32>
        %parallel_loop3A_644 = tpu.dynamic_gather %parallel_loop3A_617[%parallel_loop3A_643] in [0] : vector<16xi32>, vector<16xi32> -> vector<16xi32>
        %parallel_loop3A_645 = arith.constant 0 : i32
        %parallel_loop3A_646 = vector.broadcast %parallel_loop3A_645 : i32 to vector<16xi32>
        %parallel_loop3A_647 = arith.cmpi sgt, %parallel_loop3A_620, %parallel_loop3A_646 : vector<16xi32>
        %parallel_loop3A_648 = arith.constant 0 : i32
        %parallel_loop3A_649 = vector.broadcast %parallel_loop3A_648 : i32 to vector<16xi32>
        %parallel_loop3A_650 = arith.cmpi slt, %parallel_loop3A_501, %parallel_loop3A_649 : vector<16xi32>
        %parallel_loop3A_651 = arith.andi %parallel_loop3A_647, %parallel_loop3A_650 : vector<16xi1>
        %parallel_loop3A_652 = vector.broadcast %parallel_loop3A_499 : i32 to vector<16xi32>
        %parallel_loop3A_653 = arith.addi %parallel_loop3A_623, %parallel_loop3A_652 : vector<16xi32>
        %parallel_loop3A_654 = arith.select %parallel_loop3A_651, %parallel_loop3A_653, %parallel_loop3A_501 : vector<16xi1>, vector<16xi32>
        %parallel_loop3A_655 = arith.select %parallel_loop3A_651, %parallel_loop3A_634, %parallel_loop3A_502 : vector<16xi1>, vector<16xi32>
        %parallel_loop3A_656 = arith.addi %parallel_loop3A_500, %parallel_loop3A_644 : vector<16xi32>
        %parallel_loop3A_657 = arith.subi %parallel_loop3A_656, %parallel_loop3A_634 : vector<16xi32>
        %parallel_loop3A_658 = arith.select %parallel_loop3A_651, %parallel_loop3A_657, %parallel_loop3A_503 : vector<16xi1>, vector<16xi32>
        %parallel_loop3A_659 = arith.constant 0 : i32
        %parallel_loop3A_660 = vector.broadcast %parallel_loop3A_659 : i32 to vector<16xi32>
        %parallel_loop3A_661 = arith.cmpi slt, %broadcast_in_dim3A_10, %parallel_loop3A_660 : vector<16xi32>
        %parallel_loop3A_662 = arith.constant 16 : i32
        %parallel_loop3A_663 = vector.broadcast %parallel_loop3A_662 : i32 to vector<16xi32>
        %parallel_loop3A_664 = arith.addi %broadcast_in_dim3A_10, %parallel_loop3A_663 : vector<16xi32>
        %parallel_loop3A_665 = arith.select %parallel_loop3A_661, %parallel_loop3A_664, %broadcast_in_dim3A_10 : vector<16xi1>, vector<16xi32>
        %parallel_loop3A_666 = vector.shape_cast %parallel_loop3A_665 : vector<16xi32> to vector<16x1xi32>
        %parallel_loop3A_667 = vector.shape_cast %parallel_loop3A_666 : vector<16x1xi32> to vector<16xi32>
        %parallel_loop3A_668 = tpu.dynamic_gather %parallel_loop3A_617[%parallel_loop3A_667] in [0] : vector<16xi32>, vector<16xi32> -> vector<16xi32>
        %parallel_loop3A_669 = arith.addi %parallel_loop3A_500, %parallel_loop3A_668 : vector<16xi32>
        scf.yield %parallel_loop3A_669, %parallel_loop3A_654, %parallel_loop3A_655, %parallel_loop3A_658 : vector<16xi32>, vector<16xi32>, vector<16xi32>, vector<16xi32>
      } {sc.loop_unroll_factor = 1 : i64, sc.parallel_access}
      %sub3A_340 = arith.subi %broadcast_in_dim3A_330, %parallel_loop3A_339#3 : vector<16xi32>
      %sub3A_341 = arith.subi %sub3A_340, %parallel_loop3A_339#2 : vector<16xi32>
      %sub3A_342 = arith.subi %broadcast_in_dim3A_332, %sub3A_341 : vector<16xi32>
      %broadcast_in_dim3A_343 = arith.constant 0.000000e+00 : f32
      %broadcast_in_dim3A_344 = vector.broadcast %broadcast_in_dim3A_343 : f32 to vector<16xf32>
      %parallel_loop3A_345 = arith.constant 0 : i32
      %parallel_loop3A_346 = arith.constant 16384 : i32
      %parallel_loop3A_347 = arith.constant 16 : i32
      %parallel_loop3A_348 = arith.constant 0 : i32
      %parallel_loop3A_349 = scf.for %parallel_loop3A_499 = %parallel_loop3A_345 to %parallel_loop3A_346 step %parallel_loop3A_347 iter_args(%parallel_loop3A_500 = %parallel_loop3A_348) -> (i32)  : i32 {
        %parallel_loop3A_501 = arith.constant 16384 : i32
        %parallel_loop3A_502 = arith.addi %parallel_loop3A_501, %parallel_loop3A_499 : i32
        %parallel_loop3A_503 = arith.index_cast %parallel_loop3A_502 : i32 to index
        %parallel_loop3A_504 = tpu.vector_load %arg6[%parallel_loop3A_503] {strides = array<i32>} : memref<32768xf32, #tpu.memory_space<vmem>>, vector<16xf32>,
        %parallel_loop3A_505 = tpu.bitcast %parallel_loop3A_504 : vector<16xf32> -> vector<16xi32>
        %parallel_loop3A_506 = arith.constant 24 : i32
        %parallel_loop3A_507 = vector.broadcast %parallel_loop3A_506 : i32 to vector<16xi32>
        %parallel_loop3A_508 = arith.shrui %parallel_loop3A_505, %parallel_loop3A_507 : vector<16xi32>
        %parallel_loop3A_509 = arith.cmpi eq, %parallel_loop3A_508, %parallel_loop3A_339#1 : vector<16xi32>
        %parallel_loop3A_510 = arith.cmpi uge, %parallel_loop3A_508, %parallel_loop3A_339#1 : vector<16xi32>
        %parallel_loop3A_511 = arith.constant 16 : i32
        %parallel_loop3A_512 = vector.broadcast %parallel_loop3A_511 : i32 to vector<16xi32>
        %parallel_loop3A_513 = arith.shrui %parallel_loop3A_505, %parallel_loop3A_512 : vector<16xi32>
        %parallel_loop3A_514 = arith.constant 255 : i32
        %parallel_loop3A_515 = vector.broadcast %parallel_loop3A_514 : i32 to vector<16xi32>
        %parallel_loop3A_516 = arith.andi %parallel_loop3A_513, %parallel_loop3A_515 : vector<16xi32>
        %parallel_loop3A_517 = arith.addi %mul3A_5, %parallel_loop3A_516 : vector<16xi32>
        tpu.vector_store_idx %arg9[%parallel_loop3A_517], %broadcast_in_dim3A_6 masked %parallel_loop3A_509 {add = true} : memref<4096xi32, #tpu.memory_space<vmem>>[vector<16xi32>], vector<16xi32>, vector<16xi1>
        %parallel_loop3A_518 = arith.index_cast %parallel_loop3A_500 : i32 to index
        %parallel_loop3A_519 = tpu.vector_load %arg7[%parallel_loop3A_518] masked %parallel_loop3A_510 {strides = array<i32>} : memref<16384xi32, #tpu.memory_space<vmem>>, vector<16xi32>, vector<16xi1>
        tpu.vector_store %arg7[%parallel_loop3A_518], %parallel_loop3A_505 masked %parallel_loop3A_510 {strides = array<i32>} : memref<16384xi32, #tpu.memory_space<vmem>>, vector<16xi32>, vector<16xi1>
        %parallel_loop3A_520 = vector.broadcast %parallel_loop3A_499 : i32 to vector<16xi32>
        %parallel_loop3A_521 = arith.addi %parallel_loop3A_520, %iota3A : vector<16xi32>
        %parallel_loop3A_522 = arith.index_cast %parallel_loop3A_500 : i32 to index
        %parallel_loop3A_523 = tpu.vector_load %arg8[%parallel_loop3A_522] masked %parallel_loop3A_510 {strides = array<i32>} : memref<16384xi32, #tpu.memory_space<vmem>>, vector<16xi32>, vector<16xi1>
        tpu.vector_store %arg8[%parallel_loop3A_522], %parallel_loop3A_521 masked %parallel_loop3A_510 {strides = array<i32>} : memref<16384xi32, #tpu.memory_space<vmem>>, vector<16xi32>, vector<16xi1>
        %parallel_loop3A_524 = arith.index_cast %parallel_loop3A_502 : i32 to index
        %parallel_loop3A_525 = tpu.vector_load %arg6[%parallel_loop3A_524] {strides = array<i32>} : memref<32768xf32, #tpu.memory_space<vmem>>, vector<16xf32>,
        tpu.vector_store %arg6[%parallel_loop3A_524], %broadcast_in_dim3A_344 {strides = array<i32>} : memref<32768xf32, #tpu.memory_space<vmem>>, vector<16xf32>,
        %parallel_loop3A_526 = arith.extui %parallel_loop3A_510 : vector<16xi1> to vector<16xi32>
        %parallel_loop3A_527 = arith.constant true
        %parallel_loop3A_528 = vector.broadcast %parallel_loop3A_527 : i1 to vector<16xi1>
        %parallel_loop3A_529 = tpu.scan <sum>, %parallel_loop3A_526 masked %parallel_loop3A_528 : vector<16xi32>, vector<16xi1> -> vector<16xi32>
        %parallel_loop3A_530 = vector.extract %parallel_loop3A_529[15] : i32 from vector<16xi32>
        %parallel_loop3A_531 = arith.addi %parallel_loop3A_500, %parallel_loop3A_530 : i32
        scf.yield %parallel_loop3A_531 : i32
      } {sc.loop_unroll_factor = 4 : i64, sc.parallel_access}
      %sub3A_350 = arith.subi %parallel_loop3A_339#2, %sub3A_342 : vector<16xi32>
      %broadcast_in_dim3A_351 = arith.constant -1 : i32
      %broadcast_in_dim3A_352 = vector.broadcast %broadcast_in_dim3A_351 : i32 to vector<16xi32>
      %parallel_loop3A_353 = arith.constant 0 : i32
      %parallel_loop3A_354 = arith.constant 256 : i32
      %parallel_loop3A_355 = arith.constant 16 : i32
      %parallel_loop3A_356:4 = scf.for %parallel_loop3A_499 = %parallel_loop3A_353 to %parallel_loop3A_354 step %parallel_loop3A_355 iter_args(%parallel_loop3A_500 = %broadcast_in_dim3A_8, %parallel_loop3A_501 = %broadcast_in_dim3A_352, %parallel_loop3A_502 = %broadcast_in_dim3A_8, %parallel_loop3A_503 = %broadcast_in_dim3A_8) -> (vector<16xi32>, vector<16xi32>, vector<16xi32>, vector<16xi32>)  : i32 {
        %parallel_loop3A_504 = arith.constant 0 : i32
        %parallel_loop3A_505 = arith.addi %parallel_loop3A_504, %parallel_loop3A_499 : i32
        %parallel_loop3A_506 = arith.index_cast %parallel_loop3A_505 : i32 to index
        %parallel_loop3A_507 = tpu.vector_load %arg9[%parallel_loop3A_506] {strides = array<i32>} : memref<4096xi32, #tpu.memory_space<vmem>>, vector<16xi32>,
        %parallel_loop3A_508 = arith.index_cast %parallel_loop3A_505 : i32 to index
        %parallel_loop3A_509 = tpu.vector_load %arg9[%parallel_loop3A_508] {strides = array<i32>} : memref<4096xi32, #tpu.memory_space<vmem>>, vector<16xi32>,
        tpu.vector_store %arg9[%parallel_loop3A_508], %broadcast_in_dim3A_8 {strides = array<i32>} : memref<4096xi32, #tpu.memory_space<vmem>>, vector<16xi32>,
        %parallel_loop3A_510 = arith.constant 256 : i32
        %parallel_loop3A_511 = arith.addi %parallel_loop3A_510, %parallel_loop3A_499 : i32
        %parallel_loop3A_512 = arith.index_cast %parallel_loop3A_511 : i32 to index
        %parallel_loop3A_513 = tpu.vector_load %arg9[%parallel_loop3A_512] {strides = array<i32>} : memref<4096xi32, #tpu.memory_space<vmem>>, vector<16xi32>,
        %parallel_loop3A_514 = arith.index_cast %parallel_loop3A_511 : i32 to index
        %parallel_loop3A_515 = tpu.vector_load %arg9[%parallel_loop3A_514] {strides = array<i32>} : memref<4096xi32, #tpu.memory_space<vmem>>, vector<16xi32>,
        tpu.vector_store %arg9[%parallel_loop3A_514], %broadcast_in_dim3A_8 {strides = array<i32>} : memref<4096xi32, #tpu.memory_space<vmem>>, vector<16xi32>,
        %parallel_loop3A_516 = arith.constant 512 : i32
        %parallel_loop3A_517 = arith.addi %parallel_loop3A_516, %parallel_loop3A_499 : i32
        %parallel_loop3A_518 = arith.index_cast %parallel_loop3A_517 : i32 to index
        %parallel_loop3A_519 = tpu.vector_load %arg9[%parallel_loop3A_518] {strides = array<i32>} : memref<4096xi32, #tpu.memory_space<vmem>>, vector<16xi32>,
        %parallel_loop3A_520 = arith.index_cast %parallel_loop3A_517 : i32 to index
        %parallel_loop3A_521 = tpu.vector_load %arg9[%parallel_loop3A_520] {strides = array<i32>} : memref<4096xi32, #tpu.memory_space<vmem>>, vector<16xi32>,
        tpu.vector_store %arg9[%parallel_loop3A_520], %broadcast_in_dim3A_8 {strides = array<i32>} : memref<4096xi32, #tpu.memory_space<vmem>>, vector<16xi32>,
        %parallel_loop3A_522 = arith.constant 768 : i32
        %parallel_loop3A_523 = arith.addi %parallel_loop3A_522, %parallel_loop3A_499 : i32
        %parallel_loop3A_524 = arith.index_cast %parallel_loop3A_523 : i32 to index
        %parallel_loop3A_525 = tpu.vector_load %arg9[%parallel_loop3A_524] {strides = array<i32>} : memref<4096xi32, #tpu.memory_space<vmem>>, vector<16xi32>,
        %parallel_loop3A_526 = arith.index_cast %parallel_loop3A_523 : i32 to index
        %parallel_loop3A_527 = tpu.vector_load %arg9[%parallel_loop3A_526] {strides = array<i32>} : memref<4096xi32, #tpu.memory_space<vmem>>, vector<16xi32>,
        tpu.vector_store %arg9[%parallel_loop3A_526], %broadcast_in_dim3A_8 {strides = array<i32>} : memref<4096xi32, #tpu.memory_space<vmem>>, vector<16xi32>,
        %parallel_loop3A_528 = arith.constant 1024 : i32
        %parallel_loop3A_529 = arith.addi %parallel_loop3A_528, %parallel_loop3A_499 : i32
        %parallel_loop3A_530 = arith.index_cast %parallel_loop3A_529 : i32 to index
        %parallel_loop3A_531 = tpu.vector_load %arg9[%parallel_loop3A_530] {strides = array<i32>} : memref<4096xi32, #tpu.memory_space<vmem>>, vector<16xi32>,
        %parallel_loop3A_532 = arith.index_cast %parallel_loop3A_529 : i32 to index
        %parallel_loop3A_533 = tpu.vector_load %arg9[%parallel_loop3A_532] {strides = array<i32>} : memref<4096xi32, #tpu.memory_space<vmem>>, vector<16xi32>,
        tpu.vector_store %arg9[%parallel_loop3A_532], %broadcast_in_dim3A_8 {strides = array<i32>} : memref<4096xi32, #tpu.memory_space<vmem>>, vector<16xi32>,
        %parallel_loop3A_534 = arith.constant 1280 : i32
        %parallel_loop3A_535 = arith.addi %parallel_loop3A_534, %parallel_loop3A_499 : i32
        %parallel_loop3A_536 = arith.index_cast %parallel_loop3A_535 : i32 to index
        %parallel_loop3A_537 = tpu.vector_load %arg9[%parallel_loop3A_536] {strides = array<i32>} : memref<4096xi32, #tpu.memory_space<vmem>>, vector<16xi32>,
        %parallel_loop3A_538 = arith.index_cast %parallel_loop3A_535 : i32 to index
        %parallel_loop3A_539 = tpu.vector_load %arg9[%parallel_loop3A_538] {strides = array<i32>} : memref<4096xi32, #tpu.memory_space<vmem>>, vector<16xi32>,
        tpu.vector_store %arg9[%parallel_loop3A_538], %broadcast_in_dim3A_8 {strides = array<i32>} : memref<4096xi32, #tpu.memory_space<vmem>>, vector<16xi32>,
        %parallel_loop3A_540 = arith.constant 1536 : i32
        %parallel_loop3A_541 = arith.addi %parallel_loop3A_540, %parallel_loop3A_499 : i32
        %parallel_loop3A_542 = arith.index_cast %parallel_loop3A_541 : i32 to index
        %parallel_loop3A_543 = tpu.vector_load %arg9[%parallel_loop3A_542] {strides = array<i32>} : memref<4096xi32, #tpu.memory_space<vmem>>, vector<16xi32>,
        %parallel_loop3A_544 = arith.index_cast %parallel_loop3A_541 : i32 to index
        %parallel_loop3A_545 = tpu.vector_load %arg9[%parallel_loop3A_544] {strides = array<i32>} : memref<4096xi32, #tpu.memory_space<vmem>>, vector<16xi32>,
        tpu.vector_store %arg9[%parallel_loop3A_544], %broadcast_in_dim3A_8 {strides = array<i32>} : memref<4096xi32, #tpu.memory_space<vmem>>, vector<16xi32>,
        %parallel_loop3A_546 = arith.constant 1792 : i32
        %parallel_loop3A_547 = arith.addi %parallel_loop3A_546, %parallel_loop3A_499 : i32
        %parallel_loop3A_548 = arith.index_cast %parallel_loop3A_547 : i32 to index
        %parallel_loop3A_549 = tpu.vector_load %arg9[%parallel_loop3A_548] {strides = array<i32>} : memref<4096xi32, #tpu.memory_space<vmem>>, vector<16xi32>,
        %parallel_loop3A_550 = arith.index_cast %parallel_loop3A_547 : i32 to index
        %parallel_loop3A_551 = tpu.vector_load %arg9[%parallel_loop3A_550] {strides = array<i32>} : memref<4096xi32, #tpu.memory_space<vmem>>, vector<16xi32>,
        tpu.vector_store %arg9[%parallel_loop3A_550], %broadcast_in_dim3A_8 {strides = array<i32>} : memref<4096xi32, #tpu.memory_space<vmem>>, vector<16xi32>,
        %parallel_loop3A_552 = arith.constant 2048 : i32
        %parallel_loop3A_553 = arith.addi %parallel_loop3A_552, %parallel_loop3A_499 : i32
        %parallel_loop3A_554 = arith.index_cast %parallel_loop3A_553 : i32 to index
        %parallel_loop3A_555 = tpu.vector_load %arg9[%parallel_loop3A_554] {strides = array<i32>} : memref<4096xi32, #tpu.memory_space<vmem>>, vector<16xi32>,
        %parallel_loop3A_556 = arith.index_cast %parallel_loop3A_553 : i32 to index
        %parallel_loop3A_557 = tpu.vector_load %arg9[%parallel_loop3A_556] {strides = array<i32>} : memref<4096xi32, #tpu.memory_space<vmem>>, vector<16xi32>,
        tpu.vector_store %arg9[%parallel_loop3A_556], %broadcast_in_dim3A_8 {strides = array<i32>} : memref<4096xi32, #tpu.memory_space<vmem>>, vector<16xi32>,
        %parallel_loop3A_558 = arith.constant 2304 : i32
        %parallel_loop3A_559 = arith.addi %parallel_loop3A_558, %parallel_loop3A_499 : i32
        %parallel_loop3A_560 = arith.index_cast %parallel_loop3A_559 : i32 to index
        %parallel_loop3A_561 = tpu.vector_load %arg9[%parallel_loop3A_560] {strides = array<i32>} : memref<4096xi32, #tpu.memory_space<vmem>>, vector<16xi32>,
        %parallel_loop3A_562 = arith.index_cast %parallel_loop3A_559 : i32 to index
        %parallel_loop3A_563 = tpu.vector_load %arg9[%parallel_loop3A_562] {strides = array<i32>} : memref<4096xi32, #tpu.memory_space<vmem>>, vector<16xi32>,
        tpu.vector_store %arg9[%parallel_loop3A_562], %broadcast_in_dim3A_8 {strides = array<i32>} : memref<4096xi32, #tpu.memory_space<vmem>>, vector<16xi32>,
        %parallel_loop3A_564 = arith.constant 2560 : i32
        %parallel_loop3A_565 = arith.addi %parallel_loop3A_564, %parallel_loop3A_499 : i32
        %parallel_loop3A_566 = arith.index_cast %parallel_loop3A_565 : i32 to index
        %parallel_loop3A_567 = tpu.vector_load %arg9[%parallel_loop3A_566] {strides = array<i32>} : memref<4096xi32, #tpu.memory_space<vmem>>, vector<16xi32>,
        %parallel_loop3A_568 = arith.index_cast %parallel_loop3A_565 : i32 to index
        %parallel_loop3A_569 = tpu.vector_load %arg9[%parallel_loop3A_568] {strides = array<i32>} : memref<4096xi32, #tpu.memory_space<vmem>>, vector<16xi32>,
        tpu.vector_store %arg9[%parallel_loop3A_568], %broadcast_in_dim3A_8 {strides = array<i32>} : memref<4096xi32, #tpu.memory_space<vmem>>, vector<16xi32>,
        %parallel_loop3A_570 = arith.constant 2816 : i32
        %parallel_loop3A_571 = arith.addi %parallel_loop3A_570, %parallel_loop3A_499 : i32
        %parallel_loop3A_572 = arith.index_cast %parallel_loop3A_571 : i32 to index
        %parallel_loop3A_573 = tpu.vector_load %arg9[%parallel_loop3A_572] {strides = array<i32>} : memref<4096xi32, #tpu.memory_space<vmem>>, vector<16xi32>,
        %parallel_loop3A_574 = arith.index_cast %parallel_loop3A_571 : i32 to index
        %parallel_loop3A_575 = tpu.vector_load %arg9[%parallel_loop3A_574] {strides = array<i32>} : memref<4096xi32, #tpu.memory_space<vmem>>, vector<16xi32>,
        tpu.vector_store %arg9[%parallel_loop3A_574], %broadcast_in_dim3A_8 {strides = array<i32>} : memref<4096xi32, #tpu.memory_space<vmem>>, vector<16xi32>,
        %parallel_loop3A_576 = arith.constant 3072 : i32
        %parallel_loop3A_577 = arith.addi %parallel_loop3A_576, %parallel_loop3A_499 : i32
        %parallel_loop3A_578 = arith.index_cast %parallel_loop3A_577 : i32 to index
        %parallel_loop3A_579 = tpu.vector_load %arg9[%parallel_loop3A_578] {strides = array<i32>} : memref<4096xi32, #tpu.memory_space<vmem>>, vector<16xi32>,
        %parallel_loop3A_580 = arith.index_cast %parallel_loop3A_577 : i32 to index
        %parallel_loop3A_581 = tpu.vector_load %arg9[%parallel_loop3A_580] {strides = array<i32>} : memref<4096xi32, #tpu.memory_space<vmem>>, vector<16xi32>,
        tpu.vector_store %arg9[%parallel_loop3A_580], %broadcast_in_dim3A_8 {strides = array<i32>} : memref<4096xi32, #tpu.memory_space<vmem>>, vector<16xi32>,
        %parallel_loop3A_582 = arith.constant 3328 : i32
        %parallel_loop3A_583 = arith.addi %parallel_loop3A_582, %parallel_loop3A_499 : i32
        %parallel_loop3A_584 = arith.index_cast %parallel_loop3A_583 : i32 to index
        %parallel_loop3A_585 = tpu.vector_load %arg9[%parallel_loop3A_584] {strides = array<i32>} : memref<4096xi32, #tpu.memory_space<vmem>>, vector<16xi32>,
        %parallel_loop3A_586 = arith.index_cast %parallel_loop3A_583 : i32 to index
        %parallel_loop3A_587 = tpu.vector_load %arg9[%parallel_loop3A_586] {strides = array<i32>} : memref<4096xi32, #tpu.memory_space<vmem>>, vector<16xi32>,
        tpu.vector_store %arg9[%parallel_loop3A_586], %broadcast_in_dim3A_8 {strides = array<i32>} : memref<4096xi32, #tpu.memory_space<vmem>>, vector<16xi32>,
        %parallel_loop3A_588 = arith.constant 3584 : i32
        %parallel_loop3A_589 = arith.addi %parallel_loop3A_588, %parallel_loop3A_499 : i32
        %parallel_loop3A_590 = arith.index_cast %parallel_loop3A_589 : i32 to index
        %parallel_loop3A_591 = tpu.vector_load %arg9[%parallel_loop3A_590] {strides = array<i32>} : memref<4096xi32, #tpu.memory_space<vmem>>, vector<16xi32>,
        %parallel_loop3A_592 = arith.index_cast %parallel_loop3A_589 : i32 to index
        %parallel_loop3A_593 = tpu.vector_load %arg9[%parallel_loop3A_592] {strides = array<i32>} : memref<4096xi32, #tpu.memory_space<vmem>>, vector<16xi32>,
        tpu.vector_store %arg9[%parallel_loop3A_592], %broadcast_in_dim3A_8 {strides = array<i32>} : memref<4096xi32, #tpu.memory_space<vmem>>, vector<16xi32>,
        %parallel_loop3A_594 = arith.constant 3840 : i32
        %parallel_loop3A_595 = arith.addi %parallel_loop3A_594, %parallel_loop3A_499 : i32
        %parallel_loop3A_596 = arith.index_cast %parallel_loop3A_595 : i32 to index
        %parallel_loop3A_597 = tpu.vector_load %arg9[%parallel_loop3A_596] {strides = array<i32>} : memref<4096xi32, #tpu.memory_space<vmem>>, vector<16xi32>,
        %parallel_loop3A_598 = arith.index_cast %parallel_loop3A_595 : i32 to index
        %parallel_loop3A_599 = tpu.vector_load %arg9[%parallel_loop3A_598] {strides = array<i32>} : memref<4096xi32, #tpu.memory_space<vmem>>, vector<16xi32>,
        tpu.vector_store %arg9[%parallel_loop3A_598], %broadcast_in_dim3A_8 {strides = array<i32>} : memref<4096xi32, #tpu.memory_space<vmem>>, vector<16xi32>,
        %parallel_loop3A_600 = arith.addi %parallel_loop3A_507, %parallel_loop3A_513 : vector<16xi32>
        %parallel_loop3A_601 = arith.addi %parallel_loop3A_519, %parallel_loop3A_525 : vector<16xi32>
        %parallel_loop3A_602 = arith.addi %parallel_loop3A_531, %parallel_loop3A_537 : vector<16xi32>
        %parallel_loop3A_603 = arith.addi %parallel_loop3A_543, %parallel_loop3A_549 : vector<16xi32>
        %parallel_loop3A_604 = arith.addi %parallel_loop3A_555, %parallel_loop3A_561 : vector<16xi32>
        %parallel_loop3A_605 = arith.addi %parallel_loop3A_567, %parallel_loop3A_573 : vector<16xi32>
        %parallel_loop3A_606 = arith.addi %parallel_loop3A_579, %parallel_loop3A_585 : vector<16xi32>
        %parallel_loop3A_607 = arith.addi %parallel_loop3A_591, %parallel_loop3A_597 : vector<16xi32>
        %parallel_loop3A_608 = arith.addi %parallel_loop3A_600, %parallel_loop3A_601 : vector<16xi32>
        %parallel_loop3A_609 = arith.addi %parallel_loop3A_602, %parallel_loop3A_603 : vector<16xi32>
        %parallel_loop3A_610 = arith.addi %parallel_loop3A_604, %parallel_loop3A_605 : vector<16xi32>
        %parallel_loop3A_611 = arith.addi %parallel_loop3A_606, %parallel_loop3A_607 : vector<16xi32>
        %parallel_loop3A_612 = arith.addi %parallel_loop3A_608, %parallel_loop3A_609 : vector<16xi32>
        %parallel_loop3A_613 = arith.addi %parallel_loop3A_610, %parallel_loop3A_611 : vector<16xi32>
        %parallel_loop3A_614 = arith.addi %parallel_loop3A_612, %parallel_loop3A_613 : vector<16xi32>
        %parallel_loop3A_615 = arith.constant true
        %parallel_loop3A_616 = vector.broadcast %parallel_loop3A_615 : i1 to vector<16xi1>
        %parallel_loop3A_617 = tpu.scan <sum>, %parallel_loop3A_614 masked %parallel_loop3A_616 : vector<16xi32>, vector<16xi1> -> vector<16xi32>
        %parallel_loop3A_618 = arith.addi %parallel_loop3A_500, %parallel_loop3A_617 : vector<16xi32>
        %parallel_loop3A_619 = arith.cmpi sgt, %parallel_loop3A_618, %sub3A_350 : vector<16xi32>
        %parallel_loop3A_620 = tpu.all_reduce %parallel_loop3A_619 {dim = 0 : i64, kind = #tpu.reduction_kind<sum>} : vector<16xi1> -> vector<16xi32>
        %parallel_loop3A_621 = arith.constant 16 : i32
        %parallel_loop3A_622 = vector.broadcast %parallel_loop3A_621 : i32 to vector<16xi32>
        %parallel_loop3A_623 = arith.subi %parallel_loop3A_622, %parallel_loop3A_620 : vector<16xi32>
        %parallel_loop3A_624 = arith.minsi %parallel_loop3A_623, %broadcast_in_dim3A_10 : vector<16xi32>
        %parallel_loop3A_625 = arith.constant 0 : i32
        %parallel_loop3A_626 = vector.broadcast %parallel_loop3A_625 : i32 to vector<16xi32>
        %parallel_loop3A_627 = arith.cmpi slt, %parallel_loop3A_624, %parallel_loop3A_626 : vector<16xi32>
        %parallel_loop3A_628 = arith.constant 16 : i32
        %parallel_loop3A_629 = vector.broadcast %parallel_loop3A_628 : i32 to vector<16xi32>
        %parallel_loop3A_630 = arith.addi %parallel_loop3A_624, %parallel_loop3A_629 : vector<16xi32>
        %parallel_loop3A_631 = arith.select %parallel_loop3A_627, %parallel_loop3A_630, %parallel_loop3A_624 : vector<16xi1>, vector<16xi32>
        %parallel_loop3A_632 = vector.shape_cast %parallel_loop3A_631 : vector<16xi32> to vector<16x1xi32>
        %parallel_loop3A_633 = vector.shape_cast %parallel_loop3A_632 : vector<16x1xi32> to vector<16xi32>
        %parallel_loop3A_634 = tpu.dynamic_gather %parallel_loop3A_614[%parallel_loop3A_633] in [0] : vector<16xi32>, vector<16xi32> -> vector<16xi32>
        %parallel_loop3A_635 = arith.constant 0 : i32
        %parallel_loop3A_636 = vector.broadcast %parallel_loop3A_635 : i32 to vector<16xi32>
        %parallel_loop3A_637 = arith.cmpi slt, %parallel_loop3A_624, %parallel_loop3A_636 : vector<16xi32>
        %parallel_loop3A_638 = arith.constant 16 : i32
        %parallel_loop3A_639 = vector.broadcast %parallel_loop3A_638 : i32 to vector<16xi32>
        %parallel_loop3A_640 = arith.addi %parallel_loop3A_624, %parallel_loop3A_639 : vector<16xi32>
        %parallel_loop3A_641 = arith.select %parallel_loop3A_637, %parallel_loop3A_640, %parallel_loop3A_624 : vector<16xi1>, vector<16xi32>
        %parallel_loop3A_642 = vector.shape_cast %parallel_loop3A_641 : vector<16xi32> to vector<16x1xi32>
        %parallel_loop3A_643 = vector.shape_cast %parallel_loop3A_642 : vector<16x1xi32> to vector<16xi32>
        %parallel_loop3A_644 = tpu.dynamic_gather %parallel_loop3A_617[%parallel_loop3A_643] in [0] : vector<16xi32>, vector<16xi32> -> vector<16xi32>
        %parallel_loop3A_645 = arith.constant 0 : i32
        %parallel_loop3A_646 = vector.broadcast %parallel_loop3A_645 : i32 to vector<16xi32>
        %parallel_loop3A_647 = arith.cmpi sgt, %parallel_loop3A_620, %parallel_loop3A_646 : vector<16xi32>
        %parallel_loop3A_648 = arith.constant 0 : i32
        %parallel_loop3A_649 = vector.broadcast %parallel_loop3A_648 : i32 to vector<16xi32>
        %parallel_loop3A_650 = arith.cmpi slt, %parallel_loop3A_501, %parallel_loop3A_649 : vector<16xi32>
        %parallel_loop3A_651 = arith.andi %parallel_loop3A_647, %parallel_loop3A_650 : vector<16xi1>
        %parallel_loop3A_652 = vector.broadcast %parallel_loop3A_499 : i32 to vector<16xi32>
        %parallel_loop3A_653 = arith.addi %parallel_loop3A_623, %parallel_loop3A_652 : vector<16xi32>
        %parallel_loop3A_654 = arith.select %parallel_loop3A_651, %parallel_loop3A_653, %parallel_loop3A_501 : vector<16xi1>, vector<16xi32>
        %parallel_loop3A_655 = arith.select %parallel_loop3A_651, %parallel_loop3A_634, %parallel_loop3A_502 : vector<16xi1>, vector<16xi32>
        %parallel_loop3A_656 = arith.addi %parallel_loop3A_500, %parallel_loop3A_644 : vector<16xi32>
        %parallel_loop3A_657 = arith.subi %parallel_loop3A_656, %parallel_loop3A_634 : vector<16xi32>
        %parallel_loop3A_658 = arith.select %parallel_loop3A_651, %parallel_loop3A_657, %parallel_loop3A_503 : vector<16xi1>, vector<16xi32>
        %parallel_loop3A_659 = arith.constant 0 : i32
        %parallel_loop3A_660 = vector.broadcast %parallel_loop3A_659 : i32 to vector<16xi32>
        %parallel_loop3A_661 = arith.cmpi slt, %broadcast_in_dim3A_10, %parallel_loop3A_660 : vector<16xi32>
        %parallel_loop3A_662 = arith.constant 16 : i32
        %parallel_loop3A_663 = vector.broadcast %parallel_loop3A_662 : i32 to vector<16xi32>
        %parallel_loop3A_664 = arith.addi %broadcast_in_dim3A_10, %parallel_loop3A_663 : vector<16xi32>
        %parallel_loop3A_665 = arith.select %parallel_loop3A_661, %parallel_loop3A_664, %broadcast_in_dim3A_10 : vector<16xi1>, vector<16xi32>
        %parallel_loop3A_666 = vector.shape_cast %parallel_loop3A_665 : vector<16xi32> to vector<16x1xi32>
        %parallel_loop3A_667 = vector.shape_cast %parallel_loop3A_666 : vector<16x1xi32> to vector<16xi32>
        %parallel_loop3A_668 = tpu.dynamic_gather %parallel_loop3A_617[%parallel_loop3A_667] in [0] : vector<16xi32>, vector<16xi32> -> vector<16xi32>
        %parallel_loop3A_669 = arith.addi %parallel_loop3A_500, %parallel_loop3A_668 : vector<16xi32>
        scf.yield %parallel_loop3A_669, %parallel_loop3A_654, %parallel_loop3A_655, %parallel_loop3A_658 : vector<16xi32>, vector<16xi32>, vector<16xi32>, vector<16xi32>
      } {sc.loop_unroll_factor = 1 : i64, sc.parallel_access}
      %sub3A_357 = arith.subi %parallel_loop3A_339#2, %parallel_loop3A_356#3 : vector<16xi32>
      %sub3A_358 = arith.subi %sub3A_357, %parallel_loop3A_356#2 : vector<16xi32>
      %sub3A_359 = arith.subi %sub3A_342, %sub3A_358 : vector<16xi32>
      %shift_left3A_360 = arith.constant 8 : i32
      %shift_left3A_361 = vector.broadcast %shift_left3A_360 : i32 to vector<16xi32>
      %shift_left3A_362 = arith.shli %parallel_loop3A_339#1, %shift_left3A_361 : vector<16xi32>
      %or3A_363 = arith.ori %shift_left3A_362, %parallel_loop3A_356#1 : vector<16xi32>
      %add3A_364 = arith.constant 16 : i32
      %add3A_365 = arith.addi %parallel_loop3A_349, %add3A_364 : i32
      %sub3A_366 = arith.constant 1 : i32
      %sub3A_367 = arith.subi %add3A_365, %sub3A_366 : i32
      %jit3A_368 = arith.constant 16 : i32
      %div3A_369 = arith.divsi %sub3A_367, %jit3A_368 : i32
      %sign3A_370 = arith.constant 0 : i32
      %sign3A_371 = arith.cmpi sgt, %sub3A_367, %sign3A_370 : i32
      %sign3A_372 = arith.extui %sign3A_371 : i1 to i32
      %sign3A_373 = arith.constant 0 : i32
      %sign3A_374 = arith.cmpi slt, %sub3A_367, %sign3A_373 : i32
      %sign3A_375 = arith.extui %sign3A_374 : i1 to i32
      %sign3A_376 = arith.subi %sign3A_372, %sign3A_375 : i32
      %sign3A_377 = arith.constant 0 : i32
      %sign3A_378 = arith.cmpi sgt, %jit3A_368, %sign3A_377 : i32
      %sign3A_379 = arith.extui %sign3A_378 : i1 to i32
      %sign3A_380 = arith.constant 0 : i32
      %sign3A_381 = arith.cmpi slt, %jit3A_368, %sign3A_380 : i32
      %sign3A_382 = arith.extui %sign3A_381 : i1 to i32
      %sign3A_383 = arith.subi %sign3A_379, %sign3A_382 : i32
      %ne3A_384 = arith.cmpi ne, %sign3A_376, %sign3A_383 : i32
      %rem3A_385 = arith.remsi %sub3A_367, %jit3A_368 : i32
      %ne3A_386 = arith.constant 0 : i32
      %ne3A_387 = arith.cmpi ne, %rem3A_385, %ne3A_386 : i32
      %and3A_388 = arith.andi %ne3A_384, %ne3A_387 : i1
      %sub3A_389 = arith.constant 1 : i32
      %sub3A_390 = arith.subi %div3A_369, %sub3A_389 : i32
      %select_n3A_391 = arith.select %and3A_388, %sub3A_390, %div3A_369 : i32
      %mul3A_392 = arith.constant 16 : i32
      %mul3A_393 = arith.muli %select_n3A_391, %mul3A_392 : i32
      %parallel_loop3A_394 = arith.constant 0 : i32
      %parallel_loop3A_395 = arith.constant 16 : i32
      scf.for %parallel_loop3A_499 = %parallel_loop3A_394 to %mul3A_393 step %parallel_loop3A_395  : i32 {
        %parallel_loop3A_500 = arith.index_cast %parallel_loop3A_499 : i32 to index
        %parallel_loop3A_501 = tpu.vector_load %arg7[%parallel_loop3A_500] {strides = array<i32>} : memref<16384xi32, #tpu.memory_space<vmem>>, vector<16xi32>,
        %parallel_loop3A_502 = vector.broadcast %parallel_loop3A_499 : i32 to vector<16xi32>
        %parallel_loop3A_503 = arith.addi %iota3A, %parallel_loop3A_502 : vector<16xi32>
        %parallel_loop3A_504 = vector.broadcast %parallel_loop3A_349 : i32 to vector<16xi32>
        %parallel_loop3A_505 = arith.cmpi slt, %parallel_loop3A_503, %parallel_loop3A_504 : vector<16xi32>
        %parallel_loop3A_506 = arith.constant 16 : i32
        %parallel_loop3A_507 = vector.broadcast %parallel_loop3A_506 : i32 to vector<16xi32>
        %parallel_loop3A_508 = arith.shrui %parallel_loop3A_501, %parallel_loop3A_507 : vector<16xi32>
        %parallel_loop3A_509 = arith.cmpi eq, %parallel_loop3A_508, %or3A_363 : vector<16xi32>
        %parallel_loop3A_510 = arith.andi %parallel_loop3A_505, %parallel_loop3A_509 : vector<16xi1>
        %parallel_loop3A_511 = arith.constant 8 : i32
        %parallel_loop3A_512 = vector.broadcast %parallel_loop3A_511 : i32 to vector<16xi32>
        %parallel_loop3A_513 = arith.shrui %parallel_loop3A_501, %parallel_loop3A_512 : vector<16xi32>
        %parallel_loop3A_514 = arith.constant 255 : i32
        %parallel_loop3A_515 = vector.broadcast %parallel_loop3A_514 : i32 to vector<16xi32>
        %parallel_loop3A_516 = arith.andi %parallel_loop3A_513, %parallel_loop3A_515 : vector<16xi32>
        %parallel_loop3A_517 = arith.addi %mul3A_5, %parallel_loop3A_516 : vector<16xi32>
        tpu.vector_store_idx %arg9[%parallel_loop3A_517], %broadcast_in_dim3A_6 masked %parallel_loop3A_510 {add = true} : memref<4096xi32, #tpu.memory_space<vmem>>[vector<16xi32>], vector<16xi32>, vector<16xi1>
      } {sc.loop_unroll_factor = 1 : i64, sc.parallel_access}
      %sub3A_396 = arith.subi %parallel_loop3A_356#2, %sub3A_359 : vector<16xi32>
      %broadcast_in_dim3A_397 = arith.constant -1 : i32
      %broadcast_in_dim3A_398 = vector.broadcast %broadcast_in_dim3A_397 : i32 to vector<16xi32>
      %parallel_loop3A_399 = arith.constant 0 : i32
      %parallel_loop3A_400 = arith.constant 256 : i32
      %parallel_loop3A_401 = arith.constant 16 : i32
      %parallel_loop3A_402:4 = scf.for %parallel_loop3A_499 = %parallel_loop3A_399 to %parallel_loop3A_400 step %parallel_loop3A_401 iter_args(%parallel_loop3A_500 = %broadcast_in_dim3A_8, %parallel_loop3A_501 = %broadcast_in_dim3A_398, %parallel_loop3A_502 = %broadcast_in_dim3A_8, %parallel_loop3A_503 = %broadcast_in_dim3A_8) -> (vector<16xi32>, vector<16xi32>, vector<16xi32>, vector<16xi32>)  : i32 {
        %parallel_loop3A_504 = arith.constant 0 : i32
        %parallel_loop3A_505 = arith.addi %parallel_loop3A_504, %parallel_loop3A_499 : i32
        %parallel_loop3A_506 = arith.index_cast %parallel_loop3A_505 : i32 to index
        %parallel_loop3A_507 = tpu.vector_load %arg9[%parallel_loop3A_506] {strides = array<i32>} : memref<4096xi32, #tpu.memory_space<vmem>>, vector<16xi32>,
        %parallel_loop3A_508 = arith.index_cast %parallel_loop3A_505 : i32 to index
        %parallel_loop3A_509 = tpu.vector_load %arg9[%parallel_loop3A_508] {strides = array<i32>} : memref<4096xi32, #tpu.memory_space<vmem>>, vector<16xi32>,
        tpu.vector_store %arg9[%parallel_loop3A_508], %broadcast_in_dim3A_8 {strides = array<i32>} : memref<4096xi32, #tpu.memory_space<vmem>>, vector<16xi32>,
        %parallel_loop3A_510 = arith.constant 256 : i32
        %parallel_loop3A_511 = arith.addi %parallel_loop3A_510, %parallel_loop3A_499 : i32
        %parallel_loop3A_512 = arith.index_cast %parallel_loop3A_511 : i32 to index
        %parallel_loop3A_513 = tpu.vector_load %arg9[%parallel_loop3A_512] {strides = array<i32>} : memref<4096xi32, #tpu.memory_space<vmem>>, vector<16xi32>,
        %parallel_loop3A_514 = arith.index_cast %parallel_loop3A_511 : i32 to index
        %parallel_loop3A_515 = tpu.vector_load %arg9[%parallel_loop3A_514] {strides = array<i32>} : memref<4096xi32, #tpu.memory_space<vmem>>, vector<16xi32>,
        tpu.vector_store %arg9[%parallel_loop3A_514], %broadcast_in_dim3A_8 {strides = array<i32>} : memref<4096xi32, #tpu.memory_space<vmem>>, vector<16xi32>,
        %parallel_loop3A_516 = arith.constant 512 : i32
        %parallel_loop3A_517 = arith.addi %parallel_loop3A_516, %parallel_loop3A_499 : i32
        %parallel_loop3A_518 = arith.index_cast %parallel_loop3A_517 : i32 to index
        %parallel_loop3A_519 = tpu.vector_load %arg9[%parallel_loop3A_518] {strides = array<i32>} : memref<4096xi32, #tpu.memory_space<vmem>>, vector<16xi32>,
        %parallel_loop3A_520 = arith.index_cast %parallel_loop3A_517 : i32 to index
        %parallel_loop3A_521 = tpu.vector_load %arg9[%parallel_loop3A_520] {strides = array<i32>} : memref<4096xi32, #tpu.memory_space<vmem>>, vector<16xi32>,
        tpu.vector_store %arg9[%parallel_loop3A_520], %broadcast_in_dim3A_8 {strides = array<i32>} : memref<4096xi32, #tpu.memory_space<vmem>>, vector<16xi32>,
        %parallel_loop3A_522 = arith.constant 768 : i32
        %parallel_loop3A_523 = arith.addi %parallel_loop3A_522, %parallel_loop3A_499 : i32
        %parallel_loop3A_524 = arith.index_cast %parallel_loop3A_523 : i32 to index
        %parallel_loop3A_525 = tpu.vector_load %arg9[%parallel_loop3A_524] {strides = array<i32>} : memref<4096xi32, #tpu.memory_space<vmem>>, vector<16xi32>,
        %parallel_loop3A_526 = arith.index_cast %parallel_loop3A_523 : i32 to index
        %parallel_loop3A_527 = tpu.vector_load %arg9[%parallel_loop3A_526] {strides = array<i32>} : memref<4096xi32, #tpu.memory_space<vmem>>, vector<16xi32>,
        tpu.vector_store %arg9[%parallel_loop3A_526], %broadcast_in_dim3A_8 {strides = array<i32>} : memref<4096xi32, #tpu.memory_space<vmem>>, vector<16xi32>,
        %parallel_loop3A_528 = arith.constant 1024 : i32
        %parallel_loop3A_529 = arith.addi %parallel_loop3A_528, %parallel_loop3A_499 : i32
        %parallel_loop3A_530 = arith.index_cast %parallel_loop3A_529 : i32 to index
        %parallel_loop3A_531 = tpu.vector_load %arg9[%parallel_loop3A_530] {strides = array<i32>} : memref<4096xi32, #tpu.memory_space<vmem>>, vector<16xi32>,
        %parallel_loop3A_532 = arith.index_cast %parallel_loop3A_529 : i32 to index
        %parallel_loop3A_533 = tpu.vector_load %arg9[%parallel_loop3A_532] {strides = array<i32>} : memref<4096xi32, #tpu.memory_space<vmem>>, vector<16xi32>,
        tpu.vector_store %arg9[%parallel_loop3A_532], %broadcast_in_dim3A_8 {strides = array<i32>} : memref<4096xi32, #tpu.memory_space<vmem>>, vector<16xi32>,
        %parallel_loop3A_534 = arith.constant 1280 : i32
        %parallel_loop3A_535 = arith.addi %parallel_loop3A_534, %parallel_loop3A_499 : i32
        %parallel_loop3A_536 = arith.index_cast %parallel_loop3A_535 : i32 to index
        %parallel_loop3A_537 = tpu.vector_load %arg9[%parallel_loop3A_536] {strides = array<i32>} : memref<4096xi32, #tpu.memory_space<vmem>>, vector<16xi32>,
        %parallel_loop3A_538 = arith.index_cast %parallel_loop3A_535 : i32 to index
        %parallel_loop3A_539 = tpu.vector_load %arg9[%parallel_loop3A_538] {strides = array<i32>} : memref<4096xi32, #tpu.memory_space<vmem>>, vector<16xi32>,
        tpu.vector_store %arg9[%parallel_loop3A_538], %broadcast_in_dim3A_8 {strides = array<i32>} : memref<4096xi32, #tpu.memory_space<vmem>>, vector<16xi32>,
        %parallel_loop3A_540 = arith.constant 1536 : i32
        %parallel_loop3A_541 = arith.addi %parallel_loop3A_540, %parallel_loop3A_499 : i32
        %parallel_loop3A_542 = arith.index_cast %parallel_loop3A_541 : i32 to index
        %parallel_loop3A_543 = tpu.vector_load %arg9[%parallel_loop3A_542] {strides = array<i32>} : memref<4096xi32, #tpu.memory_space<vmem>>, vector<16xi32>,
        %parallel_loop3A_544 = arith.index_cast %parallel_loop3A_541 : i32 to index
        %parallel_loop3A_545 = tpu.vector_load %arg9[%parallel_loop3A_544] {strides = array<i32>} : memref<4096xi32, #tpu.memory_space<vmem>>, vector<16xi32>,
        tpu.vector_store %arg9[%parallel_loop3A_544], %broadcast_in_dim3A_8 {strides = array<i32>} : memref<4096xi32, #tpu.memory_space<vmem>>, vector<16xi32>,
        %parallel_loop3A_546 = arith.constant 1792 : i32
        %parallel_loop3A_547 = arith.addi %parallel_loop3A_546, %parallel_loop3A_499 : i32
        %parallel_loop3A_548 = arith.index_cast %parallel_loop3A_547 : i32 to index
        %parallel_loop3A_549 = tpu.vector_load %arg9[%parallel_loop3A_548] {strides = array<i32>} : memref<4096xi32, #tpu.memory_space<vmem>>, vector<16xi32>,
        %parallel_loop3A_550 = arith.index_cast %parallel_loop3A_547 : i32 to index
        %parallel_loop3A_551 = tpu.vector_load %arg9[%parallel_loop3A_550] {strides = array<i32>} : memref<4096xi32, #tpu.memory_space<vmem>>, vector<16xi32>,
        tpu.vector_store %arg9[%parallel_loop3A_550], %broadcast_in_dim3A_8 {strides = array<i32>} : memref<4096xi32, #tpu.memory_space<vmem>>, vector<16xi32>,
        %parallel_loop3A_552 = arith.constant 2048 : i32
        %parallel_loop3A_553 = arith.addi %parallel_loop3A_552, %parallel_loop3A_499 : i32
        %parallel_loop3A_554 = arith.index_cast %parallel_loop3A_553 : i32 to index
        %parallel_loop3A_555 = tpu.vector_load %arg9[%parallel_loop3A_554] {strides = array<i32>} : memref<4096xi32, #tpu.memory_space<vmem>>, vector<16xi32>,
        %parallel_loop3A_556 = arith.index_cast %parallel_loop3A_553 : i32 to index
        %parallel_loop3A_557 = tpu.vector_load %arg9[%parallel_loop3A_556] {strides = array<i32>} : memref<4096xi32, #tpu.memory_space<vmem>>, vector<16xi32>,
        tpu.vector_store %arg9[%parallel_loop3A_556], %broadcast_in_dim3A_8 {strides = array<i32>} : memref<4096xi32, #tpu.memory_space<vmem>>, vector<16xi32>,
        %parallel_loop3A_558 = arith.constant 2304 : i32
        %parallel_loop3A_559 = arith.addi %parallel_loop3A_558, %parallel_loop3A_499 : i32
        %parallel_loop3A_560 = arith.index_cast %parallel_loop3A_559 : i32 to index
        %parallel_loop3A_561 = tpu.vector_load %arg9[%parallel_loop3A_560] {strides = array<i32>} : memref<4096xi32, #tpu.memory_space<vmem>>, vector<16xi32>,
        %parallel_loop3A_562 = arith.index_cast %parallel_loop3A_559 : i32 to index
        %parallel_loop3A_563 = tpu.vector_load %arg9[%parallel_loop3A_562] {strides = array<i32>} : memref<4096xi32, #tpu.memory_space<vmem>>, vector<16xi32>,
        tpu.vector_store %arg9[%parallel_loop3A_562], %broadcast_in_dim3A_8 {strides = array<i32>} : memref<4096xi32, #tpu.memory_space<vmem>>, vector<16xi32>,
        %parallel_loop3A_564 = arith.constant 2560 : i32
        %parallel_loop3A_565 = arith.addi %parallel_loop3A_564, %parallel_loop3A_499 : i32
        %parallel_loop3A_566 = arith.index_cast %parallel_loop3A_565 : i32 to index
        %parallel_loop3A_567 = tpu.vector_load %arg9[%parallel_loop3A_566] {strides = array<i32>} : memref<4096xi32, #tpu.memory_space<vmem>>, vector<16xi32>,
        %parallel_loop3A_568 = arith.index_cast %parallel_loop3A_565 : i32 to index
        %parallel_loop3A_569 = tpu.vector_load %arg9[%parallel_loop3A_568] {strides = array<i32>} : memref<4096xi32, #tpu.memory_space<vmem>>, vector<16xi32>,
        tpu.vector_store %arg9[%parallel_loop3A_568], %broadcast_in_dim3A_8 {strides = array<i32>} : memref<4096xi32, #tpu.memory_space<vmem>>, vector<16xi32>,
        %parallel_loop3A_570 = arith.constant 2816 : i32
        %parallel_loop3A_571 = arith.addi %parallel_loop3A_570, %parallel_loop3A_499 : i32
        %parallel_loop3A_572 = arith.index_cast %parallel_loop3A_571 : i32 to index
        %parallel_loop3A_573 = tpu.vector_load %arg9[%parallel_loop3A_572] {strides = array<i32>} : memref<4096xi32, #tpu.memory_space<vmem>>, vector<16xi32>,
        %parallel_loop3A_574 = arith.index_cast %parallel_loop3A_571 : i32 to index
        %parallel_loop3A_575 = tpu.vector_load %arg9[%parallel_loop3A_574] {strides = array<i32>} : memref<4096xi32, #tpu.memory_space<vmem>>, vector<16xi32>,
        tpu.vector_store %arg9[%parallel_loop3A_574], %broadcast_in_dim3A_8 {strides = array<i32>} : memref<4096xi32, #tpu.memory_space<vmem>>, vector<16xi32>,
        %parallel_loop3A_576 = arith.constant 3072 : i32
        %parallel_loop3A_577 = arith.addi %parallel_loop3A_576, %parallel_loop3A_499 : i32
        %parallel_loop3A_578 = arith.index_cast %parallel_loop3A_577 : i32 to index
        %parallel_loop3A_579 = tpu.vector_load %arg9[%parallel_loop3A_578] {strides = array<i32>} : memref<4096xi32, #tpu.memory_space<vmem>>, vector<16xi32>,
        %parallel_loop3A_580 = arith.index_cast %parallel_loop3A_577 : i32 to index
        %parallel_loop3A_581 = tpu.vector_load %arg9[%parallel_loop3A_580] {strides = array<i32>} : memref<4096xi32, #tpu.memory_space<vmem>>, vector<16xi32>,
        tpu.vector_store %arg9[%parallel_loop3A_580], %broadcast_in_dim3A_8 {strides = array<i32>} : memref<4096xi32, #tpu.memory_space<vmem>>, vector<16xi32>,
        %parallel_loop3A_582 = arith.constant 3328 : i32
        %parallel_loop3A_583 = arith.addi %parallel_loop3A_582, %parallel_loop3A_499 : i32
        %parallel_loop3A_584 = arith.index_cast %parallel_loop3A_583 : i32 to index
        %parallel_loop3A_585 = tpu.vector_load %arg9[%parallel_loop3A_584] {strides = array<i32>} : memref<4096xi32, #tpu.memory_space<vmem>>, vector<16xi32>,
        %parallel_loop3A_586 = arith.index_cast %parallel_loop3A_583 : i32 to index
        %parallel_loop3A_587 = tpu.vector_load %arg9[%parallel_loop3A_586] {strides = array<i32>} : memref<4096xi32, #tpu.memory_space<vmem>>, vector<16xi32>,
        tpu.vector_store %arg9[%parallel_loop3A_586], %broadcast_in_dim3A_8 {strides = array<i32>} : memref<4096xi32, #tpu.memory_space<vmem>>, vector<16xi32>,
        %parallel_loop3A_588 = arith.constant 3584 : i32
        %parallel_loop3A_589 = arith.addi %parallel_loop3A_588, %parallel_loop3A_499 : i32
        %parallel_loop3A_590 = arith.index_cast %parallel_loop3A_589 : i32 to index
        %parallel_loop3A_591 = tpu.vector_load %arg9[%parallel_loop3A_590] {strides = array<i32>} : memref<4096xi32, #tpu.memory_space<vmem>>, vector<16xi32>,
        %parallel_loop3A_592 = arith.index_cast %parallel_loop3A_589 : i32 to index
        %parallel_loop3A_593 = tpu.vector_load %arg9[%parallel_loop3A_592] {strides = array<i32>} : memref<4096xi32, #tpu.memory_space<vmem>>, vector<16xi32>,
        tpu.vector_store %arg9[%parallel_loop3A_592], %broadcast_in_dim3A_8 {strides = array<i32>} : memref<4096xi32, #tpu.memory_space<vmem>>, vector<16xi32>,
        %parallel_loop3A_594 = arith.constant 3840 : i32
        %parallel_loop3A_595 = arith.addi %parallel_loop3A_594, %parallel_loop3A_499 : i32
        %parallel_loop3A_596 = arith.index_cast %parallel_loop3A_595 : i32 to index
        %parallel_loop3A_597 = tpu.vector_load %arg9[%parallel_loop3A_596] {strides = array<i32>} : memref<4096xi32, #tpu.memory_space<vmem>>, vector<16xi32>,
        %parallel_loop3A_598 = arith.index_cast %parallel_loop3A_595 : i32 to index
        %parallel_loop3A_599 = tpu.vector_load %arg9[%parallel_loop3A_598] {strides = array<i32>} : memref<4096xi32, #tpu.memory_space<vmem>>, vector<16xi32>,
        tpu.vector_store %arg9[%parallel_loop3A_598], %broadcast_in_dim3A_8 {strides = array<i32>} : memref<4096xi32, #tpu.memory_space<vmem>>, vector<16xi32>,
        %parallel_loop3A_600 = arith.addi %parallel_loop3A_507, %parallel_loop3A_513 : vector<16xi32>
        %parallel_loop3A_601 = arith.addi %parallel_loop3A_519, %parallel_loop3A_525 : vector<16xi32>
        %parallel_loop3A_602 = arith.addi %parallel_loop3A_531, %parallel_loop3A_537 : vector<16xi32>
        %parallel_loop3A_603 = arith.addi %parallel_loop3A_543, %parallel_loop3A_549 : vector<16xi32>
        %parallel_loop3A_604 = arith.addi %parallel_loop3A_555, %parallel_loop3A_561 : vector<16xi32>
        %parallel_loop3A_605 = arith.addi %parallel_loop3A_567, %parallel_loop3A_573 : vector<16xi32>
        %parallel_loop3A_606 = arith.addi %parallel_loop3A_579, %parallel_loop3A_585 : vector<16xi32>
        %parallel_loop3A_607 = arith.addi %parallel_loop3A_591, %parallel_loop3A_597 : vector<16xi32>
        %parallel_loop3A_608 = arith.addi %parallel_loop3A_600, %parallel_loop3A_601 : vector<16xi32>
        %parallel_loop3A_609 = arith.addi %parallel_loop3A_602, %parallel_loop3A_603 : vector<16xi32>
        %parallel_loop3A_610 = arith.addi %parallel_loop3A_604, %parallel_loop3A_605 : vector<16xi32>
        %parallel_loop3A_611 = arith.addi %parallel_loop3A_606, %parallel_loop3A_607 : vector<16xi32>
        %parallel_loop3A_612 = arith.addi %parallel_loop3A_608, %parallel_loop3A_609 : vector<16xi32>
        %parallel_loop3A_613 = arith.addi %parallel_loop3A_610, %parallel_loop3A_611 : vector<16xi32>
        %parallel_loop3A_614 = arith.addi %parallel_loop3A_612, %parallel_loop3A_613 : vector<16xi32>
        %parallel_loop3A_615 = arith.constant true
        %parallel_loop3A_616 = vector.broadcast %parallel_loop3A_615 : i1 to vector<16xi1>
        %parallel_loop3A_617 = tpu.scan <sum>, %parallel_loop3A_614 masked %parallel_loop3A_616 : vector<16xi32>, vector<16xi1> -> vector<16xi32>
        %parallel_loop3A_618 = arith.addi %parallel_loop3A_500, %parallel_loop3A_617 : vector<16xi32>
        %parallel_loop3A_619 = arith.cmpi sgt, %parallel_loop3A_618, %sub3A_396 : vector<16xi32>
        %parallel_loop3A_620 = tpu.all_reduce %parallel_loop3A_619 {dim = 0 : i64, kind = #tpu.reduction_kind<sum>} : vector<16xi1> -> vector<16xi32>
        %parallel_loop3A_621 = arith.constant 16 : i32
        %parallel_loop3A_622 = vector.broadcast %parallel_loop3A_621 : i32 to vector<16xi32>
        %parallel_loop3A_623 = arith.subi %parallel_loop3A_622, %parallel_loop3A_620 : vector<16xi32>
        %parallel_loop3A_624 = arith.minsi %parallel_loop3A_623, %broadcast_in_dim3A_10 : vector<16xi32>
        %parallel_loop3A_625 = arith.constant 0 : i32
        %parallel_loop3A_626 = vector.broadcast %parallel_loop3A_625 : i32 to vector<16xi32>
        %parallel_loop3A_627 = arith.cmpi slt, %parallel_loop3A_624, %parallel_loop3A_626 : vector<16xi32>
        %parallel_loop3A_628 = arith.constant 16 : i32
        %parallel_loop3A_629 = vector.broadcast %parallel_loop3A_628 : i32 to vector<16xi32>
        %parallel_loop3A_630 = arith.addi %parallel_loop3A_624, %parallel_loop3A_629 : vector<16xi32>
        %parallel_loop3A_631 = arith.select %parallel_loop3A_627, %parallel_loop3A_630, %parallel_loop3A_624 : vector<16xi1>, vector<16xi32>
        %parallel_loop3A_632 = vector.shape_cast %parallel_loop3A_631 : vector<16xi32> to vector<16x1xi32>
        %parallel_loop3A_633 = vector.shape_cast %parallel_loop3A_632 : vector<16x1xi32> to vector<16xi32>
        %parallel_loop3A_634 = tpu.dynamic_gather %parallel_loop3A_614[%parallel_loop3A_633] in [0] : vector<16xi32>, vector<16xi32> -> vector<16xi32>
        %parallel_loop3A_635 = arith.constant 0 : i32
        %parallel_loop3A_636 = vector.broadcast %parallel_loop3A_635 : i32 to vector<16xi32>
        %parallel_loop3A_637 = arith.cmpi slt, %parallel_loop3A_624, %parallel_loop3A_636 : vector<16xi32>
        %parallel_loop3A_638 = arith.constant 16 : i32
        %parallel_loop3A_639 = vector.broadcast %parallel_loop3A_638 : i32 to vector<16xi32>
        %parallel_loop3A_640 = arith.addi %parallel_loop3A_624, %parallel_loop3A_639 : vector<16xi32>
        %parallel_loop3A_641 = arith.select %parallel_loop3A_637, %parallel_loop3A_640, %parallel_loop3A_624 : vector<16xi1>, vector<16xi32>
        %parallel_loop3A_642 = vector.shape_cast %parallel_loop3A_641 : vector<16xi32> to vector<16x1xi32>
        %parallel_loop3A_643 = vector.shape_cast %parallel_loop3A_642 : vector<16x1xi32> to vector<16xi32>
        %parallel_loop3A_644 = tpu.dynamic_gather %parallel_loop3A_617[%parallel_loop3A_643] in [0] : vector<16xi32>, vector<16xi32> -> vector<16xi32>
        %parallel_loop3A_645 = arith.constant 0 : i32
        %parallel_loop3A_646 = vector.broadcast %parallel_loop3A_645 : i32 to vector<16xi32>
        %parallel_loop3A_647 = arith.cmpi sgt, %parallel_loop3A_620, %parallel_loop3A_646 : vector<16xi32>
        %parallel_loop3A_648 = arith.constant 0 : i32
        %parallel_loop3A_649 = vector.broadcast %parallel_loop3A_648 : i32 to vector<16xi32>
        %parallel_loop3A_650 = arith.cmpi slt, %parallel_loop3A_501, %parallel_loop3A_649 : vector<16xi32>
        %parallel_loop3A_651 = arith.andi %parallel_loop3A_647, %parallel_loop3A_650 : vector<16xi1>
        %parallel_loop3A_652 = vector.broadcast %parallel_loop3A_499 : i32 to vector<16xi32>
        %parallel_loop3A_653 = arith.addi %parallel_loop3A_623, %parallel_loop3A_652 : vector<16xi32>
        %parallel_loop3A_654 = arith.select %parallel_loop3A_651, %parallel_loop3A_653, %parallel_loop3A_501 : vector<16xi1>, vector<16xi32>
        %parallel_loop3A_655 = arith.select %parallel_loop3A_651, %parallel_loop3A_634, %parallel_loop3A_502 : vector<16xi1>, vector<16xi32>
        %parallel_loop3A_656 = arith.addi %parallel_loop3A_500, %parallel_loop3A_644 : vector<16xi32>
        %parallel_loop3A_657 = arith.subi %parallel_loop3A_656, %parallel_loop3A_634 : vector<16xi32>
        %parallel_loop3A_658 = arith.select %parallel_loop3A_651, %parallel_loop3A_657, %parallel_loop3A_503 : vector<16xi1>, vector<16xi32>
        %parallel_loop3A_659 = arith.constant 0 : i32
        %parallel_loop3A_660 = vector.broadcast %parallel_loop3A_659 : i32 to vector<16xi32>
        %parallel_loop3A_661 = arith.cmpi slt, %broadcast_in_dim3A_10, %parallel_loop3A_660 : vector<16xi32>
        %parallel_loop3A_662 = arith.constant 16 : i32
        %parallel_loop3A_663 = vector.broadcast %parallel_loop3A_662 : i32 to vector<16xi32>
        %parallel_loop3A_664 = arith.addi %broadcast_in_dim3A_10, %parallel_loop3A_663 : vector<16xi32>
        %parallel_loop3A_665 = arith.select %parallel_loop3A_661, %parallel_loop3A_664, %broadcast_in_dim3A_10 : vector<16xi1>, vector<16xi32>
        %parallel_loop3A_666 = vector.shape_cast %parallel_loop3A_665 : vector<16xi32> to vector<16x1xi32>
        %parallel_loop3A_667 = vector.shape_cast %parallel_loop3A_666 : vector<16x1xi32> to vector<16xi32>
        %parallel_loop3A_668 = tpu.dynamic_gather %parallel_loop3A_617[%parallel_loop3A_667] in [0] : vector<16xi32>, vector<16xi32> -> vector<16xi32>
        %parallel_loop3A_669 = arith.addi %parallel_loop3A_500, %parallel_loop3A_668 : vector<16xi32>
        scf.yield %parallel_loop3A_669, %parallel_loop3A_654, %parallel_loop3A_655, %parallel_loop3A_658 : vector<16xi32>, vector<16xi32>, vector<16xi32>, vector<16xi32>
      } {sc.loop_unroll_factor = 1 : i64, sc.parallel_access}
      %sub3A_403 = arith.subi %parallel_loop3A_356#2, %parallel_loop3A_402#3 : vector<16xi32>
      %sub3A_404 = arith.subi %sub3A_403, %parallel_loop3A_402#2 : vector<16xi32>
      %sub3A_405 = arith.subi %sub3A_359, %sub3A_404 : vector<16xi32>
      %shift_left3A_406 = arith.constant 8 : i32
      %shift_left3A_407 = vector.broadcast %shift_left3A_406 : i32 to vector<16xi32>
      %shift_left3A_408 = arith.shli %or3A_363, %shift_left3A_407 : vector<16xi32>
      %or3A_409 = arith.ori %shift_left3A_408, %parallel_loop3A_402#1 : vector<16xi32>
      %add3A_410 = arith.constant 16 : i32
      %add3A_411 = arith.addi %parallel_loop3A_349, %add3A_410 : i32
      %sub3A_412 = arith.constant 1 : i32
      %sub3A_413 = arith.subi %add3A_411, %sub3A_412 : i32
      %jit3A_414 = arith.constant 16 : i32
      %div3A_415 = arith.divsi %sub3A_413, %jit3A_414 : i32
      %sign3A_416 = arith.constant 0 : i32
      %sign3A_417 = arith.cmpi sgt, %sub3A_413, %sign3A_416 : i32
      %sign3A_418 = arith.extui %sign3A_417 : i1 to i32
      %sign3A_419 = arith.constant 0 : i32
      %sign3A_420 = arith.cmpi slt, %sub3A_413, %sign3A_419 : i32
      %sign3A_421 = arith.extui %sign3A_420 : i1 to i32
      %sign3A_422 = arith.subi %sign3A_418, %sign3A_421 : i32
      %sign3A_423 = arith.constant 0 : i32
      %sign3A_424 = arith.cmpi sgt, %jit3A_414, %sign3A_423 : i32
      %sign3A_425 = arith.extui %sign3A_424 : i1 to i32
      %sign3A_426 = arith.constant 0 : i32
      %sign3A_427 = arith.cmpi slt, %jit3A_414, %sign3A_426 : i32
      %sign3A_428 = arith.extui %sign3A_427 : i1 to i32
      %sign3A_429 = arith.subi %sign3A_425, %sign3A_428 : i32
      %ne3A_430 = arith.cmpi ne, %sign3A_422, %sign3A_429 : i32
      %rem3A_431 = arith.remsi %sub3A_413, %jit3A_414 : i32
      %ne3A_432 = arith.constant 0 : i32
      %ne3A_433 = arith.cmpi ne, %rem3A_431, %ne3A_432 : i32
      %and3A_434 = arith.andi %ne3A_430, %ne3A_433 : i1
      %sub3A_435 = arith.constant 1 : i32
      %sub3A_436 = arith.subi %div3A_415, %sub3A_435 : i32
      %select_n3A_437 = arith.select %and3A_434, %sub3A_436, %div3A_415 : i32
      %mul3A_438 = arith.constant 16 : i32
      %mul3A_439 = arith.muli %select_n3A_437, %mul3A_438 : i32
      %parallel_loop3A_440 = arith.constant 0 : i32
      %parallel_loop3A_441 = arith.constant 16 : i32
      scf.for %parallel_loop3A_499 = %parallel_loop3A_440 to %mul3A_439 step %parallel_loop3A_441  : i32 {
        %parallel_loop3A_500 = arith.index_cast %parallel_loop3A_499 : i32 to index
        %parallel_loop3A_501 = tpu.vector_load %arg7[%parallel_loop3A_500] {strides = array<i32>} : memref<16384xi32, #tpu.memory_space<vmem>>, vector<16xi32>,
        %parallel_loop3A_502 = vector.broadcast %parallel_loop3A_499 : i32 to vector<16xi32>
        %parallel_loop3A_503 = arith.addi %iota3A, %parallel_loop3A_502 : vector<16xi32>
        %parallel_loop3A_504 = vector.broadcast %parallel_loop3A_349 : i32 to vector<16xi32>
        %parallel_loop3A_505 = arith.cmpi slt, %parallel_loop3A_503, %parallel_loop3A_504 : vector<16xi32>
        %parallel_loop3A_506 = arith.constant 8 : i32
        %parallel_loop3A_507 = vector.broadcast %parallel_loop3A_506 : i32 to vector<16xi32>
        %parallel_loop3A_508 = arith.shrui %parallel_loop3A_501, %parallel_loop3A_507 : vector<16xi32>
        %parallel_loop3A_509 = arith.cmpi eq, %parallel_loop3A_508, %or3A_409 : vector<16xi32>
        %parallel_loop3A_510 = arith.andi %parallel_loop3A_505, %parallel_loop3A_509 : vector<16xi1>
        %parallel_loop3A_511 = arith.constant 255 : i32
        %parallel_loop3A_512 = vector.broadcast %parallel_loop3A_511 : i32 to vector<16xi32>
        %parallel_loop3A_513 = arith.andi %parallel_loop3A_501, %parallel_loop3A_512 : vector<16xi32>
        %parallel_loop3A_514 = arith.addi %mul3A_5, %parallel_loop3A_513 : vector<16xi32>
        tpu.vector_store_idx %arg9[%parallel_loop3A_514], %broadcast_in_dim3A_6 masked %parallel_loop3A_510 {add = true} : memref<4096xi32, #tpu.memory_space<vmem>>[vector<16xi32>], vector<16xi32>, vector<16xi1>
      } {sc.loop_unroll_factor = 1 : i64, sc.parallel_access}
      %sub3A_442 = arith.subi %parallel_loop3A_402#2, %sub3A_405 : vector<16xi32>
      %broadcast_in_dim3A_443 = arith.constant -1 : i32
      %broadcast_in_dim3A_444 = vector.broadcast %broadcast_in_dim3A_443 : i32 to vector<16xi32>
      %parallel_loop3A_445 = arith.constant 0 : i32
      %parallel_loop3A_446 = arith.constant 256 : i32
      %parallel_loop3A_447 = arith.constant 16 : i32
      %parallel_loop3A_448:4 = scf.for %parallel_loop3A_499 = %parallel_loop3A_445 to %parallel_loop3A_446 step %parallel_loop3A_447 iter_args(%parallel_loop3A_500 = %broadcast_in_dim3A_8, %parallel_loop3A_501 = %broadcast_in_dim3A_444, %parallel_loop3A_502 = %broadcast_in_dim3A_8, %parallel_loop3A_503 = %broadcast_in_dim3A_8) -> (vector<16xi32>, vector<16xi32>, vector<16xi32>, vector<16xi32>)  : i32 {
        %parallel_loop3A_504 = arith.constant 0 : i32
        %parallel_loop3A_505 = arith.addi %parallel_loop3A_504, %parallel_loop3A_499 : i32
        %parallel_loop3A_506 = arith.index_cast %parallel_loop3A_505 : i32 to index
        %parallel_loop3A_507 = tpu.vector_load %arg9[%parallel_loop3A_506] {strides = array<i32>} : memref<4096xi32, #tpu.memory_space<vmem>>, vector<16xi32>,
        %parallel_loop3A_508 = arith.index_cast %parallel_loop3A_505 : i32 to index
        %parallel_loop3A_509 = tpu.vector_load %arg9[%parallel_loop3A_508] {strides = array<i32>} : memref<4096xi32, #tpu.memory_space<vmem>>, vector<16xi32>,
        tpu.vector_store %arg9[%parallel_loop3A_508], %broadcast_in_dim3A_8 {strides = array<i32>} : memref<4096xi32, #tpu.memory_space<vmem>>, vector<16xi32>,
        %parallel_loop3A_510 = arith.constant 256 : i32
        %parallel_loop3A_511 = arith.addi %parallel_loop3A_510, %parallel_loop3A_499 : i32
        %parallel_loop3A_512 = arith.index_cast %parallel_loop3A_511 : i32 to index
        %parallel_loop3A_513 = tpu.vector_load %arg9[%parallel_loop3A_512] {strides = array<i32>} : memref<4096xi32, #tpu.memory_space<vmem>>, vector<16xi32>,
        %parallel_loop3A_514 = arith.index_cast %parallel_loop3A_511 : i32 to index
        %parallel_loop3A_515 = tpu.vector_load %arg9[%parallel_loop3A_514] {strides = array<i32>} : memref<4096xi32, #tpu.memory_space<vmem>>, vector<16xi32>,
        tpu.vector_store %arg9[%parallel_loop3A_514], %broadcast_in_dim3A_8 {strides = array<i32>} : memref<4096xi32, #tpu.memory_space<vmem>>, vector<16xi32>,
        %parallel_loop3A_516 = arith.constant 512 : i32
        %parallel_loop3A_517 = arith.addi %parallel_loop3A_516, %parallel_loop3A_499 : i32
        %parallel_loop3A_518 = arith.index_cast %parallel_loop3A_517 : i32 to index
        %parallel_loop3A_519 = tpu.vector_load %arg9[%parallel_loop3A_518] {strides = array<i32>} : memref<4096xi32, #tpu.memory_space<vmem>>, vector<16xi32>,
        %parallel_loop3A_520 = arith.index_cast %parallel_loop3A_517 : i32 to index
        %parallel_loop3A_521 = tpu.vector_load %arg9[%parallel_loop3A_520] {strides = array<i32>} : memref<4096xi32, #tpu.memory_space<vmem>>, vector<16xi32>,
        tpu.vector_store %arg9[%parallel_loop3A_520], %broadcast_in_dim3A_8 {strides = array<i32>} : memref<4096xi32, #tpu.memory_space<vmem>>, vector<16xi32>,
        %parallel_loop3A_522 = arith.constant 768 : i32
        %parallel_loop3A_523 = arith.addi %parallel_loop3A_522, %parallel_loop3A_499 : i32
        %parallel_loop3A_524 = arith.index_cast %parallel_loop3A_523 : i32 to index
        %parallel_loop3A_525 = tpu.vector_load %arg9[%parallel_loop3A_524] {strides = array<i32>} : memref<4096xi32, #tpu.memory_space<vmem>>, vector<16xi32>,
        %parallel_loop3A_526 = arith.index_cast %parallel_loop3A_523 : i32 to index
        %parallel_loop3A_527 = tpu.vector_load %arg9[%parallel_loop3A_526] {strides = array<i32>} : memref<4096xi32, #tpu.memory_space<vmem>>, vector<16xi32>,
        tpu.vector_store %arg9[%parallel_loop3A_526], %broadcast_in_dim3A_8 {strides = array<i32>} : memref<4096xi32, #tpu.memory_space<vmem>>, vector<16xi32>,
        %parallel_loop3A_528 = arith.constant 1024 : i32
        %parallel_loop3A_529 = arith.addi %parallel_loop3A_528, %parallel_loop3A_499 : i32
        %parallel_loop3A_530 = arith.index_cast %parallel_loop3A_529 : i32 to index
        %parallel_loop3A_531 = tpu.vector_load %arg9[%parallel_loop3A_530] {strides = array<i32>} : memref<4096xi32, #tpu.memory_space<vmem>>, vector<16xi32>,
        %parallel_loop3A_532 = arith.index_cast %parallel_loop3A_529 : i32 to index
        %parallel_loop3A_533 = tpu.vector_load %arg9[%parallel_loop3A_532] {strides = array<i32>} : memref<4096xi32, #tpu.memory_space<vmem>>, vector<16xi32>,
        tpu.vector_store %arg9[%parallel_loop3A_532], %broadcast_in_dim3A_8 {strides = array<i32>} : memref<4096xi32, #tpu.memory_space<vmem>>, vector<16xi32>,
        %parallel_loop3A_534 = arith.constant 1280 : i32
        %parallel_loop3A_535 = arith.addi %parallel_loop3A_534, %parallel_loop3A_499 : i32
        %parallel_loop3A_536 = arith.index_cast %parallel_loop3A_535 : i32 to index
        %parallel_loop3A_537 = tpu.vector_load %arg9[%parallel_loop3A_536] {strides = array<i32>} : memref<4096xi32, #tpu.memory_space<vmem>>, vector<16xi32>,
        %parallel_loop3A_538 = arith.index_cast %parallel_loop3A_535 : i32 to index
        %parallel_loop3A_539 = tpu.vector_load %arg9[%parallel_loop3A_538] {strides = array<i32>} : memref<4096xi32, #tpu.memory_space<vmem>>, vector<16xi32>,
        tpu.vector_store %arg9[%parallel_loop3A_538], %broadcast_in_dim3A_8 {strides = array<i32>} : memref<4096xi32, #tpu.memory_space<vmem>>, vector<16xi32>,
        %parallel_loop3A_540 = arith.constant 1536 : i32
        %parallel_loop3A_541 = arith.addi %parallel_loop3A_540, %parallel_loop3A_499 : i32
        %parallel_loop3A_542 = arith.index_cast %parallel_loop3A_541 : i32 to index
        %parallel_loop3A_543 = tpu.vector_load %arg9[%parallel_loop3A_542] {strides = array<i32>} : memref<4096xi32, #tpu.memory_space<vmem>>, vector<16xi32>,
        %parallel_loop3A_544 = arith.index_cast %parallel_loop3A_541 : i32 to index
        %parallel_loop3A_545 = tpu.vector_load %arg9[%parallel_loop3A_544] {strides = array<i32>} : memref<4096xi32, #tpu.memory_space<vmem>>, vector<16xi32>,
        tpu.vector_store %arg9[%parallel_loop3A_544], %broadcast_in_dim3A_8 {strides = array<i32>} : memref<4096xi32, #tpu.memory_space<vmem>>, vector<16xi32>,
        %parallel_loop3A_546 = arith.constant 1792 : i32
        %parallel_loop3A_547 = arith.addi %parallel_loop3A_546, %parallel_loop3A_499 : i32
        %parallel_loop3A_548 = arith.index_cast %parallel_loop3A_547 : i32 to index
        %parallel_loop3A_549 = tpu.vector_load %arg9[%parallel_loop3A_548] {strides = array<i32>} : memref<4096xi32, #tpu.memory_space<vmem>>, vector<16xi32>,
        %parallel_loop3A_550 = arith.index_cast %parallel_loop3A_547 : i32 to index
        %parallel_loop3A_551 = tpu.vector_load %arg9[%parallel_loop3A_550] {strides = array<i32>} : memref<4096xi32, #tpu.memory_space<vmem>>, vector<16xi32>,
        tpu.vector_store %arg9[%parallel_loop3A_550], %broadcast_in_dim3A_8 {strides = array<i32>} : memref<4096xi32, #tpu.memory_space<vmem>>, vector<16xi32>,
        %parallel_loop3A_552 = arith.constant 2048 : i32
        %parallel_loop3A_553 = arith.addi %parallel_loop3A_552, %parallel_loop3A_499 : i32
        %parallel_loop3A_554 = arith.index_cast %parallel_loop3A_553 : i32 to index
        %parallel_loop3A_555 = tpu.vector_load %arg9[%parallel_loop3A_554] {strides = array<i32>} : memref<4096xi32, #tpu.memory_space<vmem>>, vector<16xi32>,
        %parallel_loop3A_556 = arith.index_cast %parallel_loop3A_553 : i32 to index
        %parallel_loop3A_557 = tpu.vector_load %arg9[%parallel_loop3A_556] {strides = array<i32>} : memref<4096xi32, #tpu.memory_space<vmem>>, vector<16xi32>,
        tpu.vector_store %arg9[%parallel_loop3A_556], %broadcast_in_dim3A_8 {strides = array<i32>} : memref<4096xi32, #tpu.memory_space<vmem>>, vector<16xi32>,
        %parallel_loop3A_558 = arith.constant 2304 : i32
        %parallel_loop3A_559 = arith.addi %parallel_loop3A_558, %parallel_loop3A_499 : i32
        %parallel_loop3A_560 = arith.index_cast %parallel_loop3A_559 : i32 to index
        %parallel_loop3A_561 = tpu.vector_load %arg9[%parallel_loop3A_560] {strides = array<i32>} : memref<4096xi32, #tpu.memory_space<vmem>>, vector<16xi32>,
        %parallel_loop3A_562 = arith.index_cast %parallel_loop3A_559 : i32 to index
        %parallel_loop3A_563 = tpu.vector_load %arg9[%parallel_loop3A_562] {strides = array<i32>} : memref<4096xi32, #tpu.memory_space<vmem>>, vector<16xi32>,
        tpu.vector_store %arg9[%parallel_loop3A_562], %broadcast_in_dim3A_8 {strides = array<i32>} : memref<4096xi32, #tpu.memory_space<vmem>>, vector<16xi32>,
        %parallel_loop3A_564 = arith.constant 2560 : i32
        %parallel_loop3A_565 = arith.addi %parallel_loop3A_564, %parallel_loop3A_499 : i32
        %parallel_loop3A_566 = arith.index_cast %parallel_loop3A_565 : i32 to index
        %parallel_loop3A_567 = tpu.vector_load %arg9[%parallel_loop3A_566] {strides = array<i32>} : memref<4096xi32, #tpu.memory_space<vmem>>, vector<16xi32>,
        %parallel_loop3A_568 = arith.index_cast %parallel_loop3A_565 : i32 to index
        %parallel_loop3A_569 = tpu.vector_load %arg9[%parallel_loop3A_568] {strides = array<i32>} : memref<4096xi32, #tpu.memory_space<vmem>>, vector<16xi32>,
        tpu.vector_store %arg9[%parallel_loop3A_568], %broadcast_in_dim3A_8 {strides = array<i32>} : memref<4096xi32, #tpu.memory_space<vmem>>, vector<16xi32>,
        %parallel_loop3A_570 = arith.constant 2816 : i32
        %parallel_loop3A_571 = arith.addi %parallel_loop3A_570, %parallel_loop3A_499 : i32
        %parallel_loop3A_572 = arith.index_cast %parallel_loop3A_571 : i32 to index
        %parallel_loop3A_573 = tpu.vector_load %arg9[%parallel_loop3A_572] {strides = array<i32>} : memref<4096xi32, #tpu.memory_space<vmem>>, vector<16xi32>,
        %parallel_loop3A_574 = arith.index_cast %parallel_loop3A_571 : i32 to index
        %parallel_loop3A_575 = tpu.vector_load %arg9[%parallel_loop3A_574] {strides = array<i32>} : memref<4096xi32, #tpu.memory_space<vmem>>, vector<16xi32>,
        tpu.vector_store %arg9[%parallel_loop3A_574], %broadcast_in_dim3A_8 {strides = array<i32>} : memref<4096xi32, #tpu.memory_space<vmem>>, vector<16xi32>,
        %parallel_loop3A_576 = arith.constant 3072 : i32
        %parallel_loop3A_577 = arith.addi %parallel_loop3A_576, %parallel_loop3A_499 : i32
        %parallel_loop3A_578 = arith.index_cast %parallel_loop3A_577 : i32 to index
        %parallel_loop3A_579 = tpu.vector_load %arg9[%parallel_loop3A_578] {strides = array<i32>} : memref<4096xi32, #tpu.memory_space<vmem>>, vector<16xi32>,
        %parallel_loop3A_580 = arith.index_cast %parallel_loop3A_577 : i32 to index
        %parallel_loop3A_581 = tpu.vector_load %arg9[%parallel_loop3A_580] {strides = array<i32>} : memref<4096xi32, #tpu.memory_space<vmem>>, vector<16xi32>,
        tpu.vector_store %arg9[%parallel_loop3A_580], %broadcast_in_dim3A_8 {strides = array<i32>} : memref<4096xi32, #tpu.memory_space<vmem>>, vector<16xi32>,
        %parallel_loop3A_582 = arith.constant 3328 : i32
        %parallel_loop3A_583 = arith.addi %parallel_loop3A_582, %parallel_loop3A_499 : i32
        %parallel_loop3A_584 = arith.index_cast %parallel_loop3A_583 : i32 to index
        %parallel_loop3A_585 = tpu.vector_load %arg9[%parallel_loop3A_584] {strides = array<i32>} : memref<4096xi32, #tpu.memory_space<vmem>>, vector<16xi32>,
        %parallel_loop3A_586 = arith.index_cast %parallel_loop3A_583 : i32 to index
        %parallel_loop3A_587 = tpu.vector_load %arg9[%parallel_loop3A_586] {strides = array<i32>} : memref<4096xi32, #tpu.memory_space<vmem>>, vector<16xi32>,
        tpu.vector_store %arg9[%parallel_loop3A_586], %broadcast_in_dim3A_8 {strides = array<i32>} : memref<4096xi32, #tpu.memory_space<vmem>>, vector<16xi32>,
        %parallel_loop3A_588 = arith.constant 3584 : i32
        %parallel_loop3A_589 = arith.addi %parallel_loop3A_588, %parallel_loop3A_499 : i32
        %parallel_loop3A_590 = arith.index_cast %parallel_loop3A_589 : i32 to index
        %parallel_loop3A_591 = tpu.vector_load %arg9[%parallel_loop3A_590] {strides = array<i32>} : memref<4096xi32, #tpu.memory_space<vmem>>, vector<16xi32>,
        %parallel_loop3A_592 = arith.index_cast %parallel_loop3A_589 : i32 to index
        %parallel_loop3A_593 = tpu.vector_load %arg9[%parallel_loop3A_592] {strides = array<i32>} : memref<4096xi32, #tpu.memory_space<vmem>>, vector<16xi32>,
        tpu.vector_store %arg9[%parallel_loop3A_592], %broadcast_in_dim3A_8 {strides = array<i32>} : memref<4096xi32, #tpu.memory_space<vmem>>, vector<16xi32>,
        %parallel_loop3A_594 = arith.constant 3840 : i32
        %parallel_loop3A_595 = arith.addi %parallel_loop3A_594, %parallel_loop3A_499 : i32
        %parallel_loop3A_596 = arith.index_cast %parallel_loop3A_595 : i32 to index
        %parallel_loop3A_597 = tpu.vector_load %arg9[%parallel_loop3A_596] {strides = array<i32>} : memref<4096xi32, #tpu.memory_space<vmem>>, vector<16xi32>,
        %parallel_loop3A_598 = arith.index_cast %parallel_loop3A_595 : i32 to index
        %parallel_loop3A_599 = tpu.vector_load %arg9[%parallel_loop3A_598] {strides = array<i32>} : memref<4096xi32, #tpu.memory_space<vmem>>, vector<16xi32>,
        tpu.vector_store %arg9[%parallel_loop3A_598], %broadcast_in_dim3A_8 {strides = array<i32>} : memref<4096xi32, #tpu.memory_space<vmem>>, vector<16xi32>,
        %parallel_loop3A_600 = arith.addi %parallel_loop3A_507, %parallel_loop3A_513 : vector<16xi32>
        %parallel_loop3A_601 = arith.addi %parallel_loop3A_519, %parallel_loop3A_525 : vector<16xi32>
        %parallel_loop3A_602 = arith.addi %parallel_loop3A_531, %parallel_loop3A_537 : vector<16xi32>
        %parallel_loop3A_603 = arith.addi %parallel_loop3A_543, %parallel_loop3A_549 : vector<16xi32>
        %parallel_loop3A_604 = arith.addi %parallel_loop3A_555, %parallel_loop3A_561 : vector<16xi32>
        %parallel_loop3A_605 = arith.addi %parallel_loop3A_567, %parallel_loop3A_573 : vector<16xi32>
        %parallel_loop3A_606 = arith.addi %parallel_loop3A_579, %parallel_loop3A_585 : vector<16xi32>
        %parallel_loop3A_607 = arith.addi %parallel_loop3A_591, %parallel_loop3A_597 : vector<16xi32>
        %parallel_loop3A_608 = arith.addi %parallel_loop3A_600, %parallel_loop3A_601 : vector<16xi32>
        %parallel_loop3A_609 = arith.addi %parallel_loop3A_602, %parallel_loop3A_603 : vector<16xi32>
        %parallel_loop3A_610 = arith.addi %parallel_loop3A_604, %parallel_loop3A_605 : vector<16xi32>
        %parallel_loop3A_611 = arith.addi %parallel_loop3A_606, %parallel_loop3A_607 : vector<16xi32>
        %parallel_loop3A_612 = arith.addi %parallel_loop3A_608, %parallel_loop3A_609 : vector<16xi32>
        %parallel_loop3A_613 = arith.addi %parallel_loop3A_610, %parallel_loop3A_611 : vector<16xi32>
        %parallel_loop3A_614 = arith.addi %parallel_loop3A_612, %parallel_loop3A_613 : vector<16xi32>
        %parallel_loop3A_615 = arith.constant true
        %parallel_loop3A_616 = vector.broadcast %parallel_loop3A_615 : i1 to vector<16xi1>
        %parallel_loop3A_617 = tpu.scan <sum>, %parallel_loop3A_614 masked %parallel_loop3A_616 : vector<16xi32>, vector<16xi1> -> vector<16xi32>
        %parallel_loop3A_618 = arith.addi %parallel_loop3A_500, %parallel_loop3A_617 : vector<16xi32>
        %parallel_loop3A_619 = arith.cmpi sgt, %parallel_loop3A_618, %sub3A_442 : vector<16xi32>
        %parallel_loop3A_620 = tpu.all_reduce %parallel_loop3A_619 {dim = 0 : i64, kind = #tpu.reduction_kind<sum>} : vector<16xi1> -> vector<16xi32>
        %parallel_loop3A_621 = arith.constant 16 : i32
        %parallel_loop3A_622 = vector.broadcast %parallel_loop3A_621 : i32 to vector<16xi32>
        %parallel_loop3A_623 = arith.subi %parallel_loop3A_622, %parallel_loop3A_620 : vector<16xi32>
        %parallel_loop3A_624 = arith.minsi %parallel_loop3A_623, %broadcast_in_dim3A_10 : vector<16xi32>
        %parallel_loop3A_625 = arith.constant 0 : i32
        %parallel_loop3A_626 = vector.broadcast %parallel_loop3A_625 : i32 to vector<16xi32>
        %parallel_loop3A_627 = arith.cmpi slt, %parallel_loop3A_624, %parallel_loop3A_626 : vector<16xi32>
        %parallel_loop3A_628 = arith.constant 16 : i32
        %parallel_loop3A_629 = vector.broadcast %parallel_loop3A_628 : i32 to vector<16xi32>
        %parallel_loop3A_630 = arith.addi %parallel_loop3A_624, %parallel_loop3A_629 : vector<16xi32>
        %parallel_loop3A_631 = arith.select %parallel_loop3A_627, %parallel_loop3A_630, %parallel_loop3A_624 : vector<16xi1>, vector<16xi32>
        %parallel_loop3A_632 = vector.shape_cast %parallel_loop3A_631 : vector<16xi32> to vector<16x1xi32>
        %parallel_loop3A_633 = vector.shape_cast %parallel_loop3A_632 : vector<16x1xi32> to vector<16xi32>
        %parallel_loop3A_634 = tpu.dynamic_gather %parallel_loop3A_614[%parallel_loop3A_633] in [0] : vector<16xi32>, vector<16xi32> -> vector<16xi32>
        %parallel_loop3A_635 = arith.constant 0 : i32
        %parallel_loop3A_636 = vector.broadcast %parallel_loop3A_635 : i32 to vector<16xi32>
        %parallel_loop3A_637 = arith.cmpi slt, %parallel_loop3A_624, %parallel_loop3A_636 : vector<16xi32>
        %parallel_loop3A_638 = arith.constant 16 : i32
        %parallel_loop3A_639 = vector.broadcast %parallel_loop3A_638 : i32 to vector<16xi32>
        %parallel_loop3A_640 = arith.addi %parallel_loop3A_624, %parallel_loop3A_639 : vector<16xi32>
        %parallel_loop3A_641 = arith.select %parallel_loop3A_637, %parallel_loop3A_640, %parallel_loop3A_624 : vector<16xi1>, vector<16xi32>
        %parallel_loop3A_642 = vector.shape_cast %parallel_loop3A_641 : vector<16xi32> to vector<16x1xi32>
        %parallel_loop3A_643 = vector.shape_cast %parallel_loop3A_642 : vector<16x1xi32> to vector<16xi32>
        %parallel_loop3A_644 = tpu.dynamic_gather %parallel_loop3A_617[%parallel_loop3A_643] in [0] : vector<16xi32>, vector<16xi32> -> vector<16xi32>
        %parallel_loop3A_645 = arith.constant 0 : i32
        %parallel_loop3A_646 = vector.broadcast %parallel_loop3A_645 : i32 to vector<16xi32>
        %parallel_loop3A_647 = arith.cmpi sgt, %parallel_loop3A_620, %parallel_loop3A_646 : vector<16xi32>
        %parallel_loop3A_648 = arith.constant 0 : i32
        %parallel_loop3A_649 = vector.broadcast %parallel_loop3A_648 : i32 to vector<16xi32>
        %parallel_loop3A_650 = arith.cmpi slt, %parallel_loop3A_501, %parallel_loop3A_649 : vector<16xi32>
        %parallel_loop3A_651 = arith.andi %parallel_loop3A_647, %parallel_loop3A_650 : vector<16xi1>
        %parallel_loop3A_652 = vector.broadcast %parallel_loop3A_499 : i32 to vector<16xi32>
        %parallel_loop3A_653 = arith.addi %parallel_loop3A_623, %parallel_loop3A_652 : vector<16xi32>
        %parallel_loop3A_654 = arith.select %parallel_loop3A_651, %parallel_loop3A_653, %parallel_loop3A_501 : vector<16xi1>, vector<16xi32>
        %parallel_loop3A_655 = arith.select %parallel_loop3A_651, %parallel_loop3A_634, %parallel_loop3A_502 : vector<16xi1>, vector<16xi32>
        %parallel_loop3A_656 = arith.addi %parallel_loop3A_500, %parallel_loop3A_644 : vector<16xi32>
        %parallel_loop3A_657 = arith.subi %parallel_loop3A_656, %parallel_loop3A_634 : vector<16xi32>
        %parallel_loop3A_658 = arith.select %parallel_loop3A_651, %parallel_loop3A_657, %parallel_loop3A_503 : vector<16xi1>, vector<16xi32>
        %parallel_loop3A_659 = arith.constant 0 : i32
        %parallel_loop3A_660 = vector.broadcast %parallel_loop3A_659 : i32 to vector<16xi32>
        %parallel_loop3A_661 = arith.cmpi slt, %broadcast_in_dim3A_10, %parallel_loop3A_660 : vector<16xi32>
        %parallel_loop3A_662 = arith.constant 16 : i32
        %parallel_loop3A_663 = vector.broadcast %parallel_loop3A_662 : i32 to vector<16xi32>
        %parallel_loop3A_664 = arith.addi %broadcast_in_dim3A_10, %parallel_loop3A_663 : vector<16xi32>
        %parallel_loop3A_665 = arith.select %parallel_loop3A_661, %parallel_loop3A_664, %broadcast_in_dim3A_10 : vector<16xi1>, vector<16xi32>
        %parallel_loop3A_666 = vector.shape_cast %parallel_loop3A_665 : vector<16xi32> to vector<16x1xi32>
        %parallel_loop3A_667 = vector.shape_cast %parallel_loop3A_666 : vector<16x1xi32> to vector<16xi32>
        %parallel_loop3A_668 = tpu.dynamic_gather %parallel_loop3A_617[%parallel_loop3A_667] in [0] : vector<16xi32>, vector<16xi32> -> vector<16xi32>
        %parallel_loop3A_669 = arith.addi %parallel_loop3A_500, %parallel_loop3A_668 : vector<16xi32>
        scf.yield %parallel_loop3A_669, %parallel_loop3A_654, %parallel_loop3A_655, %parallel_loop3A_658 : vector<16xi32>, vector<16xi32>, vector<16xi32>, vector<16xi32>
      } {sc.loop_unroll_factor = 1 : i64, sc.parallel_access}
      %shift_left3A_449 = arith.constant 8 : i32
      %shift_left3A_450 = vector.broadcast %shift_left3A_449 : i32 to vector<16xi32>
      %shift_left3A_451 = arith.shli %or3A_409, %shift_left3A_450 : vector<16xi32>
      %or3A_452 = arith.ori %shift_left3A_451, %parallel_loop3A_448#1 : vector<16xi32>
      %add3A_453 = arith.constant 16 : i32
      %add3A_454 = arith.addi %parallel_loop3A_349, %add3A_453 : i32
      %sub3A_455 = arith.constant 1 : i32
      %sub3A_456 = arith.subi %add3A_454, %sub3A_455 : i32
      %jit3A_457 = arith.constant 16 : i32
      %div3A_458 = arith.divsi %sub3A_456, %jit3A_457 : i32
      %sign3A_459 = arith.constant 0 : i32
      %sign3A_460 = arith.cmpi sgt, %sub3A_456, %sign3A_459 : i32
      %sign3A_461 = arith.extui %sign3A_460 : i1 to i32
      %sign3A_462 = arith.constant 0 : i32
      %sign3A_463 = arith.cmpi slt, %sub3A_456, %sign3A_462 : i32
      %sign3A_464 = arith.extui %sign3A_463 : i1 to i32
      %sign3A_465 = arith.subi %sign3A_461, %sign3A_464 : i32
      %sign3A_466 = arith.constant 0 : i32
      %sign3A_467 = arith.cmpi sgt, %jit3A_457, %sign3A_466 : i32
      %sign3A_468 = arith.extui %sign3A_467 : i1 to i32
      %sign3A_469 = arith.constant 0 : i32
      %sign3A_470 = arith.cmpi slt, %jit3A_457, %sign3A_469 : i32
      %sign3A_471 = arith.extui %sign3A_470 : i1 to i32
      %sign3A_472 = arith.subi %sign3A_468, %sign3A_471 : i32
      %ne3A_473 = arith.cmpi ne, %sign3A_465, %sign3A_472 : i32
      %rem3A_474 = arith.remsi %sub3A_456, %jit3A_457 : i32
      %ne3A_475 = arith.constant 0 : i32
      %ne3A_476 = arith.cmpi ne, %rem3A_474, %ne3A_475 : i32
      %and3A_477 = arith.andi %ne3A_473, %ne3A_476 : i1
      %sub3A_478 = arith.constant 1 : i32
      %sub3A_479 = arith.subi %div3A_458, %sub3A_478 : i32
      %select_n3A_480 = arith.select %and3A_477, %sub3A_479, %div3A_458 : i32
      %mul3A_481 = arith.constant 16 : i32
      %mul3A_482 = arith.muli %select_n3A_480, %mul3A_481 : i32
      %parallel_loop3A_483 = arith.constant 0 : i32
      %parallel_loop3A_484 = arith.constant 16 : i32
      scf.for %parallel_loop3A_499 = %parallel_loop3A_483 to %mul3A_482 step %parallel_loop3A_484  : i32 {
        %parallel_loop3A_500 = arith.index_cast %parallel_loop3A_499 : i32 to index
        %parallel_loop3A_501 = tpu.vector_load %arg7[%parallel_loop3A_500] {strides = array<i32>} : memref<16384xi32, #tpu.memory_space<vmem>>, vector<16xi32>,
        %parallel_loop3A_502 = arith.index_cast %parallel_loop3A_499 : i32 to index
        %parallel_loop3A_503 = tpu.vector_load %arg8[%parallel_loop3A_502] {strides = array<i32>} : memref<16384xi32, #tpu.memory_space<vmem>>, vector<16xi32>,
        %parallel_loop3A_504 = vector.broadcast %parallel_loop3A_499 : i32 to vector<16xi32>
        %parallel_loop3A_505 = arith.addi %iota3A, %parallel_loop3A_504 : vector<16xi32>
        %parallel_loop3A_506 = vector.broadcast %parallel_loop3A_349 : i32 to vector<16xi32>
        %parallel_loop3A_507 = arith.cmpi slt, %parallel_loop3A_505, %parallel_loop3A_506 : vector<16xi32>
        %parallel_loop3A_508 = arith.cmpi uge, %parallel_loop3A_501, %or3A_452 : vector<16xi32>
        %parallel_loop3A_509 = arith.andi %parallel_loop3A_507, %parallel_loop3A_508 : vector<16xi1>
        %parallel_loop3A_510 = arith.constant 16384 : i32
        %parallel_loop3A_511 = vector.broadcast %parallel_loop3A_510 : i32 to vector<16xi32>
        %parallel_loop3A_512 = arith.addi %parallel_loop3A_503, %parallel_loop3A_511 : vector<16xi32>
        %parallel_loop3A_513 = tpu.vector_load_idx %arg5[%parallel_loop3A_512] masked %parallel_loop3A_509 : memref<32768xf32, #tpu.memory_space<vmem>>[vector<16xi32>], vector<16xf32>, vector<16xi1>
        tpu.vector_store_idx %arg6[%parallel_loop3A_512], %parallel_loop3A_513 masked %parallel_loop3A_509 : memref<32768xf32, #tpu.memory_space<vmem>>[vector<16xi32>], vector<16xf32>, vector<16xi1>
      } {sc.loop_unroll_factor = 1 : i64, sc.parallel_access}
      %dma_start3A_485 = arith.constant 1 : i32
      %dma_start3A_486 = arith.constant 16384 : i32
      %dma_start3A_487 = tpu.memref_slice %arg6[%dma_start3A_486] : memref<32768xf32, #tpu.memory_space<vmem>> -> memref<16384xf32, #tpu.memory_space<vmem>>
      %dma_start3A_488 = arith.constant 0 : i32
      %dma_start3A_489 = tpu.memref_slice %arg4[%add3A_283, %dma_start3A_488] : memref<4096x16384xf32, #tpu.memory_space<hbm>> -> memref<1x16384xf32, #tpu.memory_space<hbm>>
      %dma_start3A_490 = tpu.memref_squeeze %dma_start3A_489 : memref<1x16384xf32, #tpu.memory_space<hbm>> -> memref<16384xf32, #tpu.memory_space<hbm>>
      %dma_start3A_491 = tpu.memref_slice %arg11[%dma_start3A_485] : memref<2x!tpu.dma_semaphore, #tpu.memory_space<semaphore_mem>> -> memref<1x!tpu.dma_semaphore, #tpu.memory_space<semaphore_mem>>
      %dma_start3A_492 = tpu.memref_squeeze %dma_start3A_491 : memref<1x!tpu.dma_semaphore, #tpu.memory_space<semaphore_mem>> -> memref<!tpu.dma_semaphore, #tpu.memory_space<semaphore_mem>>
      %dma_start3A_493 = arith.constant 0 : i32
      %dma_start3A_494 = tpu.memref_slice %arg4[%add3A_283, %dma_start3A_493] : memref<4096x16384xf32, #tpu.memory_space<hbm>> -> memref<1x16384xf32, #tpu.memory_space<hbm>>
      %dma_start3A_495 = tpu.memref_squeeze %dma_start3A_494 : memref<1x16384xf32, #tpu.memory_space<hbm>> -> memref<16384xf32, #tpu.memory_space<hbm>>
      %dma_start3A_496 = arith.constant 16384 : i32
      %dma_start3A_497 = tpu.memref_slice %arg6[%dma_start3A_496] : memref<32768xf32, #tpu.memory_space<vmem>> -> memref<16384xf32, #tpu.memory_space<vmem>>
      tpu.enqueue_dma source(%dma_start3A_497 : memref<16384xf32, #tpu.memory_space<vmem>>) target(%dma_start3A_495 : memref<16384xf32, #tpu.memory_space<hbm>>) target_semaphore(%dma_start3A_492 : memref<!tpu.dma_semaphore, #tpu.memory_space<semaphore_mem>>)
      %scan3A_498 = arith.constant 0 : i32
      scf.yield %scan3A_498 : i32
    }
    %scan3A_43 = arith.constant 64 : i32
    %add3A_44 = arith.constant 128 : i32
    %add3A_45 = arith.addi %mul3A_2, %add3A_44 : i32
    %sub3A = arith.constant 2 : i32
    %sub3A_46 = arith.subi %add3A_45, %sub3A : i32
    %dma_wait3A = arith.constant 0 : i32
    %dma_wait3A_47 = arith.constant 0 : i32
    %dma_wait3A_48 = tpu.memref_slice %arg6[%dma_wait3A_47] : memref<32768xf32, #tpu.memory_space<vmem>> -> memref<16384xf32, #tpu.memory_space<vmem>>
    %dma_wait3A_49 = arith.constant 0 : i32
    %dma_wait3A_50 = tpu.memref_slice %arg4[%sub3A_46, %dma_wait3A_49] : memref<4096x16384xf32, #tpu.memory_space<hbm>> -> memref<1x16384xf32, #tpu.memory_space<hbm>>
    %dma_wait3A_51 = tpu.memref_squeeze %dma_wait3A_50 : memref<1x16384xf32, #tpu.memory_space<hbm>> -> memref<16384xf32, #tpu.memory_space<hbm>>
    %dma_wait3A_52 = tpu.memref_slice %arg11[%dma_wait3A] : memref<2x!tpu.dma_semaphore, #tpu.memory_space<semaphore_mem>> -> memref<1x!tpu.dma_semaphore, #tpu.memory_space<semaphore_mem>>
    %dma_wait3A_53 = tpu.memref_squeeze %dma_wait3A_52 : memref<1x!tpu.dma_semaphore, #tpu.memory_space<semaphore_mem>> -> memref<!tpu.dma_semaphore, #tpu.memory_space<semaphore_mem>>
    %dma_wait3A_54 = arith.constant 0 : i32
    %dma_wait3A_55 = tpu.memref_slice %arg4[%sub3A_46, %dma_wait3A_54] : memref<4096x16384xf32, #tpu.memory_space<hbm>> -> memref<1x16384xf32, #tpu.memory_space<hbm>>
    %dma_wait3A_56 = tpu.memref_squeeze %dma_wait3A_55 : memref<1x16384xf32, #tpu.memory_space<hbm>> -> memref<16384xf32, #tpu.memory_space<hbm>>
    %dma_wait3A_57 = arith.constant 0 : i32
    %dma_wait3A_58 = tpu.memref_slice %arg6[%dma_wait3A_57] : memref<32768xf32, #tpu.memory_space<vmem>> -> memref<16384xf32, #tpu.memory_space<vmem>>
    tpu.wait_dma2 semaphore(%dma_wait3A_53 : memref<!tpu.dma_semaphore, #tpu.memory_space<semaphore_mem>>) src(%dma_wait3A_58 : memref<16384xf32, #tpu.memory_space<vmem>>) dst(%dma_wait3A_56 : memref<16384xf32, #tpu.memory_space<hbm>>)
    %add3A_59 = arith.constant 128 : i32
    %add3A_60 = arith.addi %mul3A_2, %add3A_59 : i32
    %sub3A_61 = arith.constant 1 : i32
    %sub3A_62 = arith.subi %add3A_60, %sub3A_61 : i32
    %dma_wait3A_63 = arith.constant 1 : i32
    %dma_wait3A_64 = arith.constant 16384 : i32
    %dma_wait3A_65 = tpu.memref_slice %arg6[%dma_wait3A_64] : memref<32768xf32, #tpu.memory_space<vmem>> -> memref<16384xf32, #tpu.memory_space<vmem>>
    %dma_wait3A_66 = arith.constant 0 : i32
    %dma_wait3A_67 = tpu.memref_slice %arg4[%sub3A_62, %dma_wait3A_66] : memref<4096x16384xf32, #tpu.memory_space<hbm>> -> memref<1x16384xf32, #tpu.memory_space<hbm>>
    %dma_wait3A_68 = tpu.memref_squeeze %dma_wait3A_67 : memref<1x16384xf32, #tpu.memory_space<hbm>> -> memref<16384xf32, #tpu.memory_space<hbm>>
    %dma_wait3A_69 = tpu.memref_slice %arg11[%dma_wait3A_63] : memref<2x!tpu.dma_semaphore, #tpu.memory_space<semaphore_mem>> -> memref<1x!tpu.dma_semaphore, #tpu.memory_space<semaphore_mem>>
    %dma_wait3A_70 = tpu.memref_squeeze %dma_wait3A_69 : memref<1x!tpu.dma_semaphore, #tpu.memory_space<semaphore_mem>> -> memref<!tpu.dma_semaphore, #tpu.memory_space<semaphore_mem>>
    %dma_wait3A_71 = arith.constant 0 : i32
    %dma_wait3A_72 = tpu.memref_slice %arg4[%sub3A_62, %dma_wait3A_71] : memref<4096x16384xf32, #tpu.memory_space<hbm>> -> memref<1x16384xf32, #tpu.memory_space<hbm>>
    %dma_wait3A_73 = tpu.memref_squeeze %dma_wait3A_72 : memref<1x16384xf32, #tpu.memory_space<hbm>> -> memref<16384xf32, #tpu.memory_space<hbm>>
    %dma_wait3A_74 = arith.constant 16384 : i32
    %dma_wait3A_75 = tpu.memref_slice %arg6[%dma_wait3A_74] : memref<32768xf32, #tpu.memory_space<vmem>> -> memref<16384xf32, #tpu.memory_space<vmem>>
    tpu.wait_dma2 semaphore(%dma_wait3A_70 : memref<!tpu.dma_semaphore, #tpu.memory_space<semaphore_mem>>) src(%dma_wait3A_75 : memref<16384xf32, #tpu.memory_space<vmem>>) dst(%dma_wait3A_73 : memref<16384xf32, #tpu.memory_space<hbm>>)
    return
  }
}

</mosaic_0001>

<sc_bundles>
// kernel: kernel.3.cloned.1.call-start
scs
__scs_entry_jumppad:
0x0: {  	(pc) =	sbr.rel $0x88, $3  }
0x1: {  	(tag) =	ssettag $0x0;
	lr =	simm.s32 $0x1  }
0x2: {  	[smem:$0x3F9F] =	sst lr;
	_ =	strace $0xD0000000  }
0x3: {  	_ = 	snop  }
0x4: {  	_ = 	snop  }
0x5: {  	_ = 	snop  }
0x6: {  	_ = 	snop  }
0x7: {  	_ = 	snop  }
__scs_overlays_trampoline_lowered:
0x8: {  	[smem:$0x3FAE] =	sst s0  }
0x9: {  	[smem:$0x3FAF] =	sst s1  }
0xa: {  	[smem:$0x3FB0] =	sst s2  }
0xb: {  	[smem:$0x3FB1] =	sst s3  }
0xc: {  	[smem:$0x3FB2] =	sst s4  }
0xd: {  	[smem:$0x3FB3] =	sst s5  }
0xe: {  	[smem:$0x3FB4] =	sst s6  }
0xf: {  	[smem:$0x3FB5] =	sst s7  }
0x10: {  	[smem:$0x3FB6] =	sst s8  }
0x11: {  	[smem:$0x3FB7] =	sst s9;
	s0 =	simm.s32 @!p0 $0x0  }
0x12: {  	s1 =	sld [smem:$0x3F9D];
	s0 =	simm.s32 @p0 $0x1  }
0x13: {  	[smem:$0x3FB8] =	sst s0;
	s0 =	simm.s32 @!p1 $0x0  }
0x14: {  	s2 =	sld [smem:$0x3F9C];
	s0 =	simm.s32 @p1 $0x1  }
0x15: {  	[smem:$0x3FB9] =	sst s0;
	s0 =	simm.s32 @!p2 $0x0  }
0x16: {  	s3 =	sld [smem:$0x3FDB];
	s0 =	simm.s32 @p2 $0x1  }
0x17: {  	s4 =	simm.s32 $0x1BF5;
	[smem:$0x3FBB] =	sst s0  }
0x18: {  	s0 =	sld [smem:$0x3F9E];
	_ =	swait.ge [sflag:s4], $0x0  }
0x19: {  	s7 =	sld [smem:$0x3F9F]  }
0x1a: {  	s8 =	sadd.s32 $0xFFFFE003, lr  }
0x1b: {  	s9 =	sadd.s32 $0xFFFFFEF7, lr;
	s5 =	simm.s32 $0xFFFFFFFF;
	p2 =	slt.u32 s8, $0xFFFFF086  }
0x1c: {  	p1 =	slt.u32 s9, $0xF7A;
	s5 =	simm.s32 @!p2 $0x0  }
0x1d: {  	s5 =	simm.s32 @p1 $0x1;
	p0 =	seq.s32 s7, s2  }
0x1e: {  	s7 =	smul.u32 @!p0 $0xF7A, s2;
	p2 =	seq.s32 @!p0 s5, $0x0  }
0x1f: {  	s9 =	smul.u32 $0xF7A, s1;
	s8 =	simm.s32 @!p0 $0x1BF5;
	p2 =	por !p2, p0  }
0x20: {  	[sflag:s8] =	ssyncset.s32 @!p0 $0xFFFFF086;
	s6 =	sadd.s32 @!p0 s3, s7;
	s7 =	simm.s32 @!p0 $0x108  }
0x21: {  	s3 =	sadd.s32 s3, s9;
	s6 =	sadd.s32 @!p0 $0x88, s6;
	s7 =	simm.s32 @p2 $0x1082  }
0x22: {  	[simem:s7], [sflag:s8] =	dma.local @!p0 [hbm:s6], $0xF7A  }
0x23: {  	s9 =	sor.u32 $0xD0000000, s2;
	s6 =	simm.s32 $0x108;
	_ =	swait.ge @!p0 [sflag:s8], $0x0  }
0x24: {  	s3 =	sadd.s32 $0x88, s3;
	s6 =	simm.s32 @!p1 $0x1082;
	[sflag:s4] =	ssyncset.s32 $0xFFFFF086  }
0x25: {  	[simem:s6], [sflag:s4] =	dma.local [hbm:s3], $0xF7A  }
0x26: {  	[smem:$0x3F9F] =	sst s1;
	(tag) =	ssettag s2;
	_ =	strace s9  }
0x27: {  	s1 =	sld [smem:$0x3FAF]  }
0x28: {  	s2 =	sld [smem:$0x3FB0]  }
0x29: {  	s4 =	sld [smem:$0x3FB2]  }
0x2a: {  	p0 =	seq.s32 s5, $0x0;
	s5 =	sld [smem:$0x3FB3]  }
0x2b: {  	s6 =	sld [smem:$0x3FB4]  }
0x2c: {  	s7 =	sld [smem:$0x3FB5]  }
0x2d: {  	s3 =	simm.s32 $0x108;
	s8 =	sld [smem:$0x3FB6]  }
0x2e: {  	s3 =	simm.s32 @!p0 $0x1082;
	s9 =	sld [smem:$0x3FB7]  }
0x2f: {  	lr =	sadd.s32 s0, s3;
	s0 =	sld [smem:$0x3FAE]  }
0x30: {  	s3 =	sld [smem:$0x3FB1]  }
0x31: {  	[smem:$0x3FBA] =	sst s10  }
0x32: {  	s10 =	sld [smem:$0x3FB8];
	_ =	sdelay $0x3  }
0x33: {  	p0 =	seq.s32 s10, $0x1;
	s10 =	sld [smem:$0x3FBA];
	_ =	sdelay $0x3  }
0x34: {  	[smem:$0x3FBA] =	sst s10  }
0x35: {  	s10 =	sld [smem:$0x3FB9];
	_ =	sdelay $0x3  }
0x36: {  	p1 =	seq.s32 s10, $0x1;
	s10 =	sld [smem:$0x3FBA];
	_ =	sdelay $0x3  }
0x37: {  	[smem:$0x3FBA] =	sst s10  }
0x38: {  	s10 =	sld [smem:$0x3FBB]  }
0x39: {  	_ = 	snop;
	(pc) =	sbr.ind lr, $3  }
0x3a: {  	_ = 	snop  }
0x3b: {  	_ = 	snop  }
0x3c: {  	p2 =	seq.s32 s10, $0x1;
	s10 =	sld [smem:$0x3FBA]  }
0x3d: {  	_ =	shalt  }
0x3e: {  	_ =	shalt  }
0x3f: {  	_ =	shalt  }
0x40: {  	_ =	shalt  }
0x41: {  	_ =	shalt  }
0x42: {  	_ =	shalt  }
0x43: {  	_ =	shalt  }
0x44: {  	_ =	shalt  }
0x45: {  	_ =	shalt  }
0x46: {  	_ =	shalt  }
0x47: {  	_ =	shalt  }
0x48: {  	_ =	shalt  }
0x49: {  	_ =	shalt  }
0x4a: {  	_ =	shalt  }
0x4b: {  	_ =	shalt  }
0x4c: {  	_ =	shalt  }
0x4d: {  	_ =	shalt  }
0x4e: {  	_ =	shalt  }
0x4f: {  	_ =	shalt  }
0x50: {  	_ =	shalt  }
0x51: {  	_ =	shalt  }
0x52: {  	_ =	shalt  }
0x53: {  	_ =	shalt  }
0x54: {  	_ =	shalt  }
0x55: {  	_ =	shalt  }
0x56: {  	_ =	shalt  }
0x57: {  	_ =	shalt  }
0x58: {  	_ =	shalt  }
0x59: {  	_ =	shalt  }
0x5a: {  	_ =	shalt  }
0x5b: {  	_ =	shalt  }
0x5c: {  	_ =	shalt  }
0x5d: {  	_ =	shalt  }
0x5e: {  	_ =	shalt  }
0x5f: {  	_ =	shalt  }
0x60: {  	_ =	shalt  }
0x61: {  	_ =	shalt  }
0x62: {  	_ =	shalt  }
0x63: {  	_ =	shalt  }
0x64: {  	_ =	shalt  }
0x65: {  	_ =	shalt  }
0x66: {  	_ =	shalt  }
0x67: {  	_ =	shalt  }
0x68: {  	_ =	shalt  }
0x69: {  	_ =	shalt  }
0x6a: {  	_ =	shalt  }
0x6b: {  	_ =	shalt  }
0x6c: {  	_ =	shalt  }
0x6d: {  	_ =	shalt  }
0x6e: {  	_ =	shalt  }
0x6f: {  	_ =	shalt  }
0x70: {  	_ =	shalt  }
0x71: {  	_ =	shalt  }
0x72: {  	_ =	shalt  }
0x73: {  	_ =	shalt  }
0x74: {  	_ =	shalt  }
0x75: {  	_ =	shalt  }
0x76: {  	_ =	shalt  }
0x77: {  	_ =	shalt  }
0x78: {  	_ =	shalt  }
0x79: {  	_ =	shalt  }
0x7a: {  	_ =	shalt  }
0x7b: {  	_ =	shalt  }
0x7c: {  	_ =	shalt  }
0x7d: {  	_ =	shalt  }
0x7e: {  	_ =	shalt  }
0x7f: {  	_ =	shalt  }
0x80: {  	_ =	shalt  }
0x81: {  	_ =	shalt  }
0x82: {  	_ =	shalt  }
0x83: {  	_ =	shalt  }
0x84: {  	_ =	shalt  }
0x85: {  	_ =	shalt  }
0x86: {  	_ =	shalt  }
0x87: {  	_ =	shalt  }
.Lfunc_end0:
.L_simem_size_0:
called_computation_lowered:
.L_overlay_start_0:
0x88: {  	s2 =	sld [smem:$0x3FD9]  }
0x89: {  	s3 =	sld [smem:$0x3FFE];
	_ =	sdelay $0x1  }
0x8a: {  	s1 =	srdreg.scid  }
0x8b: {  	s0 =	sand.u32 $0x1, s1  }
0x8c: {  	s18 =	sshll.u32 s0, $0xA;
	s2 =	sadd.s32 s3, s2  }
0x8d: {  	s2 =	sadd.s32 s2, s18  }
0x8e: {  	[smem:$0x3FC6] =	sst s2  }
0x8f: {  	_ = 	snop  }
0x90: {  	s2 =	sld [smem:$0x3FC9]  }
0x91: {  	s19 =	sld [smem:$0x3FC8]  }
0x92: {  	s4 =	sld [smem:$0x3FD0];
	(tm) =	ssettm $0x1  }
0x93: {  	s5 =	sld [smem:$0x3FFB];
	_ =	sdelay $0x3  }
0x94: {  	_ =	strace s5  }
0x95: {  	s5 =	sld [smem:$0x3FFC];
	_ =	sdelay $0x3  }
0x96: {  	_ =	strace s5  }
0x97: {  	s5 =	sld [smem:$0x3FFD];
	_ =	sdelay $0x3  }
0x98: {  	_ =	strace s5  }
0x99: {  	_ =	strace $0x8FFFFFFF  }
0x9a: {  	s20 =	sld [smem:$0x3FDB];
	_ =	sdelay $0x1  }
0x9b: {  	s6 =	simm.s32 $_scs_section_size  }
0x9c: {  	s7 =	simm.s32 $_size__tile_overlayer_lowered;
	s8 =	simm.s32 $_tile_overlayer_lowered  }
0x9d: {  	s23 =	simm.s32 $0x1BFF;
	s22 =	sshll.u32 s8, $0x1;
	s5 =	sadd.s32 s6, s20  }
0x9e: {  	s9 =	simm.s32 $0x0;
	s21 =	sshll.u32 s7, $0x1;
	s7 =	sadd.s32 s22, s5  }
0x9f: {  	[timem:s9], [sflag:s23] =	dma.local [hbm:s7], s21  }
0xa0: {  	_ =	swait.ge [sflag:s23], s21  }
0xa1: {  	s6 =	ssub.s32 $0x0, s21;
	[sflag:s23] =	ssyncset.done $0x0  }
0xa2: {  	[sflag:s23] =	ssyncadd.s32 s6;
	_ =	sdelay $0x1  }
0xa3: {  	s24 =	simm.s32 $0x1B8B  }
0xa4: {  	_ =	swait.ge [sflag:s24], $0x1  }
0xa5: {  	[sflag:s24] =	ssyncset.done $0x0  }
0xa6: {  	s25 =	simm.s32 $0x1B8E;
	[sflag:s24] =	ssyncadd.s32 $0xFFFFFFFF  }
0xa7: {  	s26 =	simm.s32 $execute0_lowered;
	[smem:$0x3FD2] =	sst s25  }
0xa8: {  	s6 =	sshll.u32 s26, $0x1;
	_ =	strace $0x80000046;
	[dreg:$0x1] =	wrdreg $0xFFFFFFFF  }
0xa9: {  	s28 =	simm.s32 $_size_execute0_lowered;
	s5 =	sadd.s32 s5, s6;
	[dreg:$0x0] =	wrdreg $0x0  }
0xaa: {  	s6 =	sshll.u32 s28, $0x1;
	[dreg:$0x2] =	wrdreg s5  }
0xab: {  	[dreg:$0x3] =	wrdreg s6  }
0xac: {  	[dreg:$0x4] =	wrdreg $0xC0  }
0xad: {  	_ =	task [dreg:s9], $0x5FFFF  }
0xae: {  	[dreg:$0x1] =	wrdreg $0xFFFFFFFF  }
0xaf: {  	[dreg:$0x0] =	wrdreg $0x60  }
0xb0: {  	[dreg:$0x2] =	wrdreg s2  }
0xb1: {  	[dreg:$0x3] =	wrdreg s19  }
0xb2: {  	[dreg:$0x4] =	wrdreg s4  }
0xb3: {  	[dreg:$0x5] =	wrdreg $0x9  }
0xb4: {  	_ =	task.clear_ibuf [dreg:s9], $0x6FFFF;
	_ =	strace $0x90000046  }
0xb5: {  	s29 =	simm.s32 $0x9;
	_ =	strace $0x80000048  }
0xb6: {  	_ =	swait.ge [sflag:s29], $0x1  }
0xb7: {  	[sflag:s29] =	ssyncadd.s32 $0xFFFFFFFF  }
0xb8: {  	_ =	strace $0x90000048  }
0xb9: {  	_ =	sfence  }
0xba: {  	s30 =	sld [smem:$0x0];
	_ =	sdelay $0x2  }
0xbb: {  	s31 =	sshll.u32 s1, $0xD;
	s1 =	sshrl.u32 s1, $0x2  }
0xbc: {  	s3 =	sand.u32 $0x4000, s31;
	s1 =	sadd.s32 s1, s30  }
0xbd: {  	s0 =	sor.u32 s3, s0;
	s1 =	sshll.u32 s1, $0x11  }
0xbe: {  	s0 =	sor.u32 s1, s0  }
0xbf: {  	s0 =	sadd.s32 $0x8F2B, s0  }
0xc0: {  	[sflag:s0] =	ssyncadd.remote.s32 $0x1  }
0xc1: {  	_ =	sfence.sel $0xFFFF  }
0xc2: {  	[dreg:$0x0] =	wrdreg $0xFFFFFFFF;
	(pc) =	sbr.abs _section_cstart, $3  }
0xc3: {  	[dreg:$0x1] =	wrdreg $0xFFFFFFFF  }
0xc4: {  	_ =	task.clear_ibuf [dreg:s9], $0x2FFFF;
	_ =	strace $0x9FFFFFFF  }
0xc5: {  	(tm) =	ssettm $0x7FFFFFFF  }
tec
execute0_lowered:
.L_overlay_start_1:
0x0: {  	(tag) =	ssettag $0x1  }
0x1: {  	s20 =	rddreg [dreg:$0x0]  }
0x2: {  	s30 =	rddreg [dreg:$0x1]  }
0x3: {  	s3 =	rddreg [dreg:$0x2]  }
0x4: {  	s0 =	srdreg.scid;
	s1 =	stileid.u32  }
0x5: {  	s5 =	simm.s32 $0x0;
	s10 =	simm.s32 $0x80;
	s11 =	simm.s32 $0x400  }
0x6: {  	s12 =	simm.s32 $0x8000;
	s14 =	simm.s32 $0x1;
	s0 =	sand.u32 $0x1, s0  }
0x7: {  	s15 =	simm.s32 $0x18000;
	s2 =	sshll.u32 s1, $0x8;
	s4 =	sshll.u32 s0, $0x7  }
0x8: {  	[smem:$0x7FF] =	sst s5;
	s0 =	ssub.s32 $0x2, s0;
	s1 =	sor.u32 s4, s2  }
.Ltmp0:
0x9: {  	_ =	strace $0x80000047;
	s4 =	sshll.u32 s1, $0xB;
	(pc) =	sbr.rel .LBB2_1-.Ltmp0, $4  }
0xa: {  	s29 =	sshrl.u32 s0, $0x1;
	s16 =	smov.u32 s1;
	s1 =	sadd.s32 s20, s4  }
0xb: {  	v0 =	vlaneseq.u32;
	s0 =	ssub.s32 s0, s29;
	s31 =	sadd.s32 s30, s4;
	[dreg:$0x4] =	wrdreg s1  }
0xc: {  	v1 =	vimm.s32 $0x0;
	v3 =	vimm.s32 $0x1;
	s6 =	simm.s32 $0xC000;
	v2 =	vmul.u32 $0x100, v0;
	s0 =	smax.u32 s0, $0x1;
	[dreg:$0x5] =	wrdreg s31  }
0xd: {  	s17 =	simm.s32 $0x2;
	v4 =	vimm.s32 $0xF;
	v5 =	vimm.f32 $0.0e+00;
	v6 =	vimm.s32 $0xFFFFC200;
	s2 =	simm.s32 $0x0;
	[dreg:$0x6] =	wrdreg s0  }
.LBB2_98:
0xe: {  	s0 =	simm.s32 $0x3  }
0xf: {  	_ =	swait.ge [sflag:s0], $0x4000  }
0x10: {  	[sflag:s0] =	ssyncset.done $0x0  }
0x11: {  	s1 =	simm.s32 $0x4;
	[sflag:s0] =	ssyncadd.s32 $0xFFFFC000  }
0x12: {  	_ =	swait.ge [sflag:s1], $0x4000  }
0x13: {  	s2 =	rddreg [dreg:$0x7]  }
0x14: {  	s31 =	rddreg [dreg:$0x6];
	s2 =	sadd.s32 $0x1, s2  }
0x15: {  	p0 =	sne.s32 s2, s31  }
.Ltmp1:
0x16: {  	_ = 	snop;
	(pc) =	sbr.rel @!p0 .LBB2_99-.Ltmp1, $3  }
0x17: {  	_ =	sdelay $0x1  }
0x18: {  	[sflag:s1] =	ssyncset.done $0x0  }
0x19: {  	[sflag:s1] =	ssyncadd.s32 $0xFFFFC000  }
.LBB2_1:
0x1a: {  	[dreg:$0x7] =	wrdreg s2  }
0x1b: {  	s0 =	simm.s32 $0x0;
	s2 =	simm.s32 $0x18000;
	[tilespmem:s15+$0x0] =	vst v1  }
.LBB2_2:
0x1c: {  	s0 =	sadd.s32 $0x10, s0  }
0x1d: {  	p0 =	slt.u32 s0, $0xFF0  }
.Ltmp2:
0x1e: {  	_ = 	snop;
	(pc) =	sbr.rel @p0 .LBB2_2-.Ltmp2, $3  }
0x1f: {  	_ =	sdelay $0x1  }
0x20: {  	s2 =	sadd.s32 $0x10, s2  }
0x21: {  	[tilespmem:s2+$0x0] =	vst v1  }
.Ltmp3:
0x22: {  	(pc) =	sbr.rel .LBB2_4-.Ltmp3, $4  }
0x23: {  	s21 =	simm.s32 $0x0;
	s0 =	rddreg [dreg:$0x4]  }
0x24: {  	[tilespmem:s21], [sflag:$0x1] =	stream.strided.gather [hbm4b:s0+s10], $0x4000, s11, s10, $0x38;
	[tilespmem:$0x19000] =	vst v63  }
0x25: {  	s31 =	rddreg [dreg:$0x5]  }
0x26: {  	[tilespmem:s12], [sflag:$0x1] =	stream.strided.gather [hbm4b:s31+s10], $0x4000, s11, s10, $0x38;
	[tilespmem:$0x19000] =	vst v63  }
.LBB2_88:
0x27: {  	v10 =	vmov v12;
	s2 =	simm.s32 $0x14000;
	s4 =	simm.s32 $0x0  }
.LBB2_96:
0x28: {  	s1 =	sadd.s32 @p0 $0x10, s2  }
0x29: {  	s0 =	smov.u32 @p0 s1  }
0x2a: {  	v15 =	vld [tilespmem:s0+$0x0]  }
0x2b: {  	vm3 =	vmand @p0 vm3, vm4  }
0x2c: {  	v11 =	vadd.s32 @p0 $0x4000, v11;
	v16 =	vor.u32 s4, v0;
	vm0 =	vmmov @p0 vm3  }
0x2d: {  	vm14 =	vge.u32 v10, v8;
	vm13 =	vlt.s32 v16, v7;
	v7 =	vpsel p0, v11, v12  }
0x2e: {  	vm3 =	vmand vm13, vm14  }
0x2f: {  	v8 =	vadd.s32 $0x4000, v15  }
0x30: {  	vm4 =	vmmov @p1 vm1  }
0x31: {  	v10 =	vld.idx.msk @p1 [tilespmem:v13+s5+$0x0], vm1;
	vm1 =	vmmov @p1 vm4;
	vm4 =	vmmov @p0 vm0;
	v11 =	vmov @p1 v13  }
0x32: {  	v11 =	vpsel p1, v11, v0;
	v12 =	vld.idx.msk @p0 [tilespmem:v7+s5+$0x0], vm0;
	vm0 =	vmmov @p0 vm4  }
0x33: {  	v7 =	vpsel p0, v7, v0  }
0x34: {  	v63 =	vld.idx.msk [tilespmem:v8+s5+$0x0], vm3;
	_ =	sdelay $0x1  }
0x35: {  	[tilespmem:v14+s12+$0x0] =	vst.idx.msk @p2 vm2, v9;
	v9 =	vpsel p1, v10, v0  }
0x36: {  	[tilespmem:v11+s12+$0x0] =	vst.idx.msk @p1 vm1, v9;
	v9 =	vpsel p0, v12, v0  }
0x37: {  	[tilespmem:v7+s12+$0x0] =	vst.idx.msk @p0 vm0, v9  }
0x38: {  	vm15 =	vmmov vm3;
	[tilespmem:v8+s12+$0x0] =	vst.idx.msk vm3, v63  }
.LBB2_97:
0x39: {  	s21 =	sadd.s32 $0x1, s21  }
0x3a: {  	p0 =	seq.s32 s21, $0x40  }
.Ltmp4:
0x3b: {  	_ = 	snop;
	(pc) =	sbr.rel @p0 .LBB2_98-.Ltmp4, $3  }
0x3c: {  	_ =	sdelay $0x1  }
0x3d: {  	s0 =	sadd.s32 s3, s22  }
0x3e: {  	[hbm4b:s0+s10] =	stream.strided.scatter [tilespmem:s6], [sflag:$0x4], $0x4000, s11, s10, $0x38;
	[tilespmem:$0x19000] =	vst v63  }
.LBB2_4:
0x3f: {  	s0 =	sshll.u32 s21, $0x1  }
0x40: {  	s23 =	sadd.s32 s16, s0  }
0x41: {  	s2 =	sshll.u32 s21, $0x5;
	s0 =	sshll.u32 s23, $0xB  }
0x42: {  	s25 =	sand.u32 $0x60, s2;
	s24 =	sand.u32 $0x7FC000, s0  }
0x43: {  	s0 =	sor.u32 s25, s24  }
0x44: {  	s22 =	sor.u32 $0x10, s0  }
0x45: {  	s1 =	simm.s32 $0x4000;
	s0 =	sadd.s32 s20, s22  }
0x46: {  	[tilespmem:s1], [sflag:$0x2] =	stream.strided.gather [hbm4b:s0+s10], $0x4000, s11, s10, $0x38;
	[tilespmem:$0x19000] =	vst v63  }
0x47: {  	_ =	swait.ge [sflag:s14], $0x4000  }
0x48: {  	[sflag:s14] =	ssyncset.done $0x0  }
0x49: {  	[sflag:s14] =	ssyncadd.s32 $0xFFFFC000  }
0x4a: {  	_ =	swait.ge [sflag:s14], $0x4000  }
0x4b: {  	[sflag:s14] =	ssyncset.done $0x0  }
0x4c: {  	s7 =	simm.s32 $0x20;
	[sflag:s14] =	ssyncadd.s32 $0xFFFFC000  }
0x4d: {  	v7 =	vld [tilespmem:s7+$0x0]  }
0x4e: {  	s31 =	simm.s32 $0x8020;
	v8 =	vld [tilespmem:s7+$0xFFFFFFE0]  }
0x4f: {  	v9 =	vld [tilespmem:s31+$0xFFFFFFE0]  }
0x50: {  	v10 =	vld [tilespmem:s31+$0xFFFFFFF0]  }
0x51: {  	v11 =	vld [tilespmem:s31+$0x10]  }
0x52: {  	v12 =	vld [tilespmem:s7+$0x10]  }
0x53: {  	v13 =	vld [tilespmem:s31+$0x0]  }
0x54: {  	s28 =	simm.s32 $0x60;
	v14 =	vld [tilespmem:s7+$0xFFFFFFF0]  }
0x55: {  	s26 =	simm.s32 $0x8060;
	v15 =	vld [tilespmem:s28+$0xFFFFFFE0]  }
0x56: {  	v19 =	vld [tilespmem:s26+$0xFFFFFFE0];
	_ =	sdelay $0x2  }
0x57: {  	v8 =	vmul.f32 v9, v8;
	v12 =	vmul.f32 v11, v12  }
0x58: {  	v17 =	vld [tilespmem:s26+$0xFFFFFFF0];
	v16 =	vmul.f32 v13, v7;
	v14 =	vmul.f32 v10, v14  }
0x59: {  	v18 =	vld [tilespmem:s28+$0xFFFFFFF0];
	v15 =	vmul.f32 v19, v15;
	v9 =	vmul.f32 v8, v9  }
0x5a: {  	v20 =	vld [tilespmem:s28+$0x0];
	v11 =	vmul.f32 v12, v11;
	v13 =	vmul.f32 v16, v13  }
0x5b: {  	v23 =	vld [tilespmem:s26+$0x0];
	v10 =	vmul.f32 v14, v10;
	v19 =	vmul.f32 v15, v19;
	v7 =	vshra.s32 v9, $0x1F  }
0x5c: {  	v21 =	vshra.s32 v11, $0x1F;
	v22 =	vshra.s32 v13, $0x1F;
	v7 =	vor.u32 $0x80000000, v7  }
0x5d: {  	v21 =	vor.u32 $0x80000000, v21;
	v22 =	vor.u32 $0x80000000, v22;
	v9 =	vxor.u32 v9, v7  }
0x5e: {  	[tilespmem:s7+$0xFFFFFFE0] =	vst v8;
	v11 =	vxor.u32 v11, v21;
	v21 =	vld [tilespmem:s26+$0x10];
	v13 =	vxor.u32 v13, v22;
	v7 =	vshrl.u32 v9, $0x18  }
0x5f: {  	[tilespmem:s7+$0x10] =	vst v12;
	v24 =	vand.u32 $0x80, v7;
	v25 =	vand.u32 $0x7F, v7;
	v7 =	vmul.f32 v17, v18;
	v18 =	vld [tilespmem:s28+$0x10]  }
0x60: {  	v26 =	vshrl.u32 v11, $0x18;
	v12 =	vshrl.u32 v13, $0x18;
	[tilespmem:s31+$0xFFFFFFE0] =	vst v9;
	v9 =	vmul.f32 v23, v20  }
0x61: {  	[tilespmem:s7+$0x0] =	vst v16;
	v8 =	vand.u32 $0x80, v26;
	v20 =	vand.u32 $0x80, v12;
	v12 =	vand.u32 $0x7F, v12  }
0x62: {  	[tilespmem:s31+$0x10] =	vst v11;
	v24 =	vor.u32 v2, v24;
	v16 =	vor.u32 v2, v8;
	v11 =	vor.u32 v2, v20  }
0x63: {  	s29 =	simm.s32 $0x80A0;
	v20 =	vshra.s32 v19, $0x1F;
	v23 =	vmul.f32 v9, v23;
	v8 =	vmul.f32 v7, v17  }
0x64: {  	s0 =	simm.s32 $0xA0;
	v62 =	vld [tilespmem:s29+$0xFFFFFFE0];
	[tilespmem:s28+$0xFFFFFFE0] =	vst v15;
	v17 =	vand.u32 $0x7F, v26;
	v15 =	vor.u32 $0x80000000, v20;
	v18 =	vmul.f32 v21, v18  }
0x65: {  	v22 =	vld [tilespmem:s0+$0x0];
	[tilespmem:s28+$0x0] =	vst v9;
	v11 =	vor.u32 v12, v11;
	v9 =	vor.u32 v17, v16;
	v12 =	vxor.u32 v19, v15  }
0x66: {  	[tilespmem:s31+$0x0] =	vst v13;
	v13 =	vld [tilespmem:s0+$0xFFFFFFF0];
	v16 =	vshra.s32 v23, $0x1F;
	v19 =	vshra.s32 v10, $0x1F;
	v15 =	vmul.f32 v18, v21  }
0x67: {  	[tilespmem:s7+$0xFFFFFFF0] =	vst v14;
	v24 =	vor.u32 v25, v24;
	v17 =	vld [tilespmem:s29+$0xFFFFFFF0];
	v19 =	vor.u32 $0x80000000, v19;
	v14 =	vor.u32 $0x80000000, v16  }
0x68: {  	v20 =	vld [tilespmem:s0+$0xFFFFFFE0];
	v10 =	vxor.u32 v10, v19;
	[tilespmem:s28+$0x10] =	vst v18;
	v18 =	vshrl.u32 v12, $0x18;
	v61 =	vshra.s32 v15, $0x1F  }
0x69: {  	[tilespmem:s26+$0xFFFFFFE0] =	vst v12;
	v12 =	vld [tilespmem:s29+$0x0];
	v21 =	vand.u32 $0x80, v18;
	v18 =	vand.u32 $0x7F, v18;
	v25 =	vor.u32 $0x80000000, v61  }
0x6a: {  	[tilespmem:v11+s15+$0x0] =	vst.idx.add.s32.msk $0xffff, v3;
	v11 =	vor.u32 v2, v21;
	v16 =	vxor.u32 v15, v25;
	v15 =	vshrl.u32 v10, $0x18  }
0x6b: {  	[tilespmem:v9+s15+$0x0] =	vst.idx.add.s32.msk $0xffff, v3;
	v9 =	vor.u32 v18, v11;
	v21 =	vand.u32 $0x80, v15  }
0x6c: {  	[tilespmem:s31+$0xFFFFFFF0] =	vst v10;
	v18 =	vld [tilespmem:s0+$0x10];
	v10 =	vmul.f32 v17, v13;
	v15 =	vand.u32 $0x7F, v15;
	v21 =	vor.u32 v2, v21  }
0x6d: {  	v20 =	vmul.f32 v62, v20;
	v13 =	vld [tilespmem:s29+$0x10];
	v19 =	vshrl.u32 v16, $0x18;
	v15 =	vor.u32 v15, v21  }
0x6e: {  	v14 =	vxor.u32 v23, v14;
	[tilespmem:v24+s15+$0x0] =	vst.idx.add.s32.msk $0xffff, v3;
	v63 =	vand.u32 $0x80, v19;
	v11 =	vmul.f32 v10, v17  }
0x6f: {  	[tilespmem:s0+$0xFFFFFFE0] =	vst v20;
	v17 =	vand.u32 $0x7F, v19;
	v19 =	vmul.f32 v20, v62;
	v21 =	vshrl.u32 v14, $0x18  }
0x70: {  	s8 =	simm.s32 $0xE0;
	s2 =	simm.s32 $0x80;
	s7 =	simm.s32 $0x80E0;
	[tilespmem:s26+$0x10] =	vst v16;
	v20 =	vmul.f32 v12, v22;
	v16 =	vor.u32 v2, v63;
	v22 =	vand.u32 $0x80, v21  }
.LBB2_5:
0x71: {  	v23 =	vld [tilespmem:s8+$0x0];
	s2 =	sadd.s32 $0x40, s2;
	v21 =	vand.u32 $0x7F, v21;
	v22 =	vor.u32 v2, v22  }
0x72: {  	p0 =	slt.u32 s2, $0x3FC0;
	v24 =	vshra.s32 v19, $0x1F;
	v25 =	vmul.f32 v20, v12;
	v12 =	vmul.f32 v13, v18;
	[tilespmem:v15+s15+$0x0] =	vst.idx.add.s32.msk $0xffff, v3  }
0x73: {  	v16 =	vor.u32 v17, v16;
	v18 =	vor.u32 v21, v22;
	v26 =	vld [tilespmem:s8+$0xFFFFFFE0];
	v15 =	vor.u32 $0x80000000, v24;
	[tilespmem:s0+$0x0] =	vst v20  }
0x74: {  	v17 =	vld [tilespmem:s7+$0xFFFFFFF0];
	v15 =	vxor.u32 v19, v15;
	v19 =	vshra.s32 v25, $0x1F;
	v13 =	vmul.f32 v12, v13;
	[tilespmem:s0+$0x10] =	vst v12  }
0x75: {  	v21 =	vshra.s32 v8, $0x1F;
	v12 =	vld [tilespmem:s7+$0x0];
	v20 =	vshrl.u32 v15, $0x18;
	[tilespmem:s26+$0x0] =	vst v14  }
0x76: {  	v21 =	vor.u32 $0x80000000, v21;
	v14 =	vld [tilespmem:s8+$0xFFFFFFF0];
	[tilespmem:s29+$0xFFFFFFE0] =	vst v15;
	v15 =	vand.u32 $0x80, v20;
	v22 =	vshra.s32 v13, $0x1F  }
0x77: {  	v21 =	vxor.u32 v8, v21;
	v8 =	vmovc v11;
	v20 =	vand.u32 $0x7F, v20;
	v24 =	vld [tilespmem:s7+$0xFFFFFFE0];
	v22 =	vor.u32 $0x80000000, v22;
	[tilespmem:s28+$0xFFFFFFF0] =	vst v7;
	v7 =	vmovc v10;
	s28 =	smov.u32 s0;
	s0 =	smov.u32 s8  }
0x78: {  	v11 =	vor.u32 $0x80000000, v19;
	v10 =	vshrl.u32 v21, $0x18;
	v19 =	vxor.u32 v13, v22;
	[tilespmem:v18+s15+$0x0] =	vst.idx.add.s32.msk $0xffff, v3  }
0x79: {  	v15 =	vor.u32 v2, v15;
	v18 =	vand.u32 $0x80, v10;
	v13 =	vld [tilespmem:s7+$0x10];
	v22 =	vshrl.u32 v19, $0x18;
	[tilespmem:s26+$0xFFFFFFF0] =	vst v21;
	s26 =	smov.u32 s29;
	s29 =	smov.u32 s7  }
.Ltmp5:
0x7a: {  	v27 =	vand.u32 $0x7F, v10;
	v28 =	vor.u32 v2, v18;
	v21 =	vand.u32 $0x80, v22;
	[tilespmem:v16+s15+$0x0] =	vst.idx.add.s32.msk $0xffff, v3;
	(pc) =	sbr.rel @p0 .LBB2_5-.Ltmp5, $4  }
0x7b: {  	v20 =	vor.u32 v20, v15;
	v15 =	vor.u32 v27, v28;
	v10 =	vmul.f32 v17, v14;
	v18 =	vld [tilespmem:s8+$0x10];
	[tilespmem:s26+$0x10] =	vst v19  }
0x7c: {  	v14 =	vxor.u32 v25, v11;
	v16 =	vor.u32 v2, v21;
	v26 =	vmul.f32 v24, v26  }
0x7d: {  	v21 =	vshrl.u32 v14, $0x18;
	v11 =	vmul.f32 v10, v17;
	v17 =	vand.u32 $0x7F, v22;
	[tilespmem:v9+s15+$0x0] =	vst.idx.add.s32.msk $0xffff, v3;
	v9 =	vmovc v20  }
0x7e: {  	s7 =	sadd.s32 $0x40, s7;
	s8 =	sadd.s32 $0x40, s8;
	v20 =	vmul.f32 v12, v23;
	v22 =	vand.u32 $0x80, v21;
	v19 =	vmul.f32 v26, v24;
	[tilespmem:s0+$0xFFFFFFE0] =	vst v26  }
0x7f: {  	_ =	sdelay $0x2  }
0x80: {  	v21 =	vand.u32 $0x7F, v21  }
0x81: {  	v22 =	vor.u32 v2, v22;
	[tilespmem:v15+s15+$0x0] =	vst.idx.add.s32.msk $0xffff, v3;
	v15 =	vor.u32 v17, v16;
	v17 =	vshra.s32 v8, $0x1F  }
0x82: {  	v23 =	vshra.s32 v19, $0x1F;
	v12 =	vmul.f32 v20, v12;
	v18 =	vmul.f32 v13, v18  }
0x83: {  	v21 =	vor.u32 v21, v22;
	v17 =	vor.u32 $0x80000000, v17;
	v23 =	vor.u32 $0x80000000, v23  }
0x84: {  	[tilespmem:s0+$0x0] =	vst v20;
	v8 =	vxor.u32 v8, v17;
	v16 =	vxor.u32 v19, v23;
	v20 =	vshra.s32 v12, $0x1F  }
0x85: {  	v13 =	vmul.f32 v18, v13;
	v19 =	vshrl.u32 v16, $0x18;
	[tilespmem:s29+$0xFFFFFFE0] =	vst v16;
	v16 =	vor.u32 $0x80000000, v20  }
0x86: {  	[tilespmem:s0+$0x10] =	vst v18;
	v18 =	vand.u32 $0x80, v19;
	v17 =	vand.u32 $0x7F, v19;
	v19 =	vshrl.u32 v8, $0x18  }
0x87: {  	[tilespmem:s26+$0x0] =	vst v14;
	v14 =	vshra.s32 v13, $0x1F;
	v12 =	vxor.u32 v12, v16;
	v20 =	vand.u32 $0x80, v19  }
0x88: {  	[tilespmem:s28+$0xFFFFFFF0] =	vst v7;
	v14 =	vor.u32 $0x80000000, v14;
	v7 =	vand.u32 $0x7F, v19;
	v19 =	vor.u32 v2, v20  }
0x89: {  	[tilespmem:v9+s15+$0x0] =	vst.idx.add.s32.msk $0xffff, v3;
	v13 =	vxor.u32 v13, v14;
	v14 =	vshrl.u32 v12, $0x18;
	v7 =	vor.u32 v7, v19  }
0x8a: {  	[tilespmem:s26+$0xFFFFFFF0] =	vst v8;
	v16 =	vshrl.u32 v13, $0x18;
	v8 =	vand.u32 $0x80, v14;
	v19 =	vshra.s32 v11, $0x1F  }
0x8b: {  	[tilespmem:v15+s15+$0x0] =	vst.idx.add.s32.msk $0xffff, v3;
	v14 =	vand.u32 $0x7F, v14;
	v8 =	vor.u32 v2, v8;
	v15 =	vor.u32 $0x80000000, v19  }
0x8c: {  	[tilespmem:s0+$0xFFFFFFF0] =	vst v10;
	v19 =	vand.u32 $0x80, v16;
	v8 =	vor.u32 v14, v8;
	v11 =	vxor.u32 v11, v15  }
0x8d: {  	[tilespmem:s29+$0x10] =	vst v13;
	v13 =	vor.u32 v2, v19;
	v14 =	vand.u32 $0x7F, v16;
	v9 =	vshrl.u32 v11, $0x18  }
0x8e: {  	v15 =	vor.u32 v2, v18;
	[tilespmem:v7+s15+$0x0] =	vst.idx.add.s32.msk $0xffff, v3;
	v7 =	vor.u32 v14, v13;
	v13 =	vand.u32 $0x80, v9  }
0x8f: {  	[tilespmem:s29+$0x0] =	vst v12;
	v14 =	vor.u32 v17, v15;
	v9 =	vand.u32 $0x7F, v9;
	v12 =	vor.u32 v2, v13  }
0x90: {  	[tilespmem:v21+s15+$0x0] =	vst.idx.add.s32.msk $0xffff, v3;
	v9 =	vor.u32 v9, v12  }
0x91: {  	[tilespmem:s29+$0xFFFFFFF0] =	vst v11  }
0x92: {  	[tilespmem:v8+s15+$0x0] =	vst.idx.add.s32.msk $0xffff, v3  }
0x93: {  	[tilespmem:v7+s15+$0x0] =	vst.idx.add.s32.msk $0xffff, v3  }
0x94: {  	p0 =	seq.s32 s21, $0x0;
	[tilespmem:v14+s15+$0x0] =	vst.idx.add.s32.msk $0xffff, v3  }
0x95: {  	s0 =	simm.s32 @!p0 $0x4;
	[tilespmem:v9+s15+$0x0] =	vst.idx.add.s32.msk $0xffff, v3  }
0x96: {  	_ =	swait.ge @!p0 [sflag:s0], $0x4000  }
0x97: {  	[sflag:s0] =	ssyncset.done @!p0 $0x0  }
0x98: {  	s20 =	sadd.s32 s30, s22;
	s26 =	simm.s32 $0x18000;
	[sflag:s0] =	ssyncadd.s32 @!p0 $0xFFFFC000  }
0x99: {  	[tilespmem:s6], [sflag:$0x2] =	stream.strided.gather [hbm4b:s20+s10], $0x4000, s11, s10, $0x38;
	[tilespmem:$0x19000] =	vst v63  }
0x9a: {  	s31 =	simm.s32 $0x18010;
	v7 =	vld [tilespmem:s26+$0x0]  }
0x9b: {  	s7 =	simm.s32 $0x0;
	s2 =	simm.s32 $0x18020;
	v16 =	vld [tilespmem:s31+$0x0]  }
0x9c: {  	s8 =	sand.u32 $0xF0, s7;
	[tilespmem:s26+$0x0] =	vst v1;
	v21 =	vld [tilespmem:s2+$0x0]  }
0x9d: {  	v8 =	vld [tilespmem:s8+$0x18100]  }
0x9e: {  	v9 =	vld [tilespmem:s8+$0x18200]  }
0x9f: {  	[tilespmem:s31+$0x0] =	vst v1;
	v10 =	vld [tilespmem:s8+$0x18300]  }
0xa0: {  	[tilespmem:s2+$0x0] =	vst v1;
	v11 =	vld [tilespmem:s8+$0x18400]  }
0xa1: {  	v12 =	vld [tilespmem:s8+$0x18500];
	[tilespmem:s8+$0x18100] =	vst v1  }
0xa2: {  	v13 =	vld [tilespmem:s8+$0x18600];
	[tilespmem:s8+$0x18200] =	vst v1  }
0xa3: {  	v14 =	vld [tilespmem:s8+$0x18700];
	[tilespmem:s8+$0x18300] =	vst v1  }
0xa4: {  	v15 =	vld [tilespmem:s8+$0x18800];
	[tilespmem:s8+$0x18400] =	vst v1;
	v7 =	vadd.s32 v7, v8  }
0xa5: {  	s26 =	simm.s32 $0x10;
	v17 =	vld [tilespmem:s8+$0x18900];
	[tilespmem:s8+$0x18500] =	vst v1;
	v7 =	vadd.s32 v9, v7  }
0xa6: {  	s28 =	sand.u32 $0xF0, s26;
	v19 =	vld [tilespmem:s8+$0x18A00];
	[tilespmem:s8+$0x18600] =	vst v1;
	v7 =	vadd.s32 v10, v7  }
0xa7: {  	[tilespmem:s8+$0x18700] =	vst v1;
	v18 =	vld [tilespmem:s28+$0x18100];
	v7 =	vadd.s32 v11, v7  }
0xa8: {  	[tilespmem:s8+$0x18800] =	vst v1;
	v20 =	vld [tilespmem:s28+$0x18200];
	v7 =	vadd.s32 v12, v7  }
0xa9: {  	[tilespmem:s8+$0x18900] =	vst v1;
	v8 =	vld [tilespmem:s8+$0x18B00];
	v7 =	vadd.s32 v13, v7  }
0xaa: {  	[tilespmem:s8+$0x18A00] =	vst v1;
	v10 =	vld [tilespmem:s8+$0x18C00];
	v7 =	vadd.s32 v14, v7  }
0xab: {  	[tilespmem:s28+$0x18100] =	vst v1;
	v12 =	vld [tilespmem:s8+$0x18D00];
	v7 =	vadd.s32 v15, v7  }
0xac: {  	[tilespmem:s28+$0x18200] =	vst v1;
	v14 =	vld [tilespmem:s8+$0x18E00];
	v7 =	vadd.s32 v17, v7  }
0xad: {  	[tilespmem:s8+$0x18B00] =	vst v1;
	v17 =	vld [tilespmem:s8+$0x18F00];
	v7 =	vadd.s32 v19, v7  }
0xae: {  	v9 =	vld [tilespmem:s28+$0x18300];
	[tilespmem:s28+$0x18300] =	vst v1;
	v7 =	vadd.s32 v8, v7  }
0xaf: {  	[tilespmem:s8+$0x18C00] =	vst v1;
	v11 =	vld [tilespmem:s28+$0x18400];
	v7 =	vadd.s32 v10, v7  }
0xb0: {  	[tilespmem:s28+$0x18400] =	vst v1;
	v13 =	vld [tilespmem:s28+$0x18500];
	v7 =	vadd.s32 v12, v7  }
0xb1: {  	[tilespmem:s8+$0x18D00] =	vst v1;
	v15 =	vld [tilespmem:s28+$0x18600];
	v7 =	vadd.s32 v14, v7  }
0xb2: {  	[tilespmem:s28+$0x18500] =	vst v1;
	v19 =	vld [tilespmem:s28+$0x18700];
	v17 =	vadd.s32 v17, v7;
	v7 =	vadd.s32 v16, v18  }
0xb3: {  	[tilespmem:s8+$0x18E00] =	vst v1;
	v8 =	vld [tilespmem:s28+$0x18800];
	v7 =	vadd.s32 v20, v7  }
0xb4: {  	s29 =	simm.s32 $0x20;
	[tilespmem:s28+$0x18600] =	vst v1;
	v12 =	vld [tilespmem:s28+$0x18900];
	(xrf0) =	vadd.scan.msk.s32 $0xffff, v17;
	v7 =	vadd.s32 v9, v7  }
0xb5: {  	s0 =	sand.u32 $0xF0, s29;
	[tilespmem:s8+$0x18F00] =	vst v1;
	v14 =	vld [tilespmem:s28+$0x18A00];
	v7 =	vadd.s32 v11, v7  }
0xb6: {  	[tilespmem:s28+$0x18700] =	vst v1;
	v16 =	vld [tilespmem:s0+$0x18100];
	v7 =	vadd.s32 v13, v7  }
0xb7: {  	[tilespmem:s28+$0x18800] =	vst v1;
	v9 =	vld [tilespmem:s28+$0x18B00];
	v10 =	vadd.s32 v15, v7  }
0xb8: {  	[tilespmem:s28+$0x18900] =	vst v1;
	v18 =	vld [tilespmem:s28+$0x18C00];
	v13 =	vadd.s32 v19, v10  }
0xb9: {  	[tilespmem:s28+$0x18A00] =	vst v1;
	v15 =	vld [tilespmem:s28+$0x18D00];
	v8 =	vadd.s32 v8, v13  }
0xba: {  	[tilespmem:s0+$0x18100] =	vst v1;
	v7 =	vimm.s32 $0x0;
	v10, _, _ =	vpop (xrf0);
	v8 =	vadd.s32 v12, v8;
	v12 =	vld [tilespmem:s28+$0x18E00]  }
0xbb: {  	v24 =	vld [tilespmem:s28+$0x18F00];
	[tilespmem:s28+$0x18C00] =	vst v1;
	v13 =	vadd.s32 v7, v10;
	v8 =	vadd.s32 v14, v8  }
0xbc: {  	v20 =	vld [tilespmem:s0+$0x18300];
	[tilespmem:s0+$0x18300] =	vst v1;
	vm0 =	vgt.s32 v13, $0x3E00;
	v8 =	vadd.s32 v9, v8  }
0xbd: {  	v23 =	vimm.s32 $0xFFFFFFFF;
	[tilespmem:s28+$0x18B00] =	vst v1;
	v11 =	vld [tilespmem:s0+$0x18200];
	v22 =	vmpcnt.ones.xlane vm0;
	v8 =	vadd.s32 v18, v8  }
0xbe: {  	vm1 =	vlt.s32 v23, $0x0;
	[tilespmem:s0+$0x18200] =	vst v1;
	v8 =	vadd.s32 v15, v8  }
0xbf: {  	[tilespmem:s28+$0x18D00] =	vst v1;
	vm0 =	vgt.s32 v22, $0x0;
	v9 =	vsub.s32 $0x10, v22;
	v8 =	vadd.s32 v12, v8  }
0xc0: {  	v19 =	vld [tilespmem:s0+$0x18400];
	[tilespmem:s0+$0x18400] =	vst v1;
	vm0 =	vmand vm1, vm0;
	vm1 =	vlt.s32 v9, $0xF;
	v12 =	vshrl.u32 v9, $0x1B  }
0xc1: {  	v16 =	vadd.s32 v21, v16;
	[tilespmem:s28+$0x18E00] =	vst v1;
	v14 =	vld [tilespmem:s0+$0x18600];
	v18 =	vnsel vm1, $0xF, v9;
	v12 =	vand.u32 $0x10, v12  }
0xc2: {  	[tilespmem:s0+$0x18600] =	vst v1;
	v13 =	vld [tilespmem:s0+$0x18500];
	v12 =	vadd.s32 v18, v12;
	v18 =	vadd.s32 v11, v16;
	v11 =	vadd.s32 v24, v8  }
0xc3: {  	[tilespmem:s0+$0x18500] =	vst v1;
	v9 =	vadd.s32 s7, v9;
	(xrf0) =	vadd.scan.msk.s32 $0xffff, v11  }
0xc4: {  	v15 =	vld [tilespmem:s0+$0x18700];
	[tilespmem:s0+$0x18700] =	vst v1;
	v8 =	vsel vm0, v9, v23;
	v21 =	vperm.xlane v17, v12  }
0xc5: {  	v16 =	vld [tilespmem:s0+$0x18800];
	[tilespmem:s0+$0x18800] =	vst v1;
	v20 =	vadd.s32 v20, v18;
	v17 =	vperm.xlane v10, v12;
	v12 =	vimm.s32 $0x0  }
0xc6: {  	s7 =	simm.s32 $0x20;
	v18 =	vld [tilespmem:s0+$0x18900];
	[tilespmem:s0+$0x18900] =	vst v1;
	v20 =	vadd.s32 v19, v20;
	v9 =	vsel vm0, v21, v7;
	v19 =	vsub.s32 v7, v21  }
.LBB2_7:
0xc7: {  	v21 =	vld [tilespmem:s0+$0x18A00];
	[tilespmem:s0+$0x18A00] =	vst v1;
	v13 =	vadd.s32 v13, v20;
	v17 =	vadd.s32 v17, v19;
	v19 =	vperm.xlane v10, v4  }
0xc8: {  	s2 =	sadd.s32 $0x10, s2;
	v20 =	vld [tilespmem:s0+$0x18B00];
	[tilespmem:s0+$0x18B00] =	vst v1;
	v14 =	vadd.s32 v14, v13;
	v7 =	vsel vm0, v17, v7  }
0xc9: {  	v17 =	vld [tilespmem:s2+$0x0];
	v13 =	vadd.s32 v15, v14;
	[tilespmem:s28+$0x18F00] =	vst v1;
	v10, _, _ =	vpop (xrf0);
	v12 =	vadd.s32 v12, v19;
	s28 =	smov.u32 s0  }
0xca: {  	v14 =	vld [tilespmem:s28+$0x18C00];
	[tilespmem:s28+$0x18C00] =	vst v1;
	v13 =	vadd.s32 v16, v13;
	v15 =	vadd.s32 v12, v10  }
0xcb: {  	v16 =	vld [tilespmem:s28+$0x18D00];
	[tilespmem:s28+$0x18D00] =	vst v1;
	v13 =	vadd.s32 v18, v13;
	vm0 =	vgt.s32 v15, $0x3E00  }
0xcc: {  	s29 =	sadd.s32 $0x10, s29;
	v15 =	vld [tilespmem:s28+$0x18E00];
	[tilespmem:s28+$0x18E00] =	vst v1;
	v13 =	vadd.s32 v21, v13;
	v18 =	vmpcnt.ones.xlane vm0  }
0xcd: {  	p0 =	slt.u32 s29, $0xF0;
	s0 =	sand.u32 $0xF0, s29;
	[tilespmem:s2+$0x0] =	vst v1;
	v19 =	vld [tilespmem:s28+$0x18F00];
	v13 =	vadd.s32 v20, v13  }
0xce: {  	vm1 =	vlt.s32 v8, $0x0;
	v20 =	vld [tilespmem:s0+$0x18100];
	[tilespmem:s0+$0x18100] =	vst v1;
	v21 =	vsub.s32 $0x10, v18;
	vm0 =	vgt.s32 v18, $0x0  }
0xcf: {  	v18 =	vld [tilespmem:s0+$0x18200];
	[tilespmem:s0+$0x18200] =	vst v1;
	v13 =	vadd.s32 v14, v13;
	vm0 =	vmand vm1, vm0;
	v14 =	vadd.s32 s26, v21;
	s26 =	smov.u32 s7;
	s7 =	smov.u32 s29  }
0xd0: {  	vm1 =	vlt.s32 v21, $0xF;
	v22 =	vld [tilespmem:s0+$0x18300];
	[tilespmem:s0+$0x18300] =	vst v1;
	v13 =	vadd.s32 v16, v13;
	v8 =	vsel vm0, v14, v8  }
0xd1: {  	v16 =	vshrl.u32 v21, $0x1B;
	v23 =	vld [tilespmem:s0+$0x18400];
	[tilespmem:s0+$0x18400] =	vst v1;
	v14 =	vadd.s32 v15, v13;
	v15 =	vnsel vm1, $0xF, v21  }
.Ltmp6:
0xd2: {  	v16 =	vand.u32 $0x10, v16;
	v13 =	vld [tilespmem:s0+$0x18500];
	[tilespmem:s0+$0x18500] =	vst v1;
	v19 =	vadd.s32 v19, v14;
	(pc) =	sbr.rel @p0 .LBB2_7-.Ltmp6, $4  }
0xd3: {  	v16 =	vadd.s32 v15, v16;
	v14 =	vld [tilespmem:s0+$0x18600];
	[tilespmem:s0+$0x18600] =	vst v1;
	v17 =	vadd.s32 v17, v20;
	(xrf0) =	vadd.scan.msk.s32 $0xffff, v19  }
0xd4: {  	v21 =	vperm.xlane v11, v16;
	v15 =	vld [tilespmem:s0+$0x18700];
	[tilespmem:s0+$0x18700] =	vst v1;
	v18 =	vadd.s32 v18, v17;
	v17 =	vperm.xlane v10, v16  }
0xd5: {  	v11 =	vmov v19;
	v16 =	vld [tilespmem:s0+$0x18800];
	[tilespmem:s0+$0x18800] =	vst v1;
	v20 =	vadd.s32 v22, v18  }
0xd6: {  	v9 =	vsel vm0, v21, v9;
	v19 =	vsub.s32 v12, v21;
	v18 =	vld [tilespmem:s0+$0x18900];
	[tilespmem:s0+$0x18900] =	vst v1;
	v20 =	vadd.s32 v23, v20  }
0xd7: {  	v21 =	vld [tilespmem:s0+$0x18A00];
	v13 =	vadd.s32 v13, v20  }
0xd8: {  	v22 =	vld [tilespmem:s0+$0x18B00];
	v13 =	vadd.s32 v14, v13  }
0xd9: {  	v23 =	vld [tilespmem:s0+$0x18C00];
	v13 =	vadd.s32 v15, v13  }
0xda: {  	v14 =	vld [tilespmem:s0+$0x18D00];
	v13 =	vadd.s32 v16, v13  }
0xdb: {  	v15 =	vld [tilespmem:s0+$0x18E00];
	v13 =	vadd.s32 v18, v13  }
0xdc: {  	v16 =	vld [tilespmem:s0+$0x18F00];
	v13 =	vadd.s32 v21, v13  }
0xdd: {  	v13 =	vadd.s32 v22, v13  }
0xde: {  	v13 =	vadd.s32 v23, v13  }
0xdf: {  	v13 =	vadd.s32 v14, v13  }
0xe0: {  	v13 =	vadd.s32 v15, v13  }
0xe1: {  	v13 =	vadd.s32 v16, v13  }
0xe2: {  	v10 =	vperm.xlane v10, v4;
	(xrf0) =	vadd.scan.msk.s32 $0xffff, v13;
	_ =	sdelay $0x1  }
0xe3: {  	v10 =	vadd.s32 v12, v10;
	v14, _, _ =	vpop (xrf0)  }
0xe4: {  	v12 =	vadd.s32 v10, v14  }
0xe5: {  	v15 =	vperm.xlane v14, v4;
	vm1 =	vgt.s32 v12, $0x3E00  }
0xe6: {  	[tilespmem:s0+$0x18A00] =	vst v1;
	v12 =	vmpcnt.ones.xlane vm1  }
0xe7: {  	[tilespmem:s0+$0x18B00] =	vst v1;
	vm2 =	vlt.s32 v8, $0x0;
	v16 =	vadd.s32 v17, v19;
	v15 =	vadd.s32 v10, v15;
	v19, _, _ =	vpop (xrf0)  }
0xe8: {  	[tilespmem:s0+$0x18C00] =	vst v1;
	v17 =	vsub.s32 $0x10, v12;
	vm1 =	vgt.s32 v12, $0x0;
	v12 =	vadd.s32 v15, v19  }
0xe9: {  	[tilespmem:s28+$0x18F00] =	vst v1;
	vm3 =	vlt.s32 v17, $0xF;
	v18 =	vshrl.u32 v17, $0x1B;
	vm4 =	vgt.s32 v12, $0x3E00  }
0xea: {  	[tilespmem:s0+$0x18D00] =	vst v1;
	v18 =	vand.u32 $0x10, v18;
	v12 =	vnsel vm3, $0xF, v17;
	v20 =	vmpcnt.ones.xlane vm4  }
0xeb: {  	[tilespmem:s0+$0x18E00] =	vst v1;
	v7 =	vsel vm0, v16, v7;
	vm0 =	vmand vm2, vm1;
	v12 =	vadd.s32 v12, v18  }
0xec: {  	s28 =	simm.s32 $0x8020;
	[tilespmem:s0+$0x18F00] =	vst v1;
	v16 =	vadd.s32 s26, v17;
	v11 =	vperm.xlane v11, v12;
	v17 =	vsub.s32 $0x10, v20  }
0xed: {  	v23 =	vld [tilespmem:s28+$0xFFFFFFF0];
	v12 =	vperm.xlane v14, v12;
	vm1 =	vlt.s32 v17, $0xF;
	v14 =	vshrl.u32 v17, $0x1B  }
0xee: {  	v28 =	vld [tilespmem:s28+$0xFFFFFFE0];
	v10 =	vsub.s32 v10, v11;
	v18 =	vnsel vm1, $0xF, v17;
	v14 =	vand.u32 $0x10, v14  }
0xef: {  	v8 =	vsel vm0, v16, v8;
	v10 =	vadd.s32 v12, v10;
	v12 =	vadd.s32 v18, v14;
	v18 =	vld [tilespmem:s28+$0x0]  }
0xf0: {  	v9 =	vsel vm0, v11, v9;
	v7 =	vsel vm0, v10, v7;
	v10 =	vld [tilespmem:s28+$0x10];
	v11 =	vperm.xlane v13, v12  }
0xf1: {  	vm1 =	vlt.s32 v8, $0x0;
	vm0 =	vgt.s32 v20, $0x0;
	v12 =	vperm.xlane v19, v12  }
0xf2: {  	v21 =	vshrl.u32 v23, $0x18;
	vm0 =	vmand vm1, vm0;
	v14 =	vsub.s32 v15, v11  }
0xf3: {  	v13 =	vadd.s32 s7, v17;
	v9 =	vsel vm0, v11, v9;
	v11 =	vadd.s32 v12, v14  }
0xf4: {  	v22 =	vshrl.u32 v23, $0x10;
	v8 =	vsel vm0, v13, v8;
	v7 =	vsel vm0, v11, v7  }
0xf5: {  	p2 =	por $0x1, $0x1;
	v11 =	vshrl.u32 v28, $0x18;
	v12 =	vshrl.u32 v18, $0x10;
	v16 =	vshrl.u32 v10, $0x18  }
.Ltmp7:
0xf6: {  	v17 =	vshrl.u32 v18, $0x18;
	v15 =	vand.u32 $0xFF, v12;
	vm5 =	vge.u32 v16, v8;
	(pc) =	sbr.rel @!p2 .LBB2_9-.Ltmp7, $4  }
0xf7: {  	vm1 =	vge.u32 v11, v8;
	v12 =	vshrl.u32 v10, $0x10;
	v13 =	vsel vm5, $0x1, v1  }
0xf8: {  	vm8 =	vge.u32 v17, v8;
	v14 =	vsel vm1, $0x1, v1;
	(xrf0) =	vadd.scan.msk.s32 $0xffff, v13;
	v13 =	vshrl.u32 v28, $0x10  }
0xf9: {  	s6 =	smov.u32 s30;
	s29 =	simm.s32 $0x40;
	p0 =	por $0x0, $0x0;
	v19 =	vand.u32 $0xFF, v12;
	(xrf0) =	vadd.scan.msk.s32 $0xffff, v14;
	v12 =	vand.u32 $0xFF, v13;
	v13 =	vsel vm8, $0x1, v1  }
0xfa: {  	p1 =	por $0x0, $0x0;
	s0 =	simm.s32 $0x8060;
	s26 =	simm.s32 $0x0;
	vm10 =	vge.u32 v21, v8;
	vm6 =	veq.s32 v11, v8;
	(xrf0) =	vadd.scan.msk.s32 $0xffff, v13;
	v20 =	vor.u32 v2, v12  }
0xfb: {  	v13 =	vld [tilespmem:s0+$0xFFFFFFE0]  }
0xfc: {  	vm0 =	vmmov vm5;
	v12 =	vld [tilespmem:s0+$0x0]  }
0xfd: {  	vm2 =	vmmov vm8;
	v11 =	vld [tilespmem:s0+$0x10];
	vm8 =	veq.s32 v21, v8;
	v21 =	vand.u32 $0xFF, v22  }
0xfe: {  	vm4 =	vmmov vm10;
	vm7 =	veq.s32 v17, v8;
	v24 =	vor.u32 v2, v21  }
0xff: {  	v25 =	vor.u32 v2, v19;
	vm9 =	veq.s32 v16, v8;
	v26 =	vor.u32 v2, v15;
	v14, _, _ =	vpop (xrf0)  }
0x100: {  	vm3 =	vmmov vm1;
	v17 =	vsel vm4, $0x1, v1;
	v22, _, _ =	vpop (xrf0);
	(v2sf) =	vpush v14, $0xF  }
0x101: {  	[tilespmem:v20+s15+$0x0] =	vst.idx.add.s32.msk vm6, v3;
	(xrf0) =	vadd.scan.msk.s32 $0xffff, v17;
	(v2sf) =	vpush v22, $0xF;
	v27 =	vshrl.u32 v13, $0x18  }
0x102: {  	v14 =	vld [tilespmem:s0+$0xFFFFFFF0];
	v19, _, _ =	vpop (xrf0);
	v15 =	vshrl.u32 v12, $0x10;
	v17 =	vshrl.u32 v12, $0x18;
	v16 =	vshrl.u32 v11, $0x18  }
0x103: {  	p2 =	por $0x1, $0x1;
	(v2sf) =	vpush v19, $0xF;
	v15 =	vand.u32 $0xFF, v15;
	vm1 =	vge.u32 v27, v8;
	[tilespmem:v24+s15+$0x0] =	vst.idx.add.s32.msk vm8, v3  }
.Ltmp8:
0x104: {  	vm5 =	vge.u32 v16, v8;
	v19 =	vshrl.u32 v11, $0x10;
	vm8 =	vge.u32 v17, v8;
	[tilespmem:v26+s15+$0x0] =	vst.idx.add.s32.msk vm7, v3;
	(pc) =	sbr.rel @!p2 .LBB2_11-.Ltmp8, $4  }
0x105: {  	vm6 =	veq.s32 v27, v8;
	[tilespmem:v25+s15+$0x0] =	vst.idx.add.s32.msk vm9, v3;
	v20 =	vsel vm5, $0x1, v1;
	v62 =	vsel vm1, $0x1, v1  }
0x106: {  	v19 =	vand.u32 $0xFF, v19;
	v63 =	vsel vm8, $0x1, v1;
	(xrf0) =	vadd.scan.msk.s32 $0xffff, v20;
	v20 =	vshrl.u32 v13, $0x10  }
0x107: {  	v21 =	vshrl.u32 v14, $0x18;
	v22 =	vshrl.u32 v14, $0x10;
	v20 =	vand.u32 $0xFF, v20;
	v29, _, _ =	vpop (xrf0);
	(xrf0) =	vadd.scan.msk.s32 $0xffff, v62  }
0x108: {  	s31 =	simm.s32 $0x80;
	s30 =	simm.s32 $0x80A0;
	p0 =	por $0x1, $0x1;
	vm10 =	vge.u32 v21, v8;
	v20 =	vor.u32 v2, v20;
	(v2sf) =	vpush v29, $0xF;
	(xrf0) =	vadd.scan.msk.s32 $0xffff, v63  }
0x109: {  	_ =	sdelay $0x3  }
0x10a: {  	vm7 =	vmmov vm2;
	vm12 =	vmmov vm4;
	v25 =	vld [tilespmem:s30+$0xFFFFFFE0];
	vm2 =	vmmov vm8  }
0x10b: {  	vm4 =	vmmov vm10;
	v24 =	vld [tilespmem:s30+$0x0];
	v22 =	vand.u32 $0xFF, v22;
	vm8 =	veq.s32 v21, v8;
	v27, _, _ =	vpop (xrf0)  }
0x10c: {  	v26 =	vld [tilespmem:s30+$0x10];
	vm10 =	veq.s32 v17, v8;
	v29 =	vor.u32 v2, v22;
	v21, _, _ =	vpop (xrf0);
	s2 =	spop (v2sf);
	(v2sf) =	vpush v27, $0xF  }
0x10d: {  	vm13 =	veq.s32 v16, v8;
	v30 =	vor.u32 v2, v15;
	s4 =	spop (v2sf);
	(v2sf) =	vpush v21, $0xF  }
0x10e: {  	vm11 =	vmmov vm0;
	vm0 =	vmmov vm5;
	[tilespmem:s26+$0x10000] =	vst.msk vm3, v28;
	v28 =	vor.u32 v2, v19;
	v19, _, _ =	vpop (xrf0)  }
0x10f: {  	vm9 =	vmmov vm3;
	s8 =	simm.s32 $0x10;
	[tilespmem:v20+s15+$0x0] =	vst.idx.add.s32.msk vm6, v3;
	v17 =	vsel vm4, $0x1, v1;
	s7 =	spop (v2sf);
	(v2sf) =	vpush v19, $0xF  }
0x110: {  	vm3 =	vmmov vm1;
	v32 =	vor.u32 s8, v0;
	vm11 =	vmmov vm11;
	(xrf0) =	vadd.scan.msk.s32 $0xffff, v17;
	v27 =	vld [tilespmem:s30+$0xFFFFFFF0]  }
0x111: {  	v31 =	vshrl.u32 v25, $0x18;
	v15 =	vshrl.u32 v24, $0x10;
	v16 =	vshrl.u32 v26, $0x18;
	[tilespmem:v29+s15+$0x0] =	vst.idx.add.s32.msk vm8, v3  }
0x112: {  	v17 =	vshrl.u32 v24, $0x18;
	v15 =	vand.u32 $0xFF, v15;
	vm5 =	vge.u32 v16, v8;
	[tilespmem:v30+s15+$0x0] =	vst.idx.add.s32.msk vm10, v3  }
0x113: {  	p2 =	por $0x1, $0x1;
	vm1 =	vge.u32 v31, v8;
	v29 =	vshrl.u32 v25, $0x10;
	[tilespmem:v28+s15+$0x0] =	vst.idx.add.s32.msk vm13, v3;
	v20 =	vsel vm5, $0x1, v1;
	s4 =	sadd.s32 $0x0, s4  }
.Ltmp9:
0x114: {  	vm8 =	vge.u32 v17, v8;
	vm6 =	veq.s32 v31, v8;
	[tilespmem:s4+$0x10000] =	vst.msk vm12, v23;
	v19 =	vshrl.u32 v26, $0x10;
	(pc) =	sbr.rel @!p2 .LBB2_13-.Ltmp9, $4  }
0x115: {  	(xrf0) =	vadd.scan.msk.s32 $0xffff, v20;
	v23 =	vsel vm1, $0x1, v1;
	v19 =	vand.u32 $0xFF, v19;
	[tilespmem:s4+$0x14000] =	vst.msk vm12, v32;
	s9 =	spop (v2sf)  }
0x116: {  	s13 =	simm.s32 $0x20;
	s19 =	simm.s32 $0x80E0;
	v20, _, _ =	vpop (xrf0);
	(xrf0) =	vadd.scan.msk.s32 $0xffff, v23;
	v23 =	vand.u32 $0xFF, v29;
	v29 =	vsel vm8, $0x1, v1;
	v21 =	vshrl.u32 v27, $0x18;
	s20 =	sadd.s32 s4, s9  }
0x117: {  	p1 =	por $0x1, $0x1;
	v22 =	vshrl.u32 v27, $0x10;
	[tilespmem:s28+$0xFFFFFFF0] =	vst v5;
	(xrf0) =	vadd.scan.msk.s32 $0xffff, v29;
	(v2sf) =	vpush v20, $0xF;
	s9 =	simm.s32 $0xC0;
	s18 =	sadd.s32 s20, s7  }
0x118: {  	v29 =	vor.u32 s13, v0;
	vm10 =	vge.u32 v21, v8;
	v20 =	vor.u32 v2, v23;
	[tilespmem:s20+$0x10000] =	vst.msk vm7, v18;
	s7 =	simm.s32 $0x0;
	s8 =	sadd.s32 s18, s2;
	s2 =	simm.s32 $0x0  }
.LBB2_14:
0x119: {  	[tilespmem:s20+$0x14000] =	vst.msk vm7, v29;
	vm12 =	vmmov vm0;
	vm0 =	vmmov vm5;
	vm7 =	vmmov vm2  }
0x11a: {  	v18 =	vld [tilespmem:s19+$0x10];
	p2 =	slt.u32 s9, $0x3FC0;
	vm2 =	vmmov vm8;
	vm8 =	vmmov vm4;
	vm4 =	vmmov vm10;
	s20 =	smov.u32 s9;
	s9 =	sadd.s32 $0x40, s9  }
0x11b: {  	v28 =	vor.u32 s2, v0;
	v23, _, _ =	vpop (xrf0);
	[tilespmem:s8+$0x10000] =	vst.msk vm3, v13;
	s13 =	spop (v2sf);
	v13 =	vmov v25;
	v25 =	vld [tilespmem:s19+$0xFFFFFFE0]  }
0x11c: {  	vm13 =	veq.s32 v21, v8;
	v21 =	vand.u32 $0xFF, v22;
	v30 =	vld [tilespmem:s19+$0x0];
	v22, _, _ =	vpop (xrf0);
	(v2sf) =	vpush v23, $0xF;
	s4 =	spop (v2sf);
	[tilespmem:s7+$0x14000] =	vst.msk vm9, v28;
	s7 =	smov.u32 s8  }
0x11d: {  	vm10 =	veq.s32 v17, v8;
	s1 =	sadd.s32 $0x30, s2;
	s2 =	smov.u32 s29;
	v23 =	vor.u32 v2, v21;
	(v2sf) =	vpush v22, $0xF;
	s8 =	sadd.s32 s8, s4;
	[tilespmem:s28+$0xFFFFFFE0] =	vst v5  }
0x11e: {  	v29 =	vor.u32 v2, v19;
	s29 =	smov.u32 s31;
	v17 =	vsel vm4, $0x1, v1;
	s31 =	smov.u32 s20;
	v21 =	vor.u32 s1, v0;
	v28 =	vld [tilespmem:s19+$0xFFFFFFF0];
	v19, _, _ =	vpop (xrf0);
	s4 =	spop (v2sf);
	[tilespmem:s18+$0x10000] =	vst.msk vm11, v10  }
0x11f: {  	vm14 =	veq.s32 v16, v8;
	v10 =	vmovc v11;
	(xrf0) =	vadd.scan.msk.s32 $0xffff, v17;
	(v2sf) =	vpush v19, $0xF;
	[tilespmem:s18+$0x14000] =	vst.msk vm11, v21  }
0x120: {  	v31 =	vor.u32 v2, v15;
	s1 =	sadd.s32 $0x10, s2;
	vm9 =	vmmov vm3;
	vm3 =	vmmov vm1;
	v11 =	vmovc v26;
	v26 =	vmovc v18;
	[tilespmem:s28+$0x0] =	vst v5  }
0x121: {  	v32 =	vor.u32 s1, v0;
	v18 =	vshrl.u32 v25, $0x18;
	v15 =	vshrl.u32 v30, $0x10;
	[tilespmem:s28+$0x10] =	vst v5;
	s28 =	smov.u32 s0;
	s0 =	smov.u32 s30;
	s30 =	smov.u32 s19  }
0x122: {  	v16 =	vshrl.u32 v26, $0x18;
	v17 =	vshrl.u32 v30, $0x18;
	v15 =	vand.u32 $0xFF, v15;
	[tilespmem:v20+s15+$0x0] =	vst.idx.add.s32.msk vm6, v3  }
0x123: {  	vm1 =	vge.u32 v18, v8;
	vm5 =	vge.u32 v16, v8;
	v21 =	vshrl.u32 v28, $0x18;
	[tilespmem:s8+$0x10000] =	vst.msk vm8, v14;
	v14 =	vmovc v27  }
0x124: {  	v19 =	vshrl.u32 v26, $0x10;
	v33 =	vsel vm5, $0x1, v1;
	v22 =	vshrl.u32 v28, $0x10;
	v27 =	vmovc v28;
	[tilespmem:v23+s15+$0x0] =	vst.idx.add.s32.msk vm13, v3  }
.Ltmp10:
0x125: {  	v19 =	vand.u32 $0xFF, v19;
	v23 =	vsel vm1, $0x1, v1;
	(xrf0) =	vadd.scan.msk.s32 $0xffff, v33;
	v20, _, _ =	vpop (xrf0);
	[tilespmem:s8+$0x14000] =	vst.msk vm8, v32;
	(pc) =	sbr.rel @p2 .LBB2_14-.Ltmp10, $4  }
0x126: {  	v28 =	vshrl.u32 v25, $0x10;
	vm8 =	vge.u32 v17, v8;
	(xrf0) =	vadd.scan.msk.s32 $0xffff, v23;
	[tilespmem:s28+$0xFFFFFFF0] =	vst v5;
	s1 =	spop (v2sf)  }
0x127: {  	v23 =	vand.u32 $0xFF, v28;
	v28 =	vsel vm8, $0x1, v1;
	[tilespmem:v31+s15+$0x0] =	vst.idx.add.s32.msk vm10, v3;
	(v2sf) =	vpush v20, $0xF;
	s20 =	sadd.s32 s8, s1;
	s1 =	sadd.s32 $0x20, s2  }
0x128: {  	vm6 =	veq.s32 v18, v8;
	vm10 =	vge.u32 v21, v8;
	(xrf0) =	vadd.scan.msk.s32 $0xffff, v28;
	[tilespmem:v29+s15+$0x0] =	vst.idx.add.s32.msk vm14, v3;
	s18 =	sadd.s32 s20, s4  }
0x129: {  	vm11 =	vmmov vm12;
	s19 =	sadd.s32 $0x40, s19;
	v20 =	vor.u32 v2, v23;
	v29 =	vor.u32 s1, v0;
	[tilespmem:s20+$0x10000] =	vst.msk vm7, v12;
	s8 =	sadd.s32 s18, s13;
	v12 =	vmovc v24;
	v24 =	vmovc v30  }
0x12a: {  	s9 =	smov.u32 s28;
	v30 =	vmovc v10;
	v28 =	vmov v13;
	s4 =	smov.u32 s29;
	v10 =	vmov v11;
	v23 =	vmov v14  }
0x12b: {  	s28 =	smov.u32 s0;
	v18 =	vmovc v12;
	v13 =	vmovc v25;
	s29 =	smov.u32 s31;
	v11 =	vmov v26;
	s0 =	smov.u32 s30;
	v14 =	vmov v27;
	v12 =	vmov v24  }
.LBB2_16:
0x12c: {  	_ =	sdelay $0x1  }
0x12d: {  	[tilespmem:s20+$0x14000] =	vst.msk @p1 vm7, v29  }
0x12e: {  	vm12 =	vmmov vm10;
	[tilespmem:s8+$0x10000] =	vst.msk @p0 vm3, v28  }
0x12f: {  	v24 =	vor.u32 @p1 s2, v0;
	s1 =	sadd.s32 @p1 $0x30, s2;
	vm13 =	veq.s32 v21, v8;
	[tilespmem:s18+$0x10000] =	vst.msk @p1 vm11, v30;
	v61 =	vsel vm12, $0x1, v1  }
0x130: {  	v21 =	vand.u32 $0xFF, v22;
	[tilespmem:v20+s15+$0x0] =	vst.idx.add.s32.msk vm6, v3;
	v22 =	vor.u32 @p1 s1, v0;
	(xrf0) =	vadd.scan.msk.s32 $0xffff, v61  }
0x131: {  	[tilespmem:s7+$0x14000] =	vst.msk @p1 vm9, v24  }
0x132: {  	v62, _, _ =	vpop (xrf0);
	[tilespmem:s9+$0x0] =	vst @p1 v5  }
0x133: {  	v21 =	vor.u32 v2, v21;
	s1 =	spop @p0 (v2sf);
	(v2sf) =	vpush v62, $0xF;
	[tilespmem:s18+$0x14000] =	vst.msk @p1 vm11, v22;
	v22, _, _ =	vpop (xrf0)  }
0x134: {  	vm14 =	veq.s32 v17, v8;
	[tilespmem:s9+$0xFFFFFFE0] =	vst @p1 v5;
	s2 =	spop @p0 (v2sf);
	(v2sf) =	vpush v22, $0xF  }
0x135: {  	vm4 =	vmmov @p0 vm4;
	vm15 =	veq.s32 v16, v8;
	v15 =	vor.u32 v2, v15;
	s7 =	sadd.s32 @p0 $0x10, s4;
	[tilespmem:s9+$0x10] =	vst @p1 v5;
	s2 =	sadd.s32 @p0 s8, s2;
	v17, _, _ =	vpop (xrf0)  }
0x136: {  	v16 =	vor.u32 v2, v19;
	v19 =	vor.u32 @p0 s7, v0;
	[tilespmem:s2+$0x10000] =	vst.msk @p0 vm4, v23;
	(v2sf) =	vpush v17, $0xF;
	v17, _, _ =	vpop (xrf0)  }
0x137: {  	[tilespmem:s2+$0x14000] =	vst.msk @p0 vm4, v19;
	(v2sf) =	vpush v17, $0xF  }
0x138: {  	s7 =	spop @p0 (v2sf);
	s9 =	smov.u32 @p0 s28;
	[tilespmem:v21+s15+$0x0] =	vst.idx.add.s32.msk vm13, v3  }
0x139: {  	[tilespmem:s9+$0xFFFFFFF0] =	vst @p0 v5;
	s13 =	spop @p0 (v2sf)  }
0x13a: {  	[tilespmem:v15+s15+$0x0] =	vst.idx.add.s32.msk vm14, v3;
	s2 =	sadd.s32 @p0 s2, s13;
	s13 =	sadd.s32 @p0 $0x20, s4  }
0x13b: {  	vm2 =	vmmov @p0 vm2;
	[tilespmem:v16+s15+$0x0] =	vst.idx.add.s32.msk vm15, v3;
	s7 =	sadd.s32 @p0 s2, s7;
	v15 =	vor.u32 @p0 s13, v0  }
0x13c: {  	[tilespmem:s2+$0x10000] =	vst.msk @p0 vm2, v18;
	vm2 =	vmmov @p0 vm2;
	s2 =	smov.u32 @p0 s2;
	s1 =	sadd.s32 @p0 s7, s1;
	v15 =	vpsel p0, v15, v0  }
0x13d: {  	vm1 =	vmmov vm1;
	s26 =	smov.u32 @p0 s1;
	[tilespmem:s2+$0x14000] =	vst.msk @p0 vm2, v15  }
0x13e: {  	vm3 =	vmmov @p0 vm3;
	s1 =	smov.u32 @p0 s4;
	s4 =	smov.u32 @p0 s9;
	[tilespmem:s26+$0x10000] =	vst.msk vm1, v13  }
0x13f: {  	vm0 =	vmmov @p0 vm0;
	vm2 =	vmmov @p0 vm3;
	s2 =	smov.u32 @p0 s8;
	v13 =	vor.u32 @p0 s1, v0;
	[tilespmem:s4+$0x0] =	vst @p0 v5  }
0x140: {  	vm0 =	vmmov @p0 vm0;
	[tilespmem:s2+$0x14000] =	vst.msk @p0 vm2, v13  }
0x141: {  	v10 =	vpsel p0, v10, v0;
	vm0 =	vmmov @p0 vm0;
	s1 =	sadd.s32 @p0 $0x30, s1;
	s2 =	smov.u32 @p0 s7;
	[tilespmem:s4+$0xFFFFFFE0] =	vst @p0 v5  }
0x142: {  	s30 =	spop (v2sf);
	[tilespmem:s2+$0x10000] =	vst.msk @p0 vm0, v10;
	v10 =	vor.u32 @p0 s1, v0  }
0x143: {  	[tilespmem:s2+$0x14000] =	vst.msk @p0 vm0, v10;
	s9 =	spop (v2sf)  }
0x144: {  	s13 =	sadd.s32 $0x10, s29;
	vm0 =	vmmov vm12;
	[tilespmem:s4+$0x10] =	vst @p0 v5;
	s1 =	sadd.s32 s26, s9  }
0x145: {  	v10 =	vor.u32 s13, v0;
	s18 =	spop (v2sf);
	[tilespmem:s1+$0x10000] =	vst.msk vm0, v14  }
0x146: {  	vm2 =	vmmov vm8;
	[tilespmem:s1+$0x14000] =	vst.msk vm0, v10;
	s19 =	spop (v2sf)  }
0x147: {  	s20 =	sadd.s32 $0x20, s29;
	vm0 =	vmmov vm2;
	[tilespmem:s0+$0xFFFFFFF0] =	vst v5;
	s1 =	sadd.s32 s1, s19  }
0x148: {  	v10 =	vor.u32 s20, v0;
	[tilespmem:s1+$0x10000] =	vst.msk vm0, v12  }
0x149: {  	vm1 =	vmmov vm1;
	[tilespmem:s1+$0x14000] =	vst.msk vm0, v10;
	v10 =	vor.u32 s29, v0  }
0x14a: {  	vm2 =	vmmov vm5;
	[tilespmem:s26+$0x14000] =	vst.msk vm1, v10  }
0x14b: {  	vm0 =	vmmov vm2;
	[tilespmem:s0+$0x0] =	vst v5  }
0x14c: {  	s9 =	sadd.s32 $0x30, s29;
	s4 =	sadd.s32 s1, s18;
	vm0 =	vmmov vm0;
	[tilespmem:s0+$0xFFFFFFE0] =	vst v5  }
0x14d: {  	v10 =	vor.u32 s9, v0;
	[tilespmem:s4+$0x10000] =	vst.msk vm0, v11  }
0x14e: {  	[tilespmem:s4+$0x14000] =	vst.msk vm0, v10  }
0x14f: {  	s13 =	simm.s32 $0x18000;
	[tilespmem:s0+$0x10] =	vst v5  }
0x150: {  	s20 =	simm.s32 $0x18010;
	s18 =	simm.s32 $0x0;
	v10 =	vld [tilespmem:s13+$0x0]  }
0x151: {  	s19 =	sand.u32 $0xF0, s18;
	[tilespmem:s13+$0x0] =	vst v1;
	v19 =	vld [tilespmem:s20+$0x0]  }
0x152: {  	v11 =	vld [tilespmem:s19+$0x18100]  }
0x153: {  	v12 =	vld [tilespmem:s19+$0x18200]  }
0x154: {  	v13 =	vld [tilespmem:s19+$0x18300]  }
0x155: {  	[tilespmem:s20+$0x0] =	vst v1;
	v14 =	vld [tilespmem:s19+$0x18400]  }
0x156: {  	v15 =	vld [tilespmem:s19+$0x18500];
	[tilespmem:s19+$0x18100] =	vst v1  }
0x157: {  	v16 =	vld [tilespmem:s19+$0x18600];
	[tilespmem:s19+$0x18200] =	vst v1  }
0x158: {  	s26 =	simm.s32 $0x10;
	v17 =	vld [tilespmem:s19+$0x18700];
	[tilespmem:s19+$0x18300] =	vst v1  }
0x159: {  	s28 =	sand.u32 $0xF0, s26;
	v18 =	vld [tilespmem:s19+$0x18800];
	[tilespmem:s19+$0x18400] =	vst v1  }
0x15a: {  	v21 =	vld [tilespmem:s28+$0x18100];
	[tilespmem:s28+$0x18100] =	vst v1  }
0x15b: {  	v20 =	vld [tilespmem:s19+$0x18900];
	[tilespmem:s19+$0x18500] =	vst v1;
	v10 =	vadd.s32 v10, v11  }
0x15c: {  	v23 =	vld [tilespmem:s28+$0x18200];
	[tilespmem:s28+$0x18200] =	vst v1;
	v10 =	vadd.s32 v12, v10  }
0x15d: {  	v22 =	vld [tilespmem:s19+$0x18A00];
	[tilespmem:s19+$0x18600] =	vst v1;
	v10 =	vadd.s32 v13, v10  }
0x15e: {  	[tilespmem:s19+$0x18700] =	vst v1;
	v27 =	vld [tilespmem:s28+$0x18F00];
	v10 =	vadd.s32 v14, v10  }
0x15f: {  	[tilespmem:s19+$0x18800] =	vst v1;
	v11 =	vld [tilespmem:s19+$0x18B00];
	v10 =	vadd.s32 v15, v10  }
0x160: {  	[tilespmem:s19+$0x18900] =	vst v1;
	v12 =	vld [tilespmem:s28+$0x18300];
	v10 =	vadd.s32 v16, v10  }
0x161: {  	[tilespmem:s19+$0x18A00] =	vst v1;
	v13 =	vld [tilespmem:s19+$0x18C00];
	v10 =	vadd.s32 v17, v10  }
0x162: {  	[tilespmem:s19+$0x18B00] =	vst v1;
	v15 =	vld [tilespmem:s19+$0x18D00];
	v10 =	vadd.s32 v18, v10  }
0x163: {  	[tilespmem:s28+$0x18300] =	vst v1;
	v17 =	vld [tilespmem:s19+$0x18E00];
	v10 =	vadd.s32 v20, v10  }
0x164: {  	[tilespmem:s19+$0x18C00] =	vst v1;
	v20 =	vld [tilespmem:s19+$0x18F00];
	v10 =	vadd.s32 v22, v10  }
0x165: {  	v14 =	vld [tilespmem:s28+$0x18400];
	[tilespmem:s28+$0x18400] =	vst v1;
	v10 =	vadd.s32 v11, v10  }
0x166: {  	[tilespmem:s19+$0x18D00] =	vst v1;
	v16 =	vld [tilespmem:s28+$0x18500];
	v10 =	vadd.s32 v13, v10  }
0x167: {  	[tilespmem:s28+$0x18500] =	vst v1;
	v18 =	vld [tilespmem:s28+$0x18600];
	v10 =	vadd.s32 v15, v10  }
0x168: {  	[tilespmem:s19+$0x18E00] =	vst v1;
	v22 =	vld [tilespmem:s28+$0x18700];
	v10 =	vadd.s32 v17, v10  }
0x169: {  	[tilespmem:s28+$0x18600] =	vst v1;
	v11 =	vld [tilespmem:s28+$0x18800];
	v15 =	vadd.s32 v20, v10  }
0x16a: {  	[tilespmem:s19+$0x18F00] =	vst v1;
	v13 =	vld [tilespmem:s28+$0x18900];
	v10 =	vadd.s32 v19, v21;
	(xrf0) =	vadd.scan.msk.s32 $0xffff, v15  }
0x16b: {  	s2 =	simm.s32 $0x18020;
	[tilespmem:s28+$0x18700] =	vst v1;
	v17 =	vld [tilespmem:s28+$0x18A00];
	v10 =	vadd.s32 v23, v10  }
0x16c: {  	s31 =	simm.s32 $0x20;
	[tilespmem:s28+$0x18800] =	vst v1;
	v20 =	vld [tilespmem:s2+$0x0];
	v10 =	vadd.s32 v12, v10  }
0x16d: {  	s29 =	sand.u32 $0xF0, s31;
	[tilespmem:s2+$0x0] =	vst v1;
	v21 =	vld [tilespmem:s28+$0x18B00];
	v12 =	vadd.s32 v7, v9;
	v10 =	vadd.s32 v14, v10  }
0x16e: {  	[tilespmem:s28+$0x18900] =	vst v1;
	v19 =	vld [tilespmem:s29+$0x18100];
	v10 =	vadd.s32 v16, v10  }
0x16f: {  	[tilespmem:s28+$0x18A00] =	vst v1;
	v14 =	vld [tilespmem:s29+$0x18200];
	v10 =	vadd.s32 v18, v10  }
0x170: {  	[tilespmem:s28+$0x18B00] =	vst v1;
	v23 =	vld [tilespmem:s28+$0x18C00];
	v16 =	vsub.s32 v9, v12;
	v9 =	vimm.s32 $0x0;
	v18 =	vadd.s32 v22, v10;
	v12, _, _ =	vpop (xrf0)  }
0x171: {  	[tilespmem:s29+$0x18100] =	vst v1;
	v22 =	vld [tilespmem:s28+$0x18D00];
	v10 =	vsub.s32 v16, v6;
	v11 =	vadd.s32 v11, v18;
	v16 =	vadd.s32 v9, v12  }
0x172: {  	v26 =	vimm.s32 $0xFFFFFFFF;
	[tilespmem:s28+$0x18C00] =	vst v1;
	v11 =	vadd.s32 v13, v11;
	v13 =	vld [tilespmem:s28+$0x18E00];
	vm0 =	vgt.s32 v16, v10  }
0x173: {  	v63 =	vld [tilespmem:s29+$0x18300];
	[tilespmem:s29+$0x18300] =	vst v1;
	v19 =	vadd.s32 v20, v19;
	v11 =	vadd.s32 v17, v11;
	v18 =	vmpcnt.ones.xlane vm0  }
0x174: {  	vm1 =	vlt.s32 v26, $0x0;
	v25 =	vld [tilespmem:s29+$0x18400];
	[tilespmem:s29+$0x18400] =	vst v1;
	v14 =	vadd.s32 v14, v19;
	v11 =	vadd.s32 v21, v11  }
0x175: {  	[tilespmem:s29+$0x18200] =	vst v1;
	v11 =	vadd.s32 v23, v11;
	vm0 =	vgt.s32 v18, $0x0;
	v21 =	vsub.s32 $0x10, v18  }
0x176: {  	[tilespmem:s28+$0x18D00] =	vst v1;
	v11 =	vadd.s32 v22, v11;
	vm0 =	vmand vm1, vm0;
	vm1 =	vlt.s32 v21, $0xF  }
0x177: {  	[tilespmem:s28+$0x18E00] =	vst v1;
	v19 =	vld [tilespmem:s29+$0x18800];
	v22 =	vshrl.u32 v21, $0x1B;
	v20 =	vadd.s32 s18, v21;
	v11 =	vadd.s32 v13, v11  }
0x178: {  	[tilespmem:s29+$0x18800] =	vst v1;
	v16 =	vld [tilespmem:s29+$0x18500];
	v21 =	vnsel vm1, $0xF, v21;
	v22 =	vand.u32 $0x10, v22;
	v13 =	vadd.s32 v27, v11  }
0x179: {  	[tilespmem:s29+$0x18500] =	vst v1;
	v17 =	vld [tilespmem:s29+$0x18600];
	v21 =	vadd.s32 v21, v22;
	(xrf0) =	vadd.scan.msk.s32 $0xffff, v13  }
0x17a: {  	[tilespmem:s29+$0x18600] =	vst v1;
	v18 =	vld [tilespmem:s29+$0x18700];
	v11 =	vadd.s32 v63, v14;
	v15 =	vperm.xlane v15, v21  }
0x17b: {  	[tilespmem:s29+$0x18700] =	vst v1;
	v14 =	vsel vm0, v20, v26;
	v23 =	vadd.s32 v25, v11;
	v20 =	vperm.xlane v12, v21  }
0x17c: {  	s7 =	simm.s32 $0x20;
	s0 =	sadd.s32 s4, s30;
	v21 =	vld [tilespmem:s29+$0x18900];
	[tilespmem:s29+$0x18900] =	vst v1;
	v11 =	vsel vm0, v15, v9;
	v22 =	vsub.s32 v9, v15;
	v15 =	vimm.s32 $0x0  }
.LBB2_17:
0x17d: {  	v24 =	vld [tilespmem:s29+$0x18A00];
	[tilespmem:s29+$0x18A00] =	vst v1;
	v16 =	vadd.s32 v16, v23;
	v20 =	vadd.s32 v20, v22;
	v22 =	vperm.xlane v12, v4  }
0x17e: {  	s2 =	sadd.s32 $0x10, s2;
	v23 =	vld [tilespmem:s29+$0x18B00];
	[tilespmem:s29+$0x18B00] =	vst v1;
	v17 =	vadd.s32 v17, v16;
	v9 =	vsel vm0, v20, v9  }
0x17f: {  	v20 =	vld [tilespmem:s2+$0x0];
	v16 =	vadd.s32 v18, v17;
	[tilespmem:s28+$0x18F00] =	vst v1;
	v12, _, _ =	vpop (xrf0);
	v15 =	vadd.s32 v15, v22;
	s28 =	smov.u32 s29  }
0x180: {  	v17 =	vld [tilespmem:s28+$0x18C00];
	[tilespmem:s28+$0x18C00] =	vst v1;
	v16 =	vadd.s32 v19, v16;
	v18 =	vadd.s32 v15, v12  }
0x181: {  	v19 =	vld [tilespmem:s28+$0x18D00];
	[tilespmem:s28+$0x18D00] =	vst v1;
	v16 =	vadd.s32 v21, v16;
	vm0 =	vgt.s32 v18, v10  }
0x182: {  	s31 =	sadd.s32 $0x10, s31;
	v18 =	vld [tilespmem:s28+$0x18E00];
	[tilespmem:s28+$0x18E00] =	vst v1;
	v16 =	vadd.s32 v24, v16;
	v21 =	vmpcnt.ones.xlane vm0  }
0x183: {  	p0 =	slt.u32 s31, $0xF0;
	s29 =	sand.u32 $0xF0, s31;
	[tilespmem:s2+$0x0] =	vst v1;
	v22 =	vld [tilespmem:s28+$0x18F00];
	v16 =	vadd.s32 v23, v16  }
0x184: {  	vm1 =	vlt.s32 v14, $0x0;
	v23 =	vld [tilespmem:s29+$0x18100];
	[tilespmem:s29+$0x18100] =	vst v1;
	v24 =	vsub.s32 $0x10, v21;
	vm0 =	vgt.s32 v21, $0x0  }
0x185: {  	v21 =	vld [tilespmem:s29+$0x18200];
	[tilespmem:s29+$0x18200] =	vst v1;
	v16 =	vadd.s32 v17, v16;
	vm0 =	vmand vm1, vm0;
	v17 =	vadd.s32 s26, v24;
	s26 =	smov.u32 s7;
	s7 =	smov.u32 s31  }
0x186: {  	vm1 =	vlt.s32 v24, $0xF;
	v25 =	vld [tilespmem:s29+$0x18300];
	[tilespmem:s29+$0x18300] =	vst v1;
	v16 =	vadd.s32 v19, v16;
	v14 =	vsel vm0, v17, v14  }
0x187: {  	v19 =	vshrl.u32 v24, $0x1B;
	v26 =	vld [tilespmem:s29+$0x18400];
	[tilespmem:s29+$0x18400] =	vst v1;
	v17 =	vadd.s32 v18, v16;
	v18 =	vnsel vm1, $0xF, v24  }
.Ltmp11:
0x188: {  	v19 =	vand.u32 $0x10, v19;
	v16 =	vld [tilespmem:s29+$0x18500];
	[tilespmem:s29+$0x18500] =	vst v1;
	v22 =	vadd.s32 v22, v17;
	(pc) =	sbr.rel @p0 .LBB2_17-.Ltmp11, $4  }
0x189: {  	v19 =	vadd.s32 v18, v19;
	v17 =	vld [tilespmem:s29+$0x18600];
	[tilespmem:s29+$0x18600] =	vst v1;
	v20 =	vadd.s32 v20, v23;
	(xrf0) =	vadd.scan.msk.s32 $0xffff, v22  }
0x18a: {  	v24 =	vperm.xlane v13, v19;
	v18 =	vld [tilespmem:s29+$0x18700];
	[tilespmem:s29+$0x18700] =	vst v1;
	v21 =	vadd.s32 v21, v20;
	v20 =	vperm.xlane v12, v19  }
0x18b: {  	v13 =	vmov v22;
	v19 =	vld [tilespmem:s29+$0x18800];
	[tilespmem:s29+$0x18800] =	vst v1;
	v23 =	vadd.s32 v25, v21  }
0x18c: {  	v11 =	vsel vm0, v24, v11;
	v22 =	vsub.s32 v15, v24;
	v21 =	vld [tilespmem:s29+$0x18900];
	[tilespmem:s29+$0x18900] =	vst v1;
	v23 =	vadd.s32 v26, v23  }
0x18d: {  	v24 =	vld [tilespmem:s29+$0x18A00];
	v16 =	vadd.s32 v16, v23  }
0x18e: {  	v25 =	vld [tilespmem:s29+$0x18B00];
	v16 =	vadd.s32 v17, v16  }
0x18f: {  	v26 =	vld [tilespmem:s29+$0x18C00];
	v16 =	vadd.s32 v18, v16  }
0x190: {  	v45 =	vld [tilespmem:s29+$0x18D00];
	v16 =	vadd.s32 v19, v16  }
0x191: {  	v46 =	vld [tilespmem:s29+$0x18E00];
	v16 =	vadd.s32 v21, v16  }
0x192: {  	v47 =	vld [tilespmem:s29+$0x18F00];
	v16 =	vadd.s32 v24, v16  }
0x193: {  	v16 =	vadd.s32 v25, v16  }
0x194: {  	v16 =	vadd.s32 v26, v16  }
0x195: {  	v16 =	vadd.s32 v45, v16  }
0x196: {  	v16 =	vadd.s32 v46, v16  }
0x197: {  	v16 =	vadd.s32 v47, v16  }
0x198: {  	v12 =	vperm.xlane v12, v4;
	(xrf0) =	vadd.scan.msk.s32 $0xffff, v16;
	_ =	sdelay $0x1  }
0x199: {  	v48, _, _ =	vpop (xrf0);
	v12 =	vadd.s32 v15, v12  }
0x19a: {  	v15 =	vadd.s32 v12, v48  }
0x19b: {  	v49 =	vperm.xlane v48, v4;
	vm1 =	vgt.s32 v15, v10  }
0x19c: {  	v50 =	vadd.s32 v20, v22;
	v51 =	vmpcnt.ones.xlane vm1  }
0x19d: {  	vm11 =	vlt.s32 v14, $0x0;
	s1 =	sadd.s32 $0xF, s0;
	v8 =	vshll.u32 v8, $0x8;
	v18 =	vadd.s32 v12, v49;
	v52, _, _ =	vpop (xrf0)  }
0x19e: {  	v9 =	vsel vm0, v50, v9;
	s2 =	sand.u32 $0xF, s1;
	vm10 =	vgt.s32 v51, $0x0;
	v53 =	vadd.s32 v18, v52  }
0x19f: {  	s31 =	sshra.s32 s1, $0x1F;
	p1 =	slt.s32 s1, $0x1;
	p0 =	sne.s32 s2, $0x0;
	vm0 =	vmand vm11, vm10;
	vm2 =	vgt.s32 v53, v10;
	v10 =	vsub.s32 $0x10, v51  }
0x1a0: {  	s2 =	sshrl.u32 s31, $0x1C;
	p0 =	por !p1, !p0;
	v15 =	vmpcnt.ones.xlane vm2;
	vm12 =	vlt.s32 v10, $0xF;
	v54 =	vshrl.u32 v10, $0x1B  }
0x1a1: {  	s1 =	sadd.s32 s2, s1;
	s2 =	simm.s32 $0x1;
	p0 =	por !p0, !p0;
	v19 =	vadd.s32 s26, v10;
	v10 =	vnsel vm12, $0xF, v10;
	v21 =	vand.u32 $0x10, v54  }
0x1a2: {  	s1 =	sshrl.u32 s1, $0x4;
	s2 =	simm.s32 @!p0 $0x0;
	v56 =	vsel vm0, v19, v14;
	v55 =	vsub.s32 $0x10, v15;
	v10 =	vadd.s32 v10, v21  }
0x1a3: {  	s1 =	ssub.s32 s1, s2;
	vm14 =	vgt.s32 v15, $0x0;
	vm13 =	vlt.s32 v55, $0xF;
	v58 =	vshrl.u32 v55, $0x1B  }
0x1a4: {  	[tilespmem:s29+$0x18A00] =	vst v1;
	s26 =	sshll.u32 s1, $0x4;
	vm15 =	vlt.s32 v56, $0x0;
	v59 =	vnsel vm13, $0xF, v55;
	v21 =	vand.u32 $0x10, v58  }
0x1a5: {  	[tilespmem:s29+$0x18B00] =	vst v1;
	p0 =	slt.s32 s26, $0x1;
	v57 =	vadd.s32 s7, v55;
	v13 =	vperm.xlane v13, v10;
	v60 =	vadd.s32 v59, v21  }
.Ltmp12:
0x1a6: {  	[tilespmem:s29+$0x18C00] =	vst v1;
	v10 =	vperm.xlane v48, v10;
	vm1 =	vmand vm15, vm14;
	v16 =	vperm.xlane v16, v60;
	(pc) =	sbr.rel @p0 .LBB2_28-.Ltmp12, $4  }
0x1a7: {  	[tilespmem:s29+$0x18D00] =	vst v1;
	v62 =	vsel vm1, v57, v56;
	v12 =	vsub.s32 v12, v13;
	v61 =	vperm.xlane v52, v60  }
0x1a8: {  	[tilespmem:s29+$0x18E00] =	vst v1;
	v11 =	vsel vm0, v13, v11;
	v10 =	vadd.s32 v10, v12;
	v63 =	vsub.s32 v18, v16  }
0x1a9: {  	[tilespmem:s28+$0x18F00] =	vst v1;
	v10 =	vsel vm0, v10, v9;
	v9 =	vsel vm1, v16, v11;
	v11 =	vadd.s32 v61, v63  }
0x1aa: {  	[tilespmem:s29+$0x18F00] =	vst v1;
	s20 =	rddreg [dreg:$0x0];
	v11 =	vsel vm1, v11, v10;
	v10 =	vor.u32 v8, v62;
	v8 =	vmov s0  }
0x1ab: {  	p3 =	sgt.s32 s26, $0x10  }
.Ltmp13:
0x1ac: {  	_ = 	snop;
	(pc) =	sbr.rel @!p3 .LBB2_20-.Ltmp13, $3  }
0x1ad: {  	_ =	sdelay $0x1  }
0x1ae: {  	s0 =	simm.s32 $0x0;
	s4 =	simm.s32 $0x10000  }
0x1af: {  	s2 =	simm.s32 $0x10;
	p1 =	por $0x0, $0x0;
	p2 =	por $0x0, $0x0;
	v12 =	vld [tilespmem:s4+$0x0]  }
0x1b0: {  	p3 =	sgt.s32 s26, $0x20  }
.Ltmp14:
0x1b1: {  	_ = 	snop;
	(pc) =	sbr.rel @!p3 .LBB2_22-.Ltmp14, $3  }
0x1b2: {  	_ =	sdelay $0x1  }
0x1b3: {  	v13 =	vor.u32 s0, v0;
	s1 =	simm.s32 $0x10010;
	v14 =	vshrl.u32 v12, $0x10;
	v15 =	vshrl.u32 v12, $0x8  }
0x1b4: {  	s0 =	simm.s32 $0x20;
	p1 =	por $0x1, $0x1;
	vm1 =	vlt.s32 v13, v8;
	v12 =	vld [tilespmem:s1+$0x0];
	vm2 =	veq.s32 v14, v10;
	v14 =	vand.u32 $0xFF, v15  }
0x1b5: {  	p3 =	sgt.s32 s26, $0x30  }
.Ltmp15:
0x1b6: {  	vm0 =	vmand vm1, vm2;
	(pc) =	sbr.rel @!p3 .LBB2_24-.Ltmp15, $3  }
0x1b7: {  	v13 =	vor.u32 v2, v14;
	_ =	sdelay $0x1  }
0x1b8: {  	v14 =	vor.u32 s2, v0;
	s2 =	simm.s32 $0x10020;
	v15 =	vshrl.u32 v12, $0x10;
	v16 =	vshrl.u32 v12, $0x8  }
0x1b9: {  	s4 =	simm.s32 $0x30;
	p2 =	por $0x1, $0x1;
	vm1 =	vlt.s32 v14, v8;
	v12 =	vld [tilespmem:s2+$0x0];
	vm2 =	veq.s32 v15, v10;
	v14 =	vand.u32 $0xFF, v16  }
.LBB2_25:
0x1ba: {  	s1 =	smov.u32 s4;
	s4 =	sadd.s32 $0x10, s4  }
0x1bb: {  	[tilespmem:v13+s15+$0x0] =	vst.idx.add.s32.msk vm0, v3;
	vm0 =	vmand vm1, vm2;
	p3 =	slt.s32 s4, s26  }
.Ltmp16:
0x1bc: {  	v13 =	vor.u32 v2, v14;
	(pc) =	sbr.rel @p3 .LBB2_25-.Ltmp16, $3  }
0x1bd: {  	_ =	sdelay $0x1  }
0x1be: {  	v14 =	vor.u32 s0, v0;
	s2 =	sadd.s32 $0x10, s2;
	s0 =	smov.u32 s1;
	v15 =	vshrl.u32 v12, $0x10;
	v16 =	vshrl.u32 v12, $0x8  }
0x1bf: {  	vm1 =	vlt.s32 v14, v8;
	v12 =	vld [tilespmem:s2+$0x0];
	vm2 =	veq.s32 v15, v10;
	v14 =	vand.u32 $0xFF, v16  }
0x1c0: {  	s2 =	smov.u32 s0  }
.LBB2_27:
0x1c1: {  	_ =	sdelay $0x1  }
0x1c2: {  	vm1 =	vmand @p1 vm1, vm2;
	v15 =	vor.u32 s2, v0  }
0x1c3: {  	v14 =	vor.u32 @p1 v2, v14;
	vm15 =	vlt.s32 v15, v8;
	v16 =	vshrl.u32 v12, $0x10  }
0x1c4: {  	vm1 =	vmmov @p1 vm1;
	v63 =	vshrl.u32 v12, $0x8;
	vm3 =	veq.s32 v16, v10  }
0x1c5: {  	v14 =	vpsel p1, v14, v0;
	v12 =	vand.u32 $0xFF, v63;
	vm2 =	vmand vm15, vm3  }
0x1c6: {  	v12 =	vor.u32 v2, v12;
	_ =	sdelay $0x2  }
0x1c7: {  	[tilespmem:v13+s15+$0x0] =	vst.idx.add.s32.msk @p2 vm0, v3  }
0x1c8: {  	[tilespmem:v14+s15+$0x0] =	vst.idx.add.s32.msk @p1 vm1, v3  }
0x1c9: {  	[tilespmem:v12+s15+$0x0] =	vst.idx.add.s32.msk vm2, v3  }
.LBB2_28:
0x1ca: {  	s0 =	simm.s32 $0x18000  }
0x1cb: {  	s7 =	simm.s32 $0x0;
	s31 =	simm.s32 $0x18010;
	v13 =	vld [tilespmem:s0+$0x0]  }
0x1cc: {  	[tilespmem:s0+$0x0] =	vst v1;
	s8 =	sand.u32 $0xF0, s7;
	v22 =	vld [tilespmem:s31+$0x0]  }
0x1cd: {  	v15 =	vld [tilespmem:s8+$0x18100]  }
0x1ce: {  	v16 =	vld [tilespmem:s8+$0x18200]  }
0x1cf: {  	[tilespmem:s31+$0x0] =	vst v1;
	v17 =	vld [tilespmem:s8+$0x18300]  }
0x1d0: {  	s29 =	simm.s32 $0x10;
	v18 =	vld [tilespmem:s8+$0x18400];
	[tilespmem:s8+$0x18100] =	vst v1  }
0x1d1: {  	s28 =	sand.u32 $0xF0, s29;
	v19 =	vld [tilespmem:s8+$0x18500];
	[tilespmem:s8+$0x18200] =	vst v1  }
0x1d2: {  	v24 =	vld [tilespmem:s28+$0x18100];
	[tilespmem:s28+$0x18100] =	vst v1  }
0x1d3: {  	v20 =	vld [tilespmem:s8+$0x18600];
	[tilespmem:s8+$0x18300] =	vst v1  }
0x1d4: {  	v26 =	vld [tilespmem:s28+$0x18200];
	[tilespmem:s28+$0x18200] =	vst v1  }
0x1d5: {  	v21 =	vld [tilespmem:s8+$0x18700];
	[tilespmem:s8+$0x18400] =	vst v1  }
0x1d6: {  	v28 =	vld [tilespmem:s28+$0x18300];
	[tilespmem:s28+$0x18300] =	vst v1  }
0x1d7: {  	v23 =	vld [tilespmem:s8+$0x18800];
	[tilespmem:s8+$0x18500] =	vst v1;
	v13 =	vadd.s32 v13, v15  }
0x1d8: {  	v25 =	vld [tilespmem:s8+$0x18900];
	[tilespmem:s8+$0x18600] =	vst v1;
	v13 =	vadd.s32 v16, v13  }
0x1d9: {  	v27 =	vld [tilespmem:s8+$0x18A00];
	[tilespmem:s8+$0x18700] =	vst v1;
	v13 =	vadd.s32 v17, v13  }
0x1da: {  	[tilespmem:s8+$0x18800] =	vst v1;
	v15 =	vld [tilespmem:s8+$0x18B00];
	v13 =	vadd.s32 v18, v13  }
0x1db: {  	[tilespmem:s8+$0x18900] =	vst v1;
	v16 =	vld [tilespmem:s28+$0x18400];
	v13 =	vadd.s32 v19, v13  }
0x1dc: {  	[tilespmem:s8+$0x18A00] =	vst v1;
	v17 =	vld [tilespmem:s8+$0x18C00];
	v13 =	vadd.s32 v20, v13  }
0x1dd: {  	[tilespmem:s8+$0x18B00] =	vst v1;
	v18 =	vld [tilespmem:s28+$0x18500];
	v13 =	vadd.s32 v21, v13  }
0x1de: {  	[tilespmem:s28+$0x18400] =	vst v1;
	v19 =	vld [tilespmem:s8+$0x18D00];
	v13 =	vadd.s32 v23, v13  }
0x1df: {  	[tilespmem:s8+$0x18C00] =	vst v1;
	v21 =	vld [tilespmem:s8+$0x18E00];
	v13 =	vadd.s32 v25, v13  }
0x1e0: {  	[tilespmem:s28+$0x18500] =	vst v1;
	v25 =	vld [tilespmem:s8+$0x18F00];
	v13 =	vadd.s32 v27, v13  }
0x1e1: {  	[tilespmem:s8+$0x18D00] =	vst v1;
	v20 =	vld [tilespmem:s28+$0x18600];
	v13 =	vadd.s32 v15, v13  }
0x1e2: {  	[tilespmem:s28+$0x18600] =	vst v1;
	v23 =	vld [tilespmem:s28+$0x18700];
	v13 =	vadd.s32 v17, v13  }
0x1e3: {  	[tilespmem:s8+$0x18E00] =	vst v1;
	v27 =	vld [tilespmem:s28+$0x18800];
	v13 =	vadd.s32 v19, v13  }
0x1e4: {  	[tilespmem:s28+$0x18700] =	vst v1;
	v17 =	vld [tilespmem:s28+$0x18900];
	v13 =	vadd.s32 v21, v13  }
0x1e5: {  	s0 =	simm.s32 $0x18020;
	[tilespmem:s8+$0x18F00] =	vst v1;
	v19 =	vld [tilespmem:s28+$0x18A00];
	v21 =	vadd.s32 v25, v13;
	v13 =	vadd.s32 v22, v24  }
0x1e6: {  	s2 =	simm.s32 $0x20;
	[tilespmem:s28+$0x18800] =	vst v1;
	v22 =	vld [tilespmem:s0+$0x0];
	(xrf0) =	vadd.scan.msk.s32 $0xffff, v21;
	v13 =	vadd.s32 v26, v13  }
0x1e7: {  	s30 =	sand.u32 $0xF0, s2;
	v24 =	vld [tilespmem:s28+$0x18B00];
	[tilespmem:s0+$0x0] =	vst v1;
	v13 =	vadd.s32 v28, v13  }
0x1e8: {  	[tilespmem:s28+$0x18900] =	vst v1;
	v25 =	vld [tilespmem:s30+$0x18100];
	v13 =	vadd.s32 v16, v13  }
0x1e9: {  	[tilespmem:s28+$0x18A00] =	vst v1;
	v26 =	vld [tilespmem:s30+$0x18200];
	v13 =	vadd.s32 v18, v13  }
0x1ea: {  	v7 =	vadd.s32 v9, v7;
	[tilespmem:s28+$0x18B00] =	vst v1;
	v63 =	vld [tilespmem:s30+$0x18400];
	v13 =	vadd.s32 v20, v13  }
0x1eb: {  	v7 =	vadd.s32 v11, v7;
	[tilespmem:s30+$0x18100] =	vst v1;
	v16 =	vld [tilespmem:s28+$0x18C00];
	v13 =	vadd.s32 v23, v13  }
0x1ec: {  	v12 =	vimm.s32 $0x0;
	v7 =	vadd.s32 $0xFFFFC200, v7;
	[tilespmem:s30+$0x18200] =	vst v1;
	v18 =	vld [tilespmem:s28+$0x18D00];
	v15, _, _ =	vpop (xrf0);
	v13 =	vadd.s32 v27, v13  }
0x1ed: {  	v11 =	vsub.s32 v9, v7;
	[tilespmem:s30+$0x18400] =	vst v1;
	v20 =	vld [tilespmem:s28+$0x18E00];
	v27 =	vadd.s32 v12, v15;
	v13 =	vadd.s32 v17, v13  }
0x1ee: {  	[tilespmem:s28+$0x18C00] =	vst v1;
	vm0 =	vgt.s32 v27, v11;
	v13 =	vadd.s32 v19, v13;
	v19 =	vld [tilespmem:s28+$0x18F00]  }
0x1ef: {  	[tilespmem:s28+$0x18D00] =	vst v1;
	v27 =	vmpcnt.ones.xlane vm0;
	v13 =	vadd.s32 v24, v13  }
0x1f0: {  	v14 =	vimm.s32 $0xFFFFFFFF;
	[tilespmem:s28+$0x18E00] =	vst v1;
	v22 =	vadd.s32 v22, v25;
	v13 =	vadd.s32 v16, v13  }
0x1f1: {  	v23 =	vld [tilespmem:s30+$0x18300];
	[tilespmem:s30+$0x18300] =	vst v1;
	v22 =	vadd.s32 v26, v22;
	v16 =	vsub.s32 $0x10, v27;
	v13 =	vadd.s32 v18, v13  }
0x1f2: {  	v17 =	vld [tilespmem:s30+$0x18500];
	[tilespmem:s30+$0x18500] =	vst v1;
	v13 =	vadd.s32 v20, v13;
	vm0 =	vlt.s32 v16, $0xF;
	v20 =	vshrl.u32 v16, $0x1B  }
0x1f3: {  	v18 =	vld [tilespmem:s30+$0x18600];
	[tilespmem:s30+$0x18600] =	vst v1;
	v13 =	vadd.s32 v19, v13;
	v24 =	vnsel vm0, $0xF, v16;
	v20 =	vand.u32 $0x10, v20  }
0x1f4: {  	vm1 =	vgt.s32 v27, $0x0;
	vm0 =	vlt.s32 v14, $0x0;
	v24 =	vadd.s32 v24, v20;
	(xrf0) =	vadd.scan.msk.s32 $0xffff, v13  }
0x1f5: {  	v19 =	vld [tilespmem:s30+$0x18700];
	[tilespmem:s30+$0x18700] =	vst v1;
	v16 =	vadd.s32 s7, v16;
	vm0 =	vmand vm0, vm1;
	v25 =	vperm.xlane v21, v24  }
0x1f6: {  	v20 =	vld [tilespmem:s30+$0x18800];
	[tilespmem:s30+$0x18800] =	vst v1;
	v14 =	vsel vm0, v16, v14;
	v21 =	vperm.xlane v15, v24;
	v16 =	vadd.s32 v23, v22  }
0x1f7: {  	s7 =	simm.s32 $0x20;
	v22 =	vld [tilespmem:s30+$0x18900];
	[tilespmem:s30+$0x18900] =	vst v1;
	v24 =	vadd.s32 v63, v16;
	v16 =	vimm.s32 $0x0;
	v23 =	vsub.s32 v12, v25  }
.LBB2_29:
0x1f8: {  	v25 =	vld [tilespmem:s30+$0x18A00];
	[tilespmem:s30+$0x18A00] =	vst v1;
	v17 =	vadd.s32 v17, v24;
	v21 =	vadd.s32 v21, v23;
	v23 =	vperm.xlane v15, v4  }
0x1f9: {  	s0 =	sadd.s32 $0x10, s0;
	v24 =	vld [tilespmem:s30+$0x18B00];
	[tilespmem:s30+$0x18B00] =	vst v1;
	v18 =	vadd.s32 v18, v17;
	v12 =	vsel vm0, v21, v12  }
0x1fa: {  	v21 =	vld [tilespmem:s0+$0x0];
	v17 =	vadd.s32 v19, v18;
	[tilespmem:s28+$0x18F00] =	vst v1;
	v15, _, _ =	vpop (xrf0);
	v16 =	vadd.s32 v16, v23;
	s28 =	smov.u32 s30  }
0x1fb: {  	v18 =	vld [tilespmem:s28+$0x18C00];
	[tilespmem:s28+$0x18C00] =	vst v1;
	v17 =	vadd.s32 v20, v17;
	v19 =	vadd.s32 v16, v15  }
0x1fc: {  	v20 =	vld [tilespmem:s28+$0x18D00];
	[tilespmem:s28+$0x18D00] =	vst v1;
	v17 =	vadd.s32 v22, v17;
	vm0 =	vgt.s32 v19, v11  }
0x1fd: {  	s2 =	sadd.s32 $0x10, s2;
	v19 =	vld [tilespmem:s28+$0x18E00];
	[tilespmem:s28+$0x18E00] =	vst v1;
	v17 =	vadd.s32 v25, v17;
	v22 =	vmpcnt.ones.xlane vm0  }
0x1fe: {  	p1 =	slt.u32 s2, $0xF0;
	s30 =	sand.u32 $0xF0, s2;
	[tilespmem:s0+$0x0] =	vst v1;
	v23 =	vld [tilespmem:s28+$0x18F00];
	v17 =	vadd.s32 v24, v17  }
0x1ff: {  	vm1 =	vlt.s32 v14, $0x0;
	v24 =	vld [tilespmem:s30+$0x18100];
	[tilespmem:s30+$0x18100] =	vst v1;
	v25 =	vsub.s32 $0x10, v22;
	vm0 =	vgt.s32 v22, $0x0  }
0x200: {  	v22 =	vld [tilespmem:s30+$0x18200];
	[tilespmem:s30+$0x18200] =	vst v1;
	v17 =	vadd.s32 v18, v17;
	vm0 =	vmand vm1, vm0;
	v18 =	vadd.s32 s29, v25;
	s29 =	smov.u32 s7;
	s7 =	smov.u32 s2  }
0x201: {  	vm1 =	vlt.s32 v25, $0xF;
	v26 =	vld [tilespmem:s30+$0x18300];
	[tilespmem:s30+$0x18300] =	vst v1;
	v17 =	vadd.s32 v20, v17;
	v14 =	vsel vm0, v18, v14  }
0x202: {  	v20 =	vshrl.u32 v25, $0x1B;
	v27 =	vld [tilespmem:s30+$0x18400];
	[tilespmem:s30+$0x18400] =	vst v1;
	v18 =	vadd.s32 v19, v17;
	v19 =	vnsel vm1, $0xF, v25  }
.Ltmp17:
0x203: {  	v20 =	vand.u32 $0x10, v20;
	v17 =	vld [tilespmem:s30+$0x18500];
	[tilespmem:s30+$0x18500] =	vst v1;
	v23 =	vadd.s32 v23, v18;
	(pc) =	sbr.rel @p1 .LBB2_29-.Ltmp17, $4  }
0x204: {  	v20 =	vadd.s32 v19, v20;
	v18 =	vld [tilespmem:s30+$0x18600];
	[tilespmem:s30+$0x18600] =	vst v1;
	v21 =	vadd.s32 v21, v24;
	(xrf0) =	vadd.scan.msk.s32 $0xffff, v23  }
0x205: {  	v25 =	vperm.xlane v13, v20;
	v19 =	vld [tilespmem:s30+$0x18700];
	[tilespmem:s30+$0x18700] =	vst v1;
	v22 =	vadd.s32 v22, v21;
	v21 =	vperm.xlane v15, v20  }
0x206: {  	v13 =	vmov v23;
	v20 =	vld [tilespmem:s30+$0x18800];
	[tilespmem:s30+$0x18800] =	vst v1;
	v24 =	vadd.s32 v26, v22  }
0x207: {  	v23 =	vsub.s32 v16, v25;
	v22 =	vld [tilespmem:s30+$0x18900];
	[tilespmem:s30+$0x18900] =	vst v1;
	v24 =	vadd.s32 v27, v24  }
0x208: {  	v25 =	vld [tilespmem:s30+$0x18A00];
	v17 =	vadd.s32 v17, v24  }
0x209: {  	v26 =	vld [tilespmem:s30+$0x18B00];
	v17 =	vadd.s32 v18, v17  }
0x20a: {  	v27 =	vld [tilespmem:s30+$0x18C00];
	v17 =	vadd.s32 v19, v17  }
0x20b: {  	v44 =	vld [tilespmem:s30+$0x18D00];
	v17 =	vadd.s32 v20, v17  }
0x20c: {  	v45 =	vld [tilespmem:s30+$0x18E00];
	v17 =	vadd.s32 v22, v17  }
0x20d: {  	v46 =	vld [tilespmem:s30+$0x18F00];
	v17 =	vadd.s32 v25, v17  }
0x20e: {  	v17 =	vadd.s32 v26, v17  }
0x20f: {  	v17 =	vadd.s32 v27, v17  }
0x210: {  	v17 =	vadd.s32 v44, v17  }
0x211: {  	v17 =	vadd.s32 v45, v17  }
0x212: {  	v17 =	vadd.s32 v46, v17  }
0x213: {  	(xrf0) =	vadd.scan.msk.s32 $0xffff, v17  }
0x214: {  	v15 =	vperm.xlane v15, v4;
	_ =	sdelay $0x1  }
0x215: {  	v47, _, _ =	vpop (xrf0);
	v15 =	vadd.s32 v16, v15  }
0x216: {  	v16 =	vadd.s32 v15, v47;
	v48 =	vperm.xlane v47, v4  }
0x217: {  	vm1 =	vgt.s32 v16, v11  }
0x218: {  	v50 =	vadd.s32 v21, v23;
	v49 =	vmpcnt.ones.xlane vm1;
	v16 =	vadd.s32 v15, v48;
	v51, _, _ =	vpop (xrf0)  }
0x219: {  	vm12 =	vlt.s32 v14, $0x0;
	v12 =	vsel vm0, v50, v12;
	v53 =	vadd.s32 v16, v51  }
0x21a: {  	v52 =	vsub.s32 $0x10, v49;
	vm11 =	vgt.s32 v49, $0x0;
	vm10 =	vgt.s32 v53, v11  }
0x21b: {  	vm9 =	vlt.s32 v52, $0xF;
	v54 =	vshrl.u32 v52, $0x1B;
	v56 =	vmpcnt.ones.xlane vm10  }
0x21c: {  	vm0 =	vmand vm12, vm11;
	v20 =	vadd.s32 s29, v52;
	v55 =	vand.u32 $0x10, v54  }
0x21d: {  	v61 =	vsel vm0, v20, v14;
	v11 =	vnsel vm9, $0xF, v52;
	v57 =	vsub.s32 $0x10, v56  }
0x21e: {  	v11 =	vadd.s32 v11, v55;
	vm13 =	vlt.s32 v57, $0xF;
	v58 =	vshrl.u32 v57, $0x1B  }
0x21f: {  	[tilespmem:s30+$0x18A00] =	vst v1;
	v13 =	vperm.xlane v13, v11;
	v59 =	vnsel vm13, $0xF, v57;
	v18 =	vand.u32 $0x10, v58  }
0x220: {  	[tilespmem:s30+$0x18B00] =	vst v1;
	vm15 =	vlt.s32 v61, $0x0;
	v11 =	vperm.xlane v47, v11;
	v60 =	vadd.s32 v59, v18  }
.Ltmp18:
0x221: {  	[tilespmem:s30+$0x18C00] =	vst v1;
	vm14 =	vgt.s32 v56, $0x0;
	v13 =	vsub.s32 v15, v13;
	v62 =	vperm.xlane v17, v60;
	(pc) =	sbr.rel @p0 .LBB2_40-.Ltmp18, $4  }
0x222: {  	[tilespmem:s30+$0x18D00] =	vst v1;
	v63 =	vadd.s32 s7, v57;
	v11 =	vadd.s32 v11, v13;
	v13 =	vperm.xlane v51, v60  }
0x223: {  	[tilespmem:s30+$0x18E00] =	vst v1;
	v11 =	vsel vm0, v11, v12;
	vm0 =	vmand vm15, vm14;
	v12 =	vsub.s32 v16, v62  }
0x224: {  	[tilespmem:s28+$0x18F00] =	vst v1;
	v10 =	vshll.u32 v10, $0x8;
	v14 =	vsel vm0, v63, v61;
	v12 =	vadd.s32 v13, v12  }
0x225: {  	[tilespmem:s30+$0x18F00] =	vst v1;
	s30 =	smov.u32 s6;
	v10 =	vor.u32 v10, v14;
	v11 =	vsel vm0, v12, v11  }
0x226: {  	p3 =	sgt.s32 s26, $0x10  }
.Ltmp19:
0x227: {  	_ = 	snop;
	(pc) =	sbr.rel @!p3 .LBB2_32-.Ltmp19, $3  }
0x228: {  	_ =	sdelay $0x1  }
0x229: {  	s0 =	simm.s32 $0x0;
	s4 =	simm.s32 $0x10000  }
0x22a: {  	s2 =	simm.s32 $0x10;
	p1 =	por $0x0, $0x0;
	p2 =	por $0x0, $0x0;
	v12 =	vld [tilespmem:s4+$0x0]  }
0x22b: {  	p3 =	sgt.s32 s26, $0x20  }
.Ltmp20:
0x22c: {  	_ = 	snop;
	(pc) =	sbr.rel @!p3 .LBB2_34-.Ltmp20, $3  }
0x22d: {  	_ =	sdelay $0x1  }
0x22e: {  	v13 =	vor.u32 s0, v0;
	s1 =	simm.s32 $0x10010;
	v15 =	vshrl.u32 v12, $0x8  }
0x22f: {  	s0 =	simm.s32 $0x20;
	p1 =	por $0x1, $0x1;
	vm1 =	vlt.s32 v13, v8;
	v14 =	vand.u32 $0xFF, v12;
	v12 =	vld [tilespmem:s1+$0x0];
	vm2 =	veq.s32 v15, v10  }
0x230: {  	p3 =	sgt.s32 s26, $0x30  }
.Ltmp21:
0x231: {  	vm0 =	vmand vm1, vm2;
	(pc) =	sbr.rel @!p3 .LBB2_36-.Ltmp21, $3  }
0x232: {  	v13 =	vor.u32 v2, v14;
	_ =	sdelay $0x1  }
0x233: {  	v15 =	vor.u32 s2, v0;
	s2 =	simm.s32 $0x10020;
	v16 =	vshrl.u32 v12, $0x8  }
0x234: {  	s4 =	simm.s32 $0x30;
	p2 =	por $0x1, $0x1;
	vm1 =	vlt.s32 v15, v8;
	v14 =	vand.u32 $0xFF, v12;
	v12 =	vld [tilespmem:s2+$0x0];
	vm2 =	veq.s32 v16, v10  }
.LBB2_37:
0x235: {  	s1 =	smov.u32 s4;
	s4 =	sadd.s32 $0x10, s4  }
0x236: {  	[tilespmem:v13+s15+$0x0] =	vst.idx.add.s32.msk vm0, v3;
	vm0 =	vmand vm1, vm2;
	p3 =	slt.s32 s4, s26  }
.Ltmp22:
0x237: {  	v13 =	vor.u32 v2, v14;
	(pc) =	sbr.rel @p3 .LBB2_37-.Ltmp22, $3  }
0x238: {  	_ =	sdelay $0x1  }
0x239: {  	v15 =	vor.u32 s0, v0;
	s2 =	sadd.s32 $0x10, s2;
	s0 =	smov.u32 s1;
	v16 =	vshrl.u32 v12, $0x8;
	v14 =	vand.u32 $0xFF, v12  }
0x23a: {  	vm1 =	vlt.s32 v15, v8;
	v12 =	vld [tilespmem:s2+$0x0];
	vm2 =	veq.s32 v16, v10  }
0x23b: {  	s2 =	smov.u32 s0  }
.LBB2_39:
0x23c: {  	_ =	sdelay $0x1  }
0x23d: {  	vm1 =	vmand @p1 vm1, vm2  }
0x23e: {  	v14 =	vor.u32 @p1 v2, v14;
	v15 =	vor.u32 s2, v0;
	v16 =	vshrl.u32 v12, $0x8  }
0x23f: {  	vm15 =	vlt.s32 v15, v8;
	vm1 =	vmmov @p1 vm1;
	vm3 =	veq.s32 v16, v10  }
0x240: {  	v14 =	vpsel p1, v14, v0;
	v63 =	vand.u32 $0xFF, v12;
	vm2 =	vmand vm15, vm3  }
0x241: {  	v12 =	vor.u32 v2, v63;
	_ =	sdelay $0x2  }
0x242: {  	[tilespmem:v13+s15+$0x0] =	vst.idx.add.s32.msk @p2 vm0, v3  }
0x243: {  	[tilespmem:v14+s15+$0x0] =	vst.idx.add.s32.msk @p1 vm1, v3  }
0x244: {  	[tilespmem:v12+s15+$0x0] =	vst.idx.add.s32.msk vm2, v3  }
.LBB2_40:
0x245: {  	s0 =	simm.s32 $0x18000  }
0x246: {  	s8 =	simm.s32 $0x0;
	s19 =	simm.s32 $0x18010;
	v12 =	vld [tilespmem:s0+$0x0]  }
0x247: {  	[tilespmem:s0+$0x0] =	vst v1;
	s7 =	sand.u32 $0xF0, s8;
	v21 =	vld [tilespmem:s19+$0x0]  }
0x248: {  	v13 =	vld [tilespmem:s7+$0x18100]  }
0x249: {  	v14 =	vld [tilespmem:s7+$0x18200]  }
0x24a: {  	v15 =	vld [tilespmem:s7+$0x18300]  }
0x24b: {  	v16 =	vld [tilespmem:s7+$0x18400]  }
0x24c: {  	[tilespmem:s19+$0x0] =	vst v1;
	v17 =	vld [tilespmem:s7+$0x18500]  }
0x24d: {  	[tilespmem:s7+$0x18100] =	vst v1;
	v18 =	vld [tilespmem:s7+$0x18600]  }
0x24e: {  	[tilespmem:s7+$0x18200] =	vst v1;
	v19 =	vld [tilespmem:s7+$0x18700]  }
0x24f: {  	s29 =	simm.s32 $0x10;
	[tilespmem:s7+$0x18300] =	vst v1;
	v20 =	vld [tilespmem:s7+$0x18800]  }
0x250: {  	s28 =	sand.u32 $0xF0, s29;
	[tilespmem:s7+$0x18400] =	vst v1;
	v22 =	vld [tilespmem:s7+$0x18900]  }
0x251: {  	[tilespmem:s7+$0x18500] =	vst v1;
	v23 =	vld [tilespmem:s28+$0x18100]  }
0x252: {  	v24 =	vld [tilespmem:s7+$0x18A00];
	[tilespmem:s28+$0x18100] =	vst v1  }
0x253: {  	[tilespmem:s7+$0x18600] =	vst v1;
	v25 =	vld [tilespmem:s28+$0x18200]  }
0x254: {  	v26 =	vld [tilespmem:s7+$0x18B00];
	[tilespmem:s28+$0x18200] =	vst v1;
	v12 =	vadd.s32 v12, v13  }
0x255: {  	[tilespmem:s7+$0x18700] =	vst v1;
	v27 =	vld [tilespmem:s28+$0x18300];
	v12 =	vadd.s32 v14, v12  }
0x256: {  	v28 =	vld [tilespmem:s7+$0x18C00];
	[tilespmem:s28+$0x18300] =	vst v1;
	v12 =	vadd.s32 v15, v12  }
0x257: {  	[tilespmem:s7+$0x18800] =	vst v1;
	v55 =	vld [tilespmem:s28+$0x18800];
	v12 =	vadd.s32 v16, v12  }
0x258: {  	[tilespmem:s7+$0x18900] =	vst v1;
	v57 =	vld [tilespmem:s28+$0x18900];
	v12 =	vadd.s32 v17, v12  }
0x259: {  	[tilespmem:s7+$0x18A00] =	vst v1;
	v60 =	vld [tilespmem:s28+$0x18C00];
	v12 =	vadd.s32 v18, v12  }
0x25a: {  	[tilespmem:s7+$0x18B00] =	vst v1;
	v63 =	vld [tilespmem:s28+$0x18F00];
	v12 =	vadd.s32 v19, v12  }
0x25b: {  	[tilespmem:s28+$0x18800] =	vst v1;
	v14 =	vld [tilespmem:s7+$0x18D00];
	v12 =	vadd.s32 v20, v12  }
0x25c: {  	[tilespmem:s28+$0x18900] =	vst v1;
	v16 =	vld [tilespmem:s7+$0x18E00];
	v12 =	vadd.s32 v22, v12  }
0x25d: {  	[tilespmem:s28+$0x18C00] =	vst v1;
	v18 =	vld [tilespmem:s7+$0x18F00];
	v12 =	vadd.s32 v24, v12  }
0x25e: {  	[tilespmem:s7+$0x18C00] =	vst v1;
	v13 =	vld [tilespmem:s28+$0x18400];
	v12 =	vadd.s32 v26, v12  }
0x25f: {  	[tilespmem:s28+$0x18400] =	vst v1;
	v15 =	vld [tilespmem:s28+$0x18500];
	v12 =	vadd.s32 v28, v12  }
0x260: {  	[tilespmem:s7+$0x18D00] =	vst v1;
	v17 =	vld [tilespmem:s28+$0x18600];
	v12 =	vadd.s32 v14, v12  }
0x261: {  	s31 =	simm.s32 $0x18020;
	s2 =	simm.s32 $0x20;
	[tilespmem:s28+$0x18500] =	vst v1;
	v19 =	vld [tilespmem:s28+$0x18700];
	v12 =	vadd.s32 v16, v12;
	v16 =	vadd.s32 v21, v23  }
0x262: {  	s0 =	sand.u32 $0xF0, s2;
	v20 =	vld [tilespmem:s31+$0x0];
	[tilespmem:s31+$0x0] =	vst v1;
	v12 =	vadd.s32 v18, v12;
	v16 =	vadd.s32 v25, v16  }
0x263: {  	[tilespmem:s7+$0x18E00] =	vst v1;
	v56 =	vld [tilespmem:s0+$0x18100];
	(xrf0) =	vadd.scan.msk.s32 $0xffff, v12;
	v12 =	vadd.s32 v27, v16  }
0x264: {  	[tilespmem:s28+$0x18600] =	vst v1;
	v58 =	vld [tilespmem:s0+$0x18200];
	v12 =	vadd.s32 v13, v12  }
0x265: {  	[tilespmem:s7+$0x18F00] =	vst v1;
	v14 =	vld [tilespmem:s28+$0x18A00];
	v12 =	vadd.s32 v15, v12  }
0x266: {  	[tilespmem:s28+$0x18700] =	vst v1;
	v18 =	vld [tilespmem:s28+$0x18B00];
	v12 =	vadd.s32 v17, v12  }
0x267: {  	[tilespmem:s0+$0x18100] =	vst v1;
	v59 =	vld [tilespmem:s0+$0x18300];
	v12 =	vadd.s32 v19, v12  }
0x268: {  	v7 =	vadd.s32 v11, v7;
	[tilespmem:s0+$0x18200] =	vst v1;
	v15 =	vld [tilespmem:s28+$0x18D00];
	v12 =	vadd.s32 v55, v12  }
0x269: {  	v7 =	vsub.s32 v9, v7;
	v9 =	vimm.s32 $0x0;
	[tilespmem:s0+$0x18300] =	vst v1;
	v17 =	vld [tilespmem:s28+$0x18E00];
	v62, _, _ =	vpop (xrf0);
	v13 =	vadd.s32 v57, v12  }
0x26a: {  	v61 =	vld [tilespmem:s0+$0x18500];
	[tilespmem:s0+$0x18500] =	vst v1;
	v13 =	vadd.s32 v14, v13;
	v14 =	vadd.s32 v9, v62  }
0x26b: {  	[tilespmem:s28+$0x18A00] =	vst v1;
	vm0 =	vgt.s32 v14, v7;
	v14 =	vadd.s32 v18, v13  }
0x26c: {  	[tilespmem:s28+$0x18B00] =	vst v1;
	v14 =	vadd.s32 v60, v14  }
0x26d: {  	v16 =	vld [tilespmem:s0+$0x18400];
	[tilespmem:s0+$0x18400] =	vst v1;
	v15 =	vadd.s32 v15, v14  }
0x26e: {  	[tilespmem:s28+$0x18D00] =	vst v1;
	v17 =	vadd.s32 v17, v15  }
0x26f: {  	v11 =	vimm.s32 $0xFFFFFFFF;
	[tilespmem:s28+$0x18E00] =	vst v1;
	v17 =	vadd.s32 v63, v17  }
0x270: {  	v20 =	vadd.s32 v20, v56;
	v19 =	vld [tilespmem:s0+$0x18600];
	[tilespmem:s0+$0x18600] =	vst v1;
	v18 =	vmpcnt.ones.xlane vm0;
	(xrf0) =	vadd.scan.msk.s32 $0xffff, v17  }
0x271: {  	vm1 =	vlt.s32 v11, $0x0;
	v12 =	vld [tilespmem:s0+$0x18700];
	[tilespmem:s0+$0x18700] =	vst v1;
	v15 =	vadd.s32 v58, v20  }
0x272: {  	v13 =	vld [tilespmem:s0+$0x18800];
	[tilespmem:s0+$0x18800] =	vst v1;
	vm0 =	vgt.s32 v18, $0x0;
	v18 =	vsub.s32 s8, v18;
	v20 =	vadd.s32 v59, v15  }
0x273: {  	v14 =	vld [tilespmem:s0+$0x18900];
	[tilespmem:s0+$0x18900] =	vst v1;
	vm0 =	vmand vm1, vm0;
	v18 =	vadd.s32 $0x10, v18;
	v16 =	vadd.s32 v16, v20  }
0x274: {  	v15 =	vld [tilespmem:s0+$0x18A00];
	[tilespmem:s0+$0x18A00] =	vst v1;
	v11 =	vsel vm0, v18, v11;
	v17 =	vperm.xlane v62, v4;
	v18 =	vadd.s32 v61, v16  }
0x275: {  	s7 =	simm.s32 $0x20;
	s8 =	simm.s32 $0x18030;
	v16 =	vld [tilespmem:s0+$0x18B00];
	[tilespmem:s0+$0x18B00] =	vst v1;
	v18 =	vadd.s32 v19, v18  }
.LBB2_41:
0x276: {  	v19 =	vld [tilespmem:s8+$0x0];
	v12 =	vadd.s32 v12, v18;
	[tilespmem:s28+$0x18F00] =	vst v1;
	v18, _, _ =	vpop (xrf0);
	v9 =	vadd.s32 v9, v17;
	s28 =	smov.u32 s0  }
0x277: {  	v17 =	vld [tilespmem:s28+$0x18C00];
	[tilespmem:s28+$0x18C00] =	vst v1;
	v12 =	vadd.s32 v13, v12;
	v13 =	vadd.s32 v9, v18  }
0x278: {  	v20 =	vld [tilespmem:s28+$0x18D00];
	[tilespmem:s28+$0x18D00] =	vst v1;
	v12 =	vadd.s32 v14, v12;
	vm0 =	vgt.s32 v13, v7  }
0x279: {  	s2 =	sadd.s32 $0x10, s2;
	v13 =	vld [tilespmem:s28+$0x18E00];
	[tilespmem:s28+$0x18E00] =	vst v1;
	v12 =	vadd.s32 v15, v12;
	v14 =	vmpcnt.ones.xlane vm0  }
0x27a: {  	s0 =	sand.u32 $0xF0, s2;
	p1 =	slt.u32 s2, $0xF0;
	[tilespmem:s8+$0x0] =	vst v1;
	v15 =	vld [tilespmem:s28+$0x18F00];
	v12 =	vadd.s32 v16, v12  }
0x27b: {  	vm1 =	vlt.s32 v11, $0x0;
	v16 =	vld [tilespmem:s0+$0x18100];
	[tilespmem:s0+$0x18100] =	vst v1;
	vm0 =	vgt.s32 v14, $0x0;
	v14 =	vsub.s32 s29, v14;
	s29 =	smov.u32 s7;
	s7 =	smov.u32 s2  }
0x27c: {  	v21 =	vld [tilespmem:s0+$0x18200];
	[tilespmem:s0+$0x18200] =	vst v1;
	v12 =	vadd.s32 v17, v12;
	vm0 =	vmand vm1, vm0;
	v14 =	vadd.s32 $0x10, v14  }
0x27d: {  	v17 =	vld [tilespmem:s0+$0x18300];
	[tilespmem:s0+$0x18300] =	vst v1;
	v12 =	vadd.s32 v20, v12;
	v11 =	vsel vm0, v14, v11  }
0x27e: {  	v20 =	vld [tilespmem:s0+$0x18400];
	[tilespmem:s0+$0x18400] =	vst v1;
	v12 =	vadd.s32 v13, v12  }
0x27f: {  	v22 =	vld [tilespmem:s0+$0x18500];
	[tilespmem:s0+$0x18500] =	vst v1;
	v12 =	vadd.s32 v15, v12  }
0x280: {  	v23 =	vld [tilespmem:s0+$0x18600];
	[tilespmem:s0+$0x18600] =	vst v1;
	v13 =	vadd.s32 v19, v16;
	(xrf0) =	vadd.scan.msk.s32 $0xffff, v12  }
.Ltmp23:
0x281: {  	v12 =	vld [tilespmem:s0+$0x18700];
	[tilespmem:s0+$0x18700] =	vst v1;
	v14 =	vadd.s32 v21, v13;
	(pc) =	sbr.rel @p1 .LBB2_41-.Ltmp23, $4  }
0x282: {  	v13 =	vld [tilespmem:s0+$0x18800];
	[tilespmem:s0+$0x18800] =	vst v1;
	v15 =	vadd.s32 v17, v14  }
0x283: {  	v14 =	vld [tilespmem:s0+$0x18900];
	[tilespmem:s0+$0x18900] =	vst v1;
	v16 =	vadd.s32 v20, v15  }
0x284: {  	v17 =	vperm.xlane v18, v4;
	v15 =	vld [tilespmem:s0+$0x18A00];
	[tilespmem:s0+$0x18A00] =	vst v1;
	v19 =	vadd.s32 v22, v16  }
0x285: {  	s8 =	sadd.s32 $0x10, s8;
	v16 =	vld [tilespmem:s0+$0x18B00];
	[tilespmem:s0+$0x18B00] =	vst v1;
	v18 =	vadd.s32 v23, v19  }
0x286: {  	v19 =	vld [tilespmem:s0+$0x18C00];
	v12 =	vadd.s32 v12, v18  }
0x287: {  	v20 =	vld [tilespmem:s0+$0x18D00];
	v12 =	vadd.s32 v13, v12  }
0x288: {  	v58 =	vld [tilespmem:s0+$0x18E00];
	v12 =	vadd.s32 v14, v12  }
0x289: {  	v59 =	vld [tilespmem:s0+$0x18F00];
	v12 =	vadd.s32 v15, v12  }
0x28a: {  	v12 =	vadd.s32 v16, v12  }
0x28b: {  	v12 =	vadd.s32 v19, v12  }
0x28c: {  	v12 =	vadd.s32 v20, v12  }
0x28d: {  	v12 =	vadd.s32 v58, v12  }
0x28e: {  	v12 =	vadd.s32 v59, v12  }
0x28f: {  	(xrf0) =	vadd.scan.msk.s32 $0xffff, v12;
	_ =	sdelay $0x2  }
0x290: {  	v60, _, _ =	vpop (xrf0);
	v9 =	vadd.s32 v9, v17  }
0x291: {  	v61 =	vadd.s32 v9, v60;
	v12 =	vperm.xlane v60, v4  }
0x292: {  	vm0 =	vgt.s32 v61, v7  }
0x293: {  	v13 =	vmpcnt.ones.xlane vm0;
	v9 =	vadd.s32 v9, v12;
	v62, _, _ =	vpop (xrf0)  }
0x294: {  	vm1 =	vlt.s32 v11, $0x0;
	v9 =	vadd.s32 v9, v62  }
0x295: {  	vm0 =	vgt.s32 v13, $0x0;
	v63 =	vsub.s32 s29, v13;
	vm2 =	vgt.s32 v9, v7  }
.Ltmp24:
0x296: {  	[tilespmem:s0+$0x18C00] =	vst v1;
	vm0 =	vmand vm1, vm0;
	v7 =	vadd.s32 $0x10, v63;
	v9 =	vmpcnt.ones.xlane vm2;
	(pc) =	sbr.rel @p0 .LBB2_50-.Ltmp24, $4  }
0x297: {  	[tilespmem:s0+$0x18D00] =	vst v1;
	v7 =	vsel vm0, v7, v11  }
0x298: {  	[tilespmem:s0+$0x18E00] =	vst v1;
	vm15 =	vlt.s32 v7, $0x0;
	vm14 =	vgt.s32 v9, $0x0;
	v9 =	vsub.s32 s7, v9  }
0x299: {  	[tilespmem:s28+$0x18F00] =	vst v1;
	vm0 =	vmand vm15, vm14;
	v9 =	vadd.s32 $0x10, v9  }
0x29a: {  	[tilespmem:s0+$0x18F00] =	vst v1;
	v7 =	vsel vm0, v9, v7  }
0x29b: {  	v9 =	vshll.u32 v10, $0x8;
	s4 =	simm.s32 $0x10000  }
0x29c: {  	v9 =	vor.u32 v9, v7;
	v7 =	vld [tilespmem:s4+$0x0];
	_ =	sdelay $0x3  }
0x29d: {  	s0 =	simm.s32 $0x14000  }
0x29e: {  	vm1 =	vge.u32 v7, v9;
	v7 =	vld [tilespmem:s0+$0x0];
	_ =	sdelay $0x1  }
0x29f: {  	p1 =	sgt.s32 s26, $0x10  }
.Ltmp25:
0x2a0: {  	_ = 	snop;
	(pc) =	sbr.rel @!p1 .LBB2_44-.Ltmp25, $4  }
0x2a1: {  	s2 =	simm.s32 $0x0  }
0x2a2: {  	v10 =	vor.u32 s2, v0  }
0x2a3: {  	vm0 =	vlt.s32 v10, v8  }
0x2a4: {  	p0 =	por $0x0, $0x0;
	s2 =	simm.s32 $0x10;
	s0 =	simm.s32 $0x10010;
	vm1 =	vmand vm0, vm1  }
0x2a5: {  	_ = 	snop  }
0x2a6: {  	v11 =	vld [tilespmem:s0+$0x0];
	_ =	sdelay $0x3  }
0x2a7: {  	vm0 =	vmmov vm1;
	p1 =	sgt.s32 s26, $0x20;
	v10 =	vld.idx.msk [tilespmem:v7+s5+$0x0], vm1;
	s0 =	simm.s32 $0x14010  }
.Ltmp26:
0x2a8: {  	vm2 =	vge.u32 v11, v9;
	v11 =	vld [tilespmem:s0+$0x0];
	(pc) =	sbr.rel @!p1 .LBB2_46-.Ltmp26, $4  }
0x2a9: {  	_ = 	snop  }
0x2aa: {  	v12 =	vor.u32 s2, v0  }
0x2ab: {  	vm1 =	vlt.s32 v12, v8  }
0x2ac: {  	s2 =	simm.s32 $0x20;
	s4 =	simm.s32 $0x10020;
	p0 =	por $0x1, $0x1;
	vm1 =	vmand vm1, vm2  }
.LBB2_47:
0x2ad: {  	v12 =	vld [tilespmem:s4+$0x0];
	[tilespmem:v7+s12+$0x0] =	vst.idx.msk vm0, v10;
	v7 =	vmov v11;
	vm0 =	vmmov vm1;
	s1 =	smov.u32 s2;
	s2 =	sadd.s32 $0x10, s2  }
0x2ae: {  	p1 =	slt.s32 s2, s26;
	_ =	sdelay $0x1  }
0x2af: {  	s0 =	sadd.s32 $0x10, s0;
	v10 =	vld.idx.msk [tilespmem:v11+s5+$0x0], vm1  }
.Ltmp27:
0x2b0: {  	v13 =	vor.u32 s1, v0;
	v11 =	vld [tilespmem:s0+$0x0];
	(pc) =	sbr.rel @p1 .LBB2_47-.Ltmp27, $3  }
0x2b1: {  	vm1 =	vlt.s32 v13, v8;
	vm2 =	vge.u32 v12, v9  }
0x2b2: {  	vm1 =	vmand vm1, vm2;
	_ =	sdelay $0x1  }
0x2b3: {  	s4 =	sadd.s32 $0x10, s4  }
0x2b4: {  	v8 =	vmov v7;
	v7 =	vmov v11  }
.LBB2_49:
0x2b5: {  	_ =	sdelay $0x4  }
0x2b6: {  	v9 =	vld.idx.msk [tilespmem:v7+s5+$0x0], vm1;
	_ =	sdelay $0x3  }
0x2b7: {  	[tilespmem:v8+s12+$0x0] =	vst.idx.msk @p0 vm0, v10  }
0x2b8: {  	vm2 =	vmmov vm1;
	[tilespmem:v7+s12+$0x0] =	vst.idx.msk vm1, v9  }
.LBB2_50:
0x2b9: {  	s0 =	sadd.s32 s3, s25  }
0x2ba: {  	p0 =	seq.s32 s21, $0x3F;
	s0 =	sadd.s32 s24, s0  }
0x2bb: {  	[hbm4b:s0+s10] =	stream.strided.scatter [tilespmem:s12], [sflag:$0x3], $0x4000, s11, s10, $0x38;
	[tilespmem:$0x19000] =	vst v63  }
0x2bc: {  	s0 =	sadd.s32 @!p0 $0x2, s23  }
0x2bd: {  	s1 =	sshll.u32 @!p0 s0, $0x4  }
0x2be: {  	s0 =	sshll.u32 @!p0 s0, $0xB;
	s24 =	sand.u32 @!p0 $0x60, s1  }
0x2bf: {  	s2 =	simm.s32 @!p0 $0x400;
	s23 =	sand.u32 @!p0 $0xFFFC000, s0;
	s0 =	sadd.s32 @!p0 s20, s24  }
0x2c0: {  	s4 =	simm.s32 @!p0 $0x0;
	s1 =	simm.s32 @!p0 $0x80;
	s0 =	sadd.s32 @!p0 s23, s0  }
0x2c1: {  	[tilespmem:s4], [sflag:$0x1] =	stream.strided.gather @!p0 [hbm4b:s0+s1], $0x4000, s2, s1, $0x38;
	[tilespmem:$0x19000] =	vst v63  }
0x2c2: {  	_ =	swait.ge [sflag:s17], $0x4000  }
0x2c3: {  	[sflag:s17] =	ssyncset.done $0x0  }
0x2c4: {  	[sflag:s17] =	ssyncadd.s32 $0xFFFFC000  }
0x2c5: {  	_ =	swait.ge [sflag:s17], $0x4000  }
0x2c6: {  	[sflag:s17] =	ssyncset.done $0x0  }
0x2c7: {  	s7 =	simm.s32 $0x0;
	[sflag:s17] =	ssyncadd.s32 $0xFFFFC000  }
0x2c8: {  	v7 =	vld [tilespmem:s7+$0x4030]  }
0x2c9: {  	v8 =	vld [tilespmem:s7+$0xC030]  }
0x2ca: {  	v9 =	vld [tilespmem:s7+$0x4000]  }
0x2cb: {  	v11 =	vld [tilespmem:s7+$0x4010]  }
0x2cc: {  	v12 =	vld [tilespmem:s7+$0xC010]  }
0x2cd: {  	v13 =	vld [tilespmem:s7+$0x4020]  }
0x2ce: {  	v14 =	vld [tilespmem:s7+$0xC020]  }
0x2cf: {  	v10 =	vld [tilespmem:s7+$0xC000]  }
0x2d0: {  	s31 =	simm.s32 $0x40  }
0x2d1: {  	v20 =	vld [tilespmem:s31+$0x4000]  }
0x2d2: {  	v22 =	vld [tilespmem:s31+$0xC000];
	v7 =	vmul.f32 v8, v7  }
0x2d3: {  	v11 =	vmul.f32 v12, v11;
	v13 =	vmul.f32 v14, v13  }
0x2d4: {  	v58 =	vld [tilespmem:s31+$0xC020];
	v9 =	vmul.f32 v10, v9;
	v8 =	vmul.f32 v7, v8  }
0x2d5: {  	v12 =	vmul.f32 v11, v12;
	v14 =	vmul.f32 v13, v14;
	[tilespmem:s7+$0x4010] =	vst v11;
	v11 =	vld [tilespmem:s31+$0x4020]  }
0x2d6: {  	v10 =	vmul.f32 v9, v10;
	v15 =	vshra.s32 v8, $0x1F  }
0x2d7: {  	v20 =	vmul.f32 v22, v20;
	v23 =	vshra.s32 v14, $0x1F;
	v15 =	vor.u32 $0x80000000, v15  }
0x2d8: {  	v18 =	vld [tilespmem:s31+$0xC030];
	[tilespmem:s7+$0x4000] =	vst v9;
	v16 =	vshra.s32 v10, $0x1F;
	v9 =	vor.u32 $0x80000000, v23;
	v8 =	vxor.u32 v8, v15  }
0x2d9: {  	v15 =	vor.u32 $0x80000000, v16;
	v16 =	vld [tilespmem:s31+$0x4030];
	v9 =	vxor.u32 v14, v9;
	v17 =	vshrl.u32 v8, $0x18  }
0x2da: {  	v10 =	vxor.u32 v10, v15;
	v15 =	vshra.s32 v12, $0x1F;
	v11 =	vmul.f32 v58, v11  }
0x2db: {  	v19 =	vand.u32 $0x80, v17;
	v17 =	vand.u32 $0x7F, v17;
	v21 =	vshrl.u32 v10, $0x18  }
0x2dc: {  	v15 =	vor.u32 $0x80000000, v15;
	[tilespmem:s7+$0xC000] =	vst v10;
	v10 =	vshrl.u32 v9, $0x18;
	v19 =	vor.u32 v2, v19  }
0x2dd: {  	v25 =	vld [tilespmem:s31+$0xC010];
	[tilespmem:s7+$0x4020] =	vst v13;
	v12 =	vxor.u32 v12, v15;
	v13 =	vand.u32 $0x80, v10;
	v10 =	vand.u32 $0x7F, v10  }
0x2de: {  	v15 =	vld [tilespmem:s31+$0x4010];
	v17 =	vor.u32 v17, v19;
	v19 =	vand.u32 $0x80, v21;
	v14 =	vmul.f32 v18, v16  }
0x2df: {  	v24 =	vshrl.u32 v12, $0x18;
	[tilespmem:s7+$0xC010] =	vst v12;
	v12 =	vor.u32 v2, v13;
	v13 =	vmul.f32 v20, v22  }
0x2e0: {  	[tilespmem:s31+$0x4000] =	vst v20;
	v21 =	vand.u32 $0x7F, v21;
	v20 =	vmul.f32 v11, v58;
	v18 =	vmul.f32 v14, v18  }
0x2e1: {  	[tilespmem:s7+$0x4030] =	vst v7;
	v19 =	vor.u32 v2, v19;
	v56 =	vand.u32 $0x80, v24;
	v57 =	vand.u32 $0x7F, v24  }
0x2e2: {  	[tilespmem:s7+$0xC030] =	vst v8;
	v16 =	vor.u32 v2, v56;
	v8 =	vshra.s32 v13, $0x1F;
	v7 =	vshra.s32 v18, $0x1F  }
0x2e3: {  	[tilespmem:s31+$0x4020] =	vst v11;
	v11 =	vshra.s32 v20, $0x1F;
	v15 =	vmul.f32 v25, v15;
	v7 =	vor.u32 $0x80000000, v7  }
0x2e4: {  	v59 =	vor.u32 v57, v16;
	v8 =	vor.u32 $0x80000000, v8;
	[tilespmem:v17+s15+$0x0] =	vst.idx.add.s32.msk $0xffff, v3;
	v17 =	vxor.u32 v18, v7  }
0x2e5: {  	s0 =	simm.s32 $0x80;
	[tilespmem:s7+$0xC020] =	vst v9;
	v8 =	vxor.u32 v13, v8;
	v16 =	vmul.f32 v15, v25;
	v9 =	vshrl.u32 v17, $0x18  }
0x2e6: {  	v60 =	vshrl.u32 v8, $0x18;
	v7 =	vor.u32 v10, v12;
	v10 =	vld [tilespmem:s0+$0x4030];
	v13 =	vand.u32 $0x80, v9  }
0x2e7: {  	v18 =	vld [tilespmem:s0+$0xC030];
	v12 =	vshra.s32 v16, $0x1F;
	v9 =	vand.u32 $0x7F, v9;
	v13 =	vor.u32 v2, v13  }
0x2e8: {  	v61 =	vld [tilespmem:s0+$0xC000];
	[tilespmem:s31+$0xC000] =	vst v8;
	v8 =	vor.u32 $0x80000000, v12;
	v12 =	vor.u32 v9, v13;
	v9 =	vand.u32 $0x80, v60  }
0x2e9: {  	[tilespmem:s31+$0x4010] =	vst v15;
	v15 =	vld [tilespmem:s0+$0x4000];
	v8 =	vxor.u32 v16, v8;
	v62 =	vor.u32 v2, v9;
	v9 =	vor.u32 $0x80000000, v11  }
0x2ea: {  	v19 =	vor.u32 v21, v19;
	v16 =	vld [tilespmem:s0+$0x4010];
	[tilespmem:s31+$0xC010] =	vst v8;
	v8 =	vshrl.u32 v8, $0x18;
	v20 =	vxor.u32 v20, v9  }
0x2eb: {  	[tilespmem:s31+$0x4030] =	vst v14;
	v11 =	vld [tilespmem:s0+$0xC010];
	v13 =	vand.u32 $0x80, v8;
	v63 =	vand.u32 $0x7F, v8;
	v14 =	vshrl.u32 v20, $0x18  }
0x2ec: {  	[tilespmem:s31+$0xC030] =	vst v17;
	v9 =	vmul.f32 v18, v10;
	v10 =	vor.u32 v2, v13;
	v13 =	vld [tilespmem:s0+$0x4020];
	v8 =	vand.u32 $0x80, v14  }
0x2ed: {  	[tilespmem:v12+s15+$0x0] =	vst.idx.add.s32.msk $0xffff, v3;
	v12 =	vand.u32 $0x7F, v14;
	v14 =	vor.u32 v2, v8  }
0x2ee: {  	v15 =	vmul.f32 v61, v15;
	v26 =	vmul.f32 v9, v18;
	v12 =	vor.u32 v12, v14;
	v14 =	vld [tilespmem:s0+$0xC020]  }
0x2ef: {  	v22 =	vand.u32 $0x7F, v60;
	[tilespmem:v19+s15+$0x0] =	vst.idx.add.s32.msk $0xffff, v3  }
0x2f0: {  	[tilespmem:v59+s15+$0x0] =	vst.idx.add.s32.msk $0xffff, v3;
	v17 =	vmul.f32 v15, v61;
	v16 =	vmul.f32 v11, v16;
	v18 =	vshra.s32 v26, $0x1F  }
0x2f1: {  	[tilespmem:s0+$0x4000] =	vst v15;
	v10 =	vor.u32 v63, v10;
	v8 =	vor.u32 v22, v62;
	v19 =	vor.u32 $0x80000000, v18  }
0x2f2: {  	s2 =	simm.s32 $0x80;
	s7 =	simm.s32 $0x300;
	[tilespmem:s31+$0xC020] =	vst v20;
	v18 =	vshra.s32 v17, $0x1F;
	v15 =	vmul.f32 v16, v11;
	v11 =	vxor.u32 v26, v19  }
.LBB2_51:
0x2f3: {  	s1 =	sshra.s32 s7, $0x2;
	v18 =	vor.u32 $0x80000000, v18;
	v13 =	vmul.f32 v14, v13;
	v19 =	vshrl.u32 v11, $0x18;
	[tilespmem:v7+s15+$0x0] =	vst.idx.add.s32.msk $0xffff, v3;
	v7 =	vmovc v12  }
0x2f4: {  	s2 =	sadd.s32 $0x40, s2;
	v12 =	vld [tilespmem:s1+$0x4030];
	v17 =	vxor.u32 v17, v18;
	v18 =	vshra.s32 v15, $0x1F;
	[tilespmem:s0+$0x4010] =	vst v16;
	v16 =	vand.u32 $0x80, v19  }
0x2f5: {  	p1 =	slt.u32 s2, $0x3FC0;
	v19 =	vand.u32 $0x7F, v19;
	v20 =	vld [tilespmem:s1+$0xC030];
	[tilespmem:s0+$0xC000] =	vst v17;
	v14 =	vmul.f32 v13, v14;
	v16 =	vor.u32 v2, v16  }
0x2f6: {  	v17 =	vshrl.u32 v17, $0x18;
	v18 =	vor.u32 $0x80000000, v18;
	v21 =	vld [tilespmem:s1+$0x4000];
	[tilespmem:s0+$0x4020] =	vst v13;
	v16 =	vor.u32 v19, v16  }
0x2f7: {  	v13 =	vand.u32 $0x80, v17;
	v15 =	vxor.u32 v15, v18;
	v19 =	vld [tilespmem:s1+$0xC000];
	v18 =	vshra.s32 v14, $0x1F  }
0x2f8: {  	v23 =	vor.u32 v2, v13;
	v22 =	vld [tilespmem:s1+$0x4010];
	[tilespmem:s0+$0xC010] =	vst v15;
	v15 =	vshrl.u32 v15, $0x18;
	v13 =	vor.u32 $0x80000000, v18  }
0x2f9: {  	v17 =	vand.u32 $0x7F, v17;
	v24 =	vld [tilespmem:s1+$0xC010];
	v18 =	vand.u32 $0x80, v15;
	v25 =	vxor.u32 v14, v13;
	[tilespmem:s0+$0x4030] =	vst v9  }
0x2fa: {  	v13 =	vld [tilespmem:s1+$0x4020];
	v9 =	vmul.f32 v20, v12;
	v12 =	vor.u32 v2, v18;
	v14 =	vshrl.u32 v25, $0x18;
	[tilespmem:s0+$0xC030] =	vst v11  }
0x2fb: {  	v11 =	vand.u32 $0x7F, v15;
	v15 =	vand.u32 $0x80, v14;
	v18 =	vand.u32 $0x7F, v14;
	[tilespmem:v16+s15+$0x0] =	vst.idx.add.s32.msk $0xffff, v3  }
.Ltmp28:
0x2fc: {  	v21 =	vmul.f32 v19, v21;
	v14 =	vld [tilespmem:s1+$0xC020];
	v20 =	vmul.f32 v9, v20;
	[tilespmem:s0+$0xC020] =	vst v25;
	v15 =	vor.u32 v2, v15;
	s0 =	smov.u32 s1;
	(pc) =	sbr.rel @p1 .LBB2_51-.Ltmp28, $4  }
0x2fd: {  	v23 =	vor.u32 v17, v23;
	v11 =	vor.u32 v11, v12;
	v12 =	vor.u32 v18, v15  }
0x2fe: {  	v17 =	vmul.f32 v21, v19;
	v16 =	vmul.f32 v24, v22;
	v15 =	vshra.s32 v20, $0x1F;
	[tilespmem:v8+s15+$0x0] =	vst.idx.add.s32.msk $0xffff, v3  }
0x2ff: {  	v8 =	vmov v23;
	v19 =	vor.u32 $0x80000000, v15;
	[tilespmem:v10+s15+$0x0] =	vst.idx.add.s32.msk $0xffff, v3;
	v10 =	vmov v11  }
0x300: {  	s7 =	sadd.s32 $0x100, s7;
	v18 =	vshra.s32 v17, $0x1F;
	[tilespmem:s0+$0x4000] =	vst v21;
	v15 =	vmul.f32 v16, v24;
	v11 =	vxor.u32 v20, v19  }
0x301: {  	_ =	sdelay $0x2  }
0x302: {  	v18 =	vor.u32 $0x80000000, v18;
	v13 =	vmul.f32 v14, v13  }
0x303: {  	v19 =	vshrl.u32 v11, $0x18;
	[tilespmem:v7+s15+$0x0] =	vst.idx.add.s32.msk $0xffff, v3;
	v7 =	vxor.u32 v17, v18;
	v17 =	vshra.s32 v15, $0x1F  }
0x304: {  	[tilespmem:s0+$0x4010] =	vst v16;
	v18 =	vand.u32 $0x80, v19;
	v16 =	vand.u32 $0x7F, v19;
	v14 =	vmul.f32 v13, v14  }
0x305: {  	v18 =	vor.u32 v2, v18;
	[tilespmem:s0+$0xC000] =	vst v7;
	v17 =	vor.u32 $0x80000000, v17;
	v7 =	vshrl.u32 v7, $0x18  }
0x306: {  	[tilespmem:s0+$0x4020] =	vst v13;
	v16 =	vor.u32 v16, v18;
	v13 =	vxor.u32 v15, v17;
	v15 =	vshra.s32 v14, $0x1F  }
0x307: {  	[tilespmem:s0+$0x4030] =	vst v9;
	v17 =	vand.u32 $0x80, v7;
	v7 =	vand.u32 $0x7F, v7;
	v15 =	vor.u32 $0x80000000, v15  }
0x308: {  	[tilespmem:s0+$0xC010] =	vst v13;
	v13 =	vshrl.u32 v13, $0x18;
	v17 =	vor.u32 v2, v17;
	v14 =	vxor.u32 v14, v15  }
0x309: {  	[tilespmem:s0+$0xC030] =	vst v11;
	v18 =	vand.u32 $0x80, v13;
	v11 =	vand.u32 $0x7F, v13;
	v15 =	vshrl.u32 v14, $0x18  }
0x30a: {  	[tilespmem:v8+s15+$0x0] =	vst.idx.add.s32.msk $0xffff, v3;
	v7 =	vor.u32 v7, v17;
	v9 =	vor.u32 v2, v18;
	v13 =	vand.u32 $0x80, v15  }
0x30b: {  	[tilespmem:v10+s15+$0x0] =	vst.idx.add.s32.msk $0xffff, v3;
	v9 =	vor.u32 v11, v9;
	v15 =	vand.u32 $0x7F, v15;
	v13 =	vor.u32 v2, v13  }
0x30c: {  	[tilespmem:v12+s15+$0x0] =	vst.idx.add.s32.msk $0xffff, v3;
	v11 =	vor.u32 v15, v13  }
0x30d: {  	[tilespmem:s0+$0xC020] =	vst v14  }
0x30e: {  	[tilespmem:v16+s15+$0x0] =	vst.idx.add.s32.msk $0xffff, v3  }
0x30f: {  	[tilespmem:v7+s15+$0x0] =	vst.idx.add.s32.msk $0xffff, v3  }
0x310: {  	[tilespmem:v9+s15+$0x0] =	vst.idx.add.s32.msk $0xffff, v3  }
0x311: {  	s0 =	simm.s32 @!p0 $0x3;
	[tilespmem:v11+s15+$0x0] =	vst.idx.add.s32.msk $0xffff, v3  }
0x312: {  	s1 =	sadd.s32 @!p0 s30, s24;
	s2 =	simm.s32 @!p0 $0x400;
	_ =	swait.ge @!p0 [sflag:s0], $0x4000  }
0x313: {  	s4 =	simm.s32 @!p0 $0x8000;
	s29 =	simm.s32 $0x18000;
	[sflag:s0] =	ssyncset.done @!p0 $0x0  }
0x314: {  	[sflag:s0] =	ssyncadd.s32 @!p0 $0xFFFFC000;
	s0 =	sadd.s32 @!p0 s23, s1;
	s1 =	simm.s32 @!p0 $0x80  }
0x315: {  	[tilespmem:s4], [sflag:$0x1] =	stream.strided.gather @!p0 [hbm4b:s0+s1], $0x4000, s2, s1, $0x38;
	[tilespmem:$0x19000] =	vst v63  }
0x316: {  	s8 =	simm.s32 $0x0;
	s31 =	simm.s32 $0x18010;
	v7 =	vld [tilespmem:s29+$0x0]  }
0x317: {  	s9 =	sand.u32 $0xF0, s8;
	[tilespmem:s29+$0x0] =	vst v1;
	v15 =	vld [tilespmem:s31+$0x0]  }
0x318: {  	v8 =	vld [tilespmem:s9+$0x18100]  }
0x319: {  	v9 =	vld [tilespmem:s9+$0x18200]  }
0x31a: {  	[tilespmem:s31+$0x0] =	vst v1;
	v10 =	vld [tilespmem:s9+$0x18300]  }
0x31b: {  	s25 =	simm.s32 $0x10;
	v11 =	vld [tilespmem:s9+$0x18400];
	[tilespmem:s9+$0x18100] =	vst v1  }
0x31c: {  	s23 =	sand.u32 $0xF0, s25;
	v12 =	vld [tilespmem:s9+$0x18500];
	[tilespmem:s9+$0x18200] =	vst v1  }
0x31d: {  	v17 =	vld [tilespmem:s23+$0x18100];
	[tilespmem:s23+$0x18100] =	vst v1  }
0x31e: {  	v13 =	vld [tilespmem:s9+$0x18600];
	[tilespmem:s9+$0x18300] =	vst v1  }
0x31f: {  	v19 =	vld [tilespmem:s23+$0x18200];
	[tilespmem:s23+$0x18200] =	vst v1  }
0x320: {  	v14 =	vld [tilespmem:s9+$0x18700];
	[tilespmem:s9+$0x18400] =	vst v1  }
0x321: {  	v21 =	vld [tilespmem:s23+$0x18300];
	[tilespmem:s23+$0x18300] =	vst v1;
	v7 =	vadd.s32 v7, v8  }
0x322: {  	v16 =	vld [tilespmem:s9+$0x18800];
	[tilespmem:s9+$0x18500] =	vst v1;
	v7 =	vadd.s32 v9, v7  }
0x323: {  	v18 =	vld [tilespmem:s9+$0x18900];
	[tilespmem:s9+$0x18600] =	vst v1;
	v7 =	vadd.s32 v10, v7  }
0x324: {  	v20 =	vld [tilespmem:s9+$0x18A00];
	[tilespmem:s9+$0x18700] =	vst v1;
	v7 =	vadd.s32 v11, v7  }
0x325: {  	[tilespmem:s9+$0x18800] =	vst v1;
	v8 =	vld [tilespmem:s9+$0x18B00];
	v7 =	vadd.s32 v12, v7  }
0x326: {  	[tilespmem:s9+$0x18900] =	vst v1;
	v9 =	vld [tilespmem:s23+$0x18400];
	v7 =	vadd.s32 v13, v7  }
0x327: {  	[tilespmem:s9+$0x18A00] =	vst v1;
	v10 =	vld [tilespmem:s9+$0x18C00];
	v7 =	vadd.s32 v14, v7  }
0x328: {  	[tilespmem:s9+$0x18B00] =	vst v1;
	v12 =	vld [tilespmem:s9+$0x18D00];
	v7 =	vadd.s32 v16, v7  }
0x329: {  	[tilespmem:s23+$0x18400] =	vst v1;
	v14 =	vld [tilespmem:s9+$0x18E00];
	v7 =	vadd.s32 v18, v7  }
0x32a: {  	[tilespmem:s9+$0x18C00] =	vst v1;
	v18 =	vld [tilespmem:s9+$0x18F00];
	v7 =	vadd.s32 v20, v7  }
0x32b: {  	v11 =	vld [tilespmem:s23+$0x18500];
	[tilespmem:s23+$0x18500] =	vst v1;
	v7 =	vadd.s32 v8, v7  }
0x32c: {  	[tilespmem:s9+$0x18D00] =	vst v1;
	v13 =	vld [tilespmem:s23+$0x18600];
	v7 =	vadd.s32 v10, v7  }
0x32d: {  	[tilespmem:s23+$0x18600] =	vst v1;
	v16 =	vld [tilespmem:s23+$0x18700];
	v7 =	vadd.s32 v12, v7  }
0x32e: {  	[tilespmem:s9+$0x18E00] =	vst v1;
	v20 =	vld [tilespmem:s23+$0x18800];
	v7 =	vadd.s32 v14, v7  }
0x32f: {  	[tilespmem:s23+$0x18700] =	vst v1;
	v8 =	vld [tilespmem:s23+$0x18900];
	v18 =	vadd.s32 v18, v7;
	v7 =	vadd.s32 v15, v17  }
0x330: {  	[tilespmem:s9+$0x18F00] =	vst v1;
	v12 =	vld [tilespmem:s23+$0x18A00];
	(xrf0) =	vadd.scan.msk.s32 $0xffff, v18;
	v7 =	vadd.s32 v19, v7  }
0x331: {  	s7 =	simm.s32 $0x20;
	s2 =	simm.s32 $0x18020;
	[tilespmem:s23+$0x18800] =	vst v1;
	v14 =	vld [tilespmem:s23+$0x18B00];
	v7 =	vadd.s32 v21, v7  }
0x332: {  	s0 =	sand.u32 $0xF0, s7;
	v15 =	vld [tilespmem:s2+$0x0];
	[tilespmem:s2+$0x0] =	vst v1;
	v7 =	vadd.s32 v9, v7  }
0x333: {  	[tilespmem:s23+$0x18900] =	vst v1;
	v17 =	vld [tilespmem:s0+$0x18100];
	v7 =	vadd.s32 v11, v7  }
0x334: {  	[tilespmem:s23+$0x18A00] =	vst v1;
	v19 =	vld [tilespmem:s23+$0x18D00];
	v7 =	vadd.s32 v13, v7  }
0x335: {  	[tilespmem:s23+$0x18B00] =	vst v1;
	v9 =	vld [tilespmem:s23+$0x18C00];
	v13 =	vadd.s32 v16, v7  }
0x336: {  	[tilespmem:s0+$0x18100] =	vst v1;
	v22 =	vld [tilespmem:s0+$0x18400];
	v7 =	vimm.s32 $0x0;
	v10, _, _ =	vpop (xrf0);
	v13 =	vadd.s32 v20, v13  }
0x337: {  	[tilespmem:s23+$0x18D00] =	vst v1;
	v16 =	vld [tilespmem:s23+$0x18E00];
	v20 =	vadd.s32 v7, v10;
	v8 =	vadd.s32 v8, v13  }
0x338: {  	[tilespmem:s0+$0x18400] =	vst v1;
	vm0 =	vgt.s32 v20, $0x3E00;
	v8 =	vadd.s32 v12, v8;
	v12 =	vld [tilespmem:s23+$0x18F00]  }
0x339: {  	v21 =	vld [tilespmem:s0+$0x18300];
	[tilespmem:s0+$0x18300] =	vst v1;
	v20 =	vmpcnt.ones.xlane vm0;
	v8 =	vadd.s32 v14, v8  }
0x33a: {  	[tilespmem:s23+$0x18C00] =	vst v1;
	v11 =	vld [tilespmem:s0+$0x18200];
	v8 =	vadd.s32 v9, v8  }
0x33b: {  	[tilespmem:s0+$0x18200] =	vst v1;
	v23 =	vsub.s32 $0x10, v20;
	vm0 =	vgt.s32 v20, $0x0;
	v8 =	vadd.s32 v19, v8  }
0x33c: {  	[tilespmem:s23+$0x18E00] =	vst v1;
	v19 =	vimm.s32 $0xFFFFFFFF;
	vm1 =	vlt.s32 v23, $0xF;
	v8 =	vadd.s32 v16, v8  }
0x33d: {  	v13 =	vld [tilespmem:s0+$0x18500];
	[tilespmem:s0+$0x18500] =	vst v1;
	v16 =	vshrl.u32 v23, $0x1B;
	v9 =	vadd.s32 v12, v8;
	v8 =	vadd.s32 v15, v17  }
0x33e: {  	v14 =	vld [tilespmem:s0+$0x18600];
	[tilespmem:s0+$0x18600] =	vst v1;
	v12 =	vnsel vm1, $0xF, v23;
	vm1 =	vlt.s32 v19, $0x0;
	v16 =	vand.u32 $0x10, v16  }
0x33f: {  	v12 =	vadd.s32 v12, v16;
	vm0 =	vmand vm1, vm0;
	v8 =	vadd.s32 v11, v8;
	(xrf0) =	vadd.scan.msk.s32 $0xffff, v9  }
0x340: {  	v15 =	vld [tilespmem:s0+$0x18700];
	[tilespmem:s0+$0x18700] =	vst v1;
	v11 =	vadd.s32 s8, v23;
	v23 =	vperm.xlane v18, v12;
	v20 =	vadd.s32 v21, v8  }
0x341: {  	v16 =	vld [tilespmem:s0+$0x18800];
	[tilespmem:s0+$0x18800] =	vst v1;
	v8 =	vsel vm0, v11, v19;
	v17 =	vperm.xlane v10, v12;
	v12 =	vimm.s32 $0x0  }
0x342: {  	s8 =	simm.s32 $0x20;
	v18 =	vld [tilespmem:s0+$0x18900];
	[tilespmem:s0+$0x18900] =	vst v1;
	v20 =	vadd.s32 v22, v20;
	v11 =	vsel vm0, v23, v7;
	v19 =	vsub.s32 v7, v23  }
.LBB2_53:
0x343: {  	v21 =	vld [tilespmem:s0+$0x18A00];
	[tilespmem:s0+$0x18A00] =	vst v1;
	v13 =	vadd.s32 v13, v20;
	v17 =	vadd.s32 v17, v19;
	v19 =	vperm.xlane v10, v4  }
0x344: {  	s2 =	sadd.s32 $0x10, s2;
	v20 =	vld [tilespmem:s0+$0x18B00];
	[tilespmem:s0+$0x18B00] =	vst v1;
	v14 =	vadd.s32 v14, v13;
	v7 =	vsel vm0, v17, v7  }
0x345: {  	v17 =	vld [tilespmem:s2+$0x0];
	v13 =	vadd.s32 v15, v14;
	[tilespmem:s23+$0x18F00] =	vst v1;
	v10, _, _ =	vpop (xrf0);
	v12 =	vadd.s32 v12, v19;
	s23 =	smov.u32 s0  }
0x346: {  	v14 =	vld [tilespmem:s23+$0x18C00];
	[tilespmem:s23+$0x18C00] =	vst v1;
	v13 =	vadd.s32 v16, v13;
	v15 =	vadd.s32 v12, v10  }
0x347: {  	v16 =	vld [tilespmem:s23+$0x18D00];
	[tilespmem:s23+$0x18D00] =	vst v1;
	v13 =	vadd.s32 v18, v13;
	vm0 =	vgt.s32 v15, $0x3E00  }
0x348: {  	s7 =	sadd.s32 $0x10, s7;
	v15 =	vld [tilespmem:s23+$0x18E00];
	[tilespmem:s23+$0x18E00] =	vst v1;
	v13 =	vadd.s32 v21, v13;
	v18 =	vmpcnt.ones.xlane vm0  }
0x349: {  	p0 =	slt.u32 s7, $0xF0;
	s0 =	sand.u32 $0xF0, s7;
	[tilespmem:s2+$0x0] =	vst v1;
	v19 =	vld [tilespmem:s23+$0x18F00];
	v13 =	vadd.s32 v20, v13  }
0x34a: {  	vm1 =	vlt.s32 v8, $0x0;
	v20 =	vld [tilespmem:s0+$0x18100];
	[tilespmem:s0+$0x18100] =	vst v1;
	v21 =	vsub.s32 $0x10, v18;
	vm0 =	vgt.s32 v18, $0x0  }
0x34b: {  	v18 =	vld [tilespmem:s0+$0x18200];
	[tilespmem:s0+$0x18200] =	vst v1;
	v13 =	vadd.s32 v14, v13;
	vm0 =	vmand vm1, vm0;
	v14 =	vadd.s32 s25, v21;
	s25 =	smov.u32 s8;
	s8 =	smov.u32 s7  }
0x34c: {  	vm1 =	vlt.s32 v21, $0xF;
	v22 =	vld [tilespmem:s0+$0x18300];
	[tilespmem:s0+$0x18300] =	vst v1;
	v13 =	vadd.s32 v16, v13;
	v8 =	vsel vm0, v14, v8  }
0x34d: {  	v16 =	vshrl.u32 v21, $0x1B;
	v23 =	vld [tilespmem:s0+$0x18400];
	[tilespmem:s0+$0x18400] =	vst v1;
	v14 =	vadd.s32 v15, v13;
	v15 =	vnsel vm1, $0xF, v21  }
.Ltmp29:
0x34e: {  	v16 =	vand.u32 $0x10, v16;
	v13 =	vld [tilespmem:s0+$0x18500];
	[tilespmem:s0+$0x18500] =	vst v1;
	v19 =	vadd.s32 v19, v14;
	(pc) =	sbr.rel @p0 .LBB2_53-.Ltmp29, $4  }
0x34f: {  	v16 =	vadd.s32 v15, v16;
	v14 =	vld [tilespmem:s0+$0x18600];
	[tilespmem:s0+$0x18600] =	vst v1;
	v17 =	vadd.s32 v17, v20;
	(xrf0) =	vadd.scan.msk.s32 $0xffff, v19  }
0x350: {  	v21 =	vperm.xlane v9, v16;
	v15 =	vld [tilespmem:s0+$0x18700];
	[tilespmem:s0+$0x18700] =	vst v1;
	v18 =	vadd.s32 v18, v17;
	v17 =	vperm.xlane v10, v16  }
0x351: {  	v9 =	vmov v19;
	v16 =	vld [tilespmem:s0+$0x18800];
	[tilespmem:s0+$0x18800] =	vst v1;
	v20 =	vadd.s32 v22, v18  }
0x352: {  	v11 =	vsel vm0, v21, v11;
	v19 =	vsub.s32 v12, v21;
	v18 =	vld [tilespmem:s0+$0x18900];
	[tilespmem:s0+$0x18900] =	vst v1;
	v20 =	vadd.s32 v23, v20  }
0x353: {  	v21 =	vld [tilespmem:s0+$0x18A00];
	v13 =	vadd.s32 v13, v20  }
0x354: {  	v22 =	vld [tilespmem:s0+$0x18B00];
	v13 =	vadd.s32 v14, v13  }
0x355: {  	v23 =	vld [tilespmem:s0+$0x18C00];
	v13 =	vadd.s32 v15, v13  }
0x356: {  	v14 =	vld [tilespmem:s0+$0x18D00];
	v13 =	vadd.s32 v16, v13  }
0x357: {  	v15 =	vld [tilespmem:s0+$0x18E00];
	v13 =	vadd.s32 v18, v13  }
0x358: {  	v13 =	vadd.s32 v21, v13  }
0x359: {  	v10 =	vperm.xlane v10, v4;
	v16 =	vld [tilespmem:s0+$0x18F00];
	v13 =	vadd.s32 v22, v13  }
0x35a: {  	v13 =	vadd.s32 v23, v13  }
0x35b: {  	v10 =	vadd.s32 v12, v10;
	v13 =	vadd.s32 v14, v13;
	v14, _, _ =	vpop (xrf0)  }
0x35c: {  	v12 =	vadd.s32 v15, v13;
	v13 =	vadd.s32 v10, v14  }
0x35d: {  	vm1 =	vgt.s32 v13, $0x3E00  }
0x35e: {  	v15 =	vadd.s32 v16, v12;
	v12 =	vmpcnt.ones.xlane vm1  }
0x35f: {  	[tilespmem:s0+$0x18A00] =	vst v1;
	(xrf0) =	vadd.scan.msk.s32 $0xffff, v15  }
0x360: {  	[tilespmem:s0+$0x18B00] =	vst v1;
	v16 =	vsub.s32 $0x10, v12  }
0x361: {  	[tilespmem:s0+$0x18C00] =	vst v1;
	v18 =	vperm.xlane v14, v4;
	v13 =	vadd.s32 v17, v19;
	vm1 =	vlt.s32 v16, $0xF  }
0x362: {  	[tilespmem:s23+$0x18F00] =	vst v1;
	v7 =	vsel vm0, v13, v7;
	v17 =	vshrl.u32 v16, $0x1B;
	v13 =	vnsel vm1, $0xF, v16  }
0x363: {  	[tilespmem:s0+$0x18D00] =	vst v1;
	v17 =	vand.u32 $0x10, v17  }
0x364: {  	s24 =	simm.s32 $0x0;
	[tilespmem:s0+$0x18E00] =	vst v1;
	vm0 =	vgt.s32 v12, $0x0;
	v12 =	vadd.s32 v13, v17;
	v17 =	vadd.s32 v10, v18  }
0x365: {  	[tilespmem:s0+$0x18F00] =	vst v1;
	v9 =	vperm.xlane v9, v12;
	v12 =	vperm.xlane v14, v12;
	v14 =	vadd.s32 s25, v16;
	s25 =	sand.u32 $0x3FC0, s24;
	v13, _, _ =	vpop (xrf0)  }
0x366: {  	vm1 =	vlt.s32 v8, $0x0;
	v21 =	vld [tilespmem:s25+$0xC000];
	v18 =	vadd.s32 v17, v13  }
0x367: {  	s23 =	simm.s32 $0xC030;
	vm0 =	vmand vm1, vm0;
	vm1 =	vgt.s32 v18, $0x3E00  }
0x368: {  	v8 =	vsel vm0, v14, v8;
	v16 =	vsub.s32 v10, v9;
	v10 =	vld [tilespmem:s23+$0xFFFFFFE0];
	v18 =	vmpcnt.ones.xlane vm1  }
0x369: {  	v9 =	vsel vm0, v9, v11;
	vm2 =	vlt.s32 v8, $0x0;
	v11 =	vadd.s32 v12, v16  }
0x36a: {  	v12 =	vsub.s32 $0x10, v18;
	vm1 =	vgt.s32 v18, $0x0;
	v18 =	vsel vm0, v11, v7  }
0x36b: {  	v16 =	vshrl.u32 v21, $0x18;
	vm0 =	vmand vm2, vm1;
	v7 =	vadd.s32 s8, v12  }
0x36c: {  	v11 =	vld [tilespmem:s23+$0x0];
	vm1 =	vlt.s32 v12, $0xF;
	v7 =	vsel vm0, v7, v8;
	v8 =	vshrl.u32 v12, $0x1B  }
0x36d: {  	v14 =	vshrl.u32 v10, $0x18;
	v12 =	vnsel vm1, $0xF, v12;
	v8 =	vand.u32 $0x10, v8  }
0x36e: {  	vm1 =	vge.u32 v14, v7;
	vm2 =	vge.u32 v16, v7;
	vm3 =	veq.s32 v14, v7  }
0x36f: {  	v8 =	vadd.s32 v12, v8;
	v12 =	vld [tilespmem:s23+$0xFFFFFFF0];
	v19 =	vsel vm1, $0x1, v1;
	v20 =	vsel vm2, $0x1, v1  }
0x370: {  	v15 =	vperm.xlane v15, v8;
	v8 =	vperm.xlane v13, v8;
	v13 =	vshrl.u32 v10, $0x10;
	(xrf0) =	vadd.scan.msk.s32 $0xffff, v19  }
0x371: {  	vm1 =	vmmov vm1;
	v14 =	vshrl.u32 v11, $0x18;
	v13 =	vand.u32 $0xFF, v13;
	(xrf0) =	vadd.scan.msk.s32 $0xffff, v20  }
0x372: {  	p1 =	por $0x1, $0x1;
	vm2 =	vmmov vm2;
	vm5 =	vge.u32 v14, v7;
	v13 =	vor.u32 v2, v13  }
.Ltmp30:
0x373: {  	v9 =	vsel vm0, v15, v9;
	v15 =	vsub.s32 v17, v15;
	v17 =	vsel vm5, $0x1, v1;
	(pc) =	sbr.rel @!p1 .LBB2_55-.Ltmp30, $4  }
0x374: {  	v22 =	vshrl.u32 v11, $0x10;
	v8 =	vadd.s32 v8, v15;
	v15 =	vshrl.u32 v12, $0x18  }
0x375: {  	v8 =	vsel vm0, v8, v18;
	v18 =	vshrl.u32 v21, $0x10;
	vm4 =	vge.u32 v15, v7  }
0x376: {  	(xrf0) =	vadd.scan.msk.s32 $0xffff, v17;
	vm0 =	vmmov vm5;
	v20 =	vand.u32 $0xFF, v18;
	v19 =	vsel vm4, $0x1, v1;
	v17, _, _ =	vpop (xrf0)  }
0x377: {  	s26 =	simm.s32 $0x40;
	p0 =	por $0x0, $0x0;
	s0 =	simm.s32 $0xC070;
	v18 =	vand.u32 $0xFF, v22;
	(xrf0) =	vadd.scan.msk.s32 $0xffff, v19;
	[tilespmem:v13+s15+$0x0] =	vst.idx.add.s32.msk vm3, v3;
	v23, _, _ =	vpop (xrf0);
	(v2sf) =	vpush v17, $0xF  }
0x378: {  	_ = 	snop  }
0x379: {  	(v2sf) =	vpush v23, $0xF;
	s28 =	sand.u32 $0x3FC0, s26;
	v22 =	vld [tilespmem:s0+$0xFFFFFFE0]  }
0x37a: {  	v17 =	vld [tilespmem:s28+$0xC000]  }
0x37b: {  	v19 =	vshrl.u32 v12, $0x10;
	vm3 =	vmmov vm4  }
0x37c: {  	vm4 =	veq.s32 v16, v7;
	v20 =	vor.u32 v2, v20;
	v18 =	vor.u32 v2, v18;
	v23, _, _ =	vpop (xrf0)  }
0x37d: {  	v13 =	vld [tilespmem:s0+$0xFFFFFFF0];
	vm6 =	veq.s32 v15, v7;
	vm9 =	veq.s32 v14, v7;
	(v2sf) =	vpush v23, $0xF;
	v23, _, _ =	vpop (xrf0)  }
0x37e: {  	v16 =	vand.u32 $0xFF, v19;
	v19 =	vld [tilespmem:s0+$0x0];
	v15 =	vshrl.u32 v22, $0x18;
	(v2sf) =	vpush v23, $0xF  }
0x37f: {  	v24 =	vor.u32 v2, v16;
	v16 =	vshrl.u32 v17, $0x18;
	vm5 =	vge.u32 v15, v7  }
0x380: {  	vm7 =	vge.u32 v16, v7;
	v14 =	vsel vm5, $0x1, v1  }
0x381: {  	v23 =	vshrl.u32 v22, $0x10;
	vm8 =	veq.s32 v15, v7;
	v25 =	vsel vm7, $0x1, v1;
	(xrf0) =	vadd.scan.msk.s32 $0xffff, v14  }
0x382: {  	v15 =	vshrl.u32 v13, $0x18;
	[tilespmem:v20+s15+$0x0] =	vst.idx.add.s32.msk vm4, v3;
	v23 =	vand.u32 $0xFF, v23;
	(xrf0) =	vadd.scan.msk.s32 $0xffff, v25  }
0x383: {  	p1 =	por $0x1, $0x1;
	v20 =	vshrl.u32 v17, $0x10;
	[tilespmem:v18+s15+$0x0] =	vst.idx.add.s32.msk vm9, v3;
	v14 =	vshrl.u32 v19, $0x18;
	v23 =	vor.u32 v2, v23  }
.Ltmp31:
0x384: {  	v26 =	vshrl.u32 v19, $0x10;
	v20 =	vand.u32 $0xFF, v20;
	[tilespmem:v24+s15+$0x0] =	vst.idx.add.s32.msk vm6, v3;
	vm10 =	vge.u32 v14, v7;
	(pc) =	sbr.rel @!p1 .LBB2_57-.Ltmp31, $4  }
0x385: {  	vm4 =	vge.u32 v15, v7;
	v18 =	vand.u32 $0xFF, v26;
	[tilespmem:s24+$0x10000] =	vst.msk vm2, v21;
	v61 =	vsel vm10, $0x1, v1  }
0x386: {  	s18 =	simm.s32 $0x80;
	v21 =	vor.u32 s24, v0;
	vm6 =	vmmov vm1;
	v62 =	vsel vm4, $0x1, v1;
	(xrf0) =	vadd.scan.msk.s32 $0xffff, v61  }
0x387: {  	s7 =	simm.s32 $0xC0B0;
	p0 =	por $0x1, $0x1;
	vm1 =	vmmov vm5;
	vm5 =	vmmov vm0;
	[tilespmem:s24+$0x14000] =	vst.msk vm2, v21;
	(xrf0) =	vadd.scan.msk.s32 $0xffff, v62;
	s13 =	spop (v2sf);
	v63, _, _ =	vpop (xrf0)  }
0x388: {  	s8 =	simm.s32 $0x0;
	s2 =	simm.s32 $0x0;
	vm2 =	vmmov vm7;
	vm0 =	vmmov vm10;
	[tilespmem:v23+s15+$0x0] =	vst.idx.add.s32.msk vm8, v3;
	s4 =	spop (v2sf);
	v23, _, _ =	vpop (xrf0);
	(v2sf) =	vpush v63, $0xF  }
.LBB2_58:
0x389: {  	[tilespmem:s25+$0xC000] =	vst v5;
	s1 =	sadd.s32 s8, s4;
	s25 =	smov.u32 s28  }
0x38a: {  	v21 =	vld [tilespmem:s7+$0xFFFFFFE0];
	(v2sf) =	vpush v23, $0xF;
	vm7 =	vmmov vm3;
	vm3 =	vmmov vm4;
	s28 =	sand.u32 $0x3FC0, s18;
	s4 =	smov.u32 s18;
	s9 =	sadd.s32 $0x40, s18  }
0x38b: {  	p1 =	slt.u32 s18, $0x3FC0;
	vm4 =	veq.s32 v16, v7;
	v16 =	vshrl.u32 v13, $0x10;
	s8 =	sadd.s32 $0x10, s2;
	v23 =	vld [tilespmem:s28+$0xC000];
	[tilespmem:s1+$0x10000] =	vst.msk vm6, v10;
	s13 =	sadd.s32 s1, s13;
	v10 =	vmov v22  }
0x38c: {  	v20 =	vor.u32 v2, v20;
	v16 =	vand.u32 $0xFF, v16;
	v25 =	vor.u32 s8, v0;
	s8 =	sadd.s32 $0x20, s2;
	v24 =	vld [tilespmem:s7+$0xFFFFFFF0];
	v22, _, _ =	vpop (xrf0);
	[tilespmem:s13+$0x10000] =	vst.msk vm7, v12;
	s18 =	spop (v2sf)  }
0x38d: {  	v18 =	vor.u32 v2, v18;
	v27 =	vor.u32 v2, v16;
	v26 =	vld [tilespmem:s7+$0x0];
	v12, _, _ =	vpop (xrf0);
	(v2sf) =	vpush v22, $0xF;
	[tilespmem:s1+$0x14000] =	vst.msk vm6, v25;
	s1 =	spop (v2sf)  }
0x38e: {  	vm8 =	veq.s32 v15, v7;
	s19 =	sadd.s32 $0x30, s2;
	s2 =	smov.u32 s26;
	vm6 =	veq.s32 v14, v7;
	(v2sf) =	vpush v12, $0xF;
	[tilespmem:s23+$0xFFFFFFE0] =	vst v5;
	s1 =	sadd.s32 s13, s1;
	v12 =	vmovc v13  }
0x38f: {  	s26 =	smov.u32 s4;
	v15 =	vor.u32 s8, v0;
	v25 =	vshrl.u32 v21, $0x18;
	v14 =	vshrl.u32 v21, $0x10;
	[tilespmem:s1+$0x10000] =	vst.msk vm5, v11;
	s8 =	sadd.s32 s1, s18;
	v22 =	vmovc v21;
	v11 =	vmovc v19  }
0x390: {  	v16 =	vshrl.u32 v23, $0x18;
	vm9 =	vge.u32 v25, v7;
	[tilespmem:s13+$0x14000] =	vst.msk vm7, v15;
	v15 =	vor.u32 s19, v0  }
0x391: {  	vm7 =	veq.s32 v25, v7;
	vm10 =	vge.u32 v16, v7;
	v25 =	vsel vm9, $0x1, v1;
	[tilespmem:s1+$0x14000] =	vst.msk vm5, v15;
	v13 =	vmovc v24  }
0x392: {  	v21 =	vsel vm10, $0x1, v1;
	v15 =	vshrl.u32 v13, $0x18;
	(xrf0) =	vadd.scan.msk.s32 $0xffff, v25;
	[tilespmem:s23+$0xFFFFFFF0] =	vst v5;
	v19 =	vmovc v26  }
0x393: {  	v24 =	vand.u32 $0xFF, v14;
	v14 =	vshrl.u32 v19, $0x18;
	(xrf0) =	vadd.scan.msk.s32 $0xffff, v21;
	[tilespmem:v20+s15+$0x0] =	vst.idx.add.s32.msk vm4, v3  }
0x394: {  	v20 =	vshrl.u32 v23, $0x10;
	v21 =	vor.u32 v2, v24;
	vm11 =	vge.u32 v14, v7;
	[tilespmem:s23+$0x0] =	vst v5;
	s23 =	smov.u32 s0;
	s0 =	smov.u32 s7  }
.Ltmp32:
0x395: {  	vm4 =	vge.u32 v15, v7;
	v20 =	vand.u32 $0xFF, v20;
	v24 =	vsel vm11, $0x1, v1;
	[tilespmem:v27+s15+$0x0] =	vst.idx.add.s32.msk vm8, v3;
	(pc) =	sbr.rel @p1 .LBB2_58-.Ltmp32, $4  }
0x396: {  	v26 =	vshrl.u32 v19, $0x10;
	v27 =	vsel vm4, $0x1, v1;
	(xrf0) =	vadd.scan.msk.s32 $0xffff, v24;
	[tilespmem:v18+s15+$0x0] =	vst.idx.add.s32.msk vm6, v3  }
0x397: {  	v18 =	vand.u32 $0xFF, v26;
	v24 =	vor.u32 s2, v0;
	(xrf0) =	vadd.scan.msk.s32 $0xffff, v27;
	[tilespmem:s8+$0x10000] =	vst.msk vm2, v17;
	v17 =	vmovc v23  }
0x398: {  	vm6 =	vmmov vm1;
	vm1 =	vmmov vm9;
	v25, _, _ =	vpop (xrf0);
	[tilespmem:s8+$0x14000] =	vst.msk vm2, v24;
	s13 =	spop (v2sf);
	vm2 =	vmmov vm10  }
0x399: {  	s18 =	smov.u32 s9;
	vm5 =	vmmov vm0;
	s7 =	sadd.s32 $0x40, s7;
	vm0 =	vmmov vm11;
	[tilespmem:v21+s15+$0x0] =	vst.idx.add.s32.msk vm7, v3;
	v23, _, _ =	vpop (xrf0);
	(v2sf) =	vpush v25, $0xF;
	s4 =	spop (v2sf)  }
0x39a: {  	s9 =	smov.u32 s25  }
0x39b: {  	v25 =	vmovc v10;
	s7 =	smov.u32 s23;
	v24 =	vmovc v11;
	s25 =	smov.u32 s28;
	v10 =	vmov v22;
	v11 =	vmov v19;
	s23 =	smov.u32 s0;
	v21 =	vmov v17  }
.LBB2_60:
0x39c: {  	(v2sf) =	vpush v23, $0xF  }
0x39d: {  	[tilespmem:s9+$0xC000] =	vst @p0 v5;
	s0 =	sadd.s32 @p0 s8, s4  }
0x39e: {  	vm3 =	vmmov @p0 vm3;
	s1 =	sadd.s32 @p0 $0x10, s2;
	[tilespmem:s0+$0x10000] =	vst.msk @p0 vm6, v25;
	s4 =	sadd.s32 @p0 s0, s13  }
0x39f: {  	v17, _, _ =	vpop (xrf0);
	v19 =	vor.u32 @p0 s1, v0;
	[tilespmem:s4+$0x10000] =	vst.msk @p0 vm3, v12  }
0x3a0: {  	vm7 =	veq.s32 v16, v7;
	v16 =	vor.u32 v2, v20;
	s8 =	sadd.s32 @p0 $0x20, s2;
	s1 =	spop @p0 (v2sf);
	(v2sf) =	vpush v17, $0xF;
	v12, _, _ =	vpop (xrf0);
	[tilespmem:s0+$0x14000] =	vst.msk @p0 vm6, v19  }
0x3a1: {  	vm15 =	veq.s32 v15, v7;
	v15 =	vor.u32 @p0 s8, v0;
	s0 =	spop @p0 (v2sf);
	(v2sf) =	vpush v12, $0xF;
	[tilespmem:s7+$0xFFFFFFE0] =	vst @p0 v5  }
0x3a2: {  	s0 =	sadd.s32 @p0 s4, s0;
	[tilespmem:s4+$0x14000] =	vst.msk @p0 vm3, v15  }
0x3a3: {  	s2 =	sadd.s32 @p0 $0x30, s2;
	vm8 =	veq.s32 v14, v7;
	v12 =	vshrl.u32 v13, $0x10;
	[tilespmem:s0+$0x10000] =	vst.msk @p0 vm5, v24  }
0x3a4: {  	v14 =	vor.u32 @p0 s2, v0;
	v15 =	vor.u32 v2, v18;
	v12 =	vand.u32 $0xFF, v12;
	[tilespmem:s7+$0xFFFFFFF0] =	vst @p0 v5  }
0x3a5: {  	v12 =	vor.u32 v2, v12;
	[tilespmem:s0+$0x14000] =	vst.msk @p0 vm5, v14  }
0x3a6: {  	s0 =	sadd.s32 @p0 s0, s1;
	[tilespmem:v16+s15+$0x0] =	vst.idx.add.s32.msk vm7, v3  }
0x3a7: {  	[tilespmem:s7+$0x0] =	vst @p0 v5;
	s24 =	smov.u32 @p0 s0  }
0x3a8: {  	[tilespmem:s24+$0x10000] =	vst.msk vm2, v21  }
0x3a9: {  	[tilespmem:v15+s15+$0x0] =	vst.idx.add.s32.msk vm8, v3  }
0x3aa: {  	[tilespmem:v12+s15+$0x0] =	vst.idx.add.s32.msk vm15, v3;
	v12 =	vor.u32 s26, v0;
	s31 =	spop (v2sf)  }
0x3ab: {  	[tilespmem:s24+$0x14000] =	vst.msk vm2, v12;
	s2 =	spop (v2sf)  }
0x3ac: {  	vm1 =	vmmov vm1;
	vm2 =	vmmov vm4;
	[tilespmem:s25+$0xC000] =	vst v5;
	s1 =	sadd.s32 s24, s2  }
0x3ad: {  	s4 =	sadd.s32 $0x10, s26;
	vm2 =	vmmov vm2;
	[tilespmem:s1+$0x10000] =	vst.msk vm1, v10;
	s6 =	sadd.s32 s1, s31  }
0x3ae: {  	v10 =	vor.u32 s4, v0;
	[tilespmem:s6+$0x10000] =	vst.msk vm2, v13  }
0x3af: {  	s18 =	sadd.s32 $0x20, s26;
	s7 =	spop (v2sf);
	[tilespmem:s1+$0x14000] =	vst.msk vm1, v10  }
0x3b0: {  	s13 =	spop (v2sf);
	v10 =	vor.u32 s18, v0;
	[tilespmem:s23+$0xFFFFFFE0] =	vst v5  }
0x3b1: {  	vm0 =	vmmov vm0;
	s19 =	sadd.s32 s6, s13;
	[tilespmem:s6+$0x14000] =	vst.msk vm2, v10  }
0x3b2: {  	s25 =	sadd.s32 $0x30, s26;
	[tilespmem:s19+$0x10000] =	vst.msk vm0, v11  }
0x3b3: {  	v10 =	vor.u32 s25, v0;
	[tilespmem:s23+$0xFFFFFFF0] =	vst v5  }
0x3b4: {  	[tilespmem:s19+$0x14000] =	vst.msk vm0, v10  }
0x3b5: {  	s26 =	simm.s32 $0x18000;
	[tilespmem:s23+$0x0] =	vst v5  }
0x3b6: {  	s28 =	simm.s32 $0x0;
	s31 =	simm.s32 $0x18010;
	v10 =	vld [tilespmem:s26+$0x0]  }
0x3b7: {  	s29 =	sand.u32 $0xF0, s28;
	[tilespmem:s26+$0x0] =	vst v1;
	v18 =	vld [tilespmem:s31+$0x0]  }
0x3b8: {  	v11 =	vld [tilespmem:s29+$0x18100]  }
0x3b9: {  	v12 =	vld [tilespmem:s29+$0x18200]  }
0x3ba: {  	[tilespmem:s31+$0x0] =	vst v1;
	v13 =	vld [tilespmem:s29+$0x18300]  }
0x3bb: {  	s23 =	simm.s32 $0x10;
	v14 =	vld [tilespmem:s29+$0x18400];
	[tilespmem:s29+$0x18100] =	vst v1  }
0x3bc: {  	s24 =	sand.u32 $0xF0, s23;
	v15 =	vld [tilespmem:s29+$0x18500];
	[tilespmem:s29+$0x18200] =	vst v1  }
0x3bd: {  	v20 =	vld [tilespmem:s24+$0x18100];
	[tilespmem:s24+$0x18100] =	vst v1  }
0x3be: {  	v16 =	vld [tilespmem:s29+$0x18600];
	[tilespmem:s29+$0x18300] =	vst v1  }
0x3bf: {  	v22 =	vld [tilespmem:s24+$0x18200];
	[tilespmem:s24+$0x18200] =	vst v1  }
0x3c0: {  	v17 =	vld [tilespmem:s29+$0x18700];
	[tilespmem:s29+$0x18400] =	vst v1  }
0x3c1: {  	v24 =	vld [tilespmem:s24+$0x18300];
	[tilespmem:s24+$0x18300] =	vst v1;
	v10 =	vadd.s32 v10, v11  }
0x3c2: {  	v19 =	vld [tilespmem:s29+$0x18800];
	[tilespmem:s29+$0x18500] =	vst v1;
	v10 =	vadd.s32 v12, v10  }
0x3c3: {  	v21 =	vld [tilespmem:s29+$0x18900];
	[tilespmem:s29+$0x18600] =	vst v1;
	v10 =	vadd.s32 v13, v10  }
0x3c4: {  	v23 =	vld [tilespmem:s29+$0x18A00];
	[tilespmem:s29+$0x18700] =	vst v1;
	v10 =	vadd.s32 v14, v10  }
0x3c5: {  	[tilespmem:s29+$0x18800] =	vst v1;
	v11 =	vld [tilespmem:s29+$0x18B00];
	v10 =	vadd.s32 v15, v10  }
0x3c6: {  	[tilespmem:s29+$0x18900] =	vst v1;
	v12 =	vld [tilespmem:s24+$0x18400];
	v10 =	vadd.s32 v16, v10  }
0x3c7: {  	[tilespmem:s29+$0x18A00] =	vst v1;
	v13 =	vld [tilespmem:s29+$0x18C00];
	v10 =	vadd.s32 v17, v10  }
0x3c8: {  	[tilespmem:s29+$0x18B00] =	vst v1;
	v15 =	vld [tilespmem:s29+$0x18D00];
	v10 =	vadd.s32 v19, v10  }
0x3c9: {  	[tilespmem:s24+$0x18400] =	vst v1;
	v17 =	vld [tilespmem:s29+$0x18E00];
	v10 =	vadd.s32 v21, v10  }
0x3ca: {  	[tilespmem:s29+$0x18C00] =	vst v1;
	v21 =	vld [tilespmem:s29+$0x18F00];
	v10 =	vadd.s32 v23, v10  }
0x3cb: {  	v14 =	vld [tilespmem:s24+$0x18500];
	[tilespmem:s24+$0x18500] =	vst v1;
	v10 =	vadd.s32 v11, v10  }
0x3cc: {  	[tilespmem:s29+$0x18D00] =	vst v1;
	v16 =	vld [tilespmem:s24+$0x18600];
	v10 =	vadd.s32 v13, v10  }
0x3cd: {  	[tilespmem:s24+$0x18600] =	vst v1;
	v19 =	vld [tilespmem:s24+$0x18700];
	v10 =	vadd.s32 v15, v10  }
0x3ce: {  	[tilespmem:s29+$0x18E00] =	vst v1;
	v23 =	vld [tilespmem:s24+$0x18800];
	v10 =	vadd.s32 v17, v10  }
0x3cf: {  	[tilespmem:s24+$0x18700] =	vst v1;
	v11 =	vld [tilespmem:s24+$0x18900];
	v21 =	vadd.s32 v21, v10;
	v10 =	vadd.s32 v18, v20  }
0x3d0: {  	[tilespmem:s29+$0x18F00] =	vst v1;
	v15 =	vld [tilespmem:s24+$0x18A00];
	v10 =	vadd.s32 v22, v10  }
0x3d1: {  	s2 =	simm.s32 $0x18020;
	[tilespmem:s24+$0x18800] =	vst v1;
	v17 =	vld [tilespmem:s24+$0x18B00];
	(xrf0) =	vadd.scan.msk.s32 $0xffff, v21;
	v10 =	vadd.s32 v24, v10  }
0x3d2: {  	s26 =	simm.s32 $0x20;
	[tilespmem:s24+$0x18900] =	vst v1;
	v20 =	vld [tilespmem:s2+$0x0];
	v10 =	vadd.s32 v12, v10  }
0x3d3: {  	s25 =	sand.u32 $0xF0, s26;
	[tilespmem:s2+$0x0] =	vst v1;
	v18 =	vld [tilespmem:s24+$0x18D00];
	v10 =	vadd.s32 v14, v10  }
0x3d4: {  	v13 =	vadd.s32 v8, v9;
	[tilespmem:s24+$0x18A00] =	vst v1;
	v22 =	vld [tilespmem:s25+$0x18100];
	v10 =	vadd.s32 v16, v10  }
0x3d5: {  	[tilespmem:s24+$0x18B00] =	vst v1;
	v12 =	vld [tilespmem:s24+$0x18C00];
	v10 =	vadd.s32 v19, v10  }
0x3d6: {  	[tilespmem:s24+$0x18D00] =	vst v1;
	v63 =	vld [tilespmem:s25+$0x18300];
	v19 =	vadd.s32 v23, v10  }
0x3d7: {  	[tilespmem:s25+$0x18100] =	vst v1;
	v16 =	vsub.s32 v9, v13;
	v9 =	vimm.s32 $0x0;
	v13, _, _ =	vpop (xrf0);
	v23 =	vld [tilespmem:s24+$0x18E00];
	v11 =	vadd.s32 v11, v19  }
0x3d8: {  	[tilespmem:s25+$0x18300] =	vst v1;
	v10 =	vsub.s32 v16, v6;
	v16 =	vadd.s32 v9, v13;
	v11 =	vadd.s32 v15, v11;
	v15 =	vld [tilespmem:s24+$0x18F00]  }
0x3d9: {  	v25 =	vld [tilespmem:s25+$0x18400];
	[tilespmem:s25+$0x18400] =	vst v1;
	vm0 =	vgt.s32 v16, v10;
	v11 =	vadd.s32 v17, v11  }
0x3da: {  	v26 =	vimm.s32 $0xFFFFFFFF;
	[tilespmem:s24+$0x18C00] =	vst v1;
	v14 =	vld [tilespmem:s25+$0x18200];
	v19 =	vmpcnt.ones.xlane vm0;
	v11 =	vadd.s32 v12, v11  }
0x3db: {  	vm1 =	vlt.s32 v26, $0x0;
	[tilespmem:s25+$0x18200] =	vst v1;
	v11 =	vadd.s32 v18, v11  }
0x3dc: {  	[tilespmem:s24+$0x18E00] =	vst v1;
	vm0 =	vgt.s32 v19, $0x0;
	v27 =	vsub.s32 $0x10, v19;
	v11 =	vadd.s32 v23, v11  }
0x3dd: {  	v16 =	vld [tilespmem:s25+$0x18500];
	[tilespmem:s25+$0x18500] =	vst v1;
	vm2 =	vlt.s32 v27, $0xF;
	v19 =	vshrl.u32 v27, $0x1B;
	v12 =	vadd.s32 v15, v11  }
0x3de: {  	v17 =	vld [tilespmem:s25+$0x18600];
	[tilespmem:s25+$0x18600] =	vst v1;
	v11 =	vadd.s32 v20, v22;
	v15 =	vnsel vm2, $0xF, v27;
	v19 =	vand.u32 $0x10, v19  }
0x3df: {  	vm0 =	vmand vm1, vm0;
	v15 =	vadd.s32 v15, v19;
	v11 =	vadd.s32 v14, v11;
	(xrf0) =	vadd.scan.msk.s32 $0xffff, v12  }
0x3e0: {  	v18 =	vld [tilespmem:s25+$0x18700];
	[tilespmem:s25+$0x18700] =	vst v1;
	v14 =	vadd.s32 s28, v27;
	v22 =	vperm.xlane v21, v15;
	v11 =	vadd.s32 v63, v11  }
0x3e1: {  	v19 =	vld [tilespmem:s25+$0x18800];
	[tilespmem:s25+$0x18800] =	vst v1;
	v14 =	vsel vm0, v14, v26;
	v20 =	vperm.xlane v13, v15;
	v15 =	vimm.s32 $0x0  }
0x3e2: {  	s0 =	sadd.s32 s19, s7;
	s7 =	simm.s32 $0x20;
	v21 =	vld [tilespmem:s25+$0x18900];
	[tilespmem:s25+$0x18900] =	vst v1;
	v23 =	vadd.s32 v25, v11;
	v11 =	vsel vm0, v22, v9;
	v22 =	vsub.s32 v9, v22  }
.LBB2_61:
0x3e3: {  	v24 =	vld [tilespmem:s25+$0x18A00];
	[tilespmem:s25+$0x18A00] =	vst v1;
	v16 =	vadd.s32 v16, v23;
	v20 =	vadd.s32 v20, v22;
	v22 =	vperm.xlane v13, v4  }
0x3e4: {  	s2 =	sadd.s32 $0x10, s2;
	v23 =	vld [tilespmem:s25+$0x18B00];
	[tilespmem:s25+$0x18B00] =	vst v1;
	v17 =	vadd.s32 v17, v16;
	v9 =	vsel vm0, v20, v9  }
0x3e5: {  	v20 =	vld [tilespmem:s2+$0x0];
	v16 =	vadd.s32 v18, v17;
	[tilespmem:s24+$0x18F00] =	vst v1;
	v13, _, _ =	vpop (xrf0);
	v15 =	vadd.s32 v15, v22;
	s24 =	smov.u32 s25  }
0x3e6: {  	v17 =	vld [tilespmem:s24+$0x18C00];
	[tilespmem:s24+$0x18C00] =	vst v1;
	v16 =	vadd.s32 v19, v16;
	v18 =	vadd.s32 v15, v13  }
0x3e7: {  	v19 =	vld [tilespmem:s24+$0x18D00];
	[tilespmem:s24+$0x18D00] =	vst v1;
	v16 =	vadd.s32 v21, v16;
	vm0 =	vgt.s32 v18, v10  }
0x3e8: {  	s26 =	sadd.s32 $0x10, s26;
	v18 =	vld [tilespmem:s24+$0x18E00];
	[tilespmem:s24+$0x18E00] =	vst v1;
	v16 =	vadd.s32 v24, v16;
	v21 =	vmpcnt.ones.xlane vm0  }
0x3e9: {  	p0 =	slt.u32 s26, $0xF0;
	s25 =	sand.u32 $0xF0, s26;
	[tilespmem:s2+$0x0] =	vst v1;
	v22 =	vld [tilespmem:s24+$0x18F00];
	v16 =	vadd.s32 v23, v16  }
0x3ea: {  	vm1 =	vlt.s32 v14, $0x0;
	v23 =	vld [tilespmem:s25+$0x18100];
	[tilespmem:s25+$0x18100] =	vst v1;
	v24 =	vsub.s32 $0x10, v21;
	vm0 =	vgt.s32 v21, $0x0  }
0x3eb: {  	v21 =	vld [tilespmem:s25+$0x18200];
	[tilespmem:s25+$0x18200] =	vst v1;
	v16 =	vadd.s32 v17, v16;
	vm0 =	vmand vm1, vm0;
	v17 =	vadd.s32 s23, v24;
	s23 =	smov.u32 s7;
	s7 =	smov.u32 s26  }
0x3ec: {  	vm1 =	vlt.s32 v24, $0xF;
	v25 =	vld [tilespmem:s25+$0x18300];
	[tilespmem:s25+$0x18300] =	vst v1;
	v16 =	vadd.s32 v19, v16;
	v14 =	vsel vm0, v17, v14  }
0x3ed: {  	v19 =	vshrl.u32 v24, $0x1B;
	v26 =	vld [tilespmem:s25+$0x18400];
	[tilespmem:s25+$0x18400] =	vst v1;
	v17 =	vadd.s32 v18, v16;
	v18 =	vnsel vm1, $0xF, v24  }
.Ltmp33:
0x3ee: {  	v19 =	vand.u32 $0x10, v19;
	v16 =	vld [tilespmem:s25+$0x18500];
	[tilespmem:s25+$0x18500] =	vst v1;
	v22 =	vadd.s32 v22, v17;
	(pc) =	sbr.rel @p0 .LBB2_61-.Ltmp33, $4  }
0x3ef: {  	v19 =	vadd.s32 v18, v19;
	v17 =	vld [tilespmem:s25+$0x18600];
	[tilespmem:s25+$0x18600] =	vst v1;
	v20 =	vadd.s32 v20, v23;
	(xrf0) =	vadd.scan.msk.s32 $0xffff, v22  }
0x3f0: {  	v24 =	vperm.xlane v12, v19;
	v18 =	vld [tilespmem:s25+$0x18700];
	[tilespmem:s25+$0x18700] =	vst v1;
	v21 =	vadd.s32 v21, v20;
	v20 =	vperm.xlane v13, v19  }
0x3f1: {  	v12 =	vmov v22;
	v19 =	vld [tilespmem:s25+$0x18800];
	[tilespmem:s25+$0x18800] =	vst v1;
	v23 =	vadd.s32 v25, v21  }
0x3f2: {  	v11 =	vsel vm0, v24, v11;
	v22 =	vsub.s32 v15, v24;
	v21 =	vld [tilespmem:s25+$0x18900];
	[tilespmem:s25+$0x18900] =	vst v1;
	v23 =	vadd.s32 v26, v23  }
0x3f3: {  	v24 =	vld [tilespmem:s25+$0x18A00];
	v16 =	vadd.s32 v16, v23  }
0x3f4: {  	v25 =	vld [tilespmem:s25+$0x18B00];
	v16 =	vadd.s32 v17, v16  }
0x3f5: {  	v26 =	vld [tilespmem:s25+$0x18C00];
	v16 =	vadd.s32 v18, v16  }
0x3f6: {  	v45 =	vld [tilespmem:s25+$0x18D00];
	v16 =	vadd.s32 v19, v16  }
0x3f7: {  	v46 =	vld [tilespmem:s25+$0x18E00];
	v16 =	vadd.s32 v21, v16  }
0x3f8: {  	v47 =	vld [tilespmem:s25+$0x18F00];
	v16 =	vadd.s32 v24, v16  }
0x3f9: {  	v16 =	vadd.s32 v25, v16  }
0x3fa: {  	v16 =	vadd.s32 v26, v16  }
0x3fb: {  	v16 =	vadd.s32 v45, v16  }
0x3fc: {  	v16 =	vadd.s32 v46, v16  }
0x3fd: {  	v16 =	vadd.s32 v47, v16  }
0x3fe: {  	v13 =	vperm.xlane v13, v4;
	(xrf0) =	vadd.scan.msk.s32 $0xffff, v16;
	_ =	sdelay $0x1  }
0x3ff: {  	v48, _, _ =	vpop (xrf0);
	v13 =	vadd.s32 v15, v13  }
0x400: {  	v15 =	vadd.s32 v13, v48  }
0x401: {  	v49 =	vperm.xlane v48, v4;
	vm1 =	vgt.s32 v15, v10  }
0x402: {  	v50 =	vadd.s32 v20, v22;
	v51 =	vmpcnt.ones.xlane vm1  }
0x403: {  	vm11 =	vlt.s32 v14, $0x0;
	s1 =	sadd.s32 $0xF, s0;
	v7 =	vshll.u32 v7, $0x8;
	v18 =	vadd.s32 v13, v49;
	v52, _, _ =	vpop (xrf0)  }
0x404: {  	v9 =	vsel vm0, v50, v9;
	s2 =	sand.u32 $0xF, s1;
	vm10 =	vgt.s32 v51, $0x0;
	v53 =	vadd.s32 v18, v52  }
0x405: {  	s31 =	sshra.s32 s1, $0x1F;
	p1 =	slt.s32 s1, $0x1;
	p0 =	sne.s32 s2, $0x0;
	vm0 =	vmand vm11, vm10;
	vm2 =	vgt.s32 v53, v10;
	v10 =	vsub.s32 $0x10, v51  }
0x406: {  	s2 =	sshrl.u32 s31, $0x1C;
	p0 =	por !p1, !p0;
	v15 =	vmpcnt.ones.xlane vm2;
	vm12 =	vlt.s32 v10, $0xF;
	v54 =	vshrl.u32 v10, $0x1B  }
0x407: {  	s1 =	sadd.s32 s2, s1;
	s2 =	simm.s32 $0x1;
	p0 =	por !p0, !p0;
	v19 =	vadd.s32 s23, v10;
	v10 =	vnsel vm12, $0xF, v10;
	v21 =	vand.u32 $0x10, v54  }
0x408: {  	s1 =	sshrl.u32 s1, $0x4;
	s2 =	simm.s32 @!p0 $0x0;
	v56 =	vsel vm0, v19, v14;
	v55 =	vsub.s32 $0x10, v15;
	v10 =	vadd.s32 v10, v21  }
0x409: {  	s1 =	ssub.s32 s1, s2;
	vm14 =	vgt.s32 v15, $0x0;
	vm13 =	vlt.s32 v55, $0xF;
	v58 =	vshrl.u32 v55, $0x1B  }
0x40a: {  	[tilespmem:s25+$0x18A00] =	vst v1;
	s23 =	sshll.u32 s1, $0x4;
	vm15 =	vlt.s32 v56, $0x0;
	v59 =	vnsel vm13, $0xF, v55;
	v21 =	vand.u32 $0x10, v58  }
0x40b: {  	[tilespmem:s25+$0x18B00] =	vst v1;
	p0 =	slt.s32 s23, $0x1;
	v57 =	vadd.s32 s7, v55;
	v12 =	vperm.xlane v12, v10;
	v60 =	vadd.s32 v59, v21  }
.Ltmp34:
0x40c: {  	[tilespmem:s25+$0x18C00] =	vst v1;
	v10 =	vperm.xlane v48, v10;
	vm1 =	vmand vm15, vm14;
	v16 =	vperm.xlane v16, v60;
	(pc) =	sbr.rel @p0 .LBB2_72-.Ltmp34, $4  }
0x40d: {  	[tilespmem:s25+$0x18D00] =	vst v1;
	v62 =	vsel vm1, v57, v56;
	v13 =	vsub.s32 v13, v12;
	v61 =	vperm.xlane v52, v60  }
0x40e: {  	[tilespmem:s25+$0x18E00] =	vst v1;
	v11 =	vsel vm0, v12, v11;
	v10 =	vadd.s32 v10, v13;
	v63 =	vsub.s32 v18, v16  }
0x40f: {  	[tilespmem:s24+$0x18F00] =	vst v1;
	v10 =	vsel vm0, v10, v9;
	v9 =	vsel vm1, v16, v11;
	v11 =	vadd.s32 v61, v63  }
0x410: {  	[tilespmem:s25+$0x18F00] =	vst v1;
	s6 =	simm.s32 $0xC000;
	v11 =	vsel vm1, v11, v10;
	v10 =	vor.u32 v7, v62;
	v7 =	vmov s0  }
0x411: {  	p3 =	sgt.s32 s23, $0x10  }
.Ltmp35:
0x412: {  	_ = 	snop;
	(pc) =	sbr.rel @!p3 .LBB2_64-.Ltmp35, $3  }
0x413: {  	_ =	sdelay $0x1  }
0x414: {  	s0 =	simm.s32 $0x0;
	s4 =	simm.s32 $0x10000  }
0x415: {  	s2 =	simm.s32 $0x10;
	p1 =	por $0x0, $0x0;
	p2 =	por $0x0, $0x0;
	v12 =	vld [tilespmem:s4+$0x0]  }
0x416: {  	p3 =	sgt.s32 s23, $0x20  }
.Ltmp36:
0x417: {  	_ = 	snop;
	(pc) =	sbr.rel @!p3 .LBB2_66-.Ltmp36, $3  }
0x418: {  	_ =	sdelay $0x1  }
0x419: {  	v13 =	vor.u32 s0, v0;
	s1 =	simm.s32 $0x10010;
	v14 =	vshrl.u32 v12, $0x10;
	v15 =	vshrl.u32 v12, $0x8  }
0x41a: {  	s0 =	simm.s32 $0x20;
	p1 =	por $0x1, $0x1;
	vm1 =	vlt.s32 v13, v7;
	v12 =	vld [tilespmem:s1+$0x0];
	vm2 =	veq.s32 v14, v10;
	v14 =	vand.u32 $0xFF, v15  }
0x41b: {  	p3 =	sgt.s32 s23, $0x30  }
.Ltmp37:
0x41c: {  	vm0 =	vmand vm1, vm2;
	(pc) =	sbr.rel @!p3 .LBB2_68-.Ltmp37, $3  }
0x41d: {  	v13 =	vor.u32 v2, v14;
	_ =	sdelay $0x1  }
0x41e: {  	v14 =	vor.u32 s2, v0;
	s2 =	simm.s32 $0x10020;
	v15 =	vshrl.u32 v12, $0x10;
	v16 =	vshrl.u32 v12, $0x8  }
0x41f: {  	s4 =	simm.s32 $0x30;
	p2 =	por $0x1, $0x1;
	vm1 =	vlt.s32 v14, v7;
	v12 =	vld [tilespmem:s2+$0x0];
	vm2 =	veq.s32 v15, v10;
	v14 =	vand.u32 $0xFF, v16  }
.LBB2_69:
0x420: {  	s1 =	smov.u32 s4;
	s4 =	sadd.s32 $0x10, s4  }
0x421: {  	[tilespmem:v13+s15+$0x0] =	vst.idx.add.s32.msk vm0, v3;
	vm0 =	vmand vm1, vm2;
	p3 =	slt.s32 s4, s23  }
.Ltmp38:
0x422: {  	v13 =	vor.u32 v2, v14;
	(pc) =	sbr.rel @p3 .LBB2_69-.Ltmp38, $3  }
0x423: {  	_ =	sdelay $0x1  }
0x424: {  	v14 =	vor.u32 s0, v0;
	s2 =	sadd.s32 $0x10, s2;
	s0 =	smov.u32 s1;
	v15 =	vshrl.u32 v12, $0x10;
	v16 =	vshrl.u32 v12, $0x8  }
0x425: {  	vm1 =	vlt.s32 v14, v7;
	v12 =	vld [tilespmem:s2+$0x0];
	vm2 =	veq.s32 v15, v10;
	v14 =	vand.u32 $0xFF, v16  }
0x426: {  	s2 =	smov.u32 s0  }
.LBB2_71:
0x427: {  	_ =	sdelay $0x1  }
0x428: {  	vm1 =	vmand @p1 vm1, vm2;
	v15 =	vor.u32 s2, v0  }
0x429: {  	v14 =	vor.u32 @p1 v2, v14;
	vm15 =	vlt.s32 v15, v7;
	v16 =	vshrl.u32 v12, $0x10  }
0x42a: {  	vm1 =	vmmov @p1 vm1;
	v63 =	vshrl.u32 v12, $0x8;
	vm3 =	veq.s32 v16, v10  }
0x42b: {  	v14 =	vpsel p1, v14, v0;
	v12 =	vand.u32 $0xFF, v63;
	vm2 =	vmand vm15, vm3  }
0x42c: {  	v12 =	vor.u32 v2, v12;
	_ =	sdelay $0x2  }
0x42d: {  	[tilespmem:v13+s15+$0x0] =	vst.idx.add.s32.msk @p2 vm0, v3  }
0x42e: {  	[tilespmem:v14+s15+$0x0] =	vst.idx.add.s32.msk @p1 vm1, v3  }
0x42f: {  	[tilespmem:v12+s15+$0x0] =	vst.idx.add.s32.msk vm2, v3  }
.LBB2_72:
0x430: {  	s0 =	simm.s32 $0x18000  }
0x431: {  	s7 =	simm.s32 $0x0;
	s31 =	simm.s32 $0x18010;
	v13 =	vld [tilespmem:s0+$0x0]  }
0x432: {  	[tilespmem:s0+$0x0] =	vst v1;
	s8 =	sand.u32 $0xF0, s7;
	v22 =	vld [tilespmem:s31+$0x0]  }
0x433: {  	v15 =	vld [tilespmem:s8+$0x18100]  }
0x434: {  	v16 =	vld [tilespmem:s8+$0x18200]  }
0x435: {  	[tilespmem:s31+$0x0] =	vst v1;
	v17 =	vld [tilespmem:s8+$0x18300]  }
0x436: {  	s25 =	simm.s32 $0x10;
	v18 =	vld [tilespmem:s8+$0x18400];
	[tilespmem:s8+$0x18100] =	vst v1  }
0x437: {  	s24 =	sand.u32 $0xF0, s25;
	v19 =	vld [tilespmem:s8+$0x18500];
	[tilespmem:s8+$0x18200] =	vst v1  }
0x438: {  	v24 =	vld [tilespmem:s24+$0x18100];
	[tilespmem:s24+$0x18100] =	vst v1  }
0x439: {  	v20 =	vld [tilespmem:s8+$0x18600];
	[tilespmem:s8+$0x18300] =	vst v1  }
0x43a: {  	v26 =	vld [tilespmem:s24+$0x18200];
	[tilespmem:s24+$0x18200] =	vst v1  }
0x43b: {  	v21 =	vld [tilespmem:s8+$0x18700];
	[tilespmem:s8+$0x18400] =	vst v1  }
0x43c: {  	v28 =	vld [tilespmem:s24+$0x18300];
	[tilespmem:s24+$0x18300] =	vst v1  }
0x43d: {  	v23 =	vld [tilespmem:s8+$0x18800];
	[tilespmem:s8+$0x18500] =	vst v1;
	v13 =	vadd.s32 v13, v15  }
0x43e: {  	v25 =	vld [tilespmem:s8+$0x18900];
	[tilespmem:s8+$0x18600] =	vst v1;
	v13 =	vadd.s32 v16, v13  }
0x43f: {  	v27 =	vld [tilespmem:s8+$0x18A00];
	[tilespmem:s8+$0x18700] =	vst v1;
	v13 =	vadd.s32 v17, v13  }
0x440: {  	[tilespmem:s8+$0x18800] =	vst v1;
	v15 =	vld [tilespmem:s8+$0x18B00];
	v13 =	vadd.s32 v18, v13  }
0x441: {  	[tilespmem:s8+$0x18900] =	vst v1;
	v16 =	vld [tilespmem:s24+$0x18400];
	v13 =	vadd.s32 v19, v13  }
0x442: {  	[tilespmem:s8+$0x18A00] =	vst v1;
	v17 =	vld [tilespmem:s8+$0x18C00];
	v13 =	vadd.s32 v20, v13  }
0x443: {  	[tilespmem:s8+$0x18B00] =	vst v1;
	v18 =	vld [tilespmem:s24+$0x18500];
	v13 =	vadd.s32 v21, v13  }
0x444: {  	[tilespmem:s24+$0x18400] =	vst v1;
	v19 =	vld [tilespmem:s8+$0x18D00];
	v13 =	vadd.s32 v23, v13  }
0x445: {  	[tilespmem:s8+$0x18C00] =	vst v1;
	v21 =	vld [tilespmem:s8+$0x18E00];
	v13 =	vadd.s32 v25, v13  }
0x446: {  	[tilespmem:s24+$0x18500] =	vst v1;
	v25 =	vld [tilespmem:s8+$0x18F00];
	v13 =	vadd.s32 v27, v13  }
0x447: {  	[tilespmem:s8+$0x18D00] =	vst v1;
	v20 =	vld [tilespmem:s24+$0x18600];
	v13 =	vadd.s32 v15, v13  }
0x448: {  	[tilespmem:s24+$0x18600] =	vst v1;
	v23 =	vld [tilespmem:s24+$0x18700];
	v13 =	vadd.s32 v17, v13  }
0x449: {  	[tilespmem:s8+$0x18E00] =	vst v1;
	v27 =	vld [tilespmem:s24+$0x18800];
	v13 =	vadd.s32 v19, v13  }
0x44a: {  	[tilespmem:s24+$0x18700] =	vst v1;
	v17 =	vld [tilespmem:s24+$0x18900];
	v13 =	vadd.s32 v21, v13  }
0x44b: {  	s0 =	simm.s32 $0x18020;
	[tilespmem:s8+$0x18F00] =	vst v1;
	v19 =	vld [tilespmem:s24+$0x18A00];
	v21 =	vadd.s32 v25, v13;
	v13 =	vadd.s32 v22, v24  }
0x44c: {  	s2 =	simm.s32 $0x20;
	[tilespmem:s24+$0x18800] =	vst v1;
	v22 =	vld [tilespmem:s0+$0x0];
	(xrf0) =	vadd.scan.msk.s32 $0xffff, v21;
	v13 =	vadd.s32 v26, v13  }
0x44d: {  	s26 =	sand.u32 $0xF0, s2;
	v24 =	vld [tilespmem:s24+$0x18B00];
	[tilespmem:s0+$0x0] =	vst v1;
	v13 =	vadd.s32 v28, v13  }
0x44e: {  	[tilespmem:s24+$0x18900] =	vst v1;
	v25 =	vld [tilespmem:s26+$0x18100];
	v13 =	vadd.s32 v16, v13  }
0x44f: {  	[tilespmem:s24+$0x18A00] =	vst v1;
	v26 =	vld [tilespmem:s26+$0x18200];
	v13 =	vadd.s32 v18, v13  }
0x450: {  	v8 =	vadd.s32 v9, v8;
	[tilespmem:s24+$0x18B00] =	vst v1;
	v63 =	vld [tilespmem:s26+$0x18400];
	v13 =	vadd.s32 v20, v13  }
0x451: {  	v8 =	vadd.s32 v11, v8;
	[tilespmem:s26+$0x18100] =	vst v1;
	v16 =	vld [tilespmem:s24+$0x18C00];
	v13 =	vadd.s32 v23, v13  }
0x452: {  	v12 =	vimm.s32 $0x0;
	v8 =	vadd.s32 $0xFFFFC200, v8;
	[tilespmem:s26+$0x18200] =	vst v1;
	v18 =	vld [tilespmem:s24+$0x18D00];
	v15, _, _ =	vpop (xrf0);
	v13 =	vadd.s32 v27, v13  }
0x453: {  	v11 =	vsub.s32 v9, v8;
	[tilespmem:s26+$0x18400] =	vst v1;
	v20 =	vld [tilespmem:s24+$0x18E00];
	v27 =	vadd.s32 v12, v15;
	v13 =	vadd.s32 v17, v13  }
0x454: {  	[tilespmem:s24+$0x18C00] =	vst v1;
	vm0 =	vgt.s32 v27, v11;
	v13 =	vadd.s32 v19, v13;
	v19 =	vld [tilespmem:s24+$0x18F00]  }
0x455: {  	[tilespmem:s24+$0x18D00] =	vst v1;
	v27 =	vmpcnt.ones.xlane vm0;
	v13 =	vadd.s32 v24, v13  }
0x456: {  	v14 =	vimm.s32 $0xFFFFFFFF;
	[tilespmem:s24+$0x18E00] =	vst v1;
	v22 =	vadd.s32 v22, v25;
	v13 =	vadd.s32 v16, v13  }
0x457: {  	v23 =	vld [tilespmem:s26+$0x18300];
	[tilespmem:s26+$0x18300] =	vst v1;
	v22 =	vadd.s32 v26, v22;
	v16 =	vsub.s32 $0x10, v27;
	v13 =	vadd.s32 v18, v13  }
0x458: {  	v17 =	vld [tilespmem:s26+$0x18500];
	[tilespmem:s26+$0x18500] =	vst v1;
	v13 =	vadd.s32 v20, v13;
	vm0 =	vlt.s32 v16, $0xF;
	v20 =	vshrl.u32 v16, $0x1B  }
0x459: {  	v18 =	vld [tilespmem:s26+$0x18600];
	[tilespmem:s26+$0x18600] =	vst v1;
	v13 =	vadd.s32 v19, v13;
	v24 =	vnsel vm0, $0xF, v16;
	v20 =	vand.u32 $0x10, v20  }
0x45a: {  	vm1 =	vgt.s32 v27, $0x0;
	vm0 =	vlt.s32 v14, $0x0;
	v24 =	vadd.s32 v24, v20;
	(xrf0) =	vadd.scan.msk.s32 $0xffff, v13  }
0x45b: {  	v19 =	vld [tilespmem:s26+$0x18700];
	[tilespmem:s26+$0x18700] =	vst v1;
	v16 =	vadd.s32 s7, v16;
	vm0 =	vmand vm0, vm1;
	v25 =	vperm.xlane v21, v24  }
0x45c: {  	v20 =	vld [tilespmem:s26+$0x18800];
	[tilespmem:s26+$0x18800] =	vst v1;
	v14 =	vsel vm0, v16, v14;
	v21 =	vperm.xlane v15, v24;
	v16 =	vadd.s32 v23, v22  }
0x45d: {  	s7 =	simm.s32 $0x20;
	v22 =	vld [tilespmem:s26+$0x18900];
	[tilespmem:s26+$0x18900] =	vst v1;
	v24 =	vadd.s32 v63, v16;
	v16 =	vimm.s32 $0x0;
	v23 =	vsub.s32 v12, v25  }
.LBB2_73:
0x45e: {  	v25 =	vld [tilespmem:s26+$0x18A00];
	[tilespmem:s26+$0x18A00] =	vst v1;
	v17 =	vadd.s32 v17, v24;
	v21 =	vadd.s32 v21, v23;
	v23 =	vperm.xlane v15, v4  }
0x45f: {  	s0 =	sadd.s32 $0x10, s0;
	v24 =	vld [tilespmem:s26+$0x18B00];
	[tilespmem:s26+$0x18B00] =	vst v1;
	v18 =	vadd.s32 v18, v17;
	v12 =	vsel vm0, v21, v12  }
0x460: {  	v21 =	vld [tilespmem:s0+$0x0];
	v17 =	vadd.s32 v19, v18;
	[tilespmem:s24+$0x18F00] =	vst v1;
	v15, _, _ =	vpop (xrf0);
	v16 =	vadd.s32 v16, v23;
	s24 =	smov.u32 s26  }
0x461: {  	v18 =	vld [tilespmem:s24+$0x18C00];
	[tilespmem:s24+$0x18C00] =	vst v1;
	v17 =	vadd.s32 v20, v17;
	v19 =	vadd.s32 v16, v15  }
0x462: {  	v20 =	vld [tilespmem:s24+$0x18D00];
	[tilespmem:s24+$0x18D00] =	vst v1;
	v17 =	vadd.s32 v22, v17;
	vm0 =	vgt.s32 v19, v11  }
0x463: {  	s2 =	sadd.s32 $0x10, s2;
	v19 =	vld [tilespmem:s24+$0x18E00];
	[tilespmem:s24+$0x18E00] =	vst v1;
	v17 =	vadd.s32 v25, v17;
	v22 =	vmpcnt.ones.xlane vm0  }
0x464: {  	p1 =	slt.u32 s2, $0xF0;
	s26 =	sand.u32 $0xF0, s2;
	[tilespmem:s0+$0x0] =	vst v1;
	v23 =	vld [tilespmem:s24+$0x18F00];
	v17 =	vadd.s32 v24, v17  }
0x465: {  	vm1 =	vlt.s32 v14, $0x0;
	v24 =	vld [tilespmem:s26+$0x18100];
	[tilespmem:s26+$0x18100] =	vst v1;
	v25 =	vsub.s32 $0x10, v22;
	vm0 =	vgt.s32 v22, $0x0  }
0x466: {  	v22 =	vld [tilespmem:s26+$0x18200];
	[tilespmem:s26+$0x18200] =	vst v1;
	v17 =	vadd.s32 v18, v17;
	vm0 =	vmand vm1, vm0;
	v18 =	vadd.s32 s25, v25;
	s25 =	smov.u32 s7;
	s7 =	smov.u32 s2  }
0x467: {  	vm1 =	vlt.s32 v25, $0xF;
	v26 =	vld [tilespmem:s26+$0x18300];
	[tilespmem:s26+$0x18300] =	vst v1;
	v17 =	vadd.s32 v20, v17;
	v14 =	vsel vm0, v18, v14  }
0x468: {  	v20 =	vshrl.u32 v25, $0x1B;
	v27 =	vld [tilespmem:s26+$0x18400];
	[tilespmem:s26+$0x18400] =	vst v1;
	v18 =	vadd.s32 v19, v17;
	v19 =	vnsel vm1, $0xF, v25  }
.Ltmp39:
0x469: {  	v20 =	vand.u32 $0x10, v20;
	v17 =	vld [tilespmem:s26+$0x18500];
	[tilespmem:s26+$0x18500] =	vst v1;
	v23 =	vadd.s32 v23, v18;
	(pc) =	sbr.rel @p1 .LBB2_73-.Ltmp39, $4  }
0x46a: {  	v20 =	vadd.s32 v19, v20;
	v18 =	vld [tilespmem:s26+$0x18600];
	[tilespmem:s26+$0x18600] =	vst v1;
	v21 =	vadd.s32 v21, v24;
	(xrf0) =	vadd.scan.msk.s32 $0xffff, v23  }
0x46b: {  	v25 =	vperm.xlane v13, v20;
	v19 =	vld [tilespmem:s26+$0x18700];
	[tilespmem:s26+$0x18700] =	vst v1;
	v22 =	vadd.s32 v22, v21;
	v21 =	vperm.xlane v15, v20  }
0x46c: {  	v13 =	vmov v23;
	v20 =	vld [tilespmem:s26+$0x18800];
	[tilespmem:s26+$0x18800] =	vst v1;
	v24 =	vadd.s32 v26, v22  }
0x46d: {  	v23 =	vsub.s32 v16, v25;
	v22 =	vld [tilespmem:s26+$0x18900];
	[tilespmem:s26+$0x18900] =	vst v1;
	v24 =	vadd.s32 v27, v24  }
0x46e: {  	v25 =	vld [tilespmem:s26+$0x18A00];
	v17 =	vadd.s32 v17, v24  }
0x46f: {  	v26 =	vld [tilespmem:s26+$0x18B00];
	v17 =	vadd.s32 v18, v17  }
0x470: {  	v27 =	vld [tilespmem:s26+$0x18C00];
	v17 =	vadd.s32 v19, v17  }
0x471: {  	v44 =	vld [tilespmem:s26+$0x18D00];
	v17 =	vadd.s32 v20, v17  }
0x472: {  	v45 =	vld [tilespmem:s26+$0x18E00];
	v17 =	vadd.s32 v22, v17  }
0x473: {  	v46 =	vld [tilespmem:s26+$0x18F00];
	v17 =	vadd.s32 v25, v17  }
0x474: {  	v17 =	vadd.s32 v26, v17  }
0x475: {  	v17 =	vadd.s32 v27, v17  }
0x476: {  	v17 =	vadd.s32 v44, v17  }
0x477: {  	v17 =	vadd.s32 v45, v17  }
0x478: {  	v17 =	vadd.s32 v46, v17  }
0x479: {  	(xrf0) =	vadd.scan.msk.s32 $0xffff, v17  }
0x47a: {  	v15 =	vperm.xlane v15, v4;
	_ =	sdelay $0x1  }
0x47b: {  	v47, _, _ =	vpop (xrf0);
	v15 =	vadd.s32 v16, v15  }
0x47c: {  	v16 =	vadd.s32 v15, v47;
	v48 =	vperm.xlane v47, v4  }
0x47d: {  	vm1 =	vgt.s32 v16, v11  }
0x47e: {  	v50 =	vadd.s32 v21, v23;
	v49 =	vmpcnt.ones.xlane vm1;
	v16 =	vadd.s32 v15, v48;
	v51, _, _ =	vpop (xrf0)  }
0x47f: {  	vm12 =	vlt.s32 v14, $0x0;
	v12 =	vsel vm0, v50, v12;
	v53 =	vadd.s32 v16, v51  }
0x480: {  	v52 =	vsub.s32 $0x10, v49;
	vm11 =	vgt.s32 v49, $0x0;
	vm10 =	vgt.s32 v53, v11  }
0x481: {  	vm9 =	vlt.s32 v52, $0xF;
	v54 =	vshrl.u32 v52, $0x1B;
	v56 =	vmpcnt.ones.xlane vm10  }
0x482: {  	vm0 =	vmand vm12, vm11;
	v20 =	vadd.s32 s25, v52;
	v55 =	vand.u32 $0x10, v54  }
0x483: {  	v61 =	vsel vm0, v20, v14;
	v11 =	vnsel vm9, $0xF, v52;
	v57 =	vsub.s32 $0x10, v56  }
0x484: {  	v11 =	vadd.s32 v11, v55;
	vm13 =	vlt.s32 v57, $0xF;
	v58 =	vshrl.u32 v57, $0x1B  }
0x485: {  	[tilespmem:s26+$0x18A00] =	vst v1;
	v13 =	vperm.xlane v13, v11;
	v59 =	vnsel vm13, $0xF, v57;
	v18 =	vand.u32 $0x10, v58  }
0x486: {  	[tilespmem:s26+$0x18B00] =	vst v1;
	vm15 =	vlt.s32 v61, $0x0;
	v11 =	vperm.xlane v47, v11;
	v60 =	vadd.s32 v59, v18  }
.Ltmp40:
0x487: {  	[tilespmem:s26+$0x18C00] =	vst v1;
	vm14 =	vgt.s32 v56, $0x0;
	v13 =	vsub.s32 v15, v13;
	v62 =	vperm.xlane v17, v60;
	(pc) =	sbr.rel @p0 .LBB2_84-.Ltmp40, $4  }
0x488: {  	[tilespmem:s26+$0x18D00] =	vst v1;
	v63 =	vadd.s32 s7, v57;
	v11 =	vadd.s32 v11, v13;
	v13 =	vperm.xlane v51, v60  }
0x489: {  	[tilespmem:s26+$0x18E00] =	vst v1;
	v11 =	vsel vm0, v11, v12;
	vm0 =	vmand vm15, vm14;
	v12 =	vsub.s32 v16, v62  }
0x48a: {  	[tilespmem:s24+$0x18F00] =	vst v1;
	v10 =	vshll.u32 v10, $0x8;
	v14 =	vsel vm0, v63, v61;
	v12 =	vadd.s32 v13, v12  }
0x48b: {  	[tilespmem:s26+$0x18F00] =	vst v1;
	v10 =	vor.u32 v10, v14;
	v11 =	vsel vm0, v12, v11  }
0x48c: {  	p3 =	sgt.s32 s23, $0x10  }
.Ltmp41:
0x48d: {  	_ = 	snop;
	(pc) =	sbr.rel @!p3 .LBB2_76-.Ltmp41, $3  }
0x48e: {  	_ =	sdelay $0x1  }
0x48f: {  	s0 =	simm.s32 $0x0;
	s4 =	simm.s32 $0x10000  }
0x490: {  	s2 =	simm.s32 $0x10;
	p1 =	por $0x0, $0x0;
	p2 =	por $0x0, $0x0;
	v12 =	vld [tilespmem:s4+$0x0]  }
0x491: {  	p3 =	sgt.s32 s23, $0x20  }
.Ltmp42:
0x492: {  	_ = 	snop;
	(pc) =	sbr.rel @!p3 .LBB2_78-.Ltmp42, $3  }
0x493: {  	_ =	sdelay $0x1  }
0x494: {  	v13 =	vor.u32 s0, v0;
	s1 =	simm.s32 $0x10010;
	v15 =	vshrl.u32 v12, $0x8  }
0x495: {  	s0 =	simm.s32 $0x20;
	p1 =	por $0x1, $0x1;
	vm1 =	vlt.s32 v13, v7;
	v14 =	vand.u32 $0xFF, v12;
	v12 =	vld [tilespmem:s1+$0x0];
	vm2 =	veq.s32 v15, v10  }
0x496: {  	p3 =	sgt.s32 s23, $0x30  }
.Ltmp43:
0x497: {  	vm0 =	vmand vm1, vm2;
	(pc) =	sbr.rel @!p3 .LBB2_80-.Ltmp43, $3  }
0x498: {  	v13 =	vor.u32 v2, v14;
	_ =	sdelay $0x1  }
0x499: {  	v15 =	vor.u32 s2, v0;
	s2 =	simm.s32 $0x10020;
	v16 =	vshrl.u32 v12, $0x8  }
0x49a: {  	s4 =	simm.s32 $0x30;
	p2 =	por $0x1, $0x1;
	vm1 =	vlt.s32 v15, v7;
	v14 =	vand.u32 $0xFF, v12;
	v12 =	vld [tilespmem:s2+$0x0];
	vm2 =	veq.s32 v16, v10  }
.LBB2_81:
0x49b: {  	s1 =	smov.u32 s4;
	s4 =	sadd.s32 $0x10, s4  }
0x49c: {  	[tilespmem:v13+s15+$0x0] =	vst.idx.add.s32.msk vm0, v3;
	vm0 =	vmand vm1, vm2;
	p3 =	slt.s32 s4, s23  }
.Ltmp44:
0x49d: {  	v13 =	vor.u32 v2, v14;
	(pc) =	sbr.rel @p3 .LBB2_81-.Ltmp44, $3  }
0x49e: {  	_ =	sdelay $0x1  }
0x49f: {  	v15 =	vor.u32 s0, v0;
	s2 =	sadd.s32 $0x10, s2;
	s0 =	smov.u32 s1;
	v16 =	vshrl.u32 v12, $0x8;
	v14 =	vand.u32 $0xFF, v12  }
0x4a0: {  	vm1 =	vlt.s32 v15, v7;
	v12 =	vld [tilespmem:s2+$0x0];
	vm2 =	veq.s32 v16, v10  }
0x4a1: {  	s2 =	smov.u32 s0  }
.LBB2_83:
0x4a2: {  	_ =	sdelay $0x1  }
0x4a3: {  	vm1 =	vmand @p1 vm1, vm2  }
0x4a4: {  	v14 =	vor.u32 @p1 v2, v14;
	v15 =	vor.u32 s2, v0;
	v16 =	vshrl.u32 v12, $0x8  }
0x4a5: {  	vm15 =	vlt.s32 v15, v7;
	vm1 =	vmmov @p1 vm1;
	vm3 =	veq.s32 v16, v10  }
0x4a6: {  	v14 =	vpsel p1, v14, v0;
	v63 =	vand.u32 $0xFF, v12;
	vm2 =	vmand vm15, vm3  }
0x4a7: {  	v12 =	vor.u32 v2, v63;
	_ =	sdelay $0x2  }
0x4a8: {  	[tilespmem:v13+s15+$0x0] =	vst.idx.add.s32.msk @p2 vm0, v3  }
0x4a9: {  	[tilespmem:v14+s15+$0x0] =	vst.idx.add.s32.msk @p1 vm1, v3  }
0x4aa: {  	[tilespmem:v12+s15+$0x0] =	vst.idx.add.s32.msk vm2, v3  }
.LBB2_84:
0x4ab: {  	s0 =	simm.s32 $0x18000  }
0x4ac: {  	s8 =	simm.s32 $0x0;
	s29 =	simm.s32 $0x18010;
	v12 =	vld [tilespmem:s0+$0x0]  }
0x4ad: {  	[tilespmem:s0+$0x0] =	vst v1;
	s7 =	sand.u32 $0xF0, s8;
	v21 =	vld [tilespmem:s29+$0x0]  }
0x4ae: {  	v13 =	vld [tilespmem:s7+$0x18100]  }
0x4af: {  	v14 =	vld [tilespmem:s7+$0x18200]  }
0x4b0: {  	v15 =	vld [tilespmem:s7+$0x18300]  }
0x4b1: {  	v16 =	vld [tilespmem:s7+$0x18400]  }
0x4b2: {  	[tilespmem:s29+$0x0] =	vst v1;
	v17 =	vld [tilespmem:s7+$0x18500]  }
0x4b3: {  	[tilespmem:s7+$0x18100] =	vst v1;
	v18 =	vld [tilespmem:s7+$0x18600]  }
0x4b4: {  	[tilespmem:s7+$0x18200] =	vst v1;
	v19 =	vld [tilespmem:s7+$0x18700]  }
0x4b5: {  	s25 =	simm.s32 $0x10;
	[tilespmem:s7+$0x18300] =	vst v1;
	v20 =	vld [tilespmem:s7+$0x18800]  }
0x4b6: {  	s24 =	sand.u32 $0xF0, s25;
	[tilespmem:s7+$0x18400] =	vst v1;
	v22 =	vld [tilespmem:s7+$0x18900]  }
0x4b7: {  	[tilespmem:s7+$0x18500] =	vst v1;
	v23 =	vld [tilespmem:s24+$0x18100]  }
0x4b8: {  	v24 =	vld [tilespmem:s7+$0x18A00];
	[tilespmem:s24+$0x18100] =	vst v1  }
0x4b9: {  	[tilespmem:s7+$0x18600] =	vst v1;
	v25 =	vld [tilespmem:s24+$0x18200]  }
0x4ba: {  	v26 =	vld [tilespmem:s7+$0x18B00];
	[tilespmem:s24+$0x18200] =	vst v1;
	v12 =	vadd.s32 v12, v13  }
0x4bb: {  	[tilespmem:s7+$0x18700] =	vst v1;
	v27 =	vld [tilespmem:s24+$0x18300];
	v12 =	vadd.s32 v14, v12  }
0x4bc: {  	v28 =	vld [tilespmem:s7+$0x18C00];
	[tilespmem:s24+$0x18300] =	vst v1;
	v12 =	vadd.s32 v15, v12  }
0x4bd: {  	[tilespmem:s7+$0x18800] =	vst v1;
	v55 =	vld [tilespmem:s24+$0x18800];
	v12 =	vadd.s32 v16, v12  }
0x4be: {  	[tilespmem:s7+$0x18900] =	vst v1;
	v57 =	vld [tilespmem:s24+$0x18900];
	v12 =	vadd.s32 v17, v12  }
0x4bf: {  	[tilespmem:s7+$0x18A00] =	vst v1;
	v60 =	vld [tilespmem:s24+$0x18C00];
	v12 =	vadd.s32 v18, v12  }
0x4c0: {  	[tilespmem:s7+$0x18B00] =	vst v1;
	v63 =	vld [tilespmem:s24+$0x18F00];
	v12 =	vadd.s32 v19, v12  }
0x4c1: {  	[tilespmem:s24+$0x18800] =	vst v1;
	v14 =	vld [tilespmem:s7+$0x18D00];
	v12 =	vadd.s32 v20, v12  }
0x4c2: {  	[tilespmem:s24+$0x18900] =	vst v1;
	v16 =	vld [tilespmem:s7+$0x18E00];
	v12 =	vadd.s32 v22, v12  }
0x4c3: {  	[tilespmem:s24+$0x18C00] =	vst v1;
	v18 =	vld [tilespmem:s7+$0x18F00];
	v12 =	vadd.s32 v24, v12  }
0x4c4: {  	[tilespmem:s7+$0x18C00] =	vst v1;
	v13 =	vld [tilespmem:s24+$0x18400];
	v12 =	vadd.s32 v26, v12  }
0x4c5: {  	[tilespmem:s24+$0x18400] =	vst v1;
	v15 =	vld [tilespmem:s24+$0x18500];
	v12 =	vadd.s32 v28, v12  }
0x4c6: {  	[tilespmem:s7+$0x18D00] =	vst v1;
	v17 =	vld [tilespmem:s24+$0x18600];
	v12 =	vadd.s32 v14, v12  }
0x4c7: {  	s31 =	simm.s32 $0x18020;
	s2 =	simm.s32 $0x20;
	[tilespmem:s24+$0x18500] =	vst v1;
	v19 =	vld [tilespmem:s24+$0x18700];
	v12 =	vadd.s32 v16, v12;
	v16 =	vadd.s32 v21, v23  }
0x4c8: {  	s0 =	sand.u32 $0xF0, s2;
	v20 =	vld [tilespmem:s31+$0x0];
	[tilespmem:s31+$0x0] =	vst v1;
	v12 =	vadd.s32 v18, v12;
	v16 =	vadd.s32 v25, v16  }
0x4c9: {  	[tilespmem:s7+$0x18E00] =	vst v1;
	v56 =	vld [tilespmem:s0+$0x18100];
	(xrf0) =	vadd.scan.msk.s32 $0xffff, v12;
	v12 =	vadd.s32 v27, v16  }
0x4ca: {  	[tilespmem:s24+$0x18600] =	vst v1;
	v58 =	vld [tilespmem:s0+$0x18200];
	v12 =	vadd.s32 v13, v12  }
0x4cb: {  	[tilespmem:s7+$0x18F00] =	vst v1;
	v14 =	vld [tilespmem:s24+$0x18A00];
	v12 =	vadd.s32 v15, v12  }
0x4cc: {  	[tilespmem:s24+$0x18700] =	vst v1;
	v18 =	vld [tilespmem:s24+$0x18B00];
	v12 =	vadd.s32 v17, v12  }
0x4cd: {  	[tilespmem:s0+$0x18100] =	vst v1;
	v59 =	vld [tilespmem:s0+$0x18300];
	v12 =	vadd.s32 v19, v12  }
0x4ce: {  	v8 =	vadd.s32 v11, v8;
	[tilespmem:s0+$0x18200] =	vst v1;
	v15 =	vld [tilespmem:s24+$0x18D00];
	v12 =	vadd.s32 v55, v12  }
0x4cf: {  	v8 =	vsub.s32 v9, v8;
	v9 =	vimm.s32 $0x0;
	[tilespmem:s0+$0x18300] =	vst v1;
	v17 =	vld [tilespmem:s24+$0x18E00];
	v62, _, _ =	vpop (xrf0);
	v13 =	vadd.s32 v57, v12  }
0x4d0: {  	v61 =	vld [tilespmem:s0+$0x18500];
	[tilespmem:s0+$0x18500] =	vst v1;
	v13 =	vadd.s32 v14, v13;
	v14 =	vadd.s32 v9, v62  }
0x4d1: {  	[tilespmem:s24+$0x18A00] =	vst v1;
	vm0 =	vgt.s32 v14, v8;
	v14 =	vadd.s32 v18, v13  }
0x4d2: {  	[tilespmem:s24+$0x18B00] =	vst v1;
	v14 =	vadd.s32 v60, v14  }
0x4d3: {  	v16 =	vld [tilespmem:s0+$0x18400];
	[tilespmem:s0+$0x18400] =	vst v1;
	v15 =	vadd.s32 v15, v14  }
0x4d4: {  	[tilespmem:s24+$0x18D00] =	vst v1;
	v17 =	vadd.s32 v17, v15  }
0x4d5: {  	v11 =	vimm.s32 $0xFFFFFFFF;
	[tilespmem:s24+$0x18E00] =	vst v1;
	v17 =	vadd.s32 v63, v17  }
0x4d6: {  	v20 =	vadd.s32 v20, v56;
	v19 =	vld [tilespmem:s0+$0x18600];
	[tilespmem:s0+$0x18600] =	vst v1;
	v18 =	vmpcnt.ones.xlane vm0;
	(xrf0) =	vadd.scan.msk.s32 $0xffff, v17  }
0x4d7: {  	vm1 =	vlt.s32 v11, $0x0;
	v12 =	vld [tilespmem:s0+$0x18700];
	[tilespmem:s0+$0x18700] =	vst v1;
	v15 =	vadd.s32 v58, v20  }
0x4d8: {  	v13 =	vld [tilespmem:s0+$0x18800];
	[tilespmem:s0+$0x18800] =	vst v1;
	vm0 =	vgt.s32 v18, $0x0;
	v18 =	vsub.s32 s8, v18;
	v20 =	vadd.s32 v59, v15  }
0x4d9: {  	v14 =	vld [tilespmem:s0+$0x18900];
	[tilespmem:s0+$0x18900] =	vst v1;
	vm0 =	vmand vm1, vm0;
	v18 =	vadd.s32 $0x10, v18;
	v16 =	vadd.s32 v16, v20  }
0x4da: {  	v15 =	vld [tilespmem:s0+$0x18A00];
	[tilespmem:s0+$0x18A00] =	vst v1;
	v11 =	vsel vm0, v18, v11;
	v17 =	vperm.xlane v62, v4;
	v18 =	vadd.s32 v61, v16  }
0x4db: {  	s7 =	simm.s32 $0x20;
	s8 =	simm.s32 $0x18030;
	v16 =	vld [tilespmem:s0+$0x18B00];
	[tilespmem:s0+$0x18B00] =	vst v1;
	v18 =	vadd.s32 v19, v18  }
.LBB2_85:
0x4dc: {  	v19 =	vld [tilespmem:s8+$0x0];
	v12 =	vadd.s32 v12, v18;
	[tilespmem:s24+$0x18F00] =	vst v1;
	v18, _, _ =	vpop (xrf0);
	v9 =	vadd.s32 v9, v17;
	s24 =	smov.u32 s0  }
0x4dd: {  	v17 =	vld [tilespmem:s24+$0x18C00];
	[tilespmem:s24+$0x18C00] =	vst v1;
	v12 =	vadd.s32 v13, v12;
	v13 =	vadd.s32 v9, v18  }
0x4de: {  	v20 =	vld [tilespmem:s24+$0x18D00];
	[tilespmem:s24+$0x18D00] =	vst v1;
	v12 =	vadd.s32 v14, v12;
	vm0 =	vgt.s32 v13, v8  }
0x4df: {  	s2 =	sadd.s32 $0x10, s2;
	v13 =	vld [tilespmem:s24+$0x18E00];
	[tilespmem:s24+$0x18E00] =	vst v1;
	v12 =	vadd.s32 v15, v12;
	v14 =	vmpcnt.ones.xlane vm0  }
0x4e0: {  	s0 =	sand.u32 $0xF0, s2;
	p1 =	slt.u32 s2, $0xF0;
	[tilespmem:s8+$0x0] =	vst v1;
	v15 =	vld [tilespmem:s24+$0x18F00];
	v12 =	vadd.s32 v16, v12  }
0x4e1: {  	vm1 =	vlt.s32 v11, $0x0;
	v16 =	vld [tilespmem:s0+$0x18100];
	[tilespmem:s0+$0x18100] =	vst v1;
	vm0 =	vgt.s32 v14, $0x0;
	v14 =	vsub.s32 s25, v14;
	s25 =	smov.u32 s7;
	s7 =	smov.u32 s2  }
0x4e2: {  	v21 =	vld [tilespmem:s0+$0x18200];
	[tilespmem:s0+$0x18200] =	vst v1;
	v12 =	vadd.s32 v17, v12;
	vm0 =	vmand vm1, vm0;
	v14 =	vadd.s32 $0x10, v14  }
0x4e3: {  	v17 =	vld [tilespmem:s0+$0x18300];
	[tilespmem:s0+$0x18300] =	vst v1;
	v12 =	vadd.s32 v20, v12;
	v11 =	vsel vm0, v14, v11  }
0x4e4: {  	v20 =	vld [tilespmem:s0+$0x18400];
	[tilespmem:s0+$0x18400] =	vst v1;
	v12 =	vadd.s32 v13, v12  }
0x4e5: {  	v22 =	vld [tilespmem:s0+$0x18500];
	[tilespmem:s0+$0x18500] =	vst v1;
	v12 =	vadd.s32 v15, v12  }
0x4e6: {  	v23 =	vld [tilespmem:s0+$0x18600];
	[tilespmem:s0+$0x18600] =	vst v1;
	v13 =	vadd.s32 v19, v16;
	(xrf0) =	vadd.scan.msk.s32 $0xffff, v12  }
.Ltmp45:
0x4e7: {  	v12 =	vld [tilespmem:s0+$0x18700];
	[tilespmem:s0+$0x18700] =	vst v1;
	v14 =	vadd.s32 v21, v13;
	(pc) =	sbr.rel @p1 .LBB2_85-.Ltmp45, $4  }
0x4e8: {  	v13 =	vld [tilespmem:s0+$0x18800];
	[tilespmem:s0+$0x18800] =	vst v1;
	v15 =	vadd.s32 v17, v14  }
0x4e9: {  	v14 =	vld [tilespmem:s0+$0x18900];
	[tilespmem:s0+$0x18900] =	vst v1;
	v16 =	vadd.s32 v20, v15  }
0x4ea: {  	v17 =	vperm.xlane v18, v4;
	v15 =	vld [tilespmem:s0+$0x18A00];
	[tilespmem:s0+$0x18A00] =	vst v1;
	v19 =	vadd.s32 v22, v16  }
0x4eb: {  	s8 =	sadd.s32 $0x10, s8;
	v16 =	vld [tilespmem:s0+$0x18B00];
	[tilespmem:s0+$0x18B00] =	vst v1;
	v18 =	vadd.s32 v23, v19  }
0x4ec: {  	v19 =	vld [tilespmem:s0+$0x18C00];
	v12 =	vadd.s32 v12, v18  }
0x4ed: {  	v20 =	vld [tilespmem:s0+$0x18D00];
	v12 =	vadd.s32 v13, v12  }
0x4ee: {  	v58 =	vld [tilespmem:s0+$0x18E00];
	v12 =	vadd.s32 v14, v12  }
0x4ef: {  	v59 =	vld [tilespmem:s0+$0x18F00];
	v12 =	vadd.s32 v15, v12  }
0x4f0: {  	v12 =	vadd.s32 v16, v12  }
0x4f1: {  	v12 =	vadd.s32 v19, v12  }
0x4f2: {  	v12 =	vadd.s32 v20, v12  }
0x4f3: {  	v12 =	vadd.s32 v58, v12  }
0x4f4: {  	v12 =	vadd.s32 v59, v12  }
0x4f5: {  	(xrf0) =	vadd.scan.msk.s32 $0xffff, v12;
	_ =	sdelay $0x2  }
0x4f6: {  	v60, _, _ =	vpop (xrf0);
	v9 =	vadd.s32 v9, v17  }
0x4f7: {  	v61 =	vadd.s32 v9, v60;
	v12 =	vperm.xlane v60, v4  }
0x4f8: {  	vm0 =	vgt.s32 v61, v8  }
0x4f9: {  	v13 =	vmpcnt.ones.xlane vm0;
	v9 =	vadd.s32 v9, v12;
	v62, _, _ =	vpop (xrf0)  }
0x4fa: {  	vm1 =	vlt.s32 v11, $0x0;
	v9 =	vadd.s32 v9, v62  }
0x4fb: {  	vm0 =	vgt.s32 v13, $0x0;
	v63 =	vsub.s32 s25, v13;
	vm2 =	vgt.s32 v9, v8  }
.Ltmp46:
0x4fc: {  	[tilespmem:s0+$0x18C00] =	vst v1;
	vm0 =	vmand vm1, vm0;
	v8 =	vadd.s32 $0x10, v63;
	v9 =	vmpcnt.ones.xlane vm2;
	(pc) =	sbr.rel @p0 .LBB2_97-.Ltmp46, $4  }
0x4fd: {  	[tilespmem:s0+$0x18D00] =	vst v1;
	v8 =	vsel vm0, v8, v11  }
0x4fe: {  	[tilespmem:s0+$0x18E00] =	vst v1;
	vm15 =	vlt.s32 v8, $0x0;
	vm14 =	vgt.s32 v9, $0x0;
	v9 =	vsub.s32 s7, v9  }
0x4ff: {  	[tilespmem:s24+$0x18F00] =	vst v1;
	vm0 =	vmand vm15, vm14;
	v9 =	vadd.s32 $0x10, v9  }
0x500: {  	[tilespmem:s0+$0x18F00] =	vst v1;
	v8 =	vsel vm0, v9, v8  }
0x501: {  	s7 =	simm.s32 $0x10000;
	p3 =	sgt.s32 s23, $0x10  }
.Ltmp47:
0x502: {  	v12 =	vld [tilespmem:s7+$0x0];
	(pc) =	sbr.rel @!p3 .LBB2_88-.Ltmp47, $3  }
0x503: {  	_ =	sdelay $0x1  }
0x504: {  	v9 =	vshll.u32 v10, $0x8;
	s2 =	simm.s32 $0x0;
	s0 =	simm.s32 $0x14000;
	s4 =	simm.s32 $0x10  }
0x505: {  	p0 =	por $0x0, $0x0;
	p1 =	por $0x0, $0x0;
	p2 =	por $0x0, $0x0;
	v8 =	vor.u32 v9, v8  }
0x506: {  	p3 =	sgt.s32 s23, $0x20  }
.Ltmp48:
0x507: {  	_ = 	snop;
	(pc) =	sbr.rel @!p3 .LBB2_90-.Ltmp48, $3  }
0x508: {  	_ =	sdelay $0x1  }
0x509: {  	s1 =	simm.s32 $0x10010;
	v9 =	vor.u32 s2, v0;
	v11 =	vld [tilespmem:s0+$0x0]  }
0x50a: {  	s8 =	simm.s32 $0x20;
	vm4 =	vge.u32 v12, v8;
	p0 =	por $0x1, $0x1;
	v10 =	vld [tilespmem:s1+$0x0];
	vm3 =	vlt.s32 v9, v7  }
0x50b: {  	p3 =	sgt.s32 s23, $0x30  }
.Ltmp49:
0x50c: {  	_ = 	snop;
	(pc) =	sbr.rel @!p3 .LBB2_92-.Ltmp49, $4  }
0x50d: {  	_ = 	snop  }
0x50e: {  	s1 =	simm.s32 $0x10020  }
0x50f: {  	vm0 =	vmand vm3, vm4;
	s2 =	simm.s32 $0x14010;
	v9 =	vor.u32 s4, v0;
	v15 =	vld [tilespmem:s1+$0x0]  }
0x510: {  	s4 =	simm.s32 $0x30;
	p1 =	por $0x1, $0x1;
	vm3 =	vlt.s32 v9, v7;
	v12 =	vadd.s32 $0x4000, v11;
	v11 =	vld [tilespmem:s2+$0x0];
	vm4 =	vge.u32 v10, v8  }
0x511: {  	_ =	sdelay $0x2  }
0x512: {  	v14 =	vor.u32 s8, v0  }
0x513: {  	p3 =	sgt.s32 s23, $0x40  }
.Ltmp50:
0x514: {  	s7 =	simm.s32 $0x10030;
	v9 =	vld.idx.msk [tilespmem:v12+s5+$0x0], vm0;
	vm1 =	vmand vm3, vm4;
	vm2 =	vmmov vm0;
	(pc) =	sbr.rel @!p3 .LBB2_94-.Ltmp50, $3  }
0x515: {  	s2 =	simm.s32 $0x14020;
	v10 =	vld [tilespmem:s7+$0x0];
	vm3 =	vlt.s32 v14, v7;
	v14 =	vmov v12;
	v13 =	vadd.s32 $0x4000, v11  }
0x516: {  	v11 =	vld [tilespmem:s2+$0x0];
	_ =	sdelay $0x1  }
0x517: {  	s8 =	simm.s32 $0x40;
	p2 =	por $0x1, $0x1;
	vm4 =	vge.u32 v15, v8  }
.LBB2_95:
0x518: {  	s1 =	smov.u32 s8;
	s8 =	sadd.s32 $0x10, s8  }
0x519: {  	s7 =	sadd.s32 $0x10, s7;
	[tilespmem:v14+s12+$0x0] =	vst.idx.msk vm2, v9;
	v9 =	vld.idx.msk [tilespmem:v13+s5+$0x0], vm1;
	v15 =	vmovc v10;
	v14 =	vmov v13;
	vm2 =	vmmov vm1;
	vm1 =	vmand vm3, vm4;
	p3 =	slt.s32 s8, s23  }
.Ltmp51:
0x51a: {  	v13 =	vadd.s32 $0x4000, v11;
	s2 =	sadd.s32 $0x10, s2;
	v10 =	vld [tilespmem:s7+$0x0];
	(pc) =	sbr.rel @p3 .LBB2_95-.Ltmp51, $3  }
0x51b: {  	v11 =	vld [tilespmem:s2+$0x0];
	_ =	sdelay $0x1  }
0x51c: {  	v16 =	vor.u32 s4, v0;
	s4 =	smov.u32 s1  }
0x51d: {  	vm3 =	vlt.s32 v16, v7;
	vm4 =	vge.u32 v15, v8  }
.Ltmp52:
0x51e: {  	_ = 	snop;
	(pc) =	sbr.rel .LBB2_96-.Ltmp52, $1  }
0x51f: {  	_ =	sdelay $0x3  }
.LBB2_9:
.Ltmp53:
0x520: {  	(pc) =	sbr.rel .LBB2_16-.Ltmp53, $2  }
0x521: {  	_ =	sdelay $0x2  }
0x522: {  	s8 =	simm.s32 $0x0;
	v13 =	vmovc v28;
	s29 =	simm.s32 $0x0;
	v11 =	vmov v10;
	s0 =	simm.s32 $0x8020;
	v14 =	vmov v23;
	v12 =	vmov v18  }
.LBB2_55:
.Ltmp54:
0x523: {  	(pc) =	sbr.rel .LBB2_60-.Ltmp54, $2  }
0x524: {  	_ =	sdelay $0x2  }
0x525: {  	v13 =	vmov v12;
	s8 =	simm.s32 $0x0;
	s26 =	simm.s32 $0x0  }
.LBB2_11:
.Ltmp55:
0x526: {  	(pc) =	sbr.rel .LBB2_16-.Ltmp55, $2  }
0x527: {  	_ =	sdelay $0x2  }
0x528: {  	s8 =	simm.s32 $0x0;
	s4 =	simm.s32 $0x0  }
.LBB2_57:
.Ltmp56:
0x529: {  	(pc) =	sbr.rel .LBB2_60-.Ltmp56, $3  }
0x52a: {  	_ =	sdelay $0x1  }
0x52b: {  	s9 =	smov.u32 s25;
	s8 =	simm.s32 $0x0;
	s25 =	smov.u32 s28  }
0x52c: {  	v25 =	vmovc v10;
	v24 =	vmovc v11;
	s2 =	simm.s32 $0x0;
	v10 =	vmov v22;
	s7 =	simm.s32 $0xC030;
	v11 =	vmov v19;
	s23 =	simm.s32 $0xC070;
	v21 =	vmov v17  }
.LBB2_13:
.Ltmp57:
0x52d: {  	(pc) =	sbr.rel .LBB2_16-.Ltmp57, $4  }
0x52e: {  	_ = 	snop  }
0x52f: {  	s2 =	simm.s32 $0x0  }
0x530: {  	v30 =	vmovc v10;
	v28 =	vmov v13;
	s7 =	simm.s32 $0x0;
	s9 =	simm.s32 $0x8020;
	s4 =	simm.s32 $0x40;
	v10 =	vmov v11;
	v23 =	vmov v14  }
0x531: {  	v18 =	vmovc v12;
	v13 =	vmovc v25;
	s29 =	simm.s32 $0x80;
	v11 =	vmov v26;
	s28 =	simm.s32 $0x8060;
	s0 =	simm.s32 $0x80A0;
	v14 =	vmov v27;
	v12 =	vmov v24  }
.LBB2_20:
.Ltmp58:
0x532: {  	(pc) =	sbr.rel .LBB2_27-.Ltmp58, $2  }
0x533: {  	_ =	sdelay $0x2  }
0x534: {  	s2 =	simm.s32 $0x0  }
.LBB2_32:
.Ltmp59:
0x535: {  	(pc) =	sbr.rel .LBB2_39-.Ltmp59, $2  }
0x536: {  	_ =	sdelay $0x2  }
0x537: {  	s2 =	simm.s32 $0x0  }
.LBB2_44:
.Ltmp60:
0x538: {  	(pc) =	sbr.rel .LBB2_49-.Ltmp60, $2  }
0x539: {  	_ =	sdelay $0x2  }
0x53a: {  	_ = 	snop  }
.LBB2_64:
.Ltmp61:
0x53b: {  	(pc) =	sbr.rel .LBB2_71-.Ltmp61, $2  }
0x53c: {  	_ =	sdelay $0x2  }
0x53d: {  	s2 =	simm.s32 $0x0  }
.LBB2_76:
.Ltmp62:
0x53e: {  	(pc) =	sbr.rel .LBB2_83-.Ltmp62, $2  }
0x53f: {  	_ =	sdelay $0x2  }
0x540: {  	s2 =	simm.s32 $0x0  }
.LBB2_22:
.Ltmp63:
0x541: {  	(pc) =	sbr.rel .LBB2_27-.Ltmp63, $2  }
0x542: {  	_ =	sdelay $0x2  }
0x543: {  	_ = 	snop  }
.LBB2_34:
.Ltmp64:
0x544: {  	(pc) =	sbr.rel .LBB2_39-.Ltmp64, $2  }
0x545: {  	_ =	sdelay $0x2  }
0x546: {  	_ = 	snop  }
.LBB2_46:
.Ltmp65:
0x547: {  	(pc) =	sbr.rel .LBB2_49-.Ltmp65, $2  }
0x548: {  	_ =	sdelay $0x2  }
0x549: {  	v8 =	vmov v7;
	v7 =	vmov v11  }
.LBB2_66:
.Ltmp66:
0x54a: {  	(pc) =	sbr.rel .LBB2_71-.Ltmp66, $2  }
0x54b: {  	_ =	sdelay $0x2  }
0x54c: {  	_ = 	snop  }
.LBB2_78:
.Ltmp67:
0x54d: {  	(pc) =	sbr.rel .LBB2_83-.Ltmp67, $2  }
0x54e: {  	_ =	sdelay $0x2  }
0x54f: {  	_ = 	snop  }
.LBB2_90:
.Ltmp68:
0x550: {  	(pc) =	sbr.rel .LBB2_96-.Ltmp68, $2  }
0x551: {  	_ =	sdelay $0x2  }
0x552: {  	s2 =	simm.s32 $0x14000  }
.LBB2_24:
.Ltmp69:
0x553: {  	(pc) =	sbr.rel .LBB2_27-.Ltmp69, $2  }
0x554: {  	_ =	sdelay $0x2  }
0x555: {  	s2 =	simm.s32 $0x20  }
.LBB2_36:
.Ltmp70:
0x556: {  	(pc) =	sbr.rel .LBB2_39-.Ltmp70, $2  }
0x557: {  	_ =	sdelay $0x2  }
0x558: {  	s2 =	simm.s32 $0x20  }
.LBB2_68:
.Ltmp71:
0x559: {  	(pc) =	sbr.rel .LBB2_71-.Ltmp71, $2  }
0x55a: {  	_ =	sdelay $0x2  }
0x55b: {  	s2 =	simm.s32 $0x20  }
.LBB2_80:
.Ltmp72:
0x55c: {  	(pc) =	sbr.rel .LBB2_83-.Ltmp72, $2  }
0x55d: {  	_ =	sdelay $0x2  }
0x55e: {  	s2 =	simm.s32 $0x20  }
.LBB2_92:
.Ltmp73:
0x55f: {  	(pc) =	sbr.rel .LBB2_96-.Ltmp73, $2  }
0x560: {  	_ =	sdelay $0x2  }
0x561: {  	vm1 =	vmmov vm0;
	v13 =	vmov v12;
	s4 =	simm.s32 $0x20;
	v10 =	vmov v15  }
.LBB2_94:
.Ltmp74:
0x562: {  	(pc) =	sbr.rel .LBB2_96-.Ltmp74, $2  }
0x563: {  	_ =	sdelay $0x2  }
0x564: {  	v14 =	vmov v12;
	s4 =	simm.s32 $0x30  }
.LBB2_99:
0x565: {  	_ =	sfence.sel $0x180000  }
0x566: {  	[bflag:$0x0] =	sbarrier.arrive $0xFFFF  }
0x567: {  	_ =	strace $0x90000047  }
0x568: {  	s0 =	stileid.u32;
	[bflag:$0x2] =	sbarrier.arrive $0xFFFF  }
0x569: {  	p0 =	sne.s32 s0, $0x0;
	s0 =	rddreg [dreg:$0x3]  }
0x56a: {  	s0 =	sadd.s32 @!p0 $0x100000, s0  }
0x56b: {  	[sflag:s0] =	ssyncadd.tile.s32 @!p0 $0x1;
	_ =	shalt  }
.Lfunc_end2:
_tile_overlayer_lowered:
.L_overlay_start_2:
0x56c: {  	(tag) =	ssettag $0x2  }
0x56d: {  	s0 =	rddreg [dreg:$0x0];
	s2 =	stileid.u32  }
0x56e: {  	s1 =	rddreg [dreg:$0x1];
	p0 =	sne.s32 s2, $0x0  }
0x56f: {  	s3 =	rddreg [dreg:$0x2];
	[bflag:$0x3] =	sbarrier.arrive $0xFFFF;
	s2 =	simm.s32 @!p0 $0x1C05  }
0x570: {  	[timem:s3], [sflag:s2] =	dma.local @!p0 [hbm:s0], s1  }
0x571: {  	s0 =	simm.s32 @!p0 $0x5  }
0x572: {  	_ =	swait.ge @!p0 [sflag:s0], s1  }
0x573: {  	s1 =	ssub.s32 @!p0 $0x0, s1;
	[sflag:s0] =	ssyncset.done @!p0 $0x0  }
0x574: {  	[sflag:s0] =	ssyncadd.s32 @!p0 s1  }
0x575: {  	[bflag:$0x3] =	sbarrier.arrive $0xFFFF  }
0x576: {  	_ =	shalt  }

</sc_bundles>
